<compile_context>
chip_gen: v7x
topology: tpu7x:2x2x1
jax: 0.10.2.dev20260603
libtpu: 0.0.44.dev20260713+nightly
codegen_flags: <defaults>
</compile_context>

<pallas_src>
import functools

import jax
import jax.numpy as jnp
from jax import lax
from jax.experimental import pallas as pl
from jax.experimental.pallas import tpu as pltpu
from jax.experimental.pallas import tpu_sc as plsc

DIM = 64
PAD = 128
BATCH = 16384
HIST = 200
NC = 2
NS = 16
NW = NC * NS
ROWS_W = BATCH // NW
IB = 8
NB = 2
NSUBC = IB // NB
NIDX = ROWS_W // IB
SPLITS = ((0, 128), (128, HIST - 128))


def _make_sc_gather():
  mesh = plsc.VectorSubcoreMesh(core_axis_name="c", subcore_axis_name="s")

  @functools.partial(
      pl.kernel,
      mesh=mesh,
      out_type=jax.ShapeDtypeStruct((BATCH, HIST, PAD), jnp.float32),
      compiler_params=pltpu.CompilerParams(use_tc_tiling_on_sc=True),
      scratch_types=[
          pltpu.VMEM((2, IB, HIST), jnp.int32),
          pltpu.VMEM((2, NB, HIST, PAD), jnp.float32),
          pltpu.SemaphoreType.DMA,
          pltpu.SemaphoreType.DMA,
          pltpu.SemaphoreType.DMA,
          pltpu.SemaphoreType.DMA,
          pltpu.SemaphoreType.DMA,
          pltpu.SemaphoreType.DMA,
      ],
  )
  def sc_gather(x_hbm, table_hbm, out_hbm, idx_v, pair_v,
                is0, is1, gs0, gs1, ss0, ss1):
    wid = lax.axis_index("s") * NC + lax.axis_index("c")
    row0 = wid * ROWS_W
    isem = (is0, is1)
    gsem = (gs0, gs1)
    ssem = (ss0, ss1)

    def load_idx(k, a):
      pltpu.async_copy(x_hbm.at[pl.ds(row0 + k * IB, IB)],
                       idx_v.at[a], isem[a])

    def wait_idx(a):
      pltpu.make_async_copy(x_hbm.at[pl.ds(0, IB)], idx_v.at[a],
                            isem[a]).wait()

    def gather(a, u, p):
      handles = []
      for i in range(NB):
        for off, n in SPLITS:
          handles.append(pltpu.async_copy(
              table_hbm.at[idx_v.at[a, u * NB + i, pl.ds(off, n)]],
              pair_v.at[p, i, pl.ds(off, n)], gsem[p]))
      for h in handles:
        h.wait()

    def store(s, p):
      pltpu.async_copy(pair_v.at[p],
                       out_hbm.at[pl.ds(row0 + s * NB, NB)], ssem[p])

    def wait_store(p):
      pltpu.make_async_copy(pair_v.at[p],
                            out_hbm.at[pl.ds(0, NB)], ssem[p]).wait()

    def run_chunk(k, a, first):
      wait_idx(a)
      for u in range(NSUBC):
        p = u % 2
        if not (first and u < 2):
          wait_store(p)
        gather(a, u, p)
        store(k * NSUBC + u, p)
      load_idx(jnp.minimum(k + 2, NIDX - 1), a)

    load_idx(0, 0)
    load_idx(1, 1)
    run_chunk(0, 0, True)
    run_chunk(1, 1, False)

    def body(j, carry):
      for a in range(2):
        run_chunk(2 + j * 2 + a, a, False)
      return carry

    lax.fori_loop(0, (NIDX - 2) // 2, body, 0, unroll=False)

    for p in range(2):
      wait_store(p)
      wait_idx(p)

  return sc_gather


_sc_gather = _make_sc_gather()


@jax.jit
def kernel(x, table):
  tp = jnp.pad(table, ((0, 0), (0, PAD - DIM)))
  return _sc_gather(x.astype(jnp.int32), tp)[:, :, :DIM]

# --- scband reference (transcript-rebuilt; emitter-appended) ---
"""Pipeline reference for scband-embedding-layer-77103252898046 (READ-ONLY COPY).

The authoritative reference and input builder live on the scoring server;
editing this copy changes nothing except your own understanding.
"""

import jax, jax.numpy as jnp
import numpy as np

NUM_EMBEDDINGS = 1000000
EMBEDDING_DIM = 64
BATCH = 16384
HIST = 200

def setup_inputs(seed: int = 0) -> dict:
    key = jax.random.key(seed)
    k1, k2 = jax.random.split(key)
    x = jax.random.randint(k1, (BATCH, HIST), 0, NUM_EMBEDDINGS, dtype=jnp.int64 if jax.config.jax_enable_x64 else jnp.int32)
    table = jax.random.normal(k2, (NUM_EMBEDDINGS, EMBEDDING_DIM), dtype=jnp.float32)
    return {"x": x, "table": table}

def reference(x, table):
    # EmbeddingLayer.forward with update=False: emb = embedding(x); wrapper returns emb unchanged.
    emb = jnp.take(table, x, axis=0)
    return emb

if __name__ == "__main__":
    import jax
    _d = setup_inputs()
    print(jax.jit(kernel)(*tuple(_d.values())))

</pallas_src>

<mosaic_0001>
#map = affine_map<(d0, d1) -> (0, 0)>
#map1 = affine_map<(d0, d1) -> (0, 0, 0)>
module attributes {stable_mosaic.version = 14 : i64} {
  func.func @sc_gather(%arg0: i32, %arg1: i32, %arg2: memref<16384x200xi32, #tpu.memory_space<hbm>>, %arg3: memref<1000000x128xf32, #tpu.memory_space<hbm>>, %arg4: memref<16384x200x128xf32, #tpu.memory_space<hbm>>, %arg5: memref<2x8x200xi32, #tpu.memory_space<vmem>>, %arg6: memref<2x2x200x128xf32, #tpu.memory_space<vmem>>, %arg7: memref<!tpu.dma_semaphore, #tpu.memory_space<semaphore_mem>>, %arg8: memref<!tpu.dma_semaphore, #tpu.memory_space<semaphore_mem>>, %arg9: memref<!tpu.dma_semaphore, #tpu.memory_space<semaphore_mem>>, %arg10: memref<!tpu.dma_semaphore, #tpu.memory_space<semaphore_mem>>, %arg11: memref<!tpu.dma_semaphore, #tpu.memory_space<semaphore_mem>>, %arg12: memref<!tpu.dma_semaphore, #tpu.memory_space<semaphore_mem>>) attributes {dimension_semantics = [#tpu.dimension_semantics<core_parallel>, #tpu.dimension_semantics<subcore_parallel>], iteration_bounds = array<i64: 2, 16>, scalar_prefetch = 0 : i64, scratch_operands = 8 : i64, tpu.core_type = #tpu.core_type<sc_vector_subcore>, window_params = [{transform_indices = #map}, {transform_indices = #map}, {transform_indices = #map1}]} {
    %mul3A = arith.constant 2 : i32
    %mul3A_0 = arith.muli %arg1, %mul3A : i32
    %add3A = arith.addi %mul3A_0, %arg0 : i32
    %mul3A_1 = arith.constant 512 : i32
    %mul3A_2 = arith.muli %add3A, %mul3A_1 : i32
    %add3A_3 = arith.constant 0 : i32
    %add3A_4 = arith.addi %mul3A_2, %add3A_3 : i32
    %dma_start3A = arith.constant 0 : i32
    %dma_start3A_5 = arith.constant 0 : i32
    %dma_start3A_6 = arith.constant 0 : i32
    %dma_start3A_7 = tpu.memref_slice %arg5[%dma_start3A, %dma_start3A_5, %dma_start3A_6] : memref<2x8x200xi32, #tpu.memory_space<vmem>> -> memref<1x8x200xi32, #tpu.memory_space<vmem>>
    %dma_start3A_8 = tpu.memref_squeeze %dma_start3A_7 : memref<1x8x200xi32, #tpu.memory_space<vmem>> -> memref<8x200xi32, #tpu.memory_space<vmem>>
    %dma_start3A_9 = arith.constant 0 : i32
    %dma_start3A_10 = tpu.memref_slice %arg2[%add3A_4, %dma_start3A_9] : memref<16384x200xi32, #tpu.memory_space<hbm>> -> memref<8x200xi32, #tpu.memory_space<hbm>>
    %dma_start3A_11 = arith.constant 0 : i32
    %dma_start3A_12 = arith.constant 0 : i32
    %dma_start3A_13 = tpu.memref_slice %arg5[%dma_start3A, %dma_start3A_11, %dma_start3A_12] : memref<2x8x200xi32, #tpu.memory_space<vmem>> -> memref<1x8x200xi32, #tpu.memory_space<vmem>>
    %dma_start3A_14 = tpu.memref_squeeze %dma_start3A_13 : memref<1x8x200xi32, #tpu.memory_space<vmem>> -> memref<8x200xi32, #tpu.memory_space<vmem>>
    %dma_start3A_15 = arith.constant 0 : i32
    %dma_start3A_16 = tpu.memref_slice %arg2[%add3A_4, %dma_start3A_15] : memref<16384x200xi32, #tpu.memory_space<hbm>> -> memref<8x200xi32, #tpu.memory_space<hbm>>
    tpu.enqueue_dma source(%dma_start3A_16 : memref<8x200xi32, #tpu.memory_space<hbm>>) target(%dma_start3A_14 : memref<8x200xi32, #tpu.memory_space<vmem>>) target_semaphore(%arg7 : memref<!tpu.dma_semaphore, #tpu.memory_space<semaphore_mem>>)
    %add3A_17 = arith.constant 8 : i32
    %add3A_18 = arith.addi %mul3A_2, %add3A_17 : i32
    %dma_start3A_19 = arith.constant 1 : i32
    %dma_start3A_20 = arith.constant 0 : i32
    %dma_start3A_21 = arith.constant 0 : i32
    %dma_start3A_22 = tpu.memref_slice %arg5[%dma_start3A_19, %dma_start3A_20, %dma_start3A_21] : memref<2x8x200xi32, #tpu.memory_space<vmem>> -> memref<1x8x200xi32, #tpu.memory_space<vmem>>
    %dma_start3A_23 = tpu.memref_squeeze %dma_start3A_22 : memref<1x8x200xi32, #tpu.memory_space<vmem>> -> memref<8x200xi32, #tpu.memory_space<vmem>>
    %dma_start3A_24 = arith.constant 0 : i32
    %dma_start3A_25 = tpu.memref_slice %arg2[%add3A_18, %dma_start3A_24] : memref<16384x200xi32, #tpu.memory_space<hbm>> -> memref<8x200xi32, #tpu.memory_space<hbm>>
    %dma_start3A_26 = arith.constant 0 : i32
    %dma_start3A_27 = arith.constant 0 : i32
    %dma_start3A_28 = tpu.memref_slice %arg5[%dma_start3A_19, %dma_start3A_26, %dma_start3A_27] : memref<2x8x200xi32, #tpu.memory_space<vmem>> -> memref<1x8x200xi32, #tpu.memory_space<vmem>>
    %dma_start3A_29 = tpu.memref_squeeze %dma_start3A_28 : memref<1x8x200xi32, #tpu.memory_space<vmem>> -> memref<8x200xi32, #tpu.memory_space<vmem>>
    %dma_start3A_30 = arith.constant 0 : i32
    %dma_start3A_31 = tpu.memref_slice %arg2[%add3A_18, %dma_start3A_30] : memref<16384x200xi32, #tpu.memory_space<hbm>> -> memref<8x200xi32, #tpu.memory_space<hbm>>
    tpu.enqueue_dma source(%dma_start3A_31 : memref<8x200xi32, #tpu.memory_space<hbm>>) target(%dma_start3A_29 : memref<8x200xi32, #tpu.memory_space<vmem>>) target_semaphore(%arg8 : memref<!tpu.dma_semaphore, #tpu.memory_space<semaphore_mem>>)
    %dma_wait3A = arith.constant 0 : i32
    %dma_wait3A_32 = arith.constant 0 : i32
    %dma_wait3A_33 = arith.constant 0 : i32
    %dma_wait3A_34 = tpu.memref_slice %arg5[%dma_wait3A, %dma_wait3A_32, %dma_wait3A_33] : memref<2x8x200xi32, #tpu.memory_space<vmem>> -> memref<1x8x200xi32, #tpu.memory_space<vmem>>
    %dma_wait3A_35 = tpu.memref_squeeze %dma_wait3A_34 : memref<1x8x200xi32, #tpu.memory_space<vmem>> -> memref<8x200xi32, #tpu.memory_space<vmem>>
    %dma_wait3A_36 = arith.constant 0 : i32
    %dma_wait3A_37 = arith.constant 0 : i32
    %dma_wait3A_38 = tpu.memref_slice %arg2[%dma_wait3A_36, %dma_wait3A_37] : memref<16384x200xi32, #tpu.memory_space<hbm>> -> memref<8x200xi32, #tpu.memory_space<hbm>>
    %dma_wait3A_39 = arith.constant 0 : i32
    %dma_wait3A_40 = arith.constant 0 : i32
    %dma_wait3A_41 = tpu.memref_slice %arg5[%dma_wait3A, %dma_wait3A_39, %dma_wait3A_40] : memref<2x8x200xi32, #tpu.memory_space<vmem>> -> memref<1x8x200xi32, #tpu.memory_space<vmem>>
    %dma_wait3A_42 = tpu.memref_squeeze %dma_wait3A_41 : memref<1x8x200xi32, #tpu.memory_space<vmem>> -> memref<8x200xi32, #tpu.memory_space<vmem>>
    %dma_wait3A_43 = arith.constant 0 : i32
    %dma_wait3A_44 = arith.constant 0 : i32
    %dma_wait3A_45 = tpu.memref_slice %arg2[%dma_wait3A_43, %dma_wait3A_44] : memref<16384x200xi32, #tpu.memory_space<hbm>> -> memref<8x200xi32, #tpu.memory_space<hbm>>
    tpu.wait_dma2 semaphore(%arg7 : memref<!tpu.dma_semaphore, #tpu.memory_space<semaphore_mem>>) src(%dma_wait3A_45 : memref<8x200xi32, #tpu.memory_space<hbm>>) dst(%dma_wait3A_42 : memref<8x200xi32, #tpu.memory_space<vmem>>)
    %dma_start3A_46 = arith.constant 0 : i32
    %dma_start3A_47 = arith.constant 0 : i32
    %dma_start3A_48 = arith.constant 0 : i32
    %dma_start3A_49 = arith.constant 0 : i32
    %dma_start3A_50 = arith.constant 0 : i32
    %dma_start3A_51 = arith.constant 0 : i32
    %dma_start3A_52 = tpu.memref_slice %arg6[%dma_start3A_48, %dma_start3A_49, %dma_start3A_50, %dma_start3A_51] : memref<2x2x200x128xf32, #tpu.memory_space<vmem>> -> memref<1x1x128x128xf32, #tpu.memory_space<vmem>>
    %dma_start3A_53 = tpu.memref_squeeze %dma_start3A_52 : memref<1x1x128x128xf32, #tpu.memory_space<vmem>> -> memref<128x128xf32, #tpu.memory_space<vmem>>
    %dma_start3A_54 = arith.constant 0 : i32
    %dma_start3A_55 = tpu.memref_slice %arg5[%dma_start3A_46, %dma_start3A_47, %dma_start3A_54] : memref<2x8x200xi32, #tpu.memory_space<vmem>> -> memref<1x1x128xi32, #tpu.memory_space<vmem>>
    %dma_start3A_56 = tpu.memref_squeeze %dma_start3A_55 : memref<1x1x128xi32, #tpu.memory_space<vmem>> -> memref<128xi32, #tpu.memory_space<vmem>>
    %dma_start3A_57 = arith.constant 0 : i32
    %dma_start3A_58 = arith.constant 0 : i32
    %dma_start3A_59 = tpu.memref_slice %arg3[%dma_start3A_57, %dma_start3A_58] : memref<1000000x128xf32, #tpu.memory_space<hbm>> -> memref<1000000x128xf32, #tpu.memory_space<hbm>>
    tpu.enqueue_indirect_dma source(%dma_start3A_59 : memref<1000000x128xf32, #tpu.memory_space<hbm>>) target(%dma_start3A_53 : memref<128x128xf32, #tpu.memory_space<vmem>>) offsets(%dma_start3A_56 : memref<128xi32, #tpu.memory_space<vmem>>) semaphore(%arg9 : memref<!tpu.dma_semaphore, #tpu.memory_space<semaphore_mem>>)
    %dma_start3A_60 = arith.constant 0 : i32
    %dma_start3A_61 = arith.constant 0 : i32
    %dma_start3A_62 = arith.constant 0 : i32
    %dma_start3A_63 = arith.constant 0 : i32
    %dma_start3A_64 = arith.constant 128 : i32
    %dma_start3A_65 = arith.constant 0 : i32
    %dma_start3A_66 = tpu.memref_slice %arg6[%dma_start3A_62, %dma_start3A_63, %dma_start3A_64, %dma_start3A_65] : memref<2x2x200x128xf32, #tpu.memory_space<vmem>> -> memref<1x1x72x128xf32, #tpu.memory_space<vmem>>
    %dma_start3A_67 = tpu.memref_squeeze %dma_start3A_66 : memref<1x1x72x128xf32, #tpu.memory_space<vmem>> -> memref<72x128xf32, #tpu.memory_space<vmem>>
    %dma_start3A_68 = arith.constant 128 : i32
    %dma_start3A_69 = tpu.memref_slice %arg5[%dma_start3A_60, %dma_start3A_61, %dma_start3A_68] : memref<2x8x200xi32, #tpu.memory_space<vmem>> -> memref<1x1x72xi32, #tpu.memory_space<vmem>>
    %dma_start3A_70 = tpu.memref_squeeze %dma_start3A_69 : memref<1x1x72xi32, #tpu.memory_space<vmem>> -> memref<72xi32, #tpu.memory_space<vmem>>
    %dma_start3A_71 = arith.constant 0 : i32
    %dma_start3A_72 = arith.constant 0 : i32
    %dma_start3A_73 = tpu.memref_slice %arg3[%dma_start3A_71, %dma_start3A_72] : memref<1000000x128xf32, #tpu.memory_space<hbm>> -> memref<1000000x128xf32, #tpu.memory_space<hbm>>
    tpu.enqueue_indirect_dma source(%dma_start3A_73 : memref<1000000x128xf32, #tpu.memory_space<hbm>>) target(%dma_start3A_67 : memref<72x128xf32, #tpu.memory_space<vmem>>) offsets(%dma_start3A_70 : memref<72xi32, #tpu.memory_space<vmem>>) semaphore(%arg9 : memref<!tpu.dma_semaphore, #tpu.memory_space<semaphore_mem>>)
    %dma_start3A_74 = arith.constant 0 : i32
    %dma_start3A_75 = arith.constant 1 : i32
    %dma_start3A_76 = arith.constant 0 : i32
    %dma_start3A_77 = arith.constant 1 : i32
    %dma_start3A_78 = arith.constant 0 : i32
    %dma_start3A_79 = arith.constant 0 : i32
    %dma_start3A_80 = tpu.memref_slice %arg6[%dma_start3A_76, %dma_start3A_77, %dma_start3A_78, %dma_start3A_79] : memref<2x2x200x128xf32, #tpu.memory_space<vmem>> -> memref<1x1x128x128xf32, #tpu.memory_space<vmem>>
    %dma_start3A_81 = tpu.memref_squeeze %dma_start3A_80 : memref<1x1x128x128xf32, #tpu.memory_space<vmem>> -> memref<128x128xf32, #tpu.memory_space<vmem>>
    %dma_start3A_82 = arith.constant 0 : i32
    %dma_start3A_83 = tpu.memref_slice %arg5[%dma_start3A_74, %dma_start3A_75, %dma_start3A_82] : memref<2x8x200xi32, #tpu.memory_space<vmem>> -> memref<1x1x128xi32, #tpu.memory_space<vmem>>
    %dma_start3A_84 = tpu.memref_squeeze %dma_start3A_83 : memref<1x1x128xi32, #tpu.memory_space<vmem>> -> memref<128xi32, #tpu.memory_space<vmem>>
    %dma_start3A_85 = arith.constant 0 : i32
    %dma_start3A_86 = arith.constant 0 : i32
    %dma_start3A_87 = tpu.memref_slice %arg3[%dma_start3A_85, %dma_start3A_86] : memref<1000000x128xf32, #tpu.memory_space<hbm>> -> memref<1000000x128xf32, #tpu.memory_space<hbm>>
    tpu.enqueue_indirect_dma source(%dma_start3A_87 : memref<1000000x128xf32, #tpu.memory_space<hbm>>) target(%dma_start3A_81 : memref<128x128xf32, #tpu.memory_space<vmem>>) offsets(%dma_start3A_84 : memref<128xi32, #tpu.memory_space<vmem>>) semaphore(%arg9 : memref<!tpu.dma_semaphore, #tpu.memory_space<semaphore_mem>>)
    %dma_start3A_88 = arith.constant 0 : i32
    %dma_start3A_89 = arith.constant 1 : i32
    %dma_start3A_90 = arith.constant 0 : i32
    %dma_start3A_91 = arith.constant 1 : i32
    %dma_start3A_92 = arith.constant 128 : i32
    %dma_start3A_93 = arith.constant 0 : i32
    %dma_start3A_94 = tpu.memref_slice %arg6[%dma_start3A_90, %dma_start3A_91, %dma_start3A_92, %dma_start3A_93] : memref<2x2x200x128xf32, #tpu.memory_space<vmem>> -> memref<1x1x72x128xf32, #tpu.memory_space<vmem>>
    %dma_start3A_95 = tpu.memref_squeeze %dma_start3A_94 : memref<1x1x72x128xf32, #tpu.memory_space<vmem>> -> memref<72x128xf32, #tpu.memory_space<vmem>>
    %dma_start3A_96 = arith.constant 128 : i32
    %dma_start3A_97 = tpu.memref_slice %arg5[%dma_start3A_88, %dma_start3A_89, %dma_start3A_96] : memref<2x8x200xi32, #tpu.memory_space<vmem>> -> memref<1x1x72xi32, #tpu.memory_space<vmem>>
    %dma_start3A_98 = tpu.memref_squeeze %dma_start3A_97 : memref<1x1x72xi32, #tpu.memory_space<vmem>> -> memref<72xi32, #tpu.memory_space<vmem>>
    %dma_start3A_99 = arith.constant 0 : i32
    %dma_start3A_100 = arith.constant 0 : i32
    %dma_start3A_101 = tpu.memref_slice %arg3[%dma_start3A_99, %dma_start3A_100] : memref<1000000x128xf32, #tpu.memory_space<hbm>> -> memref<1000000x128xf32, #tpu.memory_space<hbm>>
    tpu.enqueue_indirect_dma source(%dma_start3A_101 : memref<1000000x128xf32, #tpu.memory_space<hbm>>) target(%dma_start3A_95 : memref<72x128xf32, #tpu.memory_space<vmem>>) offsets(%dma_start3A_98 : memref<72xi32, #tpu.memory_space<vmem>>) semaphore(%arg9 : memref<!tpu.dma_semaphore, #tpu.memory_space<semaphore_mem>>)
    %dma_wait3A_102 = arith.constant 0 : i32
    %dma_wait3A_103 = arith.constant 0 : i32
    %dma_wait3A_104 = arith.constant 0 : i32
    %dma_wait3A_105 = arith.constant 0 : i32
    %dma_wait3A_106 = arith.constant 0 : i32
    %dma_wait3A_107 = arith.constant 0 : i32
    %dma_wait3A_108 = tpu.memref_slice %arg6[%dma_wait3A_104, %dma_wait3A_105, %dma_wait3A_106, %dma_wait3A_107] : memref<2x2x200x128xf32, #tpu.memory_space<vmem>> -> memref<1x1x128x128xf32, #tpu.memory_space<vmem>>
    %dma_wait3A_109 = tpu.memref_squeeze %dma_wait3A_108 : memref<1x1x128x128xf32, #tpu.memory_space<vmem>> -> memref<128x128xf32, #tpu.memory_space<vmem>>
    %dma_wait3A_110 = arith.constant 0 : i32
    %dma_wait3A_111 = tpu.memref_slice %arg5[%dma_wait3A_102, %dma_wait3A_103, %dma_wait3A_110] : memref<2x8x200xi32, #tpu.memory_space<vmem>> -> memref<1x1x128xi32, #tpu.memory_space<vmem>>
    %dma_wait3A_112 = tpu.memref_squeeze %dma_wait3A_111 : memref<1x1x128xi32, #tpu.memory_space<vmem>> -> memref<128xi32, #tpu.memory_space<vmem>>
    %dma_wait3A_113 = arith.constant 0 : i32
    %dma_wait3A_114 = arith.constant 0 : i32
    %dma_wait3A_115 = tpu.memref_slice %arg3[%dma_wait3A_113, %dma_wait3A_114] : memref<1000000x128xf32, #tpu.memory_space<hbm>> -> memref<1000000x128xf32, #tpu.memory_space<hbm>>
    tpu.wait_indirect_dma semaphore(%arg9 : memref<!tpu.dma_semaphore, #tpu.memory_space<semaphore_mem>>) src(%dma_wait3A_115 : memref<1000000x128xf32, #tpu.memory_space<hbm>>) dst(%dma_wait3A_109 : memref<128x128xf32, #tpu.memory_space<vmem>>)
    %dma_wait3A_116 = arith.constant 0 : i32
    %dma_wait3A_117 = arith.constant 0 : i32
    %dma_wait3A_118 = arith.constant 0 : i32
    %dma_wait3A_119 = arith.constant 0 : i32
    %dma_wait3A_120 = arith.constant 128 : i32
    %dma_wait3A_121 = arith.constant 0 : i32
    %dma_wait3A_122 = tpu.memref_slice %arg6[%dma_wait3A_118, %dma_wait3A_119, %dma_wait3A_120, %dma_wait3A_121] : memref<2x2x200x128xf32, #tpu.memory_space<vmem>> -> memref<1x1x72x128xf32, #tpu.memory_space<vmem>>
    %dma_wait3A_123 = tpu.memref_squeeze %dma_wait3A_122 : memref<1x1x72x128xf32, #tpu.memory_space<vmem>> -> memref<72x128xf32, #tpu.memory_space<vmem>>
    %dma_wait3A_124 = arith.constant 128 : i32
    %dma_wait3A_125 = tpu.memref_slice %arg5[%dma_wait3A_116, %dma_wait3A_117, %dma_wait3A_124] : memref<2x8x200xi32, #tpu.memory_space<vmem>> -> memref<1x1x72xi32, #tpu.memory_space<vmem>>
    %dma_wait3A_126 = tpu.memref_squeeze %dma_wait3A_125 : memref<1x1x72xi32, #tpu.memory_space<vmem>> -> memref<72xi32, #tpu.memory_space<vmem>>
    %dma_wait3A_127 = arith.constant 0 : i32
    %dma_wait3A_128 = arith.constant 0 : i32
    %dma_wait3A_129 = tpu.memref_slice %arg3[%dma_wait3A_127, %dma_wait3A_128] : memref<1000000x128xf32, #tpu.memory_space<hbm>> -> memref<1000000x128xf32, #tpu.memory_space<hbm>>
    tpu.wait_indirect_dma semaphore(%arg9 : memref<!tpu.dma_semaphore, #tpu.memory_space<semaphore_mem>>) src(%dma_wait3A_129 : memref<1000000x128xf32, #tpu.memory_space<hbm>>) dst(%dma_wait3A_123 : memref<72x128xf32, #tpu.memory_space<vmem>>)
    %dma_wait3A_130 = arith.constant 0 : i32
    %dma_wait3A_131 = arith.constant 1 : i32
    %dma_wait3A_132 = arith.constant 0 : i32
    %dma_wait3A_133 = arith.constant 1 : i32
    %dma_wait3A_134 = arith.constant 0 : i32
    %dma_wait3A_135 = arith.constant 0 : i32
    %dma_wait3A_136 = tpu.memref_slice %arg6[%dma_wait3A_132, %dma_wait3A_133, %dma_wait3A_134, %dma_wait3A_135] : memref<2x2x200x128xf32, #tpu.memory_space<vmem>> -> memref<1x1x128x128xf32, #tpu.memory_space<vmem>>
    %dma_wait3A_137 = tpu.memref_squeeze %dma_wait3A_136 : memref<1x1x128x128xf32, #tpu.memory_space<vmem>> -> memref<128x128xf32, #tpu.memory_space<vmem>>
    %dma_wait3A_138 = arith.constant 0 : i32
    %dma_wait3A_139 = tpu.memref_slice %arg5[%dma_wait3A_130, %dma_wait3A_131, %dma_wait3A_138] : memref<2x8x200xi32, #tpu.memory_space<vmem>> -> memref<1x1x128xi32, #tpu.memory_space<vmem>>
    %dma_wait3A_140 = tpu.memref_squeeze %dma_wait3A_139 : memref<1x1x128xi32, #tpu.memory_space<vmem>> -> memref<128xi32, #tpu.memory_space<vmem>>
    %dma_wait3A_141 = arith.constant 0 : i32
    %dma_wait3A_142 = arith.constant 0 : i32
    %dma_wait3A_143 = tpu.memref_slice %arg3[%dma_wait3A_141, %dma_wait3A_142] : memref<1000000x128xf32, #tpu.memory_space<hbm>> -> memref<1000000x128xf32, #tpu.memory_space<hbm>>
    tpu.wait_indirect_dma semaphore(%arg9 : memref<!tpu.dma_semaphore, #tpu.memory_space<semaphore_mem>>) src(%dma_wait3A_143 : memref<1000000x128xf32, #tpu.memory_space<hbm>>) dst(%dma_wait3A_137 : memref<128x128xf32, #tpu.memory_space<vmem>>)
    %dma_wait3A_144 = arith.constant 0 : i32
    %dma_wait3A_145 = arith.constant 1 : i32
    %dma_wait3A_146 = arith.constant 0 : i32
    %dma_wait3A_147 = arith.constant 1 : i32
    %dma_wait3A_148 = arith.constant 128 : i32
    %dma_wait3A_149 = arith.constant 0 : i32
    %dma_wait3A_150 = tpu.memref_slice %arg6[%dma_wait3A_146, %dma_wait3A_147, %dma_wait3A_148, %dma_wait3A_149] : memref<2x2x200x128xf32, #tpu.memory_space<vmem>> -> memref<1x1x72x128xf32, #tpu.memory_space<vmem>>
    %dma_wait3A_151 = tpu.memref_squeeze %dma_wait3A_150 : memref<1x1x72x128xf32, #tpu.memory_space<vmem>> -> memref<72x128xf32, #tpu.memory_space<vmem>>
    %dma_wait3A_152 = arith.constant 128 : i32
    %dma_wait3A_153 = tpu.memref_slice %arg5[%dma_wait3A_144, %dma_wait3A_145, %dma_wait3A_152] : memref<2x8x200xi32, #tpu.memory_space<vmem>> -> memref<1x1x72xi32, #tpu.memory_space<vmem>>
    %dma_wait3A_154 = tpu.memref_squeeze %dma_wait3A_153 : memref<1x1x72xi32, #tpu.memory_space<vmem>> -> memref<72xi32, #tpu.memory_space<vmem>>
    %dma_wait3A_155 = arith.constant 0 : i32
    %dma_wait3A_156 = arith.constant 0 : i32
    %dma_wait3A_157 = tpu.memref_slice %arg3[%dma_wait3A_155, %dma_wait3A_156] : memref<1000000x128xf32, #tpu.memory_space<hbm>> -> memref<1000000x128xf32, #tpu.memory_space<hbm>>
    tpu.wait_indirect_dma semaphore(%arg9 : memref<!tpu.dma_semaphore, #tpu.memory_space<semaphore_mem>>) src(%dma_wait3A_157 : memref<1000000x128xf32, #tpu.memory_space<hbm>>) dst(%dma_wait3A_151 : memref<72x128xf32, #tpu.memory_space<vmem>>)
    %add3A_158 = arith.constant 0 : i32
    %add3A_159 = arith.addi %mul3A_2, %add3A_158 : i32
    %dma_start3A_160 = arith.constant 0 : i32
    %dma_start3A_161 = arith.constant 0 : i32
    %dma_start3A_162 = arith.constant 0 : i32
    %dma_start3A_163 = arith.constant 0 : i32
    %dma_start3A_164 = tpu.memref_slice %arg6[%dma_start3A_160, %dma_start3A_161, %dma_start3A_162, %dma_start3A_163] : memref<2x2x200x128xf32, #tpu.memory_space<vmem>> -> memref<1x2x200x128xf32, #tpu.memory_space<vmem>>
    %dma_start3A_165 = tpu.memref_squeeze %dma_start3A_164 : memref<1x2x200x128xf32, #tpu.memory_space<vmem>> -> memref<2x200x128xf32, #tpu.memory_space<vmem>>
    %dma_start3A_166 = arith.constant 0 : i32
    %dma_start3A_167 = arith.constant 0 : i32
    %dma_start3A_168 = tpu.memref_slice %arg4[%add3A_159, %dma_start3A_166, %dma_start3A_167] : memref<16384x200x128xf32, #tpu.memory_space<hbm>> -> memref<2x200x128xf32, #tpu.memory_space<hbm>>
    %dma_start3A_169 = arith.constant 0 : i32
    %dma_start3A_170 = arith.constant 0 : i32
    %dma_start3A_171 = tpu.memref_slice %arg4[%add3A_159, %dma_start3A_169, %dma_start3A_170] : memref<16384x200x128xf32, #tpu.memory_space<hbm>> -> memref<2x200x128xf32, #tpu.memory_space<hbm>>
    %dma_start3A_172 = arith.constant 0 : i32
    %dma_start3A_173 = arith.constant 0 : i32
    %dma_start3A_174 = arith.constant 0 : i32
    %dma_start3A_175 = tpu.memref_slice %arg6[%dma_start3A_160, %dma_start3A_172, %dma_start3A_173, %dma_start3A_174] : memref<2x2x200x128xf32, #tpu.memory_space<vmem>> -> memref<1x2x200x128xf32, #tpu.memory_space<vmem>>
    %dma_start3A_176 = tpu.memref_squeeze %dma_start3A_175 : memref<1x2x200x128xf32, #tpu.memory_space<vmem>> -> memref<2x200x128xf32, #tpu.memory_space<vmem>>
    tpu.enqueue_dma source(%dma_start3A_176 : memref<2x200x128xf32, #tpu.memory_space<vmem>>) target(%dma_start3A_171 : memref<2x200x128xf32, #tpu.memory_space<hbm>>) target_semaphore(%arg11 : memref<!tpu.dma_semaphore, #tpu.memory_space<semaphore_mem>>)
    %dma_start3A_177 = arith.constant 0 : i32
    %dma_start3A_178 = arith.constant 2 : i32
    %dma_start3A_179 = arith.constant 1 : i32
    %dma_start3A_180 = arith.constant 0 : i32
    %dma_start3A_181 = arith.constant 0 : i32
    %dma_start3A_182 = arith.constant 0 : i32
    %dma_start3A_183 = tpu.memref_slice %arg6[%dma_start3A_179, %dma_start3A_180, %dma_start3A_181, %dma_start3A_182] : memref<2x2x200x128xf32, #tpu.memory_space<vmem>> -> memref<1x1x128x128xf32, #tpu.memory_space<vmem>>
    %dma_start3A_184 = tpu.memref_squeeze %dma_start3A_183 : memref<1x1x128x128xf32, #tpu.memory_space<vmem>> -> memref<128x128xf32, #tpu.memory_space<vmem>>
    %dma_start3A_185 = arith.constant 0 : i32
    %dma_start3A_186 = tpu.memref_slice %arg5[%dma_start3A_177, %dma_start3A_178, %dma_start3A_185] : memref<2x8x200xi32, #tpu.memory_space<vmem>> -> memref<1x1x128xi32, #tpu.memory_space<vmem>>
    %dma_start3A_187 = tpu.memref_squeeze %dma_start3A_186 : memref<1x1x128xi32, #tpu.memory_space<vmem>> -> memref<128xi32, #tpu.memory_space<vmem>>
    %dma_start3A_188 = arith.constant 0 : i32
    %dma_start3A_189 = arith.constant 0 : i32
    %dma_start3A_190 = tpu.memref_slice %arg3[%dma_start3A_188, %dma_start3A_189] : memref<1000000x128xf32, #tpu.memory_space<hbm>> -> memref<1000000x128xf32, #tpu.memory_space<hbm>>
    tpu.enqueue_indirect_dma source(%dma_start3A_190 : memref<1000000x128xf32, #tpu.memory_space<hbm>>) target(%dma_start3A_184 : memref<128x128xf32, #tpu.memory_space<vmem>>) offsets(%dma_start3A_187 : memref<128xi32, #tpu.memory_space<vmem>>) semaphore(%arg10 : memref<!tpu.dma_semaphore, #tpu.memory_space<semaphore_mem>>)
    %dma_start3A_191 = arith.constant 0 : i32
    %dma_start3A_192 = arith.constant 2 : i32
    %dma_start3A_193 = arith.constant 1 : i32
    %dma_start3A_194 = arith.constant 0 : i32
    %dma_start3A_195 = arith.constant 128 : i32
    %dma_start3A_196 = arith.constant 0 : i32
    %dma_start3A_197 = tpu.memref_slice %arg6[%dma_start3A_193, %dma_start3A_194, %dma_start3A_195, %dma_start3A_196] : memref<2x2x200x128xf32, #tpu.memory_space<vmem>> -> memref<1x1x72x128xf32, #tpu.memory_space<vmem>>
    %dma_start3A_198 = tpu.memref_squeeze %dma_start3A_197 : memref<1x1x72x128xf32, #tpu.memory_space<vmem>> -> memref<72x128xf32, #tpu.memory_space<vmem>>
    %dma_start3A_199 = arith.constant 128 : i32
    %dma_start3A_200 = tpu.memref_slice %arg5[%dma_start3A_191, %dma_start3A_192, %dma_start3A_199] : memref<2x8x200xi32, #tpu.memory_space<vmem>> -> memref<1x1x72xi32, #tpu.memory_space<vmem>>
    %dma_start3A_201 = tpu.memref_squeeze %dma_start3A_200 : memref<1x1x72xi32, #tpu.memory_space<vmem>> -> memref<72xi32, #tpu.memory_space<vmem>>
    %dma_start3A_202 = arith.constant 0 : i32
    %dma_start3A_203 = arith.constant 0 : i32
    %dma_start3A_204 = tpu.memref_slice %arg3[%dma_start3A_202, %dma_start3A_203] : memref<1000000x128xf32, #tpu.memory_space<hbm>> -> memref<1000000x128xf32, #tpu.memory_space<hbm>>
    tpu.enqueue_indirect_dma source(%dma_start3A_204 : memref<1000000x128xf32, #tpu.memory_space<hbm>>) target(%dma_start3A_198 : memref<72x128xf32, #tpu.memory_space<vmem>>) offsets(%dma_start3A_201 : memref<72xi32, #tpu.memory_space<vmem>>) semaphore(%arg10 : memref<!tpu.dma_semaphore, #tpu.memory_space<semaphore_mem>>)
    %dma_start3A_205 = arith.constant 0 : i32
    %dma_start3A_206 = arith.constant 3 : i32
    %dma_start3A_207 = arith.constant 1 : i32
    %dma_start3A_208 = arith.constant 1 : i32
    %dma_start3A_209 = arith.constant 0 : i32
    %dma_start3A_210 = arith.constant 0 : i32
    %dma_start3A_211 = tpu.memref_slice %arg6[%dma_start3A_207, %dma_start3A_208, %dma_start3A_209, %dma_start3A_210] : memref<2x2x200x128xf32, #tpu.memory_space<vmem>> -> memref<1x1x128x128xf32, #tpu.memory_space<vmem>>
    %dma_start3A_212 = tpu.memref_squeeze %dma_start3A_211 : memref<1x1x128x128xf32, #tpu.memory_space<vmem>> -> memref<128x128xf32, #tpu.memory_space<vmem>>
    %dma_start3A_213 = arith.constant 0 : i32
    %dma_start3A_214 = tpu.memref_slice %arg5[%dma_start3A_205, %dma_start3A_206, %dma_start3A_213] : memref<2x8x200xi32, #tpu.memory_space<vmem>> -> memref<1x1x128xi32, #tpu.memory_space<vmem>>
    %dma_start3A_215 = tpu.memref_squeeze %dma_start3A_214 : memref<1x1x128xi32, #tpu.memory_space<vmem>> -> memref<128xi32, #tpu.memory_space<vmem>>
    %dma_start3A_216 = arith.constant 0 : i32
    %dma_start3A_217 = arith.constant 0 : i32
    %dma_start3A_218 = tpu.memref_slice %arg3[%dma_start3A_216, %dma_start3A_217] : memref<1000000x128xf32, #tpu.memory_space<hbm>> -> memref<1000000x128xf32, #tpu.memory_space<hbm>>
    tpu.enqueue_indirect_dma source(%dma_start3A_218 : memref<1000000x128xf32, #tpu.memory_space<hbm>>) target(%dma_start3A_212 : memref<128x128xf32, #tpu.memory_space<vmem>>) offsets(%dma_start3A_215 : memref<128xi32, #tpu.memory_space<vmem>>) semaphore(%arg10 : memref<!tpu.dma_semaphore, #tpu.memory_space<semaphore_mem>>)
    %dma_start3A_219 = arith.constant 0 : i32
    %dma_start3A_220 = arith.constant 3 : i32
    %dma_start3A_221 = arith.constant 1 : i32
    %dma_start3A_222 = arith.constant 1 : i32
    %dma_start3A_223 = arith.constant 128 : i32
    %dma_start3A_224 = arith.constant 0 : i32
    %dma_start3A_225 = tpu.memref_slice %arg6[%dma_start3A_221, %dma_start3A_222, %dma_start3A_223, %dma_start3A_224] : memref<2x2x200x128xf32, #tpu.memory_space<vmem>> -> memref<1x1x72x128xf32, #tpu.memory_space<vmem>>
    %dma_start3A_226 = tpu.memref_squeeze %dma_start3A_225 : memref<1x1x72x128xf32, #tpu.memory_space<vmem>> -> memref<72x128xf32, #tpu.memory_space<vmem>>
    %dma_start3A_227 = arith.constant 128 : i32
    %dma_start3A_228 = tpu.memref_slice %arg5[%dma_start3A_219, %dma_start3A_220, %dma_start3A_227] : memref<2x8x200xi32, #tpu.memory_space<vmem>> -> memref<1x1x72xi32, #tpu.memory_space<vmem>>
    %dma_start3A_229 = tpu.memref_squeeze %dma_start3A_228 : memref<1x1x72xi32, #tpu.memory_space<vmem>> -> memref<72xi32, #tpu.memory_space<vmem>>
    %dma_start3A_230 = arith.constant 0 : i32
    %dma_start3A_231 = arith.constant 0 : i32
    %dma_start3A_232 = tpu.memref_slice %arg3[%dma_start3A_230, %dma_start3A_231] : memref<1000000x128xf32, #tpu.memory_space<hbm>> -> memref<1000000x128xf32, #tpu.memory_space<hbm>>
    tpu.enqueue_indirect_dma source(%dma_start3A_232 : memref<1000000x128xf32, #tpu.memory_space<hbm>>) target(%dma_start3A_226 : memref<72x128xf32, #tpu.memory_space<vmem>>) offsets(%dma_start3A_229 : memref<72xi32, #tpu.memory_space<vmem>>) semaphore(%arg10 : memref<!tpu.dma_semaphore, #tpu.memory_space<semaphore_mem>>)
    %dma_wait3A_233 = arith.constant 0 : i32
    %dma_wait3A_234 = arith.constant 2 : i32
    %dma_wait3A_235 = arith.constant 1 : i32
    %dma_wait3A_236 = arith.constant 0 : i32
    %dma_wait3A_237 = arith.constant 0 : i32
    %dma_wait3A_238 = arith.constant 0 : i32
    %dma_wait3A_239 = tpu.memref_slice %arg6[%dma_wait3A_235, %dma_wait3A_236, %dma_wait3A_237, %dma_wait3A_238] : memref<2x2x200x128xf32, #tpu.memory_space<vmem>> -> memref<1x1x128x128xf32, #tpu.memory_space<vmem>>
    %dma_wait3A_240 = tpu.memref_squeeze %dma_wait3A_239 : memref<1x1x128x128xf32, #tpu.memory_space<vmem>> -> memref<128x128xf32, #tpu.memory_space<vmem>>
    %dma_wait3A_241 = arith.constant 0 : i32
    %dma_wait3A_242 = tpu.memref_slice %arg5[%dma_wait3A_233, %dma_wait3A_234, %dma_wait3A_241] : memref<2x8x200xi32, #tpu.memory_space<vmem>> -> memref<1x1x128xi32, #tpu.memory_space<vmem>>
    %dma_wait3A_243 = tpu.memref_squeeze %dma_wait3A_242 : memref<1x1x128xi32, #tpu.memory_space<vmem>> -> memref<128xi32, #tpu.memory_space<vmem>>
    %dma_wait3A_244 = arith.constant 0 : i32
    %dma_wait3A_245 = arith.constant 0 : i32
    %dma_wait3A_246 = tpu.memref_slice %arg3[%dma_wait3A_244, %dma_wait3A_245] : memref<1000000x128xf32, #tpu.memory_space<hbm>> -> memref<1000000x128xf32, #tpu.memory_space<hbm>>
    tpu.wait_indirect_dma semaphore(%arg10 : memref<!tpu.dma_semaphore, #tpu.memory_space<semaphore_mem>>) src(%dma_wait3A_246 : memref<1000000x128xf32, #tpu.memory_space<hbm>>) dst(%dma_wait3A_240 : memref<128x128xf32, #tpu.memory_space<vmem>>)
    %dma_wait3A_247 = arith.constant 0 : i32
    %dma_wait3A_248 = arith.constant 2 : i32
    %dma_wait3A_249 = arith.constant 1 : i32
    %dma_wait3A_250 = arith.constant 0 : i32
    %dma_wait3A_251 = arith.constant 128 : i32
    %dma_wait3A_252 = arith.constant 0 : i32
    %dma_wait3A_253 = tpu.memref_slice %arg6[%dma_wait3A_249, %dma_wait3A_250, %dma_wait3A_251, %dma_wait3A_252] : memref<2x2x200x128xf32, #tpu.memory_space<vmem>> -> memref<1x1x72x128xf32, #tpu.memory_space<vmem>>
    %dma_wait3A_254 = tpu.memref_squeeze %dma_wait3A_253 : memref<1x1x72x128xf32, #tpu.memory_space<vmem>> -> memref<72x128xf32, #tpu.memory_space<vmem>>
    %dma_wait3A_255 = arith.constant 128 : i32
    %dma_wait3A_256 = tpu.memref_slice %arg5[%dma_wait3A_247, %dma_wait3A_248, %dma_wait3A_255] : memref<2x8x200xi32, #tpu.memory_space<vmem>> -> memref<1x1x72xi32, #tpu.memory_space<vmem>>
    %dma_wait3A_257 = tpu.memref_squeeze %dma_wait3A_256 : memref<1x1x72xi32, #tpu.memory_space<vmem>> -> memref<72xi32, #tpu.memory_space<vmem>>
    %dma_wait3A_258 = arith.constant 0 : i32
    %dma_wait3A_259 = arith.constant 0 : i32
    %dma_wait3A_260 = tpu.memref_slice %arg3[%dma_wait3A_258, %dma_wait3A_259] : memref<1000000x128xf32, #tpu.memory_space<hbm>> -> memref<1000000x128xf32, #tpu.memory_space<hbm>>
    tpu.wait_indirect_dma semaphore(%arg10 : memref<!tpu.dma_semaphore, #tpu.memory_space<semaphore_mem>>) src(%dma_wait3A_260 : memref<1000000x128xf32, #tpu.memory_space<hbm>>) dst(%dma_wait3A_254 : memref<72x128xf32, #tpu.memory_space<vmem>>)
    %dma_wait3A_261 = arith.constant 0 : i32
    %dma_wait3A_262 = arith.constant 3 : i32
    %dma_wait3A_263 = arith.constant 1 : i32
    %dma_wait3A_264 = arith.constant 1 : i32
    %dma_wait3A_265 = arith.constant 0 : i32
    %dma_wait3A_266 = arith.constant 0 : i32
    %dma_wait3A_267 = tpu.memref_slice %arg6[%dma_wait3A_263, %dma_wait3A_264, %dma_wait3A_265, %dma_wait3A_266] : memref<2x2x200x128xf32, #tpu.memory_space<vmem>> -> memref<1x1x128x128xf32, #tpu.memory_space<vmem>>
    %dma_wait3A_268 = tpu.memref_squeeze %dma_wait3A_267 : memref<1x1x128x128xf32, #tpu.memory_space<vmem>> -> memref<128x128xf32, #tpu.memory_space<vmem>>
    %dma_wait3A_269 = arith.constant 0 : i32
    %dma_wait3A_270 = tpu.memref_slice %arg5[%dma_wait3A_261, %dma_wait3A_262, %dma_wait3A_269] : memref<2x8x200xi32, #tpu.memory_space<vmem>> -> memref<1x1x128xi32, #tpu.memory_space<vmem>>
    %dma_wait3A_271 = tpu.memref_squeeze %dma_wait3A_270 : memref<1x1x128xi32, #tpu.memory_space<vmem>> -> memref<128xi32, #tpu.memory_space<vmem>>
    %dma_wait3A_272 = arith.constant 0 : i32
    %dma_wait3A_273 = arith.constant 0 : i32
    %dma_wait3A_274 = tpu.memref_slice %arg3[%dma_wait3A_272, %dma_wait3A_273] : memref<1000000x128xf32, #tpu.memory_space<hbm>> -> memref<1000000x128xf32, #tpu.memory_space<hbm>>
    tpu.wait_indirect_dma semaphore(%arg10 : memref<!tpu.dma_semaphore, #tpu.memory_space<semaphore_mem>>) src(%dma_wait3A_274 : memref<1000000x128xf32, #tpu.memory_space<hbm>>) dst(%dma_wait3A_268 : memref<128x128xf32, #tpu.memory_space<vmem>>)
    %dma_wait3A_275 = arith.constant 0 : i32
    %dma_wait3A_276 = arith.constant 3 : i32
    %dma_wait3A_277 = arith.constant 1 : i32
    %dma_wait3A_278 = arith.constant 1 : i32
    %dma_wait3A_279 = arith.constant 128 : i32
    %dma_wait3A_280 = arith.constant 0 : i32
    %dma_wait3A_281 = tpu.memref_slice %arg6[%dma_wait3A_277, %dma_wait3A_278, %dma_wait3A_279, %dma_wait3A_280] : memref<2x2x200x128xf32, #tpu.memory_space<vmem>> -> memref<1x1x72x128xf32, #tpu.memory_space<vmem>>
    %dma_wait3A_282 = tpu.memref_squeeze %dma_wait3A_281 : memref<1x1x72x128xf32, #tpu.memory_space<vmem>> -> memref<72x128xf32, #tpu.memory_space<vmem>>
    %dma_wait3A_283 = arith.constant 128 : i32
    %dma_wait3A_284 = tpu.memref_slice %arg5[%dma_wait3A_275, %dma_wait3A_276, %dma_wait3A_283] : memref<2x8x200xi32, #tpu.memory_space<vmem>> -> memref<1x1x72xi32, #tpu.memory_space<vmem>>
    %dma_wait3A_285 = tpu.memref_squeeze %dma_wait3A_284 : memref<1x1x72xi32, #tpu.memory_space<vmem>> -> memref<72xi32, #tpu.memory_space<vmem>>
    %dma_wait3A_286 = arith.constant 0 : i32
    %dma_wait3A_287 = arith.constant 0 : i32
    %dma_wait3A_288 = tpu.memref_slice %arg3[%dma_wait3A_286, %dma_wait3A_287] : memref<1000000x128xf32, #tpu.memory_space<hbm>> -> memref<1000000x128xf32, #tpu.memory_space<hbm>>
    tpu.wait_indirect_dma semaphore(%arg10 : memref<!tpu.dma_semaphore, #tpu.memory_space<semaphore_mem>>) src(%dma_wait3A_288 : memref<1000000x128xf32, #tpu.memory_space<hbm>>) dst(%dma_wait3A_282 : memref<72x128xf32, #tpu.memory_space<vmem>>)
    %add3A_289 = arith.constant 2 : i32
    %add3A_290 = arith.addi %mul3A_2, %add3A_289 : i32
    %dma_start3A_291 = arith.constant 1 : i32
    %dma_start3A_292 = arith.constant 0 : i32
    %dma_start3A_293 = arith.constant 0 : i32
    %dma_start3A_294 = arith.constant 0 : i32
    %dma_start3A_295 = tpu.memref_slice %arg6[%dma_start3A_291, %dma_start3A_292, %dma_start3A_293, %dma_start3A_294] : memref<2x2x200x128xf32, #tpu.memory_space<vmem>> -> memref<1x2x200x128xf32, #tpu.memory_space<vmem>>
    %dma_start3A_296 = tpu.memref_squeeze %dma_start3A_295 : memref<1x2x200x128xf32, #tpu.memory_space<vmem>> -> memref<2x200x128xf32, #tpu.memory_space<vmem>>
    %dma_start3A_297 = arith.constant 0 : i32
    %dma_start3A_298 = arith.constant 0 : i32
    %dma_start3A_299 = tpu.memref_slice %arg4[%add3A_290, %dma_start3A_297, %dma_start3A_298] : memref<16384x200x128xf32, #tpu.memory_space<hbm>> -> memref<2x200x128xf32, #tpu.memory_space<hbm>>
    %dma_start3A_300 = arith.constant 0 : i32
    %dma_start3A_301 = arith.constant 0 : i32
    %dma_start3A_302 = tpu.memref_slice %arg4[%add3A_290, %dma_start3A_300, %dma_start3A_301] : memref<16384x200x128xf32, #tpu.memory_space<hbm>> -> memref<2x200x128xf32, #tpu.memory_space<hbm>>
    %dma_start3A_303 = arith.constant 0 : i32
    %dma_start3A_304 = arith.constant 0 : i32
    %dma_start3A_305 = arith.constant 0 : i32
    %dma_start3A_306 = tpu.memref_slice %arg6[%dma_start3A_291, %dma_start3A_303, %dma_start3A_304, %dma_start3A_305] : memref<2x2x200x128xf32, #tpu.memory_space<vmem>> -> memref<1x2x200x128xf32, #tpu.memory_space<vmem>>
    %dma_start3A_307 = tpu.memref_squeeze %dma_start3A_306 : memref<1x2x200x128xf32, #tpu.memory_space<vmem>> -> memref<2x200x128xf32, #tpu.memory_space<vmem>>
    tpu.enqueue_dma source(%dma_start3A_307 : memref<2x200x128xf32, #tpu.memory_space<vmem>>) target(%dma_start3A_302 : memref<2x200x128xf32, #tpu.memory_space<hbm>>) target_semaphore(%arg12 : memref<!tpu.dma_semaphore, #tpu.memory_space<semaphore_mem>>)
    %dma_wait3A_308 = arith.constant 0 : i32
    %dma_wait3A_309 = arith.constant 0 : i32
    %dma_wait3A_310 = arith.constant 0 : i32
    %dma_wait3A_311 = arith.constant 0 : i32
    %dma_wait3A_312 = tpu.memref_slice %arg6[%dma_wait3A_308, %dma_wait3A_309, %dma_wait3A_310, %dma_wait3A_311] : memref<2x2x200x128xf32, #tpu.memory_space<vmem>> -> memref<1x2x200x128xf32, #tpu.memory_space<vmem>>
    %dma_wait3A_313 = tpu.memref_squeeze %dma_wait3A_312 : memref<1x2x200x128xf32, #tpu.memory_space<vmem>> -> memref<2x200x128xf32, #tpu.memory_space<vmem>>
    %dma_wait3A_314 = arith.constant 0 : i32
    %dma_wait3A_315 = arith.constant 0 : i32
    %dma_wait3A_316 = arith.constant 0 : i32
    %dma_wait3A_317 = tpu.memref_slice %arg4[%dma_wait3A_314, %dma_wait3A_315, %dma_wait3A_316] : memref<16384x200x128xf32, #tpu.memory_space<hbm>> -> memref<2x200x128xf32, #tpu.memory_space<hbm>>
    %dma_wait3A_318 = arith.constant 0 : i32
    %dma_wait3A_319 = arith.constant 0 : i32
    %dma_wait3A_320 = arith.constant 0 : i32
    %dma_wait3A_321 = tpu.memref_slice %arg4[%dma_wait3A_318, %dma_wait3A_319, %dma_wait3A_320] : memref<16384x200x128xf32, #tpu.memory_space<hbm>> -> memref<2x200x128xf32, #tpu.memory_space<hbm>>
    %dma_wait3A_322 = arith.constant 0 : i32
    %dma_wait3A_323 = arith.constant 0 : i32
    %dma_wait3A_324 = arith.constant 0 : i32
    %dma_wait3A_325 = tpu.memref_slice %arg6[%dma_wait3A_308, %dma_wait3A_322, %dma_wait3A_323, %dma_wait3A_324] : memref<2x2x200x128xf32, #tpu.memory_space<vmem>> -> memref<1x2x200x128xf32, #tpu.memory_space<vmem>>
    %dma_wait3A_326 = tpu.memref_squeeze %dma_wait3A_325 : memref<1x2x200x128xf32, #tpu.memory_space<vmem>> -> memref<2x200x128xf32, #tpu.memory_space<vmem>>
    tpu.wait_dma2 semaphore(%arg11 : memref<!tpu.dma_semaphore, #tpu.memory_space<semaphore_mem>>) src(%dma_wait3A_326 : memref<2x200x128xf32, #tpu.memory_space<vmem>>) dst(%dma_wait3A_321 : memref<2x200x128xf32, #tpu.memory_space<hbm>>)
    %dma_start3A_327 = arith.constant 0 : i32
    %dma_start3A_328 = arith.constant 4 : i32
    %dma_start3A_329 = arith.constant 0 : i32
    %dma_start3A_330 = arith.constant 0 : i32
    %dma_start3A_331 = arith.constant 0 : i32
    %dma_start3A_332 = arith.constant 0 : i32
    %dma_start3A_333 = tpu.memref_slice %arg6[%dma_start3A_329, %dma_start3A_330, %dma_start3A_331, %dma_start3A_332] : memref<2x2x200x128xf32, #tpu.memory_space<vmem>> -> memref<1x1x128x128xf32, #tpu.memory_space<vmem>>
    %dma_start3A_334 = tpu.memref_squeeze %dma_start3A_333 : memref<1x1x128x128xf32, #tpu.memory_space<vmem>> -> memref<128x128xf32, #tpu.memory_space<vmem>>
    %dma_start3A_335 = arith.constant 0 : i32
    %dma_start3A_336 = tpu.memref_slice %arg5[%dma_start3A_327, %dma_start3A_328, %dma_start3A_335] : memref<2x8x200xi32, #tpu.memory_space<vmem>> -> memref<1x1x128xi32, #tpu.memory_space<vmem>>
    %dma_start3A_337 = tpu.memref_squeeze %dma_start3A_336 : memref<1x1x128xi32, #tpu.memory_space<vmem>> -> memref<128xi32, #tpu.memory_space<vmem>>
    %dma_start3A_338 = arith.constant 0 : i32
    %dma_start3A_339 = arith.constant 0 : i32
    %dma_start3A_340 = tpu.memref_slice %arg3[%dma_start3A_338, %dma_start3A_339] : memref<1000000x128xf32, #tpu.memory_space<hbm>> -> memref<1000000x128xf32, #tpu.memory_space<hbm>>
    tpu.enqueue_indirect_dma source(%dma_start3A_340 : memref<1000000x128xf32, #tpu.memory_space<hbm>>) target(%dma_start3A_334 : memref<128x128xf32, #tpu.memory_space<vmem>>) offsets(%dma_start3A_337 : memref<128xi32, #tpu.memory_space<vmem>>) semaphore(%arg9 : memref<!tpu.dma_semaphore, #tpu.memory_space<semaphore_mem>>)
    %dma_start3A_341 = arith.constant 0 : i32
    %dma_start3A_342 = arith.constant 4 : i32
    %dma_start3A_343 = arith.constant 0 : i32
    %dma_start3A_344 = arith.constant 0 : i32
    %dma_start3A_345 = arith.constant 128 : i32
    %dma_start3A_346 = arith.constant 0 : i32
    %dma_start3A_347 = tpu.memref_slice %arg6[%dma_start3A_343, %dma_start3A_344, %dma_start3A_345, %dma_start3A_346] : memref<2x2x200x128xf32, #tpu.memory_space<vmem>> -> memref<1x1x72x128xf32, #tpu.memory_space<vmem>>
    %dma_start3A_348 = tpu.memref_squeeze %dma_start3A_347 : memref<1x1x72x128xf32, #tpu.memory_space<vmem>> -> memref<72x128xf32, #tpu.memory_space<vmem>>
    %dma_start3A_349 = arith.constant 128 : i32
    %dma_start3A_350 = tpu.memref_slice %arg5[%dma_start3A_341, %dma_start3A_342, %dma_start3A_349] : memref<2x8x200xi32, #tpu.memory_space<vmem>> -> memref<1x1x72xi32, #tpu.memory_space<vmem>>
    %dma_start3A_351 = tpu.memref_squeeze %dma_start3A_350 : memref<1x1x72xi32, #tpu.memory_space<vmem>> -> memref<72xi32, #tpu.memory_space<vmem>>
    %dma_start3A_352 = arith.constant 0 : i32
    %dma_start3A_353 = arith.constant 0 : i32
    %dma_start3A_354 = tpu.memref_slice %arg3[%dma_start3A_352, %dma_start3A_353] : memref<1000000x128xf32, #tpu.memory_space<hbm>> -> memref<1000000x128xf32, #tpu.memory_space<hbm>>
    tpu.enqueue_indirect_dma source(%dma_start3A_354 : memref<1000000x128xf32, #tpu.memory_space<hbm>>) target(%dma_start3A_348 : memref<72x128xf32, #tpu.memory_space<vmem>>) offsets(%dma_start3A_351 : memref<72xi32, #tpu.memory_space<vmem>>) semaphore(%arg9 : memref<!tpu.dma_semaphore, #tpu.memory_space<semaphore_mem>>)
    %dma_start3A_355 = arith.constant 0 : i32
    %dma_start3A_356 = arith.constant 5 : i32
    %dma_start3A_357 = arith.constant 0 : i32
    %dma_start3A_358 = arith.constant 1 : i32
    %dma_start3A_359 = arith.constant 0 : i32
    %dma_start3A_360 = arith.constant 0 : i32
    %dma_start3A_361 = tpu.memref_slice %arg6[%dma_start3A_357, %dma_start3A_358, %dma_start3A_359, %dma_start3A_360] : memref<2x2x200x128xf32, #tpu.memory_space<vmem>> -> memref<1x1x128x128xf32, #tpu.memory_space<vmem>>
    %dma_start3A_362 = tpu.memref_squeeze %dma_start3A_361 : memref<1x1x128x128xf32, #tpu.memory_space<vmem>> -> memref<128x128xf32, #tpu.memory_space<vmem>>
    %dma_start3A_363 = arith.constant 0 : i32
    %dma_start3A_364 = tpu.memref_slice %arg5[%dma_start3A_355, %dma_start3A_356, %dma_start3A_363] : memref<2x8x200xi32, #tpu.memory_space<vmem>> -> memref<1x1x128xi32, #tpu.memory_space<vmem>>
    %dma_start3A_365 = tpu.memref_squeeze %dma_start3A_364 : memref<1x1x128xi32, #tpu.memory_space<vmem>> -> memref<128xi32, #tpu.memory_space<vmem>>
    %dma_start3A_366 = arith.constant 0 : i32
    %dma_start3A_367 = arith.constant 0 : i32
    %dma_start3A_368 = tpu.memref_slice %arg3[%dma_start3A_366, %dma_start3A_367] : memref<1000000x128xf32, #tpu.memory_space<hbm>> -> memref<1000000x128xf32, #tpu.memory_space<hbm>>
    tpu.enqueue_indirect_dma source(%dma_start3A_368 : memref<1000000x128xf32, #tpu.memory_space<hbm>>) target(%dma_start3A_362 : memref<128x128xf32, #tpu.memory_space<vmem>>) offsets(%dma_start3A_365 : memref<128xi32, #tpu.memory_space<vmem>>) semaphore(%arg9 : memref<!tpu.dma_semaphore, #tpu.memory_space<semaphore_mem>>)
    %dma_start3A_369 = arith.constant 0 : i32
    %dma_start3A_370 = arith.constant 5 : i32
    %dma_start3A_371 = arith.constant 0 : i32
    %dma_start3A_372 = arith.constant 1 : i32
    %dma_start3A_373 = arith.constant 128 : i32
    %dma_start3A_374 = arith.constant 0 : i32
    %dma_start3A_375 = tpu.memref_slice %arg6[%dma_start3A_371, %dma_start3A_372, %dma_start3A_373, %dma_start3A_374] : memref<2x2x200x128xf32, #tpu.memory_space<vmem>> -> memref<1x1x72x128xf32, #tpu.memory_space<vmem>>
    %dma_start3A_376 = tpu.memref_squeeze %dma_start3A_375 : memref<1x1x72x128xf32, #tpu.memory_space<vmem>> -> memref<72x128xf32, #tpu.memory_space<vmem>>
    %dma_start3A_377 = arith.constant 128 : i32
    %dma_start3A_378 = tpu.memref_slice %arg5[%dma_start3A_369, %dma_start3A_370, %dma_start3A_377] : memref<2x8x200xi32, #tpu.memory_space<vmem>> -> memref<1x1x72xi32, #tpu.memory_space<vmem>>
    %dma_start3A_379 = tpu.memref_squeeze %dma_start3A_378 : memref<1x1x72xi32, #tpu.memory_space<vmem>> -> memref<72xi32, #tpu.memory_space<vmem>>
    %dma_start3A_380 = arith.constant 0 : i32
    %dma_start3A_381 = arith.constant 0 : i32
    %dma_start3A_382 = tpu.memref_slice %arg3[%dma_start3A_380, %dma_start3A_381] : memref<1000000x128xf32, #tpu.memory_space<hbm>> -> memref<1000000x128xf32, #tpu.memory_space<hbm>>
    tpu.enqueue_indirect_dma source(%dma_start3A_382 : memref<1000000x128xf32, #tpu.memory_space<hbm>>) target(%dma_start3A_376 : memref<72x128xf32, #tpu.memory_space<vmem>>) offsets(%dma_start3A_379 : memref<72xi32, #tpu.memory_space<vmem>>) semaphore(%arg9 : memref<!tpu.dma_semaphore, #tpu.memory_space<semaphore_mem>>)
    %dma_wait3A_383 = arith.constant 0 : i32
    %dma_wait3A_384 = arith.constant 4 : i32
    %dma_wait3A_385 = arith.constant 0 : i32
    %dma_wait3A_386 = arith.constant 0 : i32
    %dma_wait3A_387 = arith.constant 0 : i32
    %dma_wait3A_388 = arith.constant 0 : i32
    %dma_wait3A_389 = tpu.memref_slice %arg6[%dma_wait3A_385, %dma_wait3A_386, %dma_wait3A_387, %dma_wait3A_388] : memref<2x2x200x128xf32, #tpu.memory_space<vmem>> -> memref<1x1x128x128xf32, #tpu.memory_space<vmem>>
    %dma_wait3A_390 = tpu.memref_squeeze %dma_wait3A_389 : memref<1x1x128x128xf32, #tpu.memory_space<vmem>> -> memref<128x128xf32, #tpu.memory_space<vmem>>
    %dma_wait3A_391 = arith.constant 0 : i32
    %dma_wait3A_392 = tpu.memref_slice %arg5[%dma_wait3A_383, %dma_wait3A_384, %dma_wait3A_391] : memref<2x8x200xi32, #tpu.memory_space<vmem>> -> memref<1x1x128xi32, #tpu.memory_space<vmem>>
    %dma_wait3A_393 = tpu.memref_squeeze %dma_wait3A_392 : memref<1x1x128xi32, #tpu.memory_space<vmem>> -> memref<128xi32, #tpu.memory_space<vmem>>
    %dma_wait3A_394 = arith.constant 0 : i32
    %dma_wait3A_395 = arith.constant 0 : i32
    %dma_wait3A_396 = tpu.memref_slice %arg3[%dma_wait3A_394, %dma_wait3A_395] : memref<1000000x128xf32, #tpu.memory_space<hbm>> -> memref<1000000x128xf32, #tpu.memory_space<hbm>>
    tpu.wait_indirect_dma semaphore(%arg9 : memref<!tpu.dma_semaphore, #tpu.memory_space<semaphore_mem>>) src(%dma_wait3A_396 : memref<1000000x128xf32, #tpu.memory_space<hbm>>) dst(%dma_wait3A_390 : memref<128x128xf32, #tpu.memory_space<vmem>>)
    %dma_wait3A_397 = arith.constant 0 : i32
    %dma_wait3A_398 = arith.constant 4 : i32
    %dma_wait3A_399 = arith.constant 0 : i32
    %dma_wait3A_400 = arith.constant 0 : i32
    %dma_wait3A_401 = arith.constant 128 : i32
    %dma_wait3A_402 = arith.constant 0 : i32
    %dma_wait3A_403 = tpu.memref_slice %arg6[%dma_wait3A_399, %dma_wait3A_400, %dma_wait3A_401, %dma_wait3A_402] : memref<2x2x200x128xf32, #tpu.memory_space<vmem>> -> memref<1x1x72x128xf32, #tpu.memory_space<vmem>>
    %dma_wait3A_404 = tpu.memref_squeeze %dma_wait3A_403 : memref<1x1x72x128xf32, #tpu.memory_space<vmem>> -> memref<72x128xf32, #tpu.memory_space<vmem>>
    %dma_wait3A_405 = arith.constant 128 : i32
    %dma_wait3A_406 = tpu.memref_slice %arg5[%dma_wait3A_397, %dma_wait3A_398, %dma_wait3A_405] : memref<2x8x200xi32, #tpu.memory_space<vmem>> -> memref<1x1x72xi32, #tpu.memory_space<vmem>>
    %dma_wait3A_407 = tpu.memref_squeeze %dma_wait3A_406 : memref<1x1x72xi32, #tpu.memory_space<vmem>> -> memref<72xi32, #tpu.memory_space<vmem>>
    %dma_wait3A_408 = arith.constant 0 : i32
    %dma_wait3A_409 = arith.constant 0 : i32
    %dma_wait3A_410 = tpu.memref_slice %arg3[%dma_wait3A_408, %dma_wait3A_409] : memref<1000000x128xf32, #tpu.memory_space<hbm>> -> memref<1000000x128xf32, #tpu.memory_space<hbm>>
    tpu.wait_indirect_dma semaphore(%arg9 : memref<!tpu.dma_semaphore, #tpu.memory_space<semaphore_mem>>) src(%dma_wait3A_410 : memref<1000000x128xf32, #tpu.memory_space<hbm>>) dst(%dma_wait3A_404 : memref<72x128xf32, #tpu.memory_space<vmem>>)
    %dma_wait3A_411 = arith.constant 0 : i32
    %dma_wait3A_412 = arith.constant 5 : i32
    %dma_wait3A_413 = arith.constant 0 : i32
    %dma_wait3A_414 = arith.constant 1 : i32
    %dma_wait3A_415 = arith.constant 0 : i32
    %dma_wait3A_416 = arith.constant 0 : i32
    %dma_wait3A_417 = tpu.memref_slice %arg6[%dma_wait3A_413, %dma_wait3A_414, %dma_wait3A_415, %dma_wait3A_416] : memref<2x2x200x128xf32, #tpu.memory_space<vmem>> -> memref<1x1x128x128xf32, #tpu.memory_space<vmem>>
    %dma_wait3A_418 = tpu.memref_squeeze %dma_wait3A_417 : memref<1x1x128x128xf32, #tpu.memory_space<vmem>> -> memref<128x128xf32, #tpu.memory_space<vmem>>
    %dma_wait3A_419 = arith.constant 0 : i32
    %dma_wait3A_420 = tpu.memref_slice %arg5[%dma_wait3A_411, %dma_wait3A_412, %dma_wait3A_419] : memref<2x8x200xi32, #tpu.memory_space<vmem>> -> memref<1x1x128xi32, #tpu.memory_space<vmem>>
    %dma_wait3A_421 = tpu.memref_squeeze %dma_wait3A_420 : memref<1x1x128xi32, #tpu.memory_space<vmem>> -> memref<128xi32, #tpu.memory_space<vmem>>
    %dma_wait3A_422 = arith.constant 0 : i32
    %dma_wait3A_423 = arith.constant 0 : i32
    %dma_wait3A_424 = tpu.memref_slice %arg3[%dma_wait3A_422, %dma_wait3A_423] : memref<1000000x128xf32, #tpu.memory_space<hbm>> -> memref<1000000x128xf32, #tpu.memory_space<hbm>>
    tpu.wait_indirect_dma semaphore(%arg9 : memref<!tpu.dma_semaphore, #tpu.memory_space<semaphore_mem>>) src(%dma_wait3A_424 : memref<1000000x128xf32, #tpu.memory_space<hbm>>) dst(%dma_wait3A_418 : memref<128x128xf32, #tpu.memory_space<vmem>>)
    %dma_wait3A_425 = arith.constant 0 : i32
    %dma_wait3A_426 = arith.constant 5 : i32
    %dma_wait3A_427 = arith.constant 0 : i32
    %dma_wait3A_428 = arith.constant 1 : i32
    %dma_wait3A_429 = arith.constant 128 : i32
    %dma_wait3A_430 = arith.constant 0 : i32
    %dma_wait3A_431 = tpu.memref_slice %arg6[%dma_wait3A_427, %dma_wait3A_428, %dma_wait3A_429, %dma_wait3A_430] : memref<2x2x200x128xf32, #tpu.memory_space<vmem>> -> memref<1x1x72x128xf32, #tpu.memory_space<vmem>>
    %dma_wait3A_432 = tpu.memref_squeeze %dma_wait3A_431 : memref<1x1x72x128xf32, #tpu.memory_space<vmem>> -> memref<72x128xf32, #tpu.memory_space<vmem>>
    %dma_wait3A_433 = arith.constant 128 : i32
    %dma_wait3A_434 = tpu.memref_slice %arg5[%dma_wait3A_425, %dma_wait3A_426, %dma_wait3A_433] : memref<2x8x200xi32, #tpu.memory_space<vmem>> -> memref<1x1x72xi32, #tpu.memory_space<vmem>>
    %dma_wait3A_435 = tpu.memref_squeeze %dma_wait3A_434 : memref<1x1x72xi32, #tpu.memory_space<vmem>> -> memref<72xi32, #tpu.memory_space<vmem>>
    %dma_wait3A_436 = arith.constant 0 : i32
    %dma_wait3A_437 = arith.constant 0 : i32
    %dma_wait3A_438 = tpu.memref_slice %arg3[%dma_wait3A_436, %dma_wait3A_437] : memref<1000000x128xf32, #tpu.memory_space<hbm>> -> memref<1000000x128xf32, #tpu.memory_space<hbm>>
    tpu.wait_indirect_dma semaphore(%arg9 : memref<!tpu.dma_semaphore, #tpu.memory_space<semaphore_mem>>) src(%dma_wait3A_438 : memref<1000000x128xf32, #tpu.memory_space<hbm>>) dst(%dma_wait3A_432 : memref<72x128xf32, #tpu.memory_space<vmem>>)
    %add3A_439 = arith.constant 4 : i32
    %add3A_440 = arith.addi %mul3A_2, %add3A_439 : i32
    %dma_start3A_441 = arith.constant 0 : i32
    %dma_start3A_442 = arith.constant 0 : i32
    %dma_start3A_443 = arith.constant 0 : i32
    %dma_start3A_444 = arith.constant 0 : i32
    %dma_start3A_445 = tpu.memref_slice %arg6[%dma_start3A_441, %dma_start3A_442, %dma_start3A_443, %dma_start3A_444] : memref<2x2x200x128xf32, #tpu.memory_space<vmem>> -> memref<1x2x200x128xf32, #tpu.memory_space<vmem>>
    %dma_start3A_446 = tpu.memref_squeeze %dma_start3A_445 : memref<1x2x200x128xf32, #tpu.memory_space<vmem>> -> memref<2x200x128xf32, #tpu.memory_space<vmem>>
    %dma_start3A_447 = arith.constant 0 : i32
    %dma_start3A_448 = arith.constant 0 : i32
    %dma_start3A_449 = tpu.memref_slice %arg4[%add3A_440, %dma_start3A_447, %dma_start3A_448] : memref<16384x200x128xf32, #tpu.memory_space<hbm>> -> memref<2x200x128xf32, #tpu.memory_space<hbm>>
    %dma_start3A_450 = arith.constant 0 : i32
    %dma_start3A_451 = arith.constant 0 : i32
    %dma_start3A_452 = tpu.memref_slice %arg4[%add3A_440, %dma_start3A_450, %dma_start3A_451] : memref<16384x200x128xf32, #tpu.memory_space<hbm>> -> memref<2x200x128xf32, #tpu.memory_space<hbm>>
    %dma_start3A_453 = arith.constant 0 : i32
    %dma_start3A_454 = arith.constant 0 : i32
    %dma_start3A_455 = arith.constant 0 : i32
    %dma_start3A_456 = tpu.memref_slice %arg6[%dma_start3A_441, %dma_start3A_453, %dma_start3A_454, %dma_start3A_455] : memref<2x2x200x128xf32, #tpu.memory_space<vmem>> -> memref<1x2x200x128xf32, #tpu.memory_space<vmem>>
    %dma_start3A_457 = tpu.memref_squeeze %dma_start3A_456 : memref<1x2x200x128xf32, #tpu.memory_space<vmem>> -> memref<2x200x128xf32, #tpu.memory_space<vmem>>
    tpu.enqueue_dma source(%dma_start3A_457 : memref<2x200x128xf32, #tpu.memory_space<vmem>>) target(%dma_start3A_452 : memref<2x200x128xf32, #tpu.memory_space<hbm>>) target_semaphore(%arg11 : memref<!tpu.dma_semaphore, #tpu.memory_space<semaphore_mem>>)
    %dma_wait3A_458 = arith.constant 1 : i32
    %dma_wait3A_459 = arith.constant 0 : i32
    %dma_wait3A_460 = arith.constant 0 : i32
    %dma_wait3A_461 = arith.constant 0 : i32
    %dma_wait3A_462 = tpu.memref_slice %arg6[%dma_wait3A_458, %dma_wait3A_459, %dma_wait3A_460, %dma_wait3A_461] : memref<2x2x200x128xf32, #tpu.memory_space<vmem>> -> memref<1x2x200x128xf32, #tpu.memory_space<vmem>>
    %dma_wait3A_463 = tpu.memref_squeeze %dma_wait3A_462 : memref<1x2x200x128xf32, #tpu.memory_space<vmem>> -> memref<2x200x128xf32, #tpu.memory_space<vmem>>
    %dma_wait3A_464 = arith.constant 0 : i32
    %dma_wait3A_465 = arith.constant 0 : i32
    %dma_wait3A_466 = arith.constant 0 : i32
    %dma_wait3A_467 = tpu.memref_slice %arg4[%dma_wait3A_464, %dma_wait3A_465, %dma_wait3A_466] : memref<16384x200x128xf32, #tpu.memory_space<hbm>> -> memref<2x200x128xf32, #tpu.memory_space<hbm>>
    %dma_wait3A_468 = arith.constant 0 : i32
    %dma_wait3A_469 = arith.constant 0 : i32
    %dma_wait3A_470 = arith.constant 0 : i32
    %dma_wait3A_471 = tpu.memref_slice %arg4[%dma_wait3A_468, %dma_wait3A_469, %dma_wait3A_470] : memref<16384x200x128xf32, #tpu.memory_space<hbm>> -> memref<2x200x128xf32, #tpu.memory_space<hbm>>
    %dma_wait3A_472 = arith.constant 0 : i32
    %dma_wait3A_473 = arith.constant 0 : i32
    %dma_wait3A_474 = arith.constant 0 : i32
    %dma_wait3A_475 = tpu.memref_slice %arg6[%dma_wait3A_458, %dma_wait3A_472, %dma_wait3A_473, %dma_wait3A_474] : memref<2x2x200x128xf32, #tpu.memory_space<vmem>> -> memref<1x2x200x128xf32, #tpu.memory_space<vmem>>
    %dma_wait3A_476 = tpu.memref_squeeze %dma_wait3A_475 : memref<1x2x200x128xf32, #tpu.memory_space<vmem>> -> memref<2x200x128xf32, #tpu.memory_space<vmem>>
    tpu.wait_dma2 semaphore(%arg12 : memref<!tpu.dma_semaphore, #tpu.memory_space<semaphore_mem>>) src(%dma_wait3A_476 : memref<2x200x128xf32, #tpu.memory_space<vmem>>) dst(%dma_wait3A_471 : memref<2x200x128xf32, #tpu.memory_space<hbm>>)
    %dma_start3A_477 = arith.constant 0 : i32
    %dma_start3A_478 = arith.constant 6 : i32
    %dma_start3A_479 = arith.constant 1 : i32
    %dma_start3A_480 = arith.constant 0 : i32
    %dma_start3A_481 = arith.constant 0 : i32
    %dma_start3A_482 = arith.constant 0 : i32
    %dma_start3A_483 = tpu.memref_slice %arg6[%dma_start3A_479, %dma_start3A_480, %dma_start3A_481, %dma_start3A_482] : memref<2x2x200x128xf32, #tpu.memory_space<vmem>> -> memref<1x1x128x128xf32, #tpu.memory_space<vmem>>
    %dma_start3A_484 = tpu.memref_squeeze %dma_start3A_483 : memref<1x1x128x128xf32, #tpu.memory_space<vmem>> -> memref<128x128xf32, #tpu.memory_space<vmem>>
    %dma_start3A_485 = arith.constant 0 : i32
    %dma_start3A_486 = tpu.memref_slice %arg5[%dma_start3A_477, %dma_start3A_478, %dma_start3A_485] : memref<2x8x200xi32, #tpu.memory_space<vmem>> -> memref<1x1x128xi32, #tpu.memory_space<vmem>>
    %dma_start3A_487 = tpu.memref_squeeze %dma_start3A_486 : memref<1x1x128xi32, #tpu.memory_space<vmem>> -> memref<128xi32, #tpu.memory_space<vmem>>
    %dma_start3A_488 = arith.constant 0 : i32
    %dma_start3A_489 = arith.constant 0 : i32
    %dma_start3A_490 = tpu.memref_slice %arg3[%dma_start3A_488, %dma_start3A_489] : memref<1000000x128xf32, #tpu.memory_space<hbm>> -> memref<1000000x128xf32, #tpu.memory_space<hbm>>
    tpu.enqueue_indirect_dma source(%dma_start3A_490 : memref<1000000x128xf32, #tpu.memory_space<hbm>>) target(%dma_start3A_484 : memref<128x128xf32, #tpu.memory_space<vmem>>) offsets(%dma_start3A_487 : memref<128xi32, #tpu.memory_space<vmem>>) semaphore(%arg10 : memref<!tpu.dma_semaphore, #tpu.memory_space<semaphore_mem>>)
    %dma_start3A_491 = arith.constant 0 : i32
    %dma_start3A_492 = arith.constant 6 : i32
    %dma_start3A_493 = arith.constant 1 : i32
    %dma_start3A_494 = arith.constant 0 : i32
    %dma_start3A_495 = arith.constant 128 : i32
    %dma_start3A_496 = arith.constant 0 : i32
    %dma_start3A_497 = tpu.memref_slice %arg6[%dma_start3A_493, %dma_start3A_494, %dma_start3A_495, %dma_start3A_496] : memref<2x2x200x128xf32, #tpu.memory_space<vmem>> -> memref<1x1x72x128xf32, #tpu.memory_space<vmem>>
    %dma_start3A_498 = tpu.memref_squeeze %dma_start3A_497 : memref<1x1x72x128xf32, #tpu.memory_space<vmem>> -> memref<72x128xf32, #tpu.memory_space<vmem>>
    %dma_start3A_499 = arith.constant 128 : i32
    %dma_start3A_500 = tpu.memref_slice %arg5[%dma_start3A_491, %dma_start3A_492, %dma_start3A_499] : memref<2x8x200xi32, #tpu.memory_space<vmem>> -> memref<1x1x72xi32, #tpu.memory_space<vmem>>
    %dma_start3A_501 = tpu.memref_squeeze %dma_start3A_500 : memref<1x1x72xi32, #tpu.memory_space<vmem>> -> memref<72xi32, #tpu.memory_space<vmem>>
    %dma_start3A_502 = arith.constant 0 : i32
    %dma_start3A_503 = arith.constant 0 : i32
    %dma_start3A_504 = tpu.memref_slice %arg3[%dma_start3A_502, %dma_start3A_503] : memref<1000000x128xf32, #tpu.memory_space<hbm>> -> memref<1000000x128xf32, #tpu.memory_space<hbm>>
    tpu.enqueue_indirect_dma source(%dma_start3A_504 : memref<1000000x128xf32, #tpu.memory_space<hbm>>) target(%dma_start3A_498 : memref<72x128xf32, #tpu.memory_space<vmem>>) offsets(%dma_start3A_501 : memref<72xi32, #tpu.memory_space<vmem>>) semaphore(%arg10 : memref<!tpu.dma_semaphore, #tpu.memory_space<semaphore_mem>>)
    %dma_start3A_505 = arith.constant 0 : i32
    %dma_start3A_506 = arith.constant 7 : i32
    %dma_start3A_507 = arith.constant 1 : i32
    %dma_start3A_508 = arith.constant 1 : i32
    %dma_start3A_509 = arith.constant 0 : i32
    %dma_start3A_510 = arith.constant 0 : i32
    %dma_start3A_511 = tpu.memref_slice %arg6[%dma_start3A_507, %dma_start3A_508, %dma_start3A_509, %dma_start3A_510] : memref<2x2x200x128xf32, #tpu.memory_space<vmem>> -> memref<1x1x128x128xf32, #tpu.memory_space<vmem>>
    %dma_start3A_512 = tpu.memref_squeeze %dma_start3A_511 : memref<1x1x128x128xf32, #tpu.memory_space<vmem>> -> memref<128x128xf32, #tpu.memory_space<vmem>>
    %dma_start3A_513 = arith.constant 0 : i32
    %dma_start3A_514 = tpu.memref_slice %arg5[%dma_start3A_505, %dma_start3A_506, %dma_start3A_513] : memref<2x8x200xi32, #tpu.memory_space<vmem>> -> memref<1x1x128xi32, #tpu.memory_space<vmem>>
    %dma_start3A_515 = tpu.memref_squeeze %dma_start3A_514 : memref<1x1x128xi32, #tpu.memory_space<vmem>> -> memref<128xi32, #tpu.memory_space<vmem>>
    %dma_start3A_516 = arith.constant 0 : i32
    %dma_start3A_517 = arith.constant 0 : i32
    %dma_start3A_518 = tpu.memref_slice %arg3[%dma_start3A_516, %dma_start3A_517] : memref<1000000x128xf32, #tpu.memory_space<hbm>> -> memref<1000000x128xf32, #tpu.memory_space<hbm>>
    tpu.enqueue_indirect_dma source(%dma_start3A_518 : memref<1000000x128xf32, #tpu.memory_space<hbm>>) target(%dma_start3A_512 : memref<128x128xf32, #tpu.memory_space<vmem>>) offsets(%dma_start3A_515 : memref<128xi32, #tpu.memory_space<vmem>>) semaphore(%arg10 : memref<!tpu.dma_semaphore, #tpu.memory_space<semaphore_mem>>)
    %dma_start3A_519 = arith.constant 0 : i32
    %dma_start3A_520 = arith.constant 7 : i32
    %dma_start3A_521 = arith.constant 1 : i32
    %dma_start3A_522 = arith.constant 1 : i32
    %dma_start3A_523 = arith.constant 128 : i32
    %dma_start3A_524 = arith.constant 0 : i32
    %dma_start3A_525 = tpu.memref_slice %arg6[%dma_start3A_521, %dma_start3A_522, %dma_start3A_523, %dma_start3A_524] : memref<2x2x200x128xf32, #tpu.memory_space<vmem>> -> memref<1x1x72x128xf32, #tpu.memory_space<vmem>>
    %dma_start3A_526 = tpu.memref_squeeze %dma_start3A_525 : memref<1x1x72x128xf32, #tpu.memory_space<vmem>> -> memref<72x128xf32, #tpu.memory_space<vmem>>
    %dma_start3A_527 = arith.constant 128 : i32
    %dma_start3A_528 = tpu.memref_slice %arg5[%dma_start3A_519, %dma_start3A_520, %dma_start3A_527] : memref<2x8x200xi32, #tpu.memory_space<vmem>> -> memref<1x1x72xi32, #tpu.memory_space<vmem>>
    %dma_start3A_529 = tpu.memref_squeeze %dma_start3A_528 : memref<1x1x72xi32, #tpu.memory_space<vmem>> -> memref<72xi32, #tpu.memory_space<vmem>>
    %dma_start3A_530 = arith.constant 0 : i32
    %dma_start3A_531 = arith.constant 0 : i32
    %dma_start3A_532 = tpu.memref_slice %arg3[%dma_start3A_530, %dma_start3A_531] : memref<1000000x128xf32, #tpu.memory_space<hbm>> -> memref<1000000x128xf32, #tpu.memory_space<hbm>>
    tpu.enqueue_indirect_dma source(%dma_start3A_532 : memref<1000000x128xf32, #tpu.memory_space<hbm>>) target(%dma_start3A_526 : memref<72x128xf32, #tpu.memory_space<vmem>>) offsets(%dma_start3A_529 : memref<72xi32, #tpu.memory_space<vmem>>) semaphore(%arg10 : memref<!tpu.dma_semaphore, #tpu.memory_space<semaphore_mem>>)
    %dma_wait3A_533 = arith.constant 0 : i32
    %dma_wait3A_534 = arith.constant 6 : i32
    %dma_wait3A_535 = arith.constant 1 : i32
    %dma_wait3A_536 = arith.constant 0 : i32
    %dma_wait3A_537 = arith.constant 0 : i32
    %dma_wait3A_538 = arith.constant 0 : i32
    %dma_wait3A_539 = tpu.memref_slice %arg6[%dma_wait3A_535, %dma_wait3A_536, %dma_wait3A_537, %dma_wait3A_538] : memref<2x2x200x128xf32, #tpu.memory_space<vmem>> -> memref<1x1x128x128xf32, #tpu.memory_space<vmem>>
    %dma_wait3A_540 = tpu.memref_squeeze %dma_wait3A_539 : memref<1x1x128x128xf32, #tpu.memory_space<vmem>> -> memref<128x128xf32, #tpu.memory_space<vmem>>
    %dma_wait3A_541 = arith.constant 0 : i32
    %dma_wait3A_542 = tpu.memref_slice %arg5[%dma_wait3A_533, %dma_wait3A_534, %dma_wait3A_541] : memref<2x8x200xi32, #tpu.memory_space<vmem>> -> memref<1x1x128xi32, #tpu.memory_space<vmem>>
    %dma_wait3A_543 = tpu.memref_squeeze %dma_wait3A_542 : memref<1x1x128xi32, #tpu.memory_space<vmem>> -> memref<128xi32, #tpu.memory_space<vmem>>
    %dma_wait3A_544 = arith.constant 0 : i32
    %dma_wait3A_545 = arith.constant 0 : i32
    %dma_wait3A_546 = tpu.memref_slice %arg3[%dma_wait3A_544, %dma_wait3A_545] : memref<1000000x128xf32, #tpu.memory_space<hbm>> -> memref<1000000x128xf32, #tpu.memory_space<hbm>>
    tpu.wait_indirect_dma semaphore(%arg10 : memref<!tpu.dma_semaphore, #tpu.memory_space<semaphore_mem>>) src(%dma_wait3A_546 : memref<1000000x128xf32, #tpu.memory_space<hbm>>) dst(%dma_wait3A_540 : memref<128x128xf32, #tpu.memory_space<vmem>>)
    %dma_wait3A_547 = arith.constant 0 : i32
    %dma_wait3A_548 = arith.constant 6 : i32
    %dma_wait3A_549 = arith.constant 1 : i32
    %dma_wait3A_550 = arith.constant 0 : i32
    %dma_wait3A_551 = arith.constant 128 : i32
    %dma_wait3A_552 = arith.constant 0 : i32
    %dma_wait3A_553 = tpu.memref_slice %arg6[%dma_wait3A_549, %dma_wait3A_550, %dma_wait3A_551, %dma_wait3A_552] : memref<2x2x200x128xf32, #tpu.memory_space<vmem>> -> memref<1x1x72x128xf32, #tpu.memory_space<vmem>>
    %dma_wait3A_554 = tpu.memref_squeeze %dma_wait3A_553 : memref<1x1x72x128xf32, #tpu.memory_space<vmem>> -> memref<72x128xf32, #tpu.memory_space<vmem>>
    %dma_wait3A_555 = arith.constant 128 : i32
    %dma_wait3A_556 = tpu.memref_slice %arg5[%dma_wait3A_547, %dma_wait3A_548, %dma_wait3A_555] : memref<2x8x200xi32, #tpu.memory_space<vmem>> -> memref<1x1x72xi32, #tpu.memory_space<vmem>>
    %dma_wait3A_557 = tpu.memref_squeeze %dma_wait3A_556 : memref<1x1x72xi32, #tpu.memory_space<vmem>> -> memref<72xi32, #tpu.memory_space<vmem>>
    %dma_wait3A_558 = arith.constant 0 : i32
    %dma_wait3A_559 = arith.constant 0 : i32
    %dma_wait3A_560 = tpu.memref_slice %arg3[%dma_wait3A_558, %dma_wait3A_559] : memref<1000000x128xf32, #tpu.memory_space<hbm>> -> memref<1000000x128xf32, #tpu.memory_space<hbm>>
    tpu.wait_indirect_dma semaphore(%arg10 : memref<!tpu.dma_semaphore, #tpu.memory_space<semaphore_mem>>) src(%dma_wait3A_560 : memref<1000000x128xf32, #tpu.memory_space<hbm>>) dst(%dma_wait3A_554 : memref<72x128xf32, #tpu.memory_space<vmem>>)
    %dma_wait3A_561 = arith.constant 0 : i32
    %dma_wait3A_562 = arith.constant 7 : i32
    %dma_wait3A_563 = arith.constant 1 : i32
    %dma_wait3A_564 = arith.constant 1 : i32
    %dma_wait3A_565 = arith.constant 0 : i32
    %dma_wait3A_566 = arith.constant 0 : i32
    %dma_wait3A_567 = tpu.memref_slice %arg6[%dma_wait3A_563, %dma_wait3A_564, %dma_wait3A_565, %dma_wait3A_566] : memref<2x2x200x128xf32, #tpu.memory_space<vmem>> -> memref<1x1x128x128xf32, #tpu.memory_space<vmem>>
    %dma_wait3A_568 = tpu.memref_squeeze %dma_wait3A_567 : memref<1x1x128x128xf32, #tpu.memory_space<vmem>> -> memref<128x128xf32, #tpu.memory_space<vmem>>
    %dma_wait3A_569 = arith.constant 0 : i32
    %dma_wait3A_570 = tpu.memref_slice %arg5[%dma_wait3A_561, %dma_wait3A_562, %dma_wait3A_569] : memref<2x8x200xi32, #tpu.memory_space<vmem>> -> memref<1x1x128xi32, #tpu.memory_space<vmem>>
    %dma_wait3A_571 = tpu.memref_squeeze %dma_wait3A_570 : memref<1x1x128xi32, #tpu.memory_space<vmem>> -> memref<128xi32, #tpu.memory_space<vmem>>
    %dma_wait3A_572 = arith.constant 0 : i32
    %dma_wait3A_573 = arith.constant 0 : i32
    %dma_wait3A_574 = tpu.memref_slice %arg3[%dma_wait3A_572, %dma_wait3A_573] : memref<1000000x128xf32, #tpu.memory_space<hbm>> -> memref<1000000x128xf32, #tpu.memory_space<hbm>>
    tpu.wait_indirect_dma semaphore(%arg10 : memref<!tpu.dma_semaphore, #tpu.memory_space<semaphore_mem>>) src(%dma_wait3A_574 : memref<1000000x128xf32, #tpu.memory_space<hbm>>) dst(%dma_wait3A_568 : memref<128x128xf32, #tpu.memory_space<vmem>>)
    %dma_wait3A_575 = arith.constant 0 : i32
    %dma_wait3A_576 = arith.constant 7 : i32
    %dma_wait3A_577 = arith.constant 1 : i32
    %dma_wait3A_578 = arith.constant 1 : i32
    %dma_wait3A_579 = arith.constant 128 : i32
    %dma_wait3A_580 = arith.constant 0 : i32
    %dma_wait3A_581 = tpu.memref_slice %arg6[%dma_wait3A_577, %dma_wait3A_578, %dma_wait3A_579, %dma_wait3A_580] : memref<2x2x200x128xf32, #tpu.memory_space<vmem>> -> memref<1x1x72x128xf32, #tpu.memory_space<vmem>>
    %dma_wait3A_582 = tpu.memref_squeeze %dma_wait3A_581 : memref<1x1x72x128xf32, #tpu.memory_space<vmem>> -> memref<72x128xf32, #tpu.memory_space<vmem>>
    %dma_wait3A_583 = arith.constant 128 : i32
    %dma_wait3A_584 = tpu.memref_slice %arg5[%dma_wait3A_575, %dma_wait3A_576, %dma_wait3A_583] : memref<2x8x200xi32, #tpu.memory_space<vmem>> -> memref<1x1x72xi32, #tpu.memory_space<vmem>>
    %dma_wait3A_585 = tpu.memref_squeeze %dma_wait3A_584 : memref<1x1x72xi32, #tpu.memory_space<vmem>> -> memref<72xi32, #tpu.memory_space<vmem>>
    %dma_wait3A_586 = arith.constant 0 : i32
    %dma_wait3A_587 = arith.constant 0 : i32
    %dma_wait3A_588 = tpu.memref_slice %arg3[%dma_wait3A_586, %dma_wait3A_587] : memref<1000000x128xf32, #tpu.memory_space<hbm>> -> memref<1000000x128xf32, #tpu.memory_space<hbm>>
    tpu.wait_indirect_dma semaphore(%arg10 : memref<!tpu.dma_semaphore, #tpu.memory_space<semaphore_mem>>) src(%dma_wait3A_588 : memref<1000000x128xf32, #tpu.memory_space<hbm>>) dst(%dma_wait3A_582 : memref<72x128xf32, #tpu.memory_space<vmem>>)
    %add3A_589 = arith.constant 6 : i32
    %add3A_590 = arith.addi %mul3A_2, %add3A_589 : i32
    %dma_start3A_591 = arith.constant 1 : i32
    %dma_start3A_592 = arith.constant 0 : i32
    %dma_start3A_593 = arith.constant 0 : i32
    %dma_start3A_594 = arith.constant 0 : i32
    %dma_start3A_595 = tpu.memref_slice %arg6[%dma_start3A_591, %dma_start3A_592, %dma_start3A_593, %dma_start3A_594] : memref<2x2x200x128xf32, #tpu.memory_space<vmem>> -> memref<1x2x200x128xf32, #tpu.memory_space<vmem>>
    %dma_start3A_596 = tpu.memref_squeeze %dma_start3A_595 : memref<1x2x200x128xf32, #tpu.memory_space<vmem>> -> memref<2x200x128xf32, #tpu.memory_space<vmem>>
    %dma_start3A_597 = arith.constant 0 : i32
    %dma_start3A_598 = arith.constant 0 : i32
    %dma_start3A_599 = tpu.memref_slice %arg4[%add3A_590, %dma_start3A_597, %dma_start3A_598] : memref<16384x200x128xf32, #tpu.memory_space<hbm>> -> memref<2x200x128xf32, #tpu.memory_space<hbm>>
    %dma_start3A_600 = arith.constant 0 : i32
    %dma_start3A_601 = arith.constant 0 : i32
    %dma_start3A_602 = tpu.memref_slice %arg4[%add3A_590, %dma_start3A_600, %dma_start3A_601] : memref<16384x200x128xf32, #tpu.memory_space<hbm>> -> memref<2x200x128xf32, #tpu.memory_space<hbm>>
    %dma_start3A_603 = arith.constant 0 : i32
    %dma_start3A_604 = arith.constant 0 : i32
    %dma_start3A_605 = arith.constant 0 : i32
    %dma_start3A_606 = tpu.memref_slice %arg6[%dma_start3A_591, %dma_start3A_603, %dma_start3A_604, %dma_start3A_605] : memref<2x2x200x128xf32, #tpu.memory_space<vmem>> -> memref<1x2x200x128xf32, #tpu.memory_space<vmem>>
    %dma_start3A_607 = tpu.memref_squeeze %dma_start3A_606 : memref<1x2x200x128xf32, #tpu.memory_space<vmem>> -> memref<2x200x128xf32, #tpu.memory_space<vmem>>
    tpu.enqueue_dma source(%dma_start3A_607 : memref<2x200x128xf32, #tpu.memory_space<vmem>>) target(%dma_start3A_602 : memref<2x200x128xf32, #tpu.memory_space<hbm>>) target_semaphore(%arg12 : memref<!tpu.dma_semaphore, #tpu.memory_space<semaphore_mem>>)
    %min3A = arith.constant 2 : i32
    %min3A_608 = arith.constant 63 : i32
    %min3A_609 = arith.minsi %min3A, %min3A_608 : i32
    %mul3A_610 = arith.constant 8 : i32
    %mul3A_611 = arith.muli %min3A_609, %mul3A_610 : i32
    %add3A_612 = arith.addi %mul3A_2, %mul3A_611 : i32
    %dma_start3A_613 = arith.constant 0 : i32
    %dma_start3A_614 = arith.constant 0 : i32
    %dma_start3A_615 = arith.constant 0 : i32
    %dma_start3A_616 = tpu.memref_slice %arg5[%dma_start3A_613, %dma_start3A_614, %dma_start3A_615] : memref<2x8x200xi32, #tpu.memory_space<vmem>> -> memref<1x8x200xi32, #tpu.memory_space<vmem>>
    %dma_start3A_617 = tpu.memref_squeeze %dma_start3A_616 : memref<1x8x200xi32, #tpu.memory_space<vmem>> -> memref<8x200xi32, #tpu.memory_space<vmem>>
    %dma_start3A_618 = arith.constant 0 : i32
    %dma_start3A_619 = tpu.memref_slice %arg2[%add3A_612, %dma_start3A_618] : memref<16384x200xi32, #tpu.memory_space<hbm>> -> memref<8x200xi32, #tpu.memory_space<hbm>>
    %dma_start3A_620 = arith.constant 0 : i32
    %dma_start3A_621 = arith.constant 0 : i32
    %dma_start3A_622 = tpu.memref_slice %arg5[%dma_start3A_613, %dma_start3A_620, %dma_start3A_621] : memref<2x8x200xi32, #tpu.memory_space<vmem>> -> memref<1x8x200xi32, #tpu.memory_space<vmem>>
    %dma_start3A_623 = tpu.memref_squeeze %dma_start3A_622 : memref<1x8x200xi32, #tpu.memory_space<vmem>> -> memref<8x200xi32, #tpu.memory_space<vmem>>
    %dma_start3A_624 = arith.constant 0 : i32
    %dma_start3A_625 = tpu.memref_slice %arg2[%add3A_612, %dma_start3A_624] : memref<16384x200xi32, #tpu.memory_space<hbm>> -> memref<8x200xi32, #tpu.memory_space<hbm>>
    tpu.enqueue_dma source(%dma_start3A_625 : memref<8x200xi32, #tpu.memory_space<hbm>>) target(%dma_start3A_623 : memref<8x200xi32, #tpu.memory_space<vmem>>) target_semaphore(%arg7 : memref<!tpu.dma_semaphore, #tpu.memory_space<semaphore_mem>>)
    %dma_wait3A_626 = arith.constant 1 : i32
    %dma_wait3A_627 = arith.constant 0 : i32
    %dma_wait3A_628 = arith.constant 0 : i32
    %dma_wait3A_629 = tpu.memref_slice %arg5[%dma_wait3A_626, %dma_wait3A_627, %dma_wait3A_628] : memref<2x8x200xi32, #tpu.memory_space<vmem>> -> memref<1x8x200xi32, #tpu.memory_space<vmem>>
    %dma_wait3A_630 = tpu.memref_squeeze %dma_wait3A_629 : memref<1x8x200xi32, #tpu.memory_space<vmem>> -> memref<8x200xi32, #tpu.memory_space<vmem>>
    %dma_wait3A_631 = arith.constant 0 : i32
    %dma_wait3A_632 = arith.constant 0 : i32
    %dma_wait3A_633 = tpu.memref_slice %arg2[%dma_wait3A_631, %dma_wait3A_632] : memref<16384x200xi32, #tpu.memory_space<hbm>> -> memref<8x200xi32, #tpu.memory_space<hbm>>
    %dma_wait3A_634 = arith.constant 0 : i32
    %dma_wait3A_635 = arith.constant 0 : i32
    %dma_wait3A_636 = tpu.memref_slice %arg5[%dma_wait3A_626, %dma_wait3A_634, %dma_wait3A_635] : memref<2x8x200xi32, #tpu.memory_space<vmem>> -> memref<1x8x200xi32, #tpu.memory_space<vmem>>
    %dma_wait3A_637 = tpu.memref_squeeze %dma_wait3A_636 : memref<1x8x200xi32, #tpu.memory_space<vmem>> -> memref<8x200xi32, #tpu.memory_space<vmem>>
    %dma_wait3A_638 = arith.constant 0 : i32
    %dma_wait3A_639 = arith.constant 0 : i32
    %dma_wait3A_640 = tpu.memref_slice %arg2[%dma_wait3A_638, %dma_wait3A_639] : memref<16384x200xi32, #tpu.memory_space<hbm>> -> memref<8x200xi32, #tpu.memory_space<hbm>>
    tpu.wait_dma2 semaphore(%arg8 : memref<!tpu.dma_semaphore, #tpu.memory_space<semaphore_mem>>) src(%dma_wait3A_640 : memref<8x200xi32, #tpu.memory_space<hbm>>) dst(%dma_wait3A_637 : memref<8x200xi32, #tpu.memory_space<vmem>>)
    %dma_wait3A_641 = arith.constant 0 : i32
    %dma_wait3A_642 = arith.constant 0 : i32
    %dma_wait3A_643 = arith.constant 0 : i32
    %dma_wait3A_644 = arith.constant 0 : i32
    %dma_wait3A_645 = tpu.memref_slice %arg6[%dma_wait3A_641, %dma_wait3A_642, %dma_wait3A_643, %dma_wait3A_644] : memref<2x2x200x128xf32, #tpu.memory_space<vmem>> -> memref<1x2x200x128xf32, #tpu.memory_space<vmem>>
    %dma_wait3A_646 = tpu.memref_squeeze %dma_wait3A_645 : memref<1x2x200x128xf32, #tpu.memory_space<vmem>> -> memref<2x200x128xf32, #tpu.memory_space<vmem>>
    %dma_wait3A_647 = arith.constant 0 : i32
    %dma_wait3A_648 = arith.constant 0 : i32
    %dma_wait3A_649 = arith.constant 0 : i32
    %dma_wait3A_650 = tpu.memref_slice %arg4[%dma_wait3A_647, %dma_wait3A_648, %dma_wait3A_649] : memref<16384x200x128xf32, #tpu.memory_space<hbm>> -> memref<2x200x128xf32, #tpu.memory_space<hbm>>
    %dma_wait3A_651 = arith.constant 0 : i32
    %dma_wait3A_652 = arith.constant 0 : i32
    %dma_wait3A_653 = arith.constant 0 : i32
    %dma_wait3A_654 = tpu.memref_slice %arg4[%dma_wait3A_651, %dma_wait3A_652, %dma_wait3A_653] : memref<16384x200x128xf32, #tpu.memory_space<hbm>> -> memref<2x200x128xf32, #tpu.memory_space<hbm>>
    %dma_wait3A_655 = arith.constant 0 : i32
    %dma_wait3A_656 = arith.constant 0 : i32
    %dma_wait3A_657 = arith.constant 0 : i32
    %dma_wait3A_658 = tpu.memref_slice %arg6[%dma_wait3A_641, %dma_wait3A_655, %dma_wait3A_656, %dma_wait3A_657] : memref<2x2x200x128xf32, #tpu.memory_space<vmem>> -> memref<1x2x200x128xf32, #tpu.memory_space<vmem>>
    %dma_wait3A_659 = tpu.memref_squeeze %dma_wait3A_658 : memref<1x2x200x128xf32, #tpu.memory_space<vmem>> -> memref<2x200x128xf32, #tpu.memory_space<vmem>>
    tpu.wait_dma2 semaphore(%arg11 : memref<!tpu.dma_semaphore, #tpu.memory_space<semaphore_mem>>) src(%dma_wait3A_659 : memref<2x200x128xf32, #tpu.memory_space<vmem>>) dst(%dma_wait3A_654 : memref<2x200x128xf32, #tpu.memory_space<hbm>>)
    %dma_start3A_660 = arith.constant 1 : i32
    %dma_start3A_661 = arith.constant 0 : i32
    %dma_start3A_662 = arith.constant 0 : i32
    %dma_start3A_663 = arith.constant 0 : i32
    %dma_start3A_664 = arith.constant 0 : i32
    %dma_start3A_665 = arith.constant 0 : i32
    %dma_start3A_666 = tpu.memref_slice %arg6[%dma_start3A_662, %dma_start3A_663, %dma_start3A_664, %dma_start3A_665] : memref<2x2x200x128xf32, #tpu.memory_space<vmem>> -> memref<1x1x128x128xf32, #tpu.memory_space<vmem>>
    %dma_start3A_667 = tpu.memref_squeeze %dma_start3A_666 : memref<1x1x128x128xf32, #tpu.memory_space<vmem>> -> memref<128x128xf32, #tpu.memory_space<vmem>>
    %dma_start3A_668 = arith.constant 0 : i32
    %dma_start3A_669 = tpu.memref_slice %arg5[%dma_start3A_660, %dma_start3A_661, %dma_start3A_668] : memref<2x8x200xi32, #tpu.memory_space<vmem>> -> memref<1x1x128xi32, #tpu.memory_space<vmem>>
    %dma_start3A_670 = tpu.memref_squeeze %dma_start3A_669 : memref<1x1x128xi32, #tpu.memory_space<vmem>> -> memref<128xi32, #tpu.memory_space<vmem>>
    %dma_start3A_671 = arith.constant 0 : i32
    %dma_start3A_672 = arith.constant 0 : i32
    %dma_start3A_673 = tpu.memref_slice %arg3[%dma_start3A_671, %dma_start3A_672] : memref<1000000x128xf32, #tpu.memory_space<hbm>> -> memref<1000000x128xf32, #tpu.memory_space<hbm>>
    tpu.enqueue_indirect_dma source(%dma_start3A_673 : memref<1000000x128xf32, #tpu.memory_space<hbm>>) target(%dma_start3A_667 : memref<128x128xf32, #tpu.memory_space<vmem>>) offsets(%dma_start3A_670 : memref<128xi32, #tpu.memory_space<vmem>>) semaphore(%arg9 : memref<!tpu.dma_semaphore, #tpu.memory_space<semaphore_mem>>)
    %dma_start3A_674 = arith.constant 1 : i32
    %dma_start3A_675 = arith.constant 0 : i32
    %dma_start3A_676 = arith.constant 0 : i32
    %dma_start3A_677 = arith.constant 0 : i32
    %dma_start3A_678 = arith.constant 128 : i32
    %dma_start3A_679 = arith.constant 0 : i32
    %dma_start3A_680 = tpu.memref_slice %arg6[%dma_start3A_676, %dma_start3A_677, %dma_start3A_678, %dma_start3A_679] : memref<2x2x200x128xf32, #tpu.memory_space<vmem>> -> memref<1x1x72x128xf32, #tpu.memory_space<vmem>>
    %dma_start3A_681 = tpu.memref_squeeze %dma_start3A_680 : memref<1x1x72x128xf32, #tpu.memory_space<vmem>> -> memref<72x128xf32, #tpu.memory_space<vmem>>
    %dma_start3A_682 = arith.constant 128 : i32
    %dma_start3A_683 = tpu.memref_slice %arg5[%dma_start3A_674, %dma_start3A_675, %dma_start3A_682] : memref<2x8x200xi32, #tpu.memory_space<vmem>> -> memref<1x1x72xi32, #tpu.memory_space<vmem>>
    %dma_start3A_684 = tpu.memref_squeeze %dma_start3A_683 : memref<1x1x72xi32, #tpu.memory_space<vmem>> -> memref<72xi32, #tpu.memory_space<vmem>>
    %dma_start3A_685 = arith.constant 0 : i32
    %dma_start3A_686 = arith.constant 0 : i32
    %dma_start3A_687 = tpu.memref_slice %arg3[%dma_start3A_685, %dma_start3A_686] : memref<1000000x128xf32, #tpu.memory_space<hbm>> -> memref<1000000x128xf32, #tpu.memory_space<hbm>>
    tpu.enqueue_indirect_dma source(%dma_start3A_687 : memref<1000000x128xf32, #tpu.memory_space<hbm>>) target(%dma_start3A_681 : memref<72x128xf32, #tpu.memory_space<vmem>>) offsets(%dma_start3A_684 : memref<72xi32, #tpu.memory_space<vmem>>) semaphore(%arg9 : memref<!tpu.dma_semaphore, #tpu.memory_space<semaphore_mem>>)
    %dma_start3A_688 = arith.constant 1 : i32
    %dma_start3A_689 = arith.constant 1 : i32
    %dma_start3A_690 = arith.constant 0 : i32
    %dma_start3A_691 = arith.constant 1 : i32
    %dma_start3A_692 = arith.constant 0 : i32
    %dma_start3A_693 = arith.constant 0 : i32
    %dma_start3A_694 = tpu.memref_slice %arg6[%dma_start3A_690, %dma_start3A_691, %dma_start3A_692, %dma_start3A_693] : memref<2x2x200x128xf32, #tpu.memory_space<vmem>> -> memref<1x1x128x128xf32, #tpu.memory_space<vmem>>
    %dma_start3A_695 = tpu.memref_squeeze %dma_start3A_694 : memref<1x1x128x128xf32, #tpu.memory_space<vmem>> -> memref<128x128xf32, #tpu.memory_space<vmem>>
    %dma_start3A_696 = arith.constant 0 : i32
    %dma_start3A_697 = tpu.memref_slice %arg5[%dma_start3A_688, %dma_start3A_689, %dma_start3A_696] : memref<2x8x200xi32, #tpu.memory_space<vmem>> -> memref<1x1x128xi32, #tpu.memory_space<vmem>>
    %dma_start3A_698 = tpu.memref_squeeze %dma_start3A_697 : memref<1x1x128xi32, #tpu.memory_space<vmem>> -> memref<128xi32, #tpu.memory_space<vmem>>
    %dma_start3A_699 = arith.constant 0 : i32
    %dma_start3A_700 = arith.constant 0 : i32
    %dma_start3A_701 = tpu.memref_slice %arg3[%dma_start3A_699, %dma_start3A_700] : memref<1000000x128xf32, #tpu.memory_space<hbm>> -> memref<1000000x128xf32, #tpu.memory_space<hbm>>
    tpu.enqueue_indirect_dma source(%dma_start3A_701 : memref<1000000x128xf32, #tpu.memory_space<hbm>>) target(%dma_start3A_695 : memref<128x128xf32, #tpu.memory_space<vmem>>) offsets(%dma_start3A_698 : memref<128xi32, #tpu.memory_space<vmem>>) semaphore(%arg9 : memref<!tpu.dma_semaphore, #tpu.memory_space<semaphore_mem>>)
    %dma_start3A_702 = arith.constant 1 : i32
    %dma_start3A_703 = arith.constant 1 : i32
    %dma_start3A_704 = arith.constant 0 : i32
    %dma_start3A_705 = arith.constant 1 : i32
    %dma_start3A_706 = arith.constant 128 : i32
    %dma_start3A_707 = arith.constant 0 : i32
    %dma_start3A_708 = tpu.memref_slice %arg6[%dma_start3A_704, %dma_start3A_705, %dma_start3A_706, %dma_start3A_707] : memref<2x2x200x128xf32, #tpu.memory_space<vmem>> -> memref<1x1x72x128xf32, #tpu.memory_space<vmem>>
    %dma_start3A_709 = tpu.memref_squeeze %dma_start3A_708 : memref<1x1x72x128xf32, #tpu.memory_space<vmem>> -> memref<72x128xf32, #tpu.memory_space<vmem>>
    %dma_start3A_710 = arith.constant 128 : i32
    %dma_start3A_711 = tpu.memref_slice %arg5[%dma_start3A_702, %dma_start3A_703, %dma_start3A_710] : memref<2x8x200xi32, #tpu.memory_space<vmem>> -> memref<1x1x72xi32, #tpu.memory_space<vmem>>
    %dma_start3A_712 = tpu.memref_squeeze %dma_start3A_711 : memref<1x1x72xi32, #tpu.memory_space<vmem>> -> memref<72xi32, #tpu.memory_space<vmem>>
    %dma_start3A_713 = arith.constant 0 : i32
    %dma_start3A_714 = arith.constant 0 : i32
    %dma_start3A_715 = tpu.memref_slice %arg3[%dma_start3A_713, %dma_start3A_714] : memref<1000000x128xf32, #tpu.memory_space<hbm>> -> memref<1000000x128xf32, #tpu.memory_space<hbm>>
    tpu.enqueue_indirect_dma source(%dma_start3A_715 : memref<1000000x128xf32, #tpu.memory_space<hbm>>) target(%dma_start3A_709 : memref<72x128xf32, #tpu.memory_space<vmem>>) offsets(%dma_start3A_712 : memref<72xi32, #tpu.memory_space<vmem>>) semaphore(%arg9 : memref<!tpu.dma_semaphore, #tpu.memory_space<semaphore_mem>>)
    %dma_wait3A_716 = arith.constant 1 : i32
    %dma_wait3A_717 = arith.constant 0 : i32
    %dma_wait3A_718 = arith.constant 0 : i32
    %dma_wait3A_719 = arith.constant 0 : i32
    %dma_wait3A_720 = arith.constant 0 : i32
    %dma_wait3A_721 = arith.constant 0 : i32
    %dma_wait3A_722 = tpu.memref_slice %arg6[%dma_wait3A_718, %dma_wait3A_719, %dma_wait3A_720, %dma_wait3A_721] : memref<2x2x200x128xf32, #tpu.memory_space<vmem>> -> memref<1x1x128x128xf32, #tpu.memory_space<vmem>>
    %dma_wait3A_723 = tpu.memref_squeeze %dma_wait3A_722 : memref<1x1x128x128xf32, #tpu.memory_space<vmem>> -> memref<128x128xf32, #tpu.memory_space<vmem>>
    %dma_wait3A_724 = arith.constant 0 : i32
    %dma_wait3A_725 = tpu.memref_slice %arg5[%dma_wait3A_716, %dma_wait3A_717, %dma_wait3A_724] : memref<2x8x200xi32, #tpu.memory_space<vmem>> -> memref<1x1x128xi32, #tpu.memory_space<vmem>>
    %dma_wait3A_726 = tpu.memref_squeeze %dma_wait3A_725 : memref<1x1x128xi32, #tpu.memory_space<vmem>> -> memref<128xi32, #tpu.memory_space<vmem>>
    %dma_wait3A_727 = arith.constant 0 : i32
    %dma_wait3A_728 = arith.constant 0 : i32
    %dma_wait3A_729 = tpu.memref_slice %arg3[%dma_wait3A_727, %dma_wait3A_728] : memref<1000000x128xf32, #tpu.memory_space<hbm>> -> memref<1000000x128xf32, #tpu.memory_space<hbm>>
    tpu.wait_indirect_dma semaphore(%arg9 : memref<!tpu.dma_semaphore, #tpu.memory_space<semaphore_mem>>) src(%dma_wait3A_729 : memref<1000000x128xf32, #tpu.memory_space<hbm>>) dst(%dma_wait3A_723 : memref<128x128xf32, #tpu.memory_space<vmem>>)
    %dma_wait3A_730 = arith.constant 1 : i32
    %dma_wait3A_731 = arith.constant 0 : i32
    %dma_wait3A_732 = arith.constant 0 : i32
    %dma_wait3A_733 = arith.constant 0 : i32
    %dma_wait3A_734 = arith.constant 128 : i32
    %dma_wait3A_735 = arith.constant 0 : i32
    %dma_wait3A_736 = tpu.memref_slice %arg6[%dma_wait3A_732, %dma_wait3A_733, %dma_wait3A_734, %dma_wait3A_735] : memref<2x2x200x128xf32, #tpu.memory_space<vmem>> -> memref<1x1x72x128xf32, #tpu.memory_space<vmem>>
    %dma_wait3A_737 = tpu.memref_squeeze %dma_wait3A_736 : memref<1x1x72x128xf32, #tpu.memory_space<vmem>> -> memref<72x128xf32, #tpu.memory_space<vmem>>
    %dma_wait3A_738 = arith.constant 128 : i32
    %dma_wait3A_739 = tpu.memref_slice %arg5[%dma_wait3A_730, %dma_wait3A_731, %dma_wait3A_738] : memref<2x8x200xi32, #tpu.memory_space<vmem>> -> memref<1x1x72xi32, #tpu.memory_space<vmem>>
    %dma_wait3A_740 = tpu.memref_squeeze %dma_wait3A_739 : memref<1x1x72xi32, #tpu.memory_space<vmem>> -> memref<72xi32, #tpu.memory_space<vmem>>
    %dma_wait3A_741 = arith.constant 0 : i32
    %dma_wait3A_742 = arith.constant 0 : i32
    %dma_wait3A_743 = tpu.memref_slice %arg3[%dma_wait3A_741, %dma_wait3A_742] : memref<1000000x128xf32, #tpu.memory_space<hbm>> -> memref<1000000x128xf32, #tpu.memory_space<hbm>>
    tpu.wait_indirect_dma semaphore(%arg9 : memref<!tpu.dma_semaphore, #tpu.memory_space<semaphore_mem>>) src(%dma_wait3A_743 : memref<1000000x128xf32, #tpu.memory_space<hbm>>) dst(%dma_wait3A_737 : memref<72x128xf32, #tpu.memory_space<vmem>>)
    %dma_wait3A_744 = arith.constant 1 : i32
    %dma_wait3A_745 = arith.constant 1 : i32
    %dma_wait3A_746 = arith.constant 0 : i32
    %dma_wait3A_747 = arith.constant 1 : i32
    %dma_wait3A_748 = arith.constant 0 : i32
    %dma_wait3A_749 = arith.constant 0 : i32
    %dma_wait3A_750 = tpu.memref_slice %arg6[%dma_wait3A_746, %dma_wait3A_747, %dma_wait3A_748, %dma_wait3A_749] : memref<2x2x200x128xf32, #tpu.memory_space<vmem>> -> memref<1x1x128x128xf32, #tpu.memory_space<vmem>>
    %dma_wait3A_751 = tpu.memref_squeeze %dma_wait3A_750 : memref<1x1x128x128xf32, #tpu.memory_space<vmem>> -> memref<128x128xf32, #tpu.memory_space<vmem>>
    %dma_wait3A_752 = arith.constant 0 : i32
    %dma_wait3A_753 = tpu.memref_slice %arg5[%dma_wait3A_744, %dma_wait3A_745, %dma_wait3A_752] : memref<2x8x200xi32, #tpu.memory_space<vmem>> -> memref<1x1x128xi32, #tpu.memory_space<vmem>>
    %dma_wait3A_754 = tpu.memref_squeeze %dma_wait3A_753 : memref<1x1x128xi32, #tpu.memory_space<vmem>> -> memref<128xi32, #tpu.memory_space<vmem>>
    %dma_wait3A_755 = arith.constant 0 : i32
    %dma_wait3A_756 = arith.constant 0 : i32
    %dma_wait3A_757 = tpu.memref_slice %arg3[%dma_wait3A_755, %dma_wait3A_756] : memref<1000000x128xf32, #tpu.memory_space<hbm>> -> memref<1000000x128xf32, #tpu.memory_space<hbm>>
    tpu.wait_indirect_dma semaphore(%arg9 : memref<!tpu.dma_semaphore, #tpu.memory_space<semaphore_mem>>) src(%dma_wait3A_757 : memref<1000000x128xf32, #tpu.memory_space<hbm>>) dst(%dma_wait3A_751 : memref<128x128xf32, #tpu.memory_space<vmem>>)
    %dma_wait3A_758 = arith.constant 1 : i32
    %dma_wait3A_759 = arith.constant 1 : i32
    %dma_wait3A_760 = arith.constant 0 : i32
    %dma_wait3A_761 = arith.constant 1 : i32
    %dma_wait3A_762 = arith.constant 128 : i32
    %dma_wait3A_763 = arith.constant 0 : i32
    %dma_wait3A_764 = tpu.memref_slice %arg6[%dma_wait3A_760, %dma_wait3A_761, %dma_wait3A_762, %dma_wait3A_763] : memref<2x2x200x128xf32, #tpu.memory_space<vmem>> -> memref<1x1x72x128xf32, #tpu.memory_space<vmem>>
    %dma_wait3A_765 = tpu.memref_squeeze %dma_wait3A_764 : memref<1x1x72x128xf32, #tpu.memory_space<vmem>> -> memref<72x128xf32, #tpu.memory_space<vmem>>
    %dma_wait3A_766 = arith.constant 128 : i32
    %dma_wait3A_767 = tpu.memref_slice %arg5[%dma_wait3A_758, %dma_wait3A_759, %dma_wait3A_766] : memref<2x8x200xi32, #tpu.memory_space<vmem>> -> memref<1x1x72xi32, #tpu.memory_space<vmem>>
    %dma_wait3A_768 = tpu.memref_squeeze %dma_wait3A_767 : memref<1x1x72xi32, #tpu.memory_space<vmem>> -> memref<72xi32, #tpu.memory_space<vmem>>
    %dma_wait3A_769 = arith.constant 0 : i32
    %dma_wait3A_770 = arith.constant 0 : i32
    %dma_wait3A_771 = tpu.memref_slice %arg3[%dma_wait3A_769, %dma_wait3A_770] : memref<1000000x128xf32, #tpu.memory_space<hbm>> -> memref<1000000x128xf32, #tpu.memory_space<hbm>>
    tpu.wait_indirect_dma semaphore(%arg9 : memref<!tpu.dma_semaphore, #tpu.memory_space<semaphore_mem>>) src(%dma_wait3A_771 : memref<1000000x128xf32, #tpu.memory_space<hbm>>) dst(%dma_wait3A_765 : memref<72x128xf32, #tpu.memory_space<vmem>>)
    %add3A_772 = arith.constant 8 : i32
    %add3A_773 = arith.addi %mul3A_2, %add3A_772 : i32
    %dma_start3A_774 = arith.constant 0 : i32
    %dma_start3A_775 = arith.constant 0 : i32
    %dma_start3A_776 = arith.constant 0 : i32
    %dma_start3A_777 = arith.constant 0 : i32
    %dma_start3A_778 = tpu.memref_slice %arg6[%dma_start3A_774, %dma_start3A_775, %dma_start3A_776, %dma_start3A_777] : memref<2x2x200x128xf32, #tpu.memory_space<vmem>> -> memref<1x2x200x128xf32, #tpu.memory_space<vmem>>
    %dma_start3A_779 = tpu.memref_squeeze %dma_start3A_778 : memref<1x2x200x128xf32, #tpu.memory_space<vmem>> -> memref<2x200x128xf32, #tpu.memory_space<vmem>>
    %dma_start3A_780 = arith.constant 0 : i32
    %dma_start3A_781 = arith.constant 0 : i32
    %dma_start3A_782 = tpu.memref_slice %arg4[%add3A_773, %dma_start3A_780, %dma_start3A_781] : memref<16384x200x128xf32, #tpu.memory_space<hbm>> -> memref<2x200x128xf32, #tpu.memory_space<hbm>>
    %dma_start3A_783 = arith.constant 0 : i32
    %dma_start3A_784 = arith.constant 0 : i32
    %dma_start3A_785 = tpu.memref_slice %arg4[%add3A_773, %dma_start3A_783, %dma_start3A_784] : memref<16384x200x128xf32, #tpu.memory_space<hbm>> -> memref<2x200x128xf32, #tpu.memory_space<hbm>>
    %dma_start3A_786 = arith.constant 0 : i32
    %dma_start3A_787 = arith.constant 0 : i32
    %dma_start3A_788 = arith.constant 0 : i32
    %dma_start3A_789 = tpu.memref_slice %arg6[%dma_start3A_774, %dma_start3A_786, %dma_start3A_787, %dma_start3A_788] : memref<2x2x200x128xf32, #tpu.memory_space<vmem>> -> memref<1x2x200x128xf32, #tpu.memory_space<vmem>>
    %dma_start3A_790 = tpu.memref_squeeze %dma_start3A_789 : memref<1x2x200x128xf32, #tpu.memory_space<vmem>> -> memref<2x200x128xf32, #tpu.memory_space<vmem>>
    tpu.enqueue_dma source(%dma_start3A_790 : memref<2x200x128xf32, #tpu.memory_space<vmem>>) target(%dma_start3A_785 : memref<2x200x128xf32, #tpu.memory_space<hbm>>) target_semaphore(%arg11 : memref<!tpu.dma_semaphore, #tpu.memory_space<semaphore_mem>>)
    %dma_wait3A_791 = arith.constant 1 : i32
    %dma_wait3A_792 = arith.constant 0 : i32
    %dma_wait3A_793 = arith.constant 0 : i32
    %dma_wait3A_794 = arith.constant 0 : i32
    %dma_wait3A_795 = tpu.memref_slice %arg6[%dma_wait3A_791, %dma_wait3A_792, %dma_wait3A_793, %dma_wait3A_794] : memref<2x2x200x128xf32, #tpu.memory_space<vmem>> -> memref<1x2x200x128xf32, #tpu.memory_space<vmem>>
    %dma_wait3A_796 = tpu.memref_squeeze %dma_wait3A_795 : memref<1x2x200x128xf32, #tpu.memory_space<vmem>> -> memref<2x200x128xf32, #tpu.memory_space<vmem>>
    %dma_wait3A_797 = arith.constant 0 : i32
    %dma_wait3A_798 = arith.constant 0 : i32
    %dma_wait3A_799 = arith.constant 0 : i32
    %dma_wait3A_800 = tpu.memref_slice %arg4[%dma_wait3A_797, %dma_wait3A_798, %dma_wait3A_799] : memref<16384x200x128xf32, #tpu.memory_space<hbm>> -> memref<2x200x128xf32, #tpu.memory_space<hbm>>
    %dma_wait3A_801 = arith.constant 0 : i32
    %dma_wait3A_802 = arith.constant 0 : i32
    %dma_wait3A_803 = arith.constant 0 : i32
    %dma_wait3A_804 = tpu.memref_slice %arg4[%dma_wait3A_801, %dma_wait3A_802, %dma_wait3A_803] : memref<16384x200x128xf32, #tpu.memory_space<hbm>> -> memref<2x200x128xf32, #tpu.memory_space<hbm>>
    %dma_wait3A_805 = arith.constant 0 : i32
    %dma_wait3A_806 = arith.constant 0 : i32
    %dma_wait3A_807 = arith.constant 0 : i32
    %dma_wait3A_808 = tpu.memref_slice %arg6[%dma_wait3A_791, %dma_wait3A_805, %dma_wait3A_806, %dma_wait3A_807] : memref<2x2x200x128xf32, #tpu.memory_space<vmem>> -> memref<1x2x200x128xf32, #tpu.memory_space<vmem>>
    %dma_wait3A_809 = tpu.memref_squeeze %dma_wait3A_808 : memref<1x2x200x128xf32, #tpu.memory_space<vmem>> -> memref<2x200x128xf32, #tpu.memory_space<vmem>>
    tpu.wait_dma2 semaphore(%arg12 : memref<!tpu.dma_semaphore, #tpu.memory_space<semaphore_mem>>) src(%dma_wait3A_809 : memref<2x200x128xf32, #tpu.memory_space<vmem>>) dst(%dma_wait3A_804 : memref<2x200x128xf32, #tpu.memory_space<hbm>>)
    %dma_start3A_810 = arith.constant 1 : i32
    %dma_start3A_811 = arith.constant 2 : i32
    %dma_start3A_812 = arith.constant 1 : i32
    %dma_start3A_813 = arith.constant 0 : i32
    %dma_start3A_814 = arith.constant 0 : i32
    %dma_start3A_815 = arith.constant 0 : i32
    %dma_start3A_816 = tpu.memref_slice %arg6[%dma_start3A_812, %dma_start3A_813, %dma_start3A_814, %dma_start3A_815] : memref<2x2x200x128xf32, #tpu.memory_space<vmem>> -> memref<1x1x128x128xf32, #tpu.memory_space<vmem>>
    %dma_start3A_817 = tpu.memref_squeeze %dma_start3A_816 : memref<1x1x128x128xf32, #tpu.memory_space<vmem>> -> memref<128x128xf32, #tpu.memory_space<vmem>>
    %dma_start3A_818 = arith.constant 0 : i32
    %dma_start3A_819 = tpu.memref_slice %arg5[%dma_start3A_810, %dma_start3A_811, %dma_start3A_818] : memref<2x8x200xi32, #tpu.memory_space<vmem>> -> memref<1x1x128xi32, #tpu.memory_space<vmem>>
    %dma_start3A_820 = tpu.memref_squeeze %dma_start3A_819 : memref<1x1x128xi32, #tpu.memory_space<vmem>> -> memref<128xi32, #tpu.memory_space<vmem>>
    %dma_start3A_821 = arith.constant 0 : i32
    %dma_start3A_822 = arith.constant 0 : i32
    %dma_start3A_823 = tpu.memref_slice %arg3[%dma_start3A_821, %dma_start3A_822] : memref<1000000x128xf32, #tpu.memory_space<hbm>> -> memref<1000000x128xf32, #tpu.memory_space<hbm>>
    tpu.enqueue_indirect_dma source(%dma_start3A_823 : memref<1000000x128xf32, #tpu.memory_space<hbm>>) target(%dma_start3A_817 : memref<128x128xf32, #tpu.memory_space<vmem>>) offsets(%dma_start3A_820 : memref<128xi32, #tpu.memory_space<vmem>>) semaphore(%arg10 : memref<!tpu.dma_semaphore, #tpu.memory_space<semaphore_mem>>)
    %dma_start3A_824 = arith.constant 1 : i32
    %dma_start3A_825 = arith.constant 2 : i32
    %dma_start3A_826 = arith.constant 1 : i32
    %dma_start3A_827 = arith.constant 0 : i32
    %dma_start3A_828 = arith.constant 128 : i32
    %dma_start3A_829 = arith.constant 0 : i32
    %dma_start3A_830 = tpu.memref_slice %arg6[%dma_start3A_826, %dma_start3A_827, %dma_start3A_828, %dma_start3A_829] : memref<2x2x200x128xf32, #tpu.memory_space<vmem>> -> memref<1x1x72x128xf32, #tpu.memory_space<vmem>>
    %dma_start3A_831 = tpu.memref_squeeze %dma_start3A_830 : memref<1x1x72x128xf32, #tpu.memory_space<vmem>> -> memref<72x128xf32, #tpu.memory_space<vmem>>
    %dma_start3A_832 = arith.constant 128 : i32
    %dma_start3A_833 = tpu.memref_slice %arg5[%dma_start3A_824, %dma_start3A_825, %dma_start3A_832] : memref<2x8x200xi32, #tpu.memory_space<vmem>> -> memref<1x1x72xi32, #tpu.memory_space<vmem>>
    %dma_start3A_834 = tpu.memref_squeeze %dma_start3A_833 : memref<1x1x72xi32, #tpu.memory_space<vmem>> -> memref<72xi32, #tpu.memory_space<vmem>>
    %dma_start3A_835 = arith.constant 0 : i32
    %dma_start3A_836 = arith.constant 0 : i32
    %dma_start3A_837 = tpu.memref_slice %arg3[%dma_start3A_835, %dma_start3A_836] : memref<1000000x128xf32, #tpu.memory_space<hbm>> -> memref<1000000x128xf32, #tpu.memory_space<hbm>>
    tpu.enqueue_indirect_dma source(%dma_start3A_837 : memref<1000000x128xf32, #tpu.memory_space<hbm>>) target(%dma_start3A_831 : memref<72x128xf32, #tpu.memory_space<vmem>>) offsets(%dma_start3A_834 : memref<72xi32, #tpu.memory_space<vmem>>) semaphore(%arg10 : memref<!tpu.dma_semaphore, #tpu.memory_space<semaphore_mem>>)
    %dma_start3A_838 = arith.constant 1 : i32
    %dma_start3A_839 = arith.constant 3 : i32
    %dma_start3A_840 = arith.constant 1 : i32
    %dma_start3A_841 = arith.constant 1 : i32
    %dma_start3A_842 = arith.constant 0 : i32
    %dma_start3A_843 = arith.constant 0 : i32
    %dma_start3A_844 = tpu.memref_slice %arg6[%dma_start3A_840, %dma_start3A_841, %dma_start3A_842, %dma_start3A_843] : memref<2x2x200x128xf32, #tpu.memory_space<vmem>> -> memref<1x1x128x128xf32, #tpu.memory_space<vmem>>
    %dma_start3A_845 = tpu.memref_squeeze %dma_start3A_844 : memref<1x1x128x128xf32, #tpu.memory_space<vmem>> -> memref<128x128xf32, #tpu.memory_space<vmem>>
    %dma_start3A_846 = arith.constant 0 : i32
    %dma_start3A_847 = tpu.memref_slice %arg5[%dma_start3A_838, %dma_start3A_839, %dma_start3A_846] : memref<2x8x200xi32, #tpu.memory_space<vmem>> -> memref<1x1x128xi32, #tpu.memory_space<vmem>>
    %dma_start3A_848 = tpu.memref_squeeze %dma_start3A_847 : memref<1x1x128xi32, #tpu.memory_space<vmem>> -> memref<128xi32, #tpu.memory_space<vmem>>
    %dma_start3A_849 = arith.constant 0 : i32
    %dma_start3A_850 = arith.constant 0 : i32
    %dma_start3A_851 = tpu.memref_slice %arg3[%dma_start3A_849, %dma_start3A_850] : memref<1000000x128xf32, #tpu.memory_space<hbm>> -> memref<1000000x128xf32, #tpu.memory_space<hbm>>
    tpu.enqueue_indirect_dma source(%dma_start3A_851 : memref<1000000x128xf32, #tpu.memory_space<hbm>>) target(%dma_start3A_845 : memref<128x128xf32, #tpu.memory_space<vmem>>) offsets(%dma_start3A_848 : memref<128xi32, #tpu.memory_space<vmem>>) semaphore(%arg10 : memref<!tpu.dma_semaphore, #tpu.memory_space<semaphore_mem>>)
    %dma_start3A_852 = arith.constant 1 : i32
    %dma_start3A_853 = arith.constant 3 : i32
    %dma_start3A_854 = arith.constant 1 : i32
    %dma_start3A_855 = arith.constant 1 : i32
    %dma_start3A_856 = arith.constant 128 : i32
    %dma_start3A_857 = arith.constant 0 : i32
    %dma_start3A_858 = tpu.memref_slice %arg6[%dma_start3A_854, %dma_start3A_855, %dma_start3A_856, %dma_start3A_857] : memref<2x2x200x128xf32, #tpu.memory_space<vmem>> -> memref<1x1x72x128xf32, #tpu.memory_space<vmem>>
    %dma_start3A_859 = tpu.memref_squeeze %dma_start3A_858 : memref<1x1x72x128xf32, #tpu.memory_space<vmem>> -> memref<72x128xf32, #tpu.memory_space<vmem>>
    %dma_start3A_860 = arith.constant 128 : i32
    %dma_start3A_861 = tpu.memref_slice %arg5[%dma_start3A_852, %dma_start3A_853, %dma_start3A_860] : memref<2x8x200xi32, #tpu.memory_space<vmem>> -> memref<1x1x72xi32, #tpu.memory_space<vmem>>
    %dma_start3A_862 = tpu.memref_squeeze %dma_start3A_861 : memref<1x1x72xi32, #tpu.memory_space<vmem>> -> memref<72xi32, #tpu.memory_space<vmem>>
    %dma_start3A_863 = arith.constant 0 : i32
    %dma_start3A_864 = arith.constant 0 : i32
    %dma_start3A_865 = tpu.memref_slice %arg3[%dma_start3A_863, %dma_start3A_864] : memref<1000000x128xf32, #tpu.memory_space<hbm>> -> memref<1000000x128xf32, #tpu.memory_space<hbm>>
    tpu.enqueue_indirect_dma source(%dma_start3A_865 : memref<1000000x128xf32, #tpu.memory_space<hbm>>) target(%dma_start3A_859 : memref<72x128xf32, #tpu.memory_space<vmem>>) offsets(%dma_start3A_862 : memref<72xi32, #tpu.memory_space<vmem>>) semaphore(%arg10 : memref<!tpu.dma_semaphore, #tpu.memory_space<semaphore_mem>>)
    %dma_wait3A_866 = arith.constant 1 : i32
    %dma_wait3A_867 = arith.constant 2 : i32
    %dma_wait3A_868 = arith.constant 1 : i32
    %dma_wait3A_869 = arith.constant 0 : i32
    %dma_wait3A_870 = arith.constant 0 : i32
    %dma_wait3A_871 = arith.constant 0 : i32
    %dma_wait3A_872 = tpu.memref_slice %arg6[%dma_wait3A_868, %dma_wait3A_869, %dma_wait3A_870, %dma_wait3A_871] : memref<2x2x200x128xf32, #tpu.memory_space<vmem>> -> memref<1x1x128x128xf32, #tpu.memory_space<vmem>>
    %dma_wait3A_873 = tpu.memref_squeeze %dma_wait3A_872 : memref<1x1x128x128xf32, #tpu.memory_space<vmem>> -> memref<128x128xf32, #tpu.memory_space<vmem>>
    %dma_wait3A_874 = arith.constant 0 : i32
    %dma_wait3A_875 = tpu.memref_slice %arg5[%dma_wait3A_866, %dma_wait3A_867, %dma_wait3A_874] : memref<2x8x200xi32, #tpu.memory_space<vmem>> -> memref<1x1x128xi32, #tpu.memory_space<vmem>>
    %dma_wait3A_876 = tpu.memref_squeeze %dma_wait3A_875 : memref<1x1x128xi32, #tpu.memory_space<vmem>> -> memref<128xi32, #tpu.memory_space<vmem>>
    %dma_wait3A_877 = arith.constant 0 : i32
    %dma_wait3A_878 = arith.constant 0 : i32
    %dma_wait3A_879 = tpu.memref_slice %arg3[%dma_wait3A_877, %dma_wait3A_878] : memref<1000000x128xf32, #tpu.memory_space<hbm>> -> memref<1000000x128xf32, #tpu.memory_space<hbm>>
    tpu.wait_indirect_dma semaphore(%arg10 : memref<!tpu.dma_semaphore, #tpu.memory_space<semaphore_mem>>) src(%dma_wait3A_879 : memref<1000000x128xf32, #tpu.memory_space<hbm>>) dst(%dma_wait3A_873 : memref<128x128xf32, #tpu.memory_space<vmem>>)
    %dma_wait3A_880 = arith.constant 1 : i32
    %dma_wait3A_881 = arith.constant 2 : i32
    %dma_wait3A_882 = arith.constant 1 : i32
    %dma_wait3A_883 = arith.constant 0 : i32
    %dma_wait3A_884 = arith.constant 128 : i32
    %dma_wait3A_885 = arith.constant 0 : i32
    %dma_wait3A_886 = tpu.memref_slice %arg6[%dma_wait3A_882, %dma_wait3A_883, %dma_wait3A_884, %dma_wait3A_885] : memref<2x2x200x128xf32, #tpu.memory_space<vmem>> -> memref<1x1x72x128xf32, #tpu.memory_space<vmem>>
    %dma_wait3A_887 = tpu.memref_squeeze %dma_wait3A_886 : memref<1x1x72x128xf32, #tpu.memory_space<vmem>> -> memref<72x128xf32, #tpu.memory_space<vmem>>
    %dma_wait3A_888 = arith.constant 128 : i32
    %dma_wait3A_889 = tpu.memref_slice %arg5[%dma_wait3A_880, %dma_wait3A_881, %dma_wait3A_888] : memref<2x8x200xi32, #tpu.memory_space<vmem>> -> memref<1x1x72xi32, #tpu.memory_space<vmem>>
    %dma_wait3A_890 = tpu.memref_squeeze %dma_wait3A_889 : memref<1x1x72xi32, #tpu.memory_space<vmem>> -> memref<72xi32, #tpu.memory_space<vmem>>
    %dma_wait3A_891 = arith.constant 0 : i32
    %dma_wait3A_892 = arith.constant 0 : i32
    %dma_wait3A_893 = tpu.memref_slice %arg3[%dma_wait3A_891, %dma_wait3A_892] : memref<1000000x128xf32, #tpu.memory_space<hbm>> -> memref<1000000x128xf32, #tpu.memory_space<hbm>>
    tpu.wait_indirect_dma semaphore(%arg10 : memref<!tpu.dma_semaphore, #tpu.memory_space<semaphore_mem>>) src(%dma_wait3A_893 : memref<1000000x128xf32, #tpu.memory_space<hbm>>) dst(%dma_wait3A_887 : memref<72x128xf32, #tpu.memory_space<vmem>>)
    %dma_wait3A_894 = arith.constant 1 : i32
    %dma_wait3A_895 = arith.constant 3 : i32
    %dma_wait3A_896 = arith.constant 1 : i32
    %dma_wait3A_897 = arith.constant 1 : i32
    %dma_wait3A_898 = arith.constant 0 : i32
    %dma_wait3A_899 = arith.constant 0 : i32
    %dma_wait3A_900 = tpu.memref_slice %arg6[%dma_wait3A_896, %dma_wait3A_897, %dma_wait3A_898, %dma_wait3A_899] : memref<2x2x200x128xf32, #tpu.memory_space<vmem>> -> memref<1x1x128x128xf32, #tpu.memory_space<vmem>>
    %dma_wait3A_901 = tpu.memref_squeeze %dma_wait3A_900 : memref<1x1x128x128xf32, #tpu.memory_space<vmem>> -> memref<128x128xf32, #tpu.memory_space<vmem>>
    %dma_wait3A_902 = arith.constant 0 : i32
    %dma_wait3A_903 = tpu.memref_slice %arg5[%dma_wait3A_894, %dma_wait3A_895, %dma_wait3A_902] : memref<2x8x200xi32, #tpu.memory_space<vmem>> -> memref<1x1x128xi32, #tpu.memory_space<vmem>>
    %dma_wait3A_904 = tpu.memref_squeeze %dma_wait3A_903 : memref<1x1x128xi32, #tpu.memory_space<vmem>> -> memref<128xi32, #tpu.memory_space<vmem>>
    %dma_wait3A_905 = arith.constant 0 : i32
    %dma_wait3A_906 = arith.constant 0 : i32
    %dma_wait3A_907 = tpu.memref_slice %arg3[%dma_wait3A_905, %dma_wait3A_906] : memref<1000000x128xf32, #tpu.memory_space<hbm>> -> memref<1000000x128xf32, #tpu.memory_space<hbm>>
    tpu.wait_indirect_dma semaphore(%arg10 : memref<!tpu.dma_semaphore, #tpu.memory_space<semaphore_mem>>) src(%dma_wait3A_907 : memref<1000000x128xf32, #tpu.memory_space<hbm>>) dst(%dma_wait3A_901 : memref<128x128xf32, #tpu.memory_space<vmem>>)
    %dma_wait3A_908 = arith.constant 1 : i32
    %dma_wait3A_909 = arith.constant 3 : i32
    %dma_wait3A_910 = arith.constant 1 : i32
    %dma_wait3A_911 = arith.constant 1 : i32
    %dma_wait3A_912 = arith.constant 128 : i32
    %dma_wait3A_913 = arith.constant 0 : i32
    %dma_wait3A_914 = tpu.memref_slice %arg6[%dma_wait3A_910, %dma_wait3A_911, %dma_wait3A_912, %dma_wait3A_913] : memref<2x2x200x128xf32, #tpu.memory_space<vmem>> -> memref<1x1x72x128xf32, #tpu.memory_space<vmem>>
    %dma_wait3A_915 = tpu.memref_squeeze %dma_wait3A_914 : memref<1x1x72x128xf32, #tpu.memory_space<vmem>> -> memref<72x128xf32, #tpu.memory_space<vmem>>
    %dma_wait3A_916 = arith.constant 128 : i32
    %dma_wait3A_917 = tpu.memref_slice %arg5[%dma_wait3A_908, %dma_wait3A_909, %dma_wait3A_916] : memref<2x8x200xi32, #tpu.memory_space<vmem>> -> memref<1x1x72xi32, #tpu.memory_space<vmem>>
    %dma_wait3A_918 = tpu.memref_squeeze %dma_wait3A_917 : memref<1x1x72xi32, #tpu.memory_space<vmem>> -> memref<72xi32, #tpu.memory_space<vmem>>
    %dma_wait3A_919 = arith.constant 0 : i32
    %dma_wait3A_920 = arith.constant 0 : i32
    %dma_wait3A_921 = tpu.memref_slice %arg3[%dma_wait3A_919, %dma_wait3A_920] : memref<1000000x128xf32, #tpu.memory_space<hbm>> -> memref<1000000x128xf32, #tpu.memory_space<hbm>>
    tpu.wait_indirect_dma semaphore(%arg10 : memref<!tpu.dma_semaphore, #tpu.memory_space<semaphore_mem>>) src(%dma_wait3A_921 : memref<1000000x128xf32, #tpu.memory_space<hbm>>) dst(%dma_wait3A_915 : memref<72x128xf32, #tpu.memory_space<vmem>>)
    %add3A_922 = arith.constant 10 : i32
    %add3A_923 = arith.addi %mul3A_2, %add3A_922 : i32
    %dma_start3A_924 = arith.constant 1 : i32
    %dma_start3A_925 = arith.constant 0 : i32
    %dma_start3A_926 = arith.constant 0 : i32
    %dma_start3A_927 = arith.constant 0 : i32
    %dma_start3A_928 = tpu.memref_slice %arg6[%dma_start3A_924, %dma_start3A_925, %dma_start3A_926, %dma_start3A_927] : memref<2x2x200x128xf32, #tpu.memory_space<vmem>> -> memref<1x2x200x128xf32, #tpu.memory_space<vmem>>
    %dma_start3A_929 = tpu.memref_squeeze %dma_start3A_928 : memref<1x2x200x128xf32, #tpu.memory_space<vmem>> -> memref<2x200x128xf32, #tpu.memory_space<vmem>>
    %dma_start3A_930 = arith.constant 0 : i32
    %dma_start3A_931 = arith.constant 0 : i32
    %dma_start3A_932 = tpu.memref_slice %arg4[%add3A_923, %dma_start3A_930, %dma_start3A_931] : memref<16384x200x128xf32, #tpu.memory_space<hbm>> -> memref<2x200x128xf32, #tpu.memory_space<hbm>>
    %dma_start3A_933 = arith.constant 0 : i32
    %dma_start3A_934 = arith.constant 0 : i32
    %dma_start3A_935 = tpu.memref_slice %arg4[%add3A_923, %dma_start3A_933, %dma_start3A_934] : memref<16384x200x128xf32, #tpu.memory_space<hbm>> -> memref<2x200x128xf32, #tpu.memory_space<hbm>>
    %dma_start3A_936 = arith.constant 0 : i32
    %dma_start3A_937 = arith.constant 0 : i32
    %dma_start3A_938 = arith.constant 0 : i32
    %dma_start3A_939 = tpu.memref_slice %arg6[%dma_start3A_924, %dma_start3A_936, %dma_start3A_937, %dma_start3A_938] : memref<2x2x200x128xf32, #tpu.memory_space<vmem>> -> memref<1x2x200x128xf32, #tpu.memory_space<vmem>>
    %dma_start3A_940 = tpu.memref_squeeze %dma_start3A_939 : memref<1x2x200x128xf32, #tpu.memory_space<vmem>> -> memref<2x200x128xf32, #tpu.memory_space<vmem>>
    tpu.enqueue_dma source(%dma_start3A_940 : memref<2x200x128xf32, #tpu.memory_space<vmem>>) target(%dma_start3A_935 : memref<2x200x128xf32, #tpu.memory_space<hbm>>) target_semaphore(%arg12 : memref<!tpu.dma_semaphore, #tpu.memory_space<semaphore_mem>>)
    %dma_wait3A_941 = arith.constant 0 : i32
    %dma_wait3A_942 = arith.constant 0 : i32
    %dma_wait3A_943 = arith.constant 0 : i32
    %dma_wait3A_944 = arith.constant 0 : i32
    %dma_wait3A_945 = tpu.memref_slice %arg6[%dma_wait3A_941, %dma_wait3A_942, %dma_wait3A_943, %dma_wait3A_944] : memref<2x2x200x128xf32, #tpu.memory_space<vmem>> -> memref<1x2x200x128xf32, #tpu.memory_space<vmem>>
    %dma_wait3A_946 = tpu.memref_squeeze %dma_wait3A_945 : memref<1x2x200x128xf32, #tpu.memory_space<vmem>> -> memref<2x200x128xf32, #tpu.memory_space<vmem>>
    %dma_wait3A_947 = arith.constant 0 : i32
    %dma_wait3A_948 = arith.constant 0 : i32
    %dma_wait3A_949 = arith.constant 0 : i32
    %dma_wait3A_950 = tpu.memref_slice %arg4[%dma_wait3A_947, %dma_wait3A_948, %dma_wait3A_949] : memref<16384x200x128xf32, #tpu.memory_space<hbm>> -> memref<2x200x128xf32, #tpu.memory_space<hbm>>
    %dma_wait3A_951 = arith.constant 0 : i32
    %dma_wait3A_952 = arith.constant 0 : i32
    %dma_wait3A_953 = arith.constant 0 : i32
    %dma_wait3A_954 = tpu.memref_slice %arg4[%dma_wait3A_951, %dma_wait3A_952, %dma_wait3A_953] : memref<16384x200x128xf32, #tpu.memory_space<hbm>> -> memref<2x200x128xf32, #tpu.memory_space<hbm>>
    %dma_wait3A_955 = arith.constant 0 : i32
    %dma_wait3A_956 = arith.constant 0 : i32
    %dma_wait3A_957 = arith.constant 0 : i32
    %dma_wait3A_958 = tpu.memref_slice %arg6[%dma_wait3A_941, %dma_wait3A_955, %dma_wait3A_956, %dma_wait3A_957] : memref<2x2x200x128xf32, #tpu.memory_space<vmem>> -> memref<1x2x200x128xf32, #tpu.memory_space<vmem>>
    %dma_wait3A_959 = tpu.memref_squeeze %dma_wait3A_958 : memref<1x2x200x128xf32, #tpu.memory_space<vmem>> -> memref<2x200x128xf32, #tpu.memory_space<vmem>>
    tpu.wait_dma2 semaphore(%arg11 : memref<!tpu.dma_semaphore, #tpu.memory_space<semaphore_mem>>) src(%dma_wait3A_959 : memref<2x200x128xf32, #tpu.memory_space<vmem>>) dst(%dma_wait3A_954 : memref<2x200x128xf32, #tpu.memory_space<hbm>>)
    %dma_start3A_960 = arith.constant 1 : i32
    %dma_start3A_961 = arith.constant 4 : i32
    %dma_start3A_962 = arith.constant 0 : i32
    %dma_start3A_963 = arith.constant 0 : i32
    %dma_start3A_964 = arith.constant 0 : i32
    %dma_start3A_965 = arith.constant 0 : i32
    %dma_start3A_966 = tpu.memref_slice %arg6[%dma_start3A_962, %dma_start3A_963, %dma_start3A_964, %dma_start3A_965] : memref<2x2x200x128xf32, #tpu.memory_space<vmem>> -> memref<1x1x128x128xf32, #tpu.memory_space<vmem>>
    %dma_start3A_967 = tpu.memref_squeeze %dma_start3A_966 : memref<1x1x128x128xf32, #tpu.memory_space<vmem>> -> memref<128x128xf32, #tpu.memory_space<vmem>>
    %dma_start3A_968 = arith.constant 0 : i32
    %dma_start3A_969 = tpu.memref_slice %arg5[%dma_start3A_960, %dma_start3A_961, %dma_start3A_968] : memref<2x8x200xi32, #tpu.memory_space<vmem>> -> memref<1x1x128xi32, #tpu.memory_space<vmem>>
    %dma_start3A_970 = tpu.memref_squeeze %dma_start3A_969 : memref<1x1x128xi32, #tpu.memory_space<vmem>> -> memref<128xi32, #tpu.memory_space<vmem>>
    %dma_start3A_971 = arith.constant 0 : i32
    %dma_start3A_972 = arith.constant 0 : i32
    %dma_start3A_973 = tpu.memref_slice %arg3[%dma_start3A_971, %dma_start3A_972] : memref<1000000x128xf32, #tpu.memory_space<hbm>> -> memref<1000000x128xf32, #tpu.memory_space<hbm>>
    tpu.enqueue_indirect_dma source(%dma_start3A_973 : memref<1000000x128xf32, #tpu.memory_space<hbm>>) target(%dma_start3A_967 : memref<128x128xf32, #tpu.memory_space<vmem>>) offsets(%dma_start3A_970 : memref<128xi32, #tpu.memory_space<vmem>>) semaphore(%arg9 : memref<!tpu.dma_semaphore, #tpu.memory_space<semaphore_mem>>)
    %dma_start3A_974 = arith.constant 1 : i32
    %dma_start3A_975 = arith.constant 4 : i32
    %dma_start3A_976 = arith.constant 0 : i32
    %dma_start3A_977 = arith.constant 0 : i32
    %dma_start3A_978 = arith.constant 128 : i32
    %dma_start3A_979 = arith.constant 0 : i32
    %dma_start3A_980 = tpu.memref_slice %arg6[%dma_start3A_976, %dma_start3A_977, %dma_start3A_978, %dma_start3A_979] : memref<2x2x200x128xf32, #tpu.memory_space<vmem>> -> memref<1x1x72x128xf32, #tpu.memory_space<vmem>>
    %dma_start3A_981 = tpu.memref_squeeze %dma_start3A_980 : memref<1x1x72x128xf32, #tpu.memory_space<vmem>> -> memref<72x128xf32, #tpu.memory_space<vmem>>
    %dma_start3A_982 = arith.constant 128 : i32
    %dma_start3A_983 = tpu.memref_slice %arg5[%dma_start3A_974, %dma_start3A_975, %dma_start3A_982] : memref<2x8x200xi32, #tpu.memory_space<vmem>> -> memref<1x1x72xi32, #tpu.memory_space<vmem>>
    %dma_start3A_984 = tpu.memref_squeeze %dma_start3A_983 : memref<1x1x72xi32, #tpu.memory_space<vmem>> -> memref<72xi32, #tpu.memory_space<vmem>>
    %dma_start3A_985 = arith.constant 0 : i32
    %dma_start3A_986 = arith.constant 0 : i32
    %dma_start3A_987 = tpu.memref_slice %arg3[%dma_start3A_985, %dma_start3A_986] : memref<1000000x128xf32, #tpu.memory_space<hbm>> -> memref<1000000x128xf32, #tpu.memory_space<hbm>>
    tpu.enqueue_indirect_dma source(%dma_start3A_987 : memref<1000000x128xf32, #tpu.memory_space<hbm>>) target(%dma_start3A_981 : memref<72x128xf32, #tpu.memory_space<vmem>>) offsets(%dma_start3A_984 : memref<72xi32, #tpu.memory_space<vmem>>) semaphore(%arg9 : memref<!tpu.dma_semaphore, #tpu.memory_space<semaphore_mem>>)
    %dma_start3A_988 = arith.constant 1 : i32
    %dma_start3A_989 = arith.constant 5 : i32
    %dma_start3A_990 = arith.constant 0 : i32
    %dma_start3A_991 = arith.constant 1 : i32
    %dma_start3A_992 = arith.constant 0 : i32
    %dma_start3A_993 = arith.constant 0 : i32
    %dma_start3A_994 = tpu.memref_slice %arg6[%dma_start3A_990, %dma_start3A_991, %dma_start3A_992, %dma_start3A_993] : memref<2x2x200x128xf32, #tpu.memory_space<vmem>> -> memref<1x1x128x128xf32, #tpu.memory_space<vmem>>
    %dma_start3A_995 = tpu.memref_squeeze %dma_start3A_994 : memref<1x1x128x128xf32, #tpu.memory_space<vmem>> -> memref<128x128xf32, #tpu.memory_space<vmem>>
    %dma_start3A_996 = arith.constant 0 : i32
    %dma_start3A_997 = tpu.memref_slice %arg5[%dma_start3A_988, %dma_start3A_989, %dma_start3A_996] : memref<2x8x200xi32, #tpu.memory_space<vmem>> -> memref<1x1x128xi32, #tpu.memory_space<vmem>>
    %dma_start3A_998 = tpu.memref_squeeze %dma_start3A_997 : memref<1x1x128xi32, #tpu.memory_space<vmem>> -> memref<128xi32, #tpu.memory_space<vmem>>
    %dma_start3A_999 = arith.constant 0 : i32
    %dma_start3A_1000 = arith.constant 0 : i32
    %dma_start3A_1001 = tpu.memref_slice %arg3[%dma_start3A_999, %dma_start3A_1000] : memref<1000000x128xf32, #tpu.memory_space<hbm>> -> memref<1000000x128xf32, #tpu.memory_space<hbm>>
    tpu.enqueue_indirect_dma source(%dma_start3A_1001 : memref<1000000x128xf32, #tpu.memory_space<hbm>>) target(%dma_start3A_995 : memref<128x128xf32, #tpu.memory_space<vmem>>) offsets(%dma_start3A_998 : memref<128xi32, #tpu.memory_space<vmem>>) semaphore(%arg9 : memref<!tpu.dma_semaphore, #tpu.memory_space<semaphore_mem>>)
    %dma_start3A_1002 = arith.constant 1 : i32
    %dma_start3A_1003 = arith.constant 5 : i32
    %dma_start3A_1004 = arith.constant 0 : i32
    %dma_start3A_1005 = arith.constant 1 : i32
    %dma_start3A_1006 = arith.constant 128 : i32
    %dma_start3A_1007 = arith.constant 0 : i32
    %dma_start3A_1008 = tpu.memref_slice %arg6[%dma_start3A_1004, %dma_start3A_1005, %dma_start3A_1006, %dma_start3A_1007] : memref<2x2x200x128xf32, #tpu.memory_space<vmem>> -> memref<1x1x72x128xf32, #tpu.memory_space<vmem>>
    %dma_start3A_1009 = tpu.memref_squeeze %dma_start3A_1008 : memref<1x1x72x128xf32, #tpu.memory_space<vmem>> -> memref<72x128xf32, #tpu.memory_space<vmem>>
    %dma_start3A_1010 = arith.constant 128 : i32
    %dma_start3A_1011 = tpu.memref_slice %arg5[%dma_start3A_1002, %dma_start3A_1003, %dma_start3A_1010] : memref<2x8x200xi32, #tpu.memory_space<vmem>> -> memref<1x1x72xi32, #tpu.memory_space<vmem>>
    %dma_start3A_1012 = tpu.memref_squeeze %dma_start3A_1011 : memref<1x1x72xi32, #tpu.memory_space<vmem>> -> memref<72xi32, #tpu.memory_space<vmem>>
    %dma_start3A_1013 = arith.constant 0 : i32
    %dma_start3A_1014 = arith.constant 0 : i32
    %dma_start3A_1015 = tpu.memref_slice %arg3[%dma_start3A_1013, %dma_start3A_1014] : memref<1000000x128xf32, #tpu.memory_space<hbm>> -> memref<1000000x128xf32, #tpu.memory_space<hbm>>
    tpu.enqueue_indirect_dma source(%dma_start3A_1015 : memref<1000000x128xf32, #tpu.memory_space<hbm>>) target(%dma_start3A_1009 : memref<72x128xf32, #tpu.memory_space<vmem>>) offsets(%dma_start3A_1012 : memref<72xi32, #tpu.memory_space<vmem>>) semaphore(%arg9 : memref<!tpu.dma_semaphore, #tpu.memory_space<semaphore_mem>>)
    %dma_wait3A_1016 = arith.constant 1 : i32
    %dma_wait3A_1017 = arith.constant 4 : i32
    %dma_wait3A_1018 = arith.constant 0 : i32
    %dma_wait3A_1019 = arith.constant 0 : i32
    %dma_wait3A_1020 = arith.constant 0 : i32
    %dma_wait3A_1021 = arith.constant 0 : i32
    %dma_wait3A_1022 = tpu.memref_slice %arg6[%dma_wait3A_1018, %dma_wait3A_1019, %dma_wait3A_1020, %dma_wait3A_1021] : memref<2x2x200x128xf32, #tpu.memory_space<vmem>> -> memref<1x1x128x128xf32, #tpu.memory_space<vmem>>
    %dma_wait3A_1023 = tpu.memref_squeeze %dma_wait3A_1022 : memref<1x1x128x128xf32, #tpu.memory_space<vmem>> -> memref<128x128xf32, #tpu.memory_space<vmem>>
    %dma_wait3A_1024 = arith.constant 0 : i32
    %dma_wait3A_1025 = tpu.memref_slice %arg5[%dma_wait3A_1016, %dma_wait3A_1017, %dma_wait3A_1024] : memref<2x8x200xi32, #tpu.memory_space<vmem>> -> memref<1x1x128xi32, #tpu.memory_space<vmem>>
    %dma_wait3A_1026 = tpu.memref_squeeze %dma_wait3A_1025 : memref<1x1x128xi32, #tpu.memory_space<vmem>> -> memref<128xi32, #tpu.memory_space<vmem>>
    %dma_wait3A_1027 = arith.constant 0 : i32
    %dma_wait3A_1028 = arith.constant 0 : i32
    %dma_wait3A_1029 = tpu.memref_slice %arg3[%dma_wait3A_1027, %dma_wait3A_1028] : memref<1000000x128xf32, #tpu.memory_space<hbm>> -> memref<1000000x128xf32, #tpu.memory_space<hbm>>
    tpu.wait_indirect_dma semaphore(%arg9 : memref<!tpu.dma_semaphore, #tpu.memory_space<semaphore_mem>>) src(%dma_wait3A_1029 : memref<1000000x128xf32, #tpu.memory_space<hbm>>) dst(%dma_wait3A_1023 : memref<128x128xf32, #tpu.memory_space<vmem>>)
    %dma_wait3A_1030 = arith.constant 1 : i32
    %dma_wait3A_1031 = arith.constant 4 : i32
    %dma_wait3A_1032 = arith.constant 0 : i32
    %dma_wait3A_1033 = arith.constant 0 : i32
    %dma_wait3A_1034 = arith.constant 128 : i32
    %dma_wait3A_1035 = arith.constant 0 : i32
    %dma_wait3A_1036 = tpu.memref_slice %arg6[%dma_wait3A_1032, %dma_wait3A_1033, %dma_wait3A_1034, %dma_wait3A_1035] : memref<2x2x200x128xf32, #tpu.memory_space<vmem>> -> memref<1x1x72x128xf32, #tpu.memory_space<vmem>>
    %dma_wait3A_1037 = tpu.memref_squeeze %dma_wait3A_1036 : memref<1x1x72x128xf32, #tpu.memory_space<vmem>> -> memref<72x128xf32, #tpu.memory_space<vmem>>
    %dma_wait3A_1038 = arith.constant 128 : i32
    %dma_wait3A_1039 = tpu.memref_slice %arg5[%dma_wait3A_1030, %dma_wait3A_1031, %dma_wait3A_1038] : memref<2x8x200xi32, #tpu.memory_space<vmem>> -> memref<1x1x72xi32, #tpu.memory_space<vmem>>
    %dma_wait3A_1040 = tpu.memref_squeeze %dma_wait3A_1039 : memref<1x1x72xi32, #tpu.memory_space<vmem>> -> memref<72xi32, #tpu.memory_space<vmem>>
    %dma_wait3A_1041 = arith.constant 0 : i32
    %dma_wait3A_1042 = arith.constant 0 : i32
    %dma_wait3A_1043 = tpu.memref_slice %arg3[%dma_wait3A_1041, %dma_wait3A_1042] : memref<1000000x128xf32, #tpu.memory_space<hbm>> -> memref<1000000x128xf32, #tpu.memory_space<hbm>>
    tpu.wait_indirect_dma semaphore(%arg9 : memref<!tpu.dma_semaphore, #tpu.memory_space<semaphore_mem>>) src(%dma_wait3A_1043 : memref<1000000x128xf32, #tpu.memory_space<hbm>>) dst(%dma_wait3A_1037 : memref<72x128xf32, #tpu.memory_space<vmem>>)
    %dma_wait3A_1044 = arith.constant 1 : i32
    %dma_wait3A_1045 = arith.constant 5 : i32
    %dma_wait3A_1046 = arith.constant 0 : i32
    %dma_wait3A_1047 = arith.constant 1 : i32
    %dma_wait3A_1048 = arith.constant 0 : i32
    %dma_wait3A_1049 = arith.constant 0 : i32
    %dma_wait3A_1050 = tpu.memref_slice %arg6[%dma_wait3A_1046, %dma_wait3A_1047, %dma_wait3A_1048, %dma_wait3A_1049] : memref<2x2x200x128xf32, #tpu.memory_space<vmem>> -> memref<1x1x128x128xf32, #tpu.memory_space<vmem>>
    %dma_wait3A_1051 = tpu.memref_squeeze %dma_wait3A_1050 : memref<1x1x128x128xf32, #tpu.memory_space<vmem>> -> memref<128x128xf32, #tpu.memory_space<vmem>>
    %dma_wait3A_1052 = arith.constant 0 : i32
    %dma_wait3A_1053 = tpu.memref_slice %arg5[%dma_wait3A_1044, %dma_wait3A_1045, %dma_wait3A_1052] : memref<2x8x200xi32, #tpu.memory_space<vmem>> -> memref<1x1x128xi32, #tpu.memory_space<vmem>>
    %dma_wait3A_1054 = tpu.memref_squeeze %dma_wait3A_1053 : memref<1x1x128xi32, #tpu.memory_space<vmem>> -> memref<128xi32, #tpu.memory_space<vmem>>
    %dma_wait3A_1055 = arith.constant 0 : i32
    %dma_wait3A_1056 = arith.constant 0 : i32
    %dma_wait3A_1057 = tpu.memref_slice %arg3[%dma_wait3A_1055, %dma_wait3A_1056] : memref<1000000x128xf32, #tpu.memory_space<hbm>> -> memref<1000000x128xf32, #tpu.memory_space<hbm>>
    tpu.wait_indirect_dma semaphore(%arg9 : memref<!tpu.dma_semaphore, #tpu.memory_space<semaphore_mem>>) src(%dma_wait3A_1057 : memref<1000000x128xf32, #tpu.memory_space<hbm>>) dst(%dma_wait3A_1051 : memref<128x128xf32, #tpu.memory_space<vmem>>)
    %dma_wait3A_1058 = arith.constant 1 : i32
    %dma_wait3A_1059 = arith.constant 5 : i32
    %dma_wait3A_1060 = arith.constant 0 : i32
    %dma_wait3A_1061 = arith.constant 1 : i32
    %dma_wait3A_1062 = arith.constant 128 : i32
    %dma_wait3A_1063 = arith.constant 0 : i32
    %dma_wait3A_1064 = tpu.memref_slice %arg6[%dma_wait3A_1060, %dma_wait3A_1061, %dma_wait3A_1062, %dma_wait3A_1063] : memref<2x2x200x128xf32, #tpu.memory_space<vmem>> -> memref<1x1x72x128xf32, #tpu.memory_space<vmem>>
    %dma_wait3A_1065 = tpu.memref_squeeze %dma_wait3A_1064 : memref<1x1x72x128xf32, #tpu.memory_space<vmem>> -> memref<72x128xf32, #tpu.memory_space<vmem>>
    %dma_wait3A_1066 = arith.constant 128 : i32
    %dma_wait3A_1067 = tpu.memref_slice %arg5[%dma_wait3A_1058, %dma_wait3A_1059, %dma_wait3A_1066] : memref<2x8x200xi32, #tpu.memory_space<vmem>> -> memref<1x1x72xi32, #tpu.memory_space<vmem>>
    %dma_wait3A_1068 = tpu.memref_squeeze %dma_wait3A_1067 : memref<1x1x72xi32, #tpu.memory_space<vmem>> -> memref<72xi32, #tpu.memory_space<vmem>>
    %dma_wait3A_1069 = arith.constant 0 : i32
    %dma_wait3A_1070 = arith.constant 0 : i32
    %dma_wait3A_1071 = tpu.memref_slice %arg3[%dma_wait3A_1069, %dma_wait3A_1070] : memref<1000000x128xf32, #tpu.memory_space<hbm>> -> memref<1000000x128xf32, #tpu.memory_space<hbm>>
    tpu.wait_indirect_dma semaphore(%arg9 : memref<!tpu.dma_semaphore, #tpu.memory_space<semaphore_mem>>) src(%dma_wait3A_1071 : memref<1000000x128xf32, #tpu.memory_space<hbm>>) dst(%dma_wait3A_1065 : memref<72x128xf32, #tpu.memory_space<vmem>>)
    %add3A_1072 = arith.constant 12 : i32
    %add3A_1073 = arith.addi %mul3A_2, %add3A_1072 : i32
    %dma_start3A_1074 = arith.constant 0 : i32
    %dma_start3A_1075 = arith.constant 0 : i32
    %dma_start3A_1076 = arith.constant 0 : i32
    %dma_start3A_1077 = arith.constant 0 : i32
    %dma_start3A_1078 = tpu.memref_slice %arg6[%dma_start3A_1074, %dma_start3A_1075, %dma_start3A_1076, %dma_start3A_1077] : memref<2x2x200x128xf32, #tpu.memory_space<vmem>> -> memref<1x2x200x128xf32, #tpu.memory_space<vmem>>
    %dma_start3A_1079 = tpu.memref_squeeze %dma_start3A_1078 : memref<1x2x200x128xf32, #tpu.memory_space<vmem>> -> memref<2x200x128xf32, #tpu.memory_space<vmem>>
    %dma_start3A_1080 = arith.constant 0 : i32
    %dma_start3A_1081 = arith.constant 0 : i32
    %dma_start3A_1082 = tpu.memref_slice %arg4[%add3A_1073, %dma_start3A_1080, %dma_start3A_1081] : memref<16384x200x128xf32, #tpu.memory_space<hbm>> -> memref<2x200x128xf32, #tpu.memory_space<hbm>>
    %dma_start3A_1083 = arith.constant 0 : i32
    %dma_start3A_1084 = arith.constant 0 : i32
    %dma_start3A_1085 = tpu.memref_slice %arg4[%add3A_1073, %dma_start3A_1083, %dma_start3A_1084] : memref<16384x200x128xf32, #tpu.memory_space<hbm>> -> memref<2x200x128xf32, #tpu.memory_space<hbm>>
    %dma_start3A_1086 = arith.constant 0 : i32
    %dma_start3A_1087 = arith.constant 0 : i32
    %dma_start3A_1088 = arith.constant 0 : i32
    %dma_start3A_1089 = tpu.memref_slice %arg6[%dma_start3A_1074, %dma_start3A_1086, %dma_start3A_1087, %dma_start3A_1088] : memref<2x2x200x128xf32, #tpu.memory_space<vmem>> -> memref<1x2x200x128xf32, #tpu.memory_space<vmem>>
    %dma_start3A_1090 = tpu.memref_squeeze %dma_start3A_1089 : memref<1x2x200x128xf32, #tpu.memory_space<vmem>> -> memref<2x200x128xf32, #tpu.memory_space<vmem>>
    tpu.enqueue_dma source(%dma_start3A_1090 : memref<2x200x128xf32, #tpu.memory_space<vmem>>) target(%dma_start3A_1085 : memref<2x200x128xf32, #tpu.memory_space<hbm>>) target_semaphore(%arg11 : memref<!tpu.dma_semaphore, #tpu.memory_space<semaphore_mem>>)
    %dma_wait3A_1091 = arith.constant 1 : i32
    %dma_wait3A_1092 = arith.constant 0 : i32
    %dma_wait3A_1093 = arith.constant 0 : i32
    %dma_wait3A_1094 = arith.constant 0 : i32
    %dma_wait3A_1095 = tpu.memref_slice %arg6[%dma_wait3A_1091, %dma_wait3A_1092, %dma_wait3A_1093, %dma_wait3A_1094] : memref<2x2x200x128xf32, #tpu.memory_space<vmem>> -> memref<1x2x200x128xf32, #tpu.memory_space<vmem>>
    %dma_wait3A_1096 = tpu.memref_squeeze %dma_wait3A_1095 : memref<1x2x200x128xf32, #tpu.memory_space<vmem>> -> memref<2x200x128xf32, #tpu.memory_space<vmem>>
    %dma_wait3A_1097 = arith.constant 0 : i32
    %dma_wait3A_1098 = arith.constant 0 : i32
    %dma_wait3A_1099 = arith.constant 0 : i32
    %dma_wait3A_1100 = tpu.memref_slice %arg4[%dma_wait3A_1097, %dma_wait3A_1098, %dma_wait3A_1099] : memref<16384x200x128xf32, #tpu.memory_space<hbm>> -> memref<2x200x128xf32, #tpu.memory_space<hbm>>
    %dma_wait3A_1101 = arith.constant 0 : i32
    %dma_wait3A_1102 = arith.constant 0 : i32
    %dma_wait3A_1103 = arith.constant 0 : i32
    %dma_wait3A_1104 = tpu.memref_slice %arg4[%dma_wait3A_1101, %dma_wait3A_1102, %dma_wait3A_1103] : memref<16384x200x128xf32, #tpu.memory_space<hbm>> -> memref<2x200x128xf32, #tpu.memory_space<hbm>>
    %dma_wait3A_1105 = arith.constant 0 : i32
    %dma_wait3A_1106 = arith.constant 0 : i32
    %dma_wait3A_1107 = arith.constant 0 : i32
    %dma_wait3A_1108 = tpu.memref_slice %arg6[%dma_wait3A_1091, %dma_wait3A_1105, %dma_wait3A_1106, %dma_wait3A_1107] : memref<2x2x200x128xf32, #tpu.memory_space<vmem>> -> memref<1x2x200x128xf32, #tpu.memory_space<vmem>>
    %dma_wait3A_1109 = tpu.memref_squeeze %dma_wait3A_1108 : memref<1x2x200x128xf32, #tpu.memory_space<vmem>> -> memref<2x200x128xf32, #tpu.memory_space<vmem>>
    tpu.wait_dma2 semaphore(%arg12 : memref<!tpu.dma_semaphore, #tpu.memory_space<semaphore_mem>>) src(%dma_wait3A_1109 : memref<2x200x128xf32, #tpu.memory_space<vmem>>) dst(%dma_wait3A_1104 : memref<2x200x128xf32, #tpu.memory_space<hbm>>)
    %dma_start3A_1110 = arith.constant 1 : i32
    %dma_start3A_1111 = arith.constant 6 : i32
    %dma_start3A_1112 = arith.constant 1 : i32
    %dma_start3A_1113 = arith.constant 0 : i32
    %dma_start3A_1114 = arith.constant 0 : i32
    %dma_start3A_1115 = arith.constant 0 : i32
    %dma_start3A_1116 = tpu.memref_slice %arg6[%dma_start3A_1112, %dma_start3A_1113, %dma_start3A_1114, %dma_start3A_1115] : memref<2x2x200x128xf32, #tpu.memory_space<vmem>> -> memref<1x1x128x128xf32, #tpu.memory_space<vmem>>
    %dma_start3A_1117 = tpu.memref_squeeze %dma_start3A_1116 : memref<1x1x128x128xf32, #tpu.memory_space<vmem>> -> memref<128x128xf32, #tpu.memory_space<vmem>>
    %dma_start3A_1118 = arith.constant 0 : i32
    %dma_start3A_1119 = tpu.memref_slice %arg5[%dma_start3A_1110, %dma_start3A_1111, %dma_start3A_1118] : memref<2x8x200xi32, #tpu.memory_space<vmem>> -> memref<1x1x128xi32, #tpu.memory_space<vmem>>
    %dma_start3A_1120 = tpu.memref_squeeze %dma_start3A_1119 : memref<1x1x128xi32, #tpu.memory_space<vmem>> -> memref<128xi32, #tpu.memory_space<vmem>>
    %dma_start3A_1121 = arith.constant 0 : i32
    %dma_start3A_1122 = arith.constant 0 : i32
    %dma_start3A_1123 = tpu.memref_slice %arg3[%dma_start3A_1121, %dma_start3A_1122] : memref<1000000x128xf32, #tpu.memory_space<hbm>> -> memref<1000000x128xf32, #tpu.memory_space<hbm>>
    tpu.enqueue_indirect_dma source(%dma_start3A_1123 : memref<1000000x128xf32, #tpu.memory_space<hbm>>) target(%dma_start3A_1117 : memref<128x128xf32, #tpu.memory_space<vmem>>) offsets(%dma_start3A_1120 : memref<128xi32, #tpu.memory_space<vmem>>) semaphore(%arg10 : memref<!tpu.dma_semaphore, #tpu.memory_space<semaphore_mem>>)
    %dma_start3A_1124 = arith.constant 1 : i32
    %dma_start3A_1125 = arith.constant 6 : i32
    %dma_start3A_1126 = arith.constant 1 : i32
    %dma_start3A_1127 = arith.constant 0 : i32
    %dma_start3A_1128 = arith.constant 128 : i32
    %dma_start3A_1129 = arith.constant 0 : i32
    %dma_start3A_1130 = tpu.memref_slice %arg6[%dma_start3A_1126, %dma_start3A_1127, %dma_start3A_1128, %dma_start3A_1129] : memref<2x2x200x128xf32, #tpu.memory_space<vmem>> -> memref<1x1x72x128xf32, #tpu.memory_space<vmem>>
    %dma_start3A_1131 = tpu.memref_squeeze %dma_start3A_1130 : memref<1x1x72x128xf32, #tpu.memory_space<vmem>> -> memref<72x128xf32, #tpu.memory_space<vmem>>
    %dma_start3A_1132 = arith.constant 128 : i32
    %dma_start3A_1133 = tpu.memref_slice %arg5[%dma_start3A_1124, %dma_start3A_1125, %dma_start3A_1132] : memref<2x8x200xi32, #tpu.memory_space<vmem>> -> memref<1x1x72xi32, #tpu.memory_space<vmem>>
    %dma_start3A_1134 = tpu.memref_squeeze %dma_start3A_1133 : memref<1x1x72xi32, #tpu.memory_space<vmem>> -> memref<72xi32, #tpu.memory_space<vmem>>
    %dma_start3A_1135 = arith.constant 0 : i32
    %dma_start3A_1136 = arith.constant 0 : i32
    %dma_start3A_1137 = tpu.memref_slice %arg3[%dma_start3A_1135, %dma_start3A_1136] : memref<1000000x128xf32, #tpu.memory_space<hbm>> -> memref<1000000x128xf32, #tpu.memory_space<hbm>>
    tpu.enqueue_indirect_dma source(%dma_start3A_1137 : memref<1000000x128xf32, #tpu.memory_space<hbm>>) target(%dma_start3A_1131 : memref<72x128xf32, #tpu.memory_space<vmem>>) offsets(%dma_start3A_1134 : memref<72xi32, #tpu.memory_space<vmem>>) semaphore(%arg10 : memref<!tpu.dma_semaphore, #tpu.memory_space<semaphore_mem>>)
    %dma_start3A_1138 = arith.constant 1 : i32
    %dma_start3A_1139 = arith.constant 7 : i32
    %dma_start3A_1140 = arith.constant 1 : i32
    %dma_start3A_1141 = arith.constant 1 : i32
    %dma_start3A_1142 = arith.constant 0 : i32
    %dma_start3A_1143 = arith.constant 0 : i32
    %dma_start3A_1144 = tpu.memref_slice %arg6[%dma_start3A_1140, %dma_start3A_1141, %dma_start3A_1142, %dma_start3A_1143] : memref<2x2x200x128xf32, #tpu.memory_space<vmem>> -> memref<1x1x128x128xf32, #tpu.memory_space<vmem>>
    %dma_start3A_1145 = tpu.memref_squeeze %dma_start3A_1144 : memref<1x1x128x128xf32, #tpu.memory_space<vmem>> -> memref<128x128xf32, #tpu.memory_space<vmem>>
    %dma_start3A_1146 = arith.constant 0 : i32
    %dma_start3A_1147 = tpu.memref_slice %arg5[%dma_start3A_1138, %dma_start3A_1139, %dma_start3A_1146] : memref<2x8x200xi32, #tpu.memory_space<vmem>> -> memref<1x1x128xi32, #tpu.memory_space<vmem>>
    %dma_start3A_1148 = tpu.memref_squeeze %dma_start3A_1147 : memref<1x1x128xi32, #tpu.memory_space<vmem>> -> memref<128xi32, #tpu.memory_space<vmem>>
    %dma_start3A_1149 = arith.constant 0 : i32
    %dma_start3A_1150 = arith.constant 0 : i32
    %dma_start3A_1151 = tpu.memref_slice %arg3[%dma_start3A_1149, %dma_start3A_1150] : memref<1000000x128xf32, #tpu.memory_space<hbm>> -> memref<1000000x128xf32, #tpu.memory_space<hbm>>
    tpu.enqueue_indirect_dma source(%dma_start3A_1151 : memref<1000000x128xf32, #tpu.memory_space<hbm>>) target(%dma_start3A_1145 : memref<128x128xf32, #tpu.memory_space<vmem>>) offsets(%dma_start3A_1148 : memref<128xi32, #tpu.memory_space<vmem>>) semaphore(%arg10 : memref<!tpu.dma_semaphore, #tpu.memory_space<semaphore_mem>>)
    %dma_start3A_1152 = arith.constant 1 : i32
    %dma_start3A_1153 = arith.constant 7 : i32
    %dma_start3A_1154 = arith.constant 1 : i32
    %dma_start3A_1155 = arith.constant 1 : i32
    %dma_start3A_1156 = arith.constant 128 : i32
    %dma_start3A_1157 = arith.constant 0 : i32
    %dma_start3A_1158 = tpu.memref_slice %arg6[%dma_start3A_1154, %dma_start3A_1155, %dma_start3A_1156, %dma_start3A_1157] : memref<2x2x200x128xf32, #tpu.memory_space<vmem>> -> memref<1x1x72x128xf32, #tpu.memory_space<vmem>>
    %dma_start3A_1159 = tpu.memref_squeeze %dma_start3A_1158 : memref<1x1x72x128xf32, #tpu.memory_space<vmem>> -> memref<72x128xf32, #tpu.memory_space<vmem>>
    %dma_start3A_1160 = arith.constant 128 : i32
    %dma_start3A_1161 = tpu.memref_slice %arg5[%dma_start3A_1152, %dma_start3A_1153, %dma_start3A_1160] : memref<2x8x200xi32, #tpu.memory_space<vmem>> -> memref<1x1x72xi32, #tpu.memory_space<vmem>>
    %dma_start3A_1162 = tpu.memref_squeeze %dma_start3A_1161 : memref<1x1x72xi32, #tpu.memory_space<vmem>> -> memref<72xi32, #tpu.memory_space<vmem>>
    %dma_start3A_1163 = arith.constant 0 : i32
    %dma_start3A_1164 = arith.constant 0 : i32
    %dma_start3A_1165 = tpu.memref_slice %arg3[%dma_start3A_1163, %dma_start3A_1164] : memref<1000000x128xf32, #tpu.memory_space<hbm>> -> memref<1000000x128xf32, #tpu.memory_space<hbm>>
    tpu.enqueue_indirect_dma source(%dma_start3A_1165 : memref<1000000x128xf32, #tpu.memory_space<hbm>>) target(%dma_start3A_1159 : memref<72x128xf32, #tpu.memory_space<vmem>>) offsets(%dma_start3A_1162 : memref<72xi32, #tpu.memory_space<vmem>>) semaphore(%arg10 : memref<!tpu.dma_semaphore, #tpu.memory_space<semaphore_mem>>)
    %dma_wait3A_1166 = arith.constant 1 : i32
    %dma_wait3A_1167 = arith.constant 6 : i32
    %dma_wait3A_1168 = arith.constant 1 : i32
    %dma_wait3A_1169 = arith.constant 0 : i32
    %dma_wait3A_1170 = arith.constant 0 : i32
    %dma_wait3A_1171 = arith.constant 0 : i32
    %dma_wait3A_1172 = tpu.memref_slice %arg6[%dma_wait3A_1168, %dma_wait3A_1169, %dma_wait3A_1170, %dma_wait3A_1171] : memref<2x2x200x128xf32, #tpu.memory_space<vmem>> -> memref<1x1x128x128xf32, #tpu.memory_space<vmem>>
    %dma_wait3A_1173 = tpu.memref_squeeze %dma_wait3A_1172 : memref<1x1x128x128xf32, #tpu.memory_space<vmem>> -> memref<128x128xf32, #tpu.memory_space<vmem>>
    %dma_wait3A_1174 = arith.constant 0 : i32
    %dma_wait3A_1175 = tpu.memref_slice %arg5[%dma_wait3A_1166, %dma_wait3A_1167, %dma_wait3A_1174] : memref<2x8x200xi32, #tpu.memory_space<vmem>> -> memref<1x1x128xi32, #tpu.memory_space<vmem>>
    %dma_wait3A_1176 = tpu.memref_squeeze %dma_wait3A_1175 : memref<1x1x128xi32, #tpu.memory_space<vmem>> -> memref<128xi32, #tpu.memory_space<vmem>>
    %dma_wait3A_1177 = arith.constant 0 : i32
    %dma_wait3A_1178 = arith.constant 0 : i32
    %dma_wait3A_1179 = tpu.memref_slice %arg3[%dma_wait3A_1177, %dma_wait3A_1178] : memref<1000000x128xf32, #tpu.memory_space<hbm>> -> memref<1000000x128xf32, #tpu.memory_space<hbm>>
    tpu.wait_indirect_dma semaphore(%arg10 : memref<!tpu.dma_semaphore, #tpu.memory_space<semaphore_mem>>) src(%dma_wait3A_1179 : memref<1000000x128xf32, #tpu.memory_space<hbm>>) dst(%dma_wait3A_1173 : memref<128x128xf32, #tpu.memory_space<vmem>>)
    %dma_wait3A_1180 = arith.constant 1 : i32
    %dma_wait3A_1181 = arith.constant 6 : i32
    %dma_wait3A_1182 = arith.constant 1 : i32
    %dma_wait3A_1183 = arith.constant 0 : i32
    %dma_wait3A_1184 = arith.constant 128 : i32
    %dma_wait3A_1185 = arith.constant 0 : i32
    %dma_wait3A_1186 = tpu.memref_slice %arg6[%dma_wait3A_1182, %dma_wait3A_1183, %dma_wait3A_1184, %dma_wait3A_1185] : memref<2x2x200x128xf32, #tpu.memory_space<vmem>> -> memref<1x1x72x128xf32, #tpu.memory_space<vmem>>
    %dma_wait3A_1187 = tpu.memref_squeeze %dma_wait3A_1186 : memref<1x1x72x128xf32, #tpu.memory_space<vmem>> -> memref<72x128xf32, #tpu.memory_space<vmem>>
    %dma_wait3A_1188 = arith.constant 128 : i32
    %dma_wait3A_1189 = tpu.memref_slice %arg5[%dma_wait3A_1180, %dma_wait3A_1181, %dma_wait3A_1188] : memref<2x8x200xi32, #tpu.memory_space<vmem>> -> memref<1x1x72xi32, #tpu.memory_space<vmem>>
    %dma_wait3A_1190 = tpu.memref_squeeze %dma_wait3A_1189 : memref<1x1x72xi32, #tpu.memory_space<vmem>> -> memref<72xi32, #tpu.memory_space<vmem>>
    %dma_wait3A_1191 = arith.constant 0 : i32
    %dma_wait3A_1192 = arith.constant 0 : i32
    %dma_wait3A_1193 = tpu.memref_slice %arg3[%dma_wait3A_1191, %dma_wait3A_1192] : memref<1000000x128xf32, #tpu.memory_space<hbm>> -> memref<1000000x128xf32, #tpu.memory_space<hbm>>
    tpu.wait_indirect_dma semaphore(%arg10 : memref<!tpu.dma_semaphore, #tpu.memory_space<semaphore_mem>>) src(%dma_wait3A_1193 : memref<1000000x128xf32, #tpu.memory_space<hbm>>) dst(%dma_wait3A_1187 : memref<72x128xf32, #tpu.memory_space<vmem>>)
    %dma_wait3A_1194 = arith.constant 1 : i32
    %dma_wait3A_1195 = arith.constant 7 : i32
    %dma_wait3A_1196 = arith.constant 1 : i32
    %dma_wait3A_1197 = arith.constant 1 : i32
    %dma_wait3A_1198 = arith.constant 0 : i32
    %dma_wait3A_1199 = arith.constant 0 : i32
    %dma_wait3A_1200 = tpu.memref_slice %arg6[%dma_wait3A_1196, %dma_wait3A_1197, %dma_wait3A_1198, %dma_wait3A_1199] : memref<2x2x200x128xf32, #tpu.memory_space<vmem>> -> memref<1x1x128x128xf32, #tpu.memory_space<vmem>>
    %dma_wait3A_1201 = tpu.memref_squeeze %dma_wait3A_1200 : memref<1x1x128x128xf32, #tpu.memory_space<vmem>> -> memref<128x128xf32, #tpu.memory_space<vmem>>
    %dma_wait3A_1202 = arith.constant 0 : i32
    %dma_wait3A_1203 = tpu.memref_slice %arg5[%dma_wait3A_1194, %dma_wait3A_1195, %dma_wait3A_1202] : memref<2x8x200xi32, #tpu.memory_space<vmem>> -> memref<1x1x128xi32, #tpu.memory_space<vmem>>
    %dma_wait3A_1204 = tpu.memref_squeeze %dma_wait3A_1203 : memref<1x1x128xi32, #tpu.memory_space<vmem>> -> memref<128xi32, #tpu.memory_space<vmem>>
    %dma_wait3A_1205 = arith.constant 0 : i32
    %dma_wait3A_1206 = arith.constant 0 : i32
    %dma_wait3A_1207 = tpu.memref_slice %arg3[%dma_wait3A_1205, %dma_wait3A_1206] : memref<1000000x128xf32, #tpu.memory_space<hbm>> -> memref<1000000x128xf32, #tpu.memory_space<hbm>>
    tpu.wait_indirect_dma semaphore(%arg10 : memref<!tpu.dma_semaphore, #tpu.memory_space<semaphore_mem>>) src(%dma_wait3A_1207 : memref<1000000x128xf32, #tpu.memory_space<hbm>>) dst(%dma_wait3A_1201 : memref<128x128xf32, #tpu.memory_space<vmem>>)
    %dma_wait3A_1208 = arith.constant 1 : i32
    %dma_wait3A_1209 = arith.constant 7 : i32
    %dma_wait3A_1210 = arith.constant 1 : i32
    %dma_wait3A_1211 = arith.constant 1 : i32
    %dma_wait3A_1212 = arith.constant 128 : i32
    %dma_wait3A_1213 = arith.constant 0 : i32
    %dma_wait3A_1214 = tpu.memref_slice %arg6[%dma_wait3A_1210, %dma_wait3A_1211, %dma_wait3A_1212, %dma_wait3A_1213] : memref<2x2x200x128xf32, #tpu.memory_space<vmem>> -> memref<1x1x72x128xf32, #tpu.memory_space<vmem>>
    %dma_wait3A_1215 = tpu.memref_squeeze %dma_wait3A_1214 : memref<1x1x72x128xf32, #tpu.memory_space<vmem>> -> memref<72x128xf32, #tpu.memory_space<vmem>>
    %dma_wait3A_1216 = arith.constant 128 : i32
    %dma_wait3A_1217 = tpu.memref_slice %arg5[%dma_wait3A_1208, %dma_wait3A_1209, %dma_wait3A_1216] : memref<2x8x200xi32, #tpu.memory_space<vmem>> -> memref<1x1x72xi32, #tpu.memory_space<vmem>>
    %dma_wait3A_1218 = tpu.memref_squeeze %dma_wait3A_1217 : memref<1x1x72xi32, #tpu.memory_space<vmem>> -> memref<72xi32, #tpu.memory_space<vmem>>
    %dma_wait3A_1219 = arith.constant 0 : i32
    %dma_wait3A_1220 = arith.constant 0 : i32
    %dma_wait3A_1221 = tpu.memref_slice %arg3[%dma_wait3A_1219, %dma_wait3A_1220] : memref<1000000x128xf32, #tpu.memory_space<hbm>> -> memref<1000000x128xf32, #tpu.memory_space<hbm>>
    tpu.wait_indirect_dma semaphore(%arg10 : memref<!tpu.dma_semaphore, #tpu.memory_space<semaphore_mem>>) src(%dma_wait3A_1221 : memref<1000000x128xf32, #tpu.memory_space<hbm>>) dst(%dma_wait3A_1215 : memref<72x128xf32, #tpu.memory_space<vmem>>)
    %add3A_1222 = arith.constant 14 : i32
    %add3A_1223 = arith.addi %mul3A_2, %add3A_1222 : i32
    %dma_start3A_1224 = arith.constant 1 : i32
    %dma_start3A_1225 = arith.constant 0 : i32
    %dma_start3A_1226 = arith.constant 0 : i32
    %dma_start3A_1227 = arith.constant 0 : i32
    %dma_start3A_1228 = tpu.memref_slice %arg6[%dma_start3A_1224, %dma_start3A_1225, %dma_start3A_1226, %dma_start3A_1227] : memref<2x2x200x128xf32, #tpu.memory_space<vmem>> -> memref<1x2x200x128xf32, #tpu.memory_space<vmem>>
    %dma_start3A_1229 = tpu.memref_squeeze %dma_start3A_1228 : memref<1x2x200x128xf32, #tpu.memory_space<vmem>> -> memref<2x200x128xf32, #tpu.memory_space<vmem>>
    %dma_start3A_1230 = arith.constant 0 : i32
    %dma_start3A_1231 = arith.constant 0 : i32
    %dma_start3A_1232 = tpu.memref_slice %arg4[%add3A_1223, %dma_start3A_1230, %dma_start3A_1231] : memref<16384x200x128xf32, #tpu.memory_space<hbm>> -> memref<2x200x128xf32, #tpu.memory_space<hbm>>
    %dma_start3A_1233 = arith.constant 0 : i32
    %dma_start3A_1234 = arith.constant 0 : i32
    %dma_start3A_1235 = tpu.memref_slice %arg4[%add3A_1223, %dma_start3A_1233, %dma_start3A_1234] : memref<16384x200x128xf32, #tpu.memory_space<hbm>> -> memref<2x200x128xf32, #tpu.memory_space<hbm>>
    %dma_start3A_1236 = arith.constant 0 : i32
    %dma_start3A_1237 = arith.constant 0 : i32
    %dma_start3A_1238 = arith.constant 0 : i32
    %dma_start3A_1239 = tpu.memref_slice %arg6[%dma_start3A_1224, %dma_start3A_1236, %dma_start3A_1237, %dma_start3A_1238] : memref<2x2x200x128xf32, #tpu.memory_space<vmem>> -> memref<1x2x200x128xf32, #tpu.memory_space<vmem>>
    %dma_start3A_1240 = tpu.memref_squeeze %dma_start3A_1239 : memref<1x2x200x128xf32, #tpu.memory_space<vmem>> -> memref<2x200x128xf32, #tpu.memory_space<vmem>>
    tpu.enqueue_dma source(%dma_start3A_1240 : memref<2x200x128xf32, #tpu.memory_space<vmem>>) target(%dma_start3A_1235 : memref<2x200x128xf32, #tpu.memory_space<hbm>>) target_semaphore(%arg12 : memref<!tpu.dma_semaphore, #tpu.memory_space<semaphore_mem>>)
    %min3A_1241 = arith.constant 3 : i32
    %min3A_1242 = arith.constant 63 : i32
    %min3A_1243 = arith.minsi %min3A_1241, %min3A_1242 : i32
    %mul3A_1244 = arith.constant 8 : i32
    %mul3A_1245 = arith.muli %min3A_1243, %mul3A_1244 : i32
    %add3A_1246 = arith.addi %mul3A_2, %mul3A_1245 : i32
    %dma_start3A_1247 = arith.constant 1 : i32
    %dma_start3A_1248 = arith.constant 0 : i32
    %dma_start3A_1249 = arith.constant 0 : i32
    %dma_start3A_1250 = tpu.memref_slice %arg5[%dma_start3A_1247, %dma_start3A_1248, %dma_start3A_1249] : memref<2x8x200xi32, #tpu.memory_space<vmem>> -> memref<1x8x200xi32, #tpu.memory_space<vmem>>
    %dma_start3A_1251 = tpu.memref_squeeze %dma_start3A_1250 : memref<1x8x200xi32, #tpu.memory_space<vmem>> -> memref<8x200xi32, #tpu.memory_space<vmem>>
    %dma_start3A_1252 = arith.constant 0 : i32
    %dma_start3A_1253 = tpu.memref_slice %arg2[%add3A_1246, %dma_start3A_1252] : memref<16384x200xi32, #tpu.memory_space<hbm>> -> memref<8x200xi32, #tpu.memory_space<hbm>>
    %dma_start3A_1254 = arith.constant 0 : i32
    %dma_start3A_1255 = arith.constant 0 : i32
    %dma_start3A_1256 = tpu.memref_slice %arg5[%dma_start3A_1247, %dma_start3A_1254, %dma_start3A_1255] : memref<2x8x200xi32, #tpu.memory_space<vmem>> -> memref<1x8x200xi32, #tpu.memory_space<vmem>>
    %dma_start3A_1257 = tpu.memref_squeeze %dma_start3A_1256 : memref<1x8x200xi32, #tpu.memory_space<vmem>> -> memref<8x200xi32, #tpu.memory_space<vmem>>
    %dma_start3A_1258 = arith.constant 0 : i32
    %dma_start3A_1259 = tpu.memref_slice %arg2[%add3A_1246, %dma_start3A_1258] : memref<16384x200xi32, #tpu.memory_space<hbm>> -> memref<8x200xi32, #tpu.memory_space<hbm>>
    tpu.enqueue_dma source(%dma_start3A_1259 : memref<8x200xi32, #tpu.memory_space<hbm>>) target(%dma_start3A_1257 : memref<8x200xi32, #tpu.memory_space<vmem>>) target_semaphore(%arg8 : memref<!tpu.dma_semaphore, #tpu.memory_space<semaphore_mem>>)
    %scan3A = arith.constant 0 : i32
    %scan3A_1260 = arith.constant 0 : i32
    %scan3A_1261 = arith.constant 31 : i32
    %scan3A_1262 = arith.addi %scan3A_1260, %scan3A_1261 : i32
    %scan3A_1263 = arith.constant 1 : i32
    scf.for %scan3A_1333 = %scan3A_1260 to %scan3A_1262 step %scan3A_1263  : i32 {
      %mul3A_1334 = arith.constant 2 : i32
      %mul3A_1335 = arith.muli %scan3A_1333, %mul3A_1334 : i32
      %add3A_1336 = arith.constant 2 : i32
      %add3A_1337 = arith.addi %add3A_1336, %mul3A_1335 : i32
      %add3A_1338 = arith.constant 0 : i32
      %add3A_1339 = arith.addi %add3A_1337, %add3A_1338 : i32
      %dma_wait3A_1340 = arith.constant 0 : i32
      %dma_wait3A_1341 = arith.constant 0 : i32
      %dma_wait3A_1342 = arith.constant 0 : i32
      %dma_wait3A_1343 = tpu.memref_slice %arg5[%dma_wait3A_1340, %dma_wait3A_1341, %dma_wait3A_1342] : memref<2x8x200xi32, #tpu.memory_space<vmem>> -> memref<1x8x200xi32, #tpu.memory_space<vmem>>
      %dma_wait3A_1344 = tpu.memref_squeeze %dma_wait3A_1343 : memref<1x8x200xi32, #tpu.memory_space<vmem>> -> memref<8x200xi32, #tpu.memory_space<vmem>>
      %dma_wait3A_1345 = arith.constant 0 : i32
      %dma_wait3A_1346 = arith.constant 0 : i32
      %dma_wait3A_1347 = tpu.memref_slice %arg2[%dma_wait3A_1345, %dma_wait3A_1346] : memref<16384x200xi32, #tpu.memory_space<hbm>> -> memref<8x200xi32, #tpu.memory_space<hbm>>
      %dma_wait3A_1348 = arith.constant 0 : i32
      %dma_wait3A_1349 = arith.constant 0 : i32
      %dma_wait3A_1350 = tpu.memref_slice %arg5[%dma_wait3A_1340, %dma_wait3A_1348, %dma_wait3A_1349] : memref<2x8x200xi32, #tpu.memory_space<vmem>> -> memref<1x8x200xi32, #tpu.memory_space<vmem>>
      %dma_wait3A_1351 = tpu.memref_squeeze %dma_wait3A_1350 : memref<1x8x200xi32, #tpu.memory_space<vmem>> -> memref<8x200xi32, #tpu.memory_space<vmem>>
      %dma_wait3A_1352 = arith.constant 0 : i32
      %dma_wait3A_1353 = arith.constant 0 : i32
      %dma_wait3A_1354 = tpu.memref_slice %arg2[%dma_wait3A_1352, %dma_wait3A_1353] : memref<16384x200xi32, #tpu.memory_space<hbm>> -> memref<8x200xi32, #tpu.memory_space<hbm>>
      tpu.wait_dma2 semaphore(%arg7 : memref<!tpu.dma_semaphore, #tpu.memory_space<semaphore_mem>>) src(%dma_wait3A_1354 : memref<8x200xi32, #tpu.memory_space<hbm>>) dst(%dma_wait3A_1351 : memref<8x200xi32, #tpu.memory_space<vmem>>)
      %dma_wait3A_1355 = arith.constant 0 : i32
      %dma_wait3A_1356 = arith.constant 0 : i32
      %dma_wait3A_1357 = arith.constant 0 : i32
      %dma_wait3A_1358 = arith.constant 0 : i32
      %dma_wait3A_1359 = tpu.memref_slice %arg6[%dma_wait3A_1355, %dma_wait3A_1356, %dma_wait3A_1357, %dma_wait3A_1358] : memref<2x2x200x128xf32, #tpu.memory_space<vmem>> -> memref<1x2x200x128xf32, #tpu.memory_space<vmem>>
      %dma_wait3A_1360 = tpu.memref_squeeze %dma_wait3A_1359 : memref<1x2x200x128xf32, #tpu.memory_space<vmem>> -> memref<2x200x128xf32, #tpu.memory_space<vmem>>
      %dma_wait3A_1361 = arith.constant 0 : i32
      %dma_wait3A_1362 = arith.constant 0 : i32
      %dma_wait3A_1363 = arith.constant 0 : i32
      %dma_wait3A_1364 = tpu.memref_slice %arg4[%dma_wait3A_1361, %dma_wait3A_1362, %dma_wait3A_1363] : memref<16384x200x128xf32, #tpu.memory_space<hbm>> -> memref<2x200x128xf32, #tpu.memory_space<hbm>>
      %dma_wait3A_1365 = arith.constant 0 : i32
      %dma_wait3A_1366 = arith.constant 0 : i32
      %dma_wait3A_1367 = arith.constant 0 : i32
      %dma_wait3A_1368 = tpu.memref_slice %arg4[%dma_wait3A_1365, %dma_wait3A_1366, %dma_wait3A_1367] : memref<16384x200x128xf32, #tpu.memory_space<hbm>> -> memref<2x200x128xf32, #tpu.memory_space<hbm>>
      %dma_wait3A_1369 = arith.constant 0 : i32
      %dma_wait3A_1370 = arith.constant 0 : i32
      %dma_wait3A_1371 = arith.constant 0 : i32
      %dma_wait3A_1372 = tpu.memref_slice %arg6[%dma_wait3A_1355, %dma_wait3A_1369, %dma_wait3A_1370, %dma_wait3A_1371] : memref<2x2x200x128xf32, #tpu.memory_space<vmem>> -> memref<1x2x200x128xf32, #tpu.memory_space<vmem>>
      %dma_wait3A_1373 = tpu.memref_squeeze %dma_wait3A_1372 : memref<1x2x200x128xf32, #tpu.memory_space<vmem>> -> memref<2x200x128xf32, #tpu.memory_space<vmem>>
      tpu.wait_dma2 semaphore(%arg11 : memref<!tpu.dma_semaphore, #tpu.memory_space<semaphore_mem>>) src(%dma_wait3A_1373 : memref<2x200x128xf32, #tpu.memory_space<vmem>>) dst(%dma_wait3A_1368 : memref<2x200x128xf32, #tpu.memory_space<hbm>>)
      %dma_start3A_1374 = arith.constant 0 : i32
      %dma_start3A_1375 = arith.constant 0 : i32
      %dma_start3A_1376 = arith.constant 0 : i32
      %dma_start3A_1377 = arith.constant 0 : i32
      %dma_start3A_1378 = arith.constant 0 : i32
      %dma_start3A_1379 = arith.constant 0 : i32
      %dma_start3A_1380 = tpu.memref_slice %arg6[%dma_start3A_1376, %dma_start3A_1377, %dma_start3A_1378, %dma_start3A_1379] : memref<2x2x200x128xf32, #tpu.memory_space<vmem>> -> memref<1x1x128x128xf32, #tpu.memory_space<vmem>>
      %dma_start3A_1381 = tpu.memref_squeeze %dma_start3A_1380 : memref<1x1x128x128xf32, #tpu.memory_space<vmem>> -> memref<128x128xf32, #tpu.memory_space<vmem>>
      %dma_start3A_1382 = arith.constant 0 : i32
      %dma_start3A_1383 = tpu.memref_slice %arg5[%dma_start3A_1374, %dma_start3A_1375, %dma_start3A_1382] : memref<2x8x200xi32, #tpu.memory_space<vmem>> -> memref<1x1x128xi32, #tpu.memory_space<vmem>>
      %dma_start3A_1384 = tpu.memref_squeeze %dma_start3A_1383 : memref<1x1x128xi32, #tpu.memory_space<vmem>> -> memref<128xi32, #tpu.memory_space<vmem>>
      %dma_start3A_1385 = arith.constant 0 : i32
      %dma_start3A_1386 = arith.constant 0 : i32
      %dma_start3A_1387 = tpu.memref_slice %arg3[%dma_start3A_1385, %dma_start3A_1386] : memref<1000000x128xf32, #tpu.memory_space<hbm>> -> memref<1000000x128xf32, #tpu.memory_space<hbm>>
      tpu.enqueue_indirect_dma source(%dma_start3A_1387 : memref<1000000x128xf32, #tpu.memory_space<hbm>>) target(%dma_start3A_1381 : memref<128x128xf32, #tpu.memory_space<vmem>>) offsets(%dma_start3A_1384 : memref<128xi32, #tpu.memory_space<vmem>>) semaphore(%arg9 : memref<!tpu.dma_semaphore, #tpu.memory_space<semaphore_mem>>)
      %dma_start3A_1388 = arith.constant 0 : i32
      %dma_start3A_1389 = arith.constant 0 : i32
      %dma_start3A_1390 = arith.constant 0 : i32
      %dma_start3A_1391 = arith.constant 0 : i32
      %dma_start3A_1392 = arith.constant 128 : i32
      %dma_start3A_1393 = arith.constant 0 : i32
      %dma_start3A_1394 = tpu.memref_slice %arg6[%dma_start3A_1390, %dma_start3A_1391, %dma_start3A_1392, %dma_start3A_1393] : memref<2x2x200x128xf32, #tpu.memory_space<vmem>> -> memref<1x1x72x128xf32, #tpu.memory_space<vmem>>
      %dma_start3A_1395 = tpu.memref_squeeze %dma_start3A_1394 : memref<1x1x72x128xf32, #tpu.memory_space<vmem>> -> memref<72x128xf32, #tpu.memory_space<vmem>>
      %dma_start3A_1396 = arith.constant 128 : i32
      %dma_start3A_1397 = tpu.memref_slice %arg5[%dma_start3A_1388, %dma_start3A_1389, %dma_start3A_1396] : memref<2x8x200xi32, #tpu.memory_space<vmem>> -> memref<1x1x72xi32, #tpu.memory_space<vmem>>
      %dma_start3A_1398 = tpu.memref_squeeze %dma_start3A_1397 : memref<1x1x72xi32, #tpu.memory_space<vmem>> -> memref<72xi32, #tpu.memory_space<vmem>>
      %dma_start3A_1399 = arith.constant 0 : i32
      %dma_start3A_1400 = arith.constant 0 : i32
      %dma_start3A_1401 = tpu.memref_slice %arg3[%dma_start3A_1399, %dma_start3A_1400] : memref<1000000x128xf32, #tpu.memory_space<hbm>> -> memref<1000000x128xf32, #tpu.memory_space<hbm>>
      tpu.enqueue_indirect_dma source(%dma_start3A_1401 : memref<1000000x128xf32, #tpu.memory_space<hbm>>) target(%dma_start3A_1395 : memref<72x128xf32, #tpu.memory_space<vmem>>) offsets(%dma_start3A_1398 : memref<72xi32, #tpu.memory_space<vmem>>) semaphore(%arg9 : memref<!tpu.dma_semaphore, #tpu.memory_space<semaphore_mem>>)
      %dma_start3A_1402 = arith.constant 0 : i32
      %dma_start3A_1403 = arith.constant 1 : i32
      %dma_start3A_1404 = arith.constant 0 : i32
      %dma_start3A_1405 = arith.constant 1 : i32
      %dma_start3A_1406 = arith.constant 0 : i32
      %dma_start3A_1407 = arith.constant 0 : i32
      %dma_start3A_1408 = tpu.memref_slice %arg6[%dma_start3A_1404, %dma_start3A_1405, %dma_start3A_1406, %dma_start3A_1407] : memref<2x2x200x128xf32, #tpu.memory_space<vmem>> -> memref<1x1x128x128xf32, #tpu.memory_space<vmem>>
      %dma_start3A_1409 = tpu.memref_squeeze %dma_start3A_1408 : memref<1x1x128x128xf32, #tpu.memory_space<vmem>> -> memref<128x128xf32, #tpu.memory_space<vmem>>
      %dma_start3A_1410 = arith.constant 0 : i32
      %dma_start3A_1411 = tpu.memref_slice %arg5[%dma_start3A_1402, %dma_start3A_1403, %dma_start3A_1410] : memref<2x8x200xi32, #tpu.memory_space<vmem>> -> memref<1x1x128xi32, #tpu.memory_space<vmem>>
      %dma_start3A_1412 = tpu.memref_squeeze %dma_start3A_1411 : memref<1x1x128xi32, #tpu.memory_space<vmem>> -> memref<128xi32, #tpu.memory_space<vmem>>
      %dma_start3A_1413 = arith.constant 0 : i32
      %dma_start3A_1414 = arith.constant 0 : i32
      %dma_start3A_1415 = tpu.memref_slice %arg3[%dma_start3A_1413, %dma_start3A_1414] : memref<1000000x128xf32, #tpu.memory_space<hbm>> -> memref<1000000x128xf32, #tpu.memory_space<hbm>>
      tpu.enqueue_indirect_dma source(%dma_start3A_1415 : memref<1000000x128xf32, #tpu.memory_space<hbm>>) target(%dma_start3A_1409 : memref<128x128xf32, #tpu.memory_space<vmem>>) offsets(%dma_start3A_1412 : memref<128xi32, #tpu.memory_space<vmem>>) semaphore(%arg9 : memref<!tpu.dma_semaphore, #tpu.memory_space<semaphore_mem>>)
      %dma_start3A_1416 = arith.constant 0 : i32
      %dma_start3A_1417 = arith.constant 1 : i32
      %dma_start3A_1418 = arith.constant 0 : i32
      %dma_start3A_1419 = arith.constant 1 : i32
      %dma_start3A_1420 = arith.constant 128 : i32
      %dma_start3A_1421 = arith.constant 0 : i32
      %dma_start3A_1422 = tpu.memref_slice %arg6[%dma_start3A_1418, %dma_start3A_1419, %dma_start3A_1420, %dma_start3A_1421] : memref<2x2x200x128xf32, #tpu.memory_space<vmem>> -> memref<1x1x72x128xf32, #tpu.memory_space<vmem>>
      %dma_start3A_1423 = tpu.memref_squeeze %dma_start3A_1422 : memref<1x1x72x128xf32, #tpu.memory_space<vmem>> -> memref<72x128xf32, #tpu.memory_space<vmem>>
      %dma_start3A_1424 = arith.constant 128 : i32
      %dma_start3A_1425 = tpu.memref_slice %arg5[%dma_start3A_1416, %dma_start3A_1417, %dma_start3A_1424] : memref<2x8x200xi32, #tpu.memory_space<vmem>> -> memref<1x1x72xi32, #tpu.memory_space<vmem>>
      %dma_start3A_1426 = tpu.memref_squeeze %dma_start3A_1425 : memref<1x1x72xi32, #tpu.memory_space<vmem>> -> memref<72xi32, #tpu.memory_space<vmem>>
      %dma_start3A_1427 = arith.constant 0 : i32
      %dma_start3A_1428 = arith.constant 0 : i32
      %dma_start3A_1429 = tpu.memref_slice %arg3[%dma_start3A_1427, %dma_start3A_1428] : memref<1000000x128xf32, #tpu.memory_space<hbm>> -> memref<1000000x128xf32, #tpu.memory_space<hbm>>
      tpu.enqueue_indirect_dma source(%dma_start3A_1429 : memref<1000000x128xf32, #tpu.memory_space<hbm>>) target(%dma_start3A_1423 : memref<72x128xf32, #tpu.memory_space<vmem>>) offsets(%dma_start3A_1426 : memref<72xi32, #tpu.memory_space<vmem>>) semaphore(%arg9 : memref<!tpu.dma_semaphore, #tpu.memory_space<semaphore_mem>>)
      %dma_wait3A_1430 = arith.constant 0 : i32
      %dma_wait3A_1431 = arith.constant 0 : i32
      %dma_wait3A_1432 = arith.constant 0 : i32
      %dma_wait3A_1433 = arith.constant 0 : i32
      %dma_wait3A_1434 = arith.constant 0 : i32
      %dma_wait3A_1435 = arith.constant 0 : i32
      %dma_wait3A_1436 = tpu.memref_slice %arg6[%dma_wait3A_1432, %dma_wait3A_1433, %dma_wait3A_1434, %dma_wait3A_1435] : memref<2x2x200x128xf32, #tpu.memory_space<vmem>> -> memref<1x1x128x128xf32, #tpu.memory_space<vmem>>
      %dma_wait3A_1437 = tpu.memref_squeeze %dma_wait3A_1436 : memref<1x1x128x128xf32, #tpu.memory_space<vmem>> -> memref<128x128xf32, #tpu.memory_space<vmem>>
      %dma_wait3A_1438 = arith.constant 0 : i32
      %dma_wait3A_1439 = tpu.memref_slice %arg5[%dma_wait3A_1430, %dma_wait3A_1431, %dma_wait3A_1438] : memref<2x8x200xi32, #tpu.memory_space<vmem>> -> memref<1x1x128xi32, #tpu.memory_space<vmem>>
      %dma_wait3A_1440 = tpu.memref_squeeze %dma_wait3A_1439 : memref<1x1x128xi32, #tpu.memory_space<vmem>> -> memref<128xi32, #tpu.memory_space<vmem>>
      %dma_wait3A_1441 = arith.constant 0 : i32
      %dma_wait3A_1442 = arith.constant 0 : i32
      %dma_wait3A_1443 = tpu.memref_slice %arg3[%dma_wait3A_1441, %dma_wait3A_1442] : memref<1000000x128xf32, #tpu.memory_space<hbm>> -> memref<1000000x128xf32, #tpu.memory_space<hbm>>
      tpu.wait_indirect_dma semaphore(%arg9 : memref<!tpu.dma_semaphore, #tpu.memory_space<semaphore_mem>>) src(%dma_wait3A_1443 : memref<1000000x128xf32, #tpu.memory_space<hbm>>) dst(%dma_wait3A_1437 : memref<128x128xf32, #tpu.memory_space<vmem>>)
      %dma_wait3A_1444 = arith.constant 0 : i32
      %dma_wait3A_1445 = arith.constant 0 : i32
      %dma_wait3A_1446 = arith.constant 0 : i32
      %dma_wait3A_1447 = arith.constant 0 : i32
      %dma_wait3A_1448 = arith.constant 128 : i32
      %dma_wait3A_1449 = arith.constant 0 : i32
      %dma_wait3A_1450 = tpu.memref_slice %arg6[%dma_wait3A_1446, %dma_wait3A_1447, %dma_wait3A_1448, %dma_wait3A_1449] : memref<2x2x200x128xf32, #tpu.memory_space<vmem>> -> memref<1x1x72x128xf32, #tpu.memory_space<vmem>>
      %dma_wait3A_1451 = tpu.memref_squeeze %dma_wait3A_1450 : memref<1x1x72x128xf32, #tpu.memory_space<vmem>> -> memref<72x128xf32, #tpu.memory_space<vmem>>
      %dma_wait3A_1452 = arith.constant 128 : i32
      %dma_wait3A_1453 = tpu.memref_slice %arg5[%dma_wait3A_1444, %dma_wait3A_1445, %dma_wait3A_1452] : memref<2x8x200xi32, #tpu.memory_space<vmem>> -> memref<1x1x72xi32, #tpu.memory_space<vmem>>
      %dma_wait3A_1454 = tpu.memref_squeeze %dma_wait3A_1453 : memref<1x1x72xi32, #tpu.memory_space<vmem>> -> memref<72xi32, #tpu.memory_space<vmem>>
      %dma_wait3A_1455 = arith.constant 0 : i32
      %dma_wait3A_1456 = arith.constant 0 : i32
      %dma_wait3A_1457 = tpu.memref_slice %arg3[%dma_wait3A_1455, %dma_wait3A_1456] : memref<1000000x128xf32, #tpu.memory_space<hbm>> -> memref<1000000x128xf32, #tpu.memory_space<hbm>>
      tpu.wait_indirect_dma semaphore(%arg9 : memref<!tpu.dma_semaphore, #tpu.memory_space<semaphore_mem>>) src(%dma_wait3A_1457 : memref<1000000x128xf32, #tpu.memory_space<hbm>>) dst(%dma_wait3A_1451 : memref<72x128xf32, #tpu.memory_space<vmem>>)
      %dma_wait3A_1458 = arith.constant 0 : i32
      %dma_wait3A_1459 = arith.constant 1 : i32
      %dma_wait3A_1460 = arith.constant 0 : i32
      %dma_wait3A_1461 = arith.constant 1 : i32
      %dma_wait3A_1462 = arith.constant 0 : i32
      %dma_wait3A_1463 = arith.constant 0 : i32
      %dma_wait3A_1464 = tpu.memref_slice %arg6[%dma_wait3A_1460, %dma_wait3A_1461, %dma_wait3A_1462, %dma_wait3A_1463] : memref<2x2x200x128xf32, #tpu.memory_space<vmem>> -> memref<1x1x128x128xf32, #tpu.memory_space<vmem>>
      %dma_wait3A_1465 = tpu.memref_squeeze %dma_wait3A_1464 : memref<1x1x128x128xf32, #tpu.memory_space<vmem>> -> memref<128x128xf32, #tpu.memory_space<vmem>>
      %dma_wait3A_1466 = arith.constant 0 : i32
      %dma_wait3A_1467 = tpu.memref_slice %arg5[%dma_wait3A_1458, %dma_wait3A_1459, %dma_wait3A_1466] : memref<2x8x200xi32, #tpu.memory_space<vmem>> -> memref<1x1x128xi32, #tpu.memory_space<vmem>>
      %dma_wait3A_1468 = tpu.memref_squeeze %dma_wait3A_1467 : memref<1x1x128xi32, #tpu.memory_space<vmem>> -> memref<128xi32, #tpu.memory_space<vmem>>
      %dma_wait3A_1469 = arith.constant 0 : i32
      %dma_wait3A_1470 = arith.constant 0 : i32
      %dma_wait3A_1471 = tpu.memref_slice %arg3[%dma_wait3A_1469, %dma_wait3A_1470] : memref<1000000x128xf32, #tpu.memory_space<hbm>> -> memref<1000000x128xf32, #tpu.memory_space<hbm>>
      tpu.wait_indirect_dma semaphore(%arg9 : memref<!tpu.dma_semaphore, #tpu.memory_space<semaphore_mem>>) src(%dma_wait3A_1471 : memref<1000000x128xf32, #tpu.memory_space<hbm>>) dst(%dma_wait3A_1465 : memref<128x128xf32, #tpu.memory_space<vmem>>)
      %dma_wait3A_1472 = arith.constant 0 : i32
      %dma_wait3A_1473 = arith.constant 1 : i32
      %dma_wait3A_1474 = arith.constant 0 : i32
      %dma_wait3A_1475 = arith.constant 1 : i32
      %dma_wait3A_1476 = arith.constant 128 : i32
      %dma_wait3A_1477 = arith.constant 0 : i32
      %dma_wait3A_1478 = tpu.memref_slice %arg6[%dma_wait3A_1474, %dma_wait3A_1475, %dma_wait3A_1476, %dma_wait3A_1477] : memref<2x2x200x128xf32, #tpu.memory_space<vmem>> -> memref<1x1x72x128xf32, #tpu.memory_space<vmem>>
      %dma_wait3A_1479 = tpu.memref_squeeze %dma_wait3A_1478 : memref<1x1x72x128xf32, #tpu.memory_space<vmem>> -> memref<72x128xf32, #tpu.memory_space<vmem>>
      %dma_wait3A_1480 = arith.constant 128 : i32
      %dma_wait3A_1481 = tpu.memref_slice %arg5[%dma_wait3A_1472, %dma_wait3A_1473, %dma_wait3A_1480] : memref<2x8x200xi32, #tpu.memory_space<vmem>> -> memref<1x1x72xi32, #tpu.memory_space<vmem>>
      %dma_wait3A_1482 = tpu.memref_squeeze %dma_wait3A_1481 : memref<1x1x72xi32, #tpu.memory_space<vmem>> -> memref<72xi32, #tpu.memory_space<vmem>>
      %dma_wait3A_1483 = arith.constant 0 : i32
      %dma_wait3A_1484 = arith.constant 0 : i32
      %dma_wait3A_1485 = tpu.memref_slice %arg3[%dma_wait3A_1483, %dma_wait3A_1484] : memref<1000000x128xf32, #tpu.memory_space<hbm>> -> memref<1000000x128xf32, #tpu.memory_space<hbm>>
      tpu.wait_indirect_dma semaphore(%arg9 : memref<!tpu.dma_semaphore, #tpu.memory_space<semaphore_mem>>) src(%dma_wait3A_1485 : memref<1000000x128xf32, #tpu.memory_space<hbm>>) dst(%dma_wait3A_1479 : memref<72x128xf32, #tpu.memory_space<vmem>>)
      %mul3A_1486 = arith.constant 4 : i32
      %mul3A_1487 = arith.muli %add3A_1339, %mul3A_1486 : i32
      %add3A_1488 = arith.constant 0 : i32
      %add3A_1489 = arith.addi %mul3A_1487, %add3A_1488 : i32
      %mul3A_1490 = arith.constant 2 : i32
      %mul3A_1491 = arith.muli %add3A_1489, %mul3A_1490 : i32
      %add3A_1492 = arith.addi %mul3A_2, %mul3A_1491 : i32
      %dma_start3A_1493 = arith.constant 0 : i32
      %dma_start3A_1494 = arith.constant 0 : i32
      %dma_start3A_1495 = arith.constant 0 : i32
      %dma_start3A_1496 = arith.constant 0 : i32
      %dma_start3A_1497 = tpu.memref_slice %arg6[%dma_start3A_1493, %dma_start3A_1494, %dma_start3A_1495, %dma_start3A_1496] : memref<2x2x200x128xf32, #tpu.memory_space<vmem>> -> memref<1x2x200x128xf32, #tpu.memory_space<vmem>>
      %dma_start3A_1498 = tpu.memref_squeeze %dma_start3A_1497 : memref<1x2x200x128xf32, #tpu.memory_space<vmem>> -> memref<2x200x128xf32, #tpu.memory_space<vmem>>
      %dma_start3A_1499 = arith.constant 0 : i32
      %dma_start3A_1500 = arith.constant 0 : i32
      %dma_start3A_1501 = tpu.memref_slice %arg4[%add3A_1492, %dma_start3A_1499, %dma_start3A_1500] : memref<16384x200x128xf32, #tpu.memory_space<hbm>> -> memref<2x200x128xf32, #tpu.memory_space<hbm>>
      %dma_start3A_1502 = arith.constant 0 : i32
      %dma_start3A_1503 = arith.constant 0 : i32
      %dma_start3A_1504 = tpu.memref_slice %arg4[%add3A_1492, %dma_start3A_1502, %dma_start3A_1503] : memref<16384x200x128xf32, #tpu.memory_space<hbm>> -> memref<2x200x128xf32, #tpu.memory_space<hbm>>
      %dma_start3A_1505 = arith.constant 0 : i32
      %dma_start3A_1506 = arith.constant 0 : i32
      %dma_start3A_1507 = arith.constant 0 : i32
      %dma_start3A_1508 = tpu.memref_slice %arg6[%dma_start3A_1493, %dma_start3A_1505, %dma_start3A_1506, %dma_start3A_1507] : memref<2x2x200x128xf32, #tpu.memory_space<vmem>> -> memref<1x2x200x128xf32, #tpu.memory_space<vmem>>
      %dma_start3A_1509 = tpu.memref_squeeze %dma_start3A_1508 : memref<1x2x200x128xf32, #tpu.memory_space<vmem>> -> memref<2x200x128xf32, #tpu.memory_space<vmem>>
      tpu.enqueue_dma source(%dma_start3A_1509 : memref<2x200x128xf32, #tpu.memory_space<vmem>>) target(%dma_start3A_1504 : memref<2x200x128xf32, #tpu.memory_space<hbm>>) target_semaphore(%arg11 : memref<!tpu.dma_semaphore, #tpu.memory_space<semaphore_mem>>)
      %dma_wait3A_1510 = arith.constant 1 : i32
      %dma_wait3A_1511 = arith.constant 0 : i32
      %dma_wait3A_1512 = arith.constant 0 : i32
      %dma_wait3A_1513 = arith.constant 0 : i32
      %dma_wait3A_1514 = tpu.memref_slice %arg6[%dma_wait3A_1510, %dma_wait3A_1511, %dma_wait3A_1512, %dma_wait3A_1513] : memref<2x2x200x128xf32, #tpu.memory_space<vmem>> -> memref<1x2x200x128xf32, #tpu.memory_space<vmem>>
      %dma_wait3A_1515 = tpu.memref_squeeze %dma_wait3A_1514 : memref<1x2x200x128xf32, #tpu.memory_space<vmem>> -> memref<2x200x128xf32, #tpu.memory_space<vmem>>
      %dma_wait3A_1516 = arith.constant 0 : i32
      %dma_wait3A_1517 = arith.constant 0 : i32
      %dma_wait3A_1518 = arith.constant 0 : i32
      %dma_wait3A_1519 = tpu.memref_slice %arg4[%dma_wait3A_1516, %dma_wait3A_1517, %dma_wait3A_1518] : memref<16384x200x128xf32, #tpu.memory_space<hbm>> -> memref<2x200x128xf32, #tpu.memory_space<hbm>>
      %dma_wait3A_1520 = arith.constant 0 : i32
      %dma_wait3A_1521 = arith.constant 0 : i32
      %dma_wait3A_1522 = arith.constant 0 : i32
      %dma_wait3A_1523 = tpu.memref_slice %arg4[%dma_wait3A_1520, %dma_wait3A_1521, %dma_wait3A_1522] : memref<16384x200x128xf32, #tpu.memory_space<hbm>> -> memref<2x200x128xf32, #tpu.memory_space<hbm>>
      %dma_wait3A_1524 = arith.constant 0 : i32
      %dma_wait3A_1525 = arith.constant 0 : i32
      %dma_wait3A_1526 = arith.constant 0 : i32
      %dma_wait3A_1527 = tpu.memref_slice %arg6[%dma_wait3A_1510, %dma_wait3A_1524, %dma_wait3A_1525, %dma_wait3A_1526] : memref<2x2x200x128xf32, #tpu.memory_space<vmem>> -> memref<1x2x200x128xf32, #tpu.memory_space<vmem>>
      %dma_wait3A_1528 = tpu.memref_squeeze %dma_wait3A_1527 : memref<1x2x200x128xf32, #tpu.memory_space<vmem>> -> memref<2x200x128xf32, #tpu.memory_space<vmem>>
      tpu.wait_dma2 semaphore(%arg12 : memref<!tpu.dma_semaphore, #tpu.memory_space<semaphore_mem>>) src(%dma_wait3A_1528 : memref<2x200x128xf32, #tpu.memory_space<vmem>>) dst(%dma_wait3A_1523 : memref<2x200x128xf32, #tpu.memory_space<hbm>>)
      %dma_start3A_1529 = arith.constant 0 : i32
      %dma_start3A_1530 = arith.constant 2 : i32
      %dma_start3A_1531 = arith.constant 1 : i32
      %dma_start3A_1532 = arith.constant 0 : i32
      %dma_start3A_1533 = arith.constant 0 : i32
      %dma_start3A_1534 = arith.constant 0 : i32
      %dma_start3A_1535 = tpu.memref_slice %arg6[%dma_start3A_1531, %dma_start3A_1532, %dma_start3A_1533, %dma_start3A_1534] : memref<2x2x200x128xf32, #tpu.memory_space<vmem>> -> memref<1x1x128x128xf32, #tpu.memory_space<vmem>>
      %dma_start3A_1536 = tpu.memref_squeeze %dma_start3A_1535 : memref<1x1x128x128xf32, #tpu.memory_space<vmem>> -> memref<128x128xf32, #tpu.memory_space<vmem>>
      %dma_start3A_1537 = arith.constant 0 : i32
      %dma_start3A_1538 = tpu.memref_slice %arg5[%dma_start3A_1529, %dma_start3A_1530, %dma_start3A_1537] : memref<2x8x200xi32, #tpu.memory_space<vmem>> -> memref<1x1x128xi32, #tpu.memory_space<vmem>>
      %dma_start3A_1539 = tpu.memref_squeeze %dma_start3A_1538 : memref<1x1x128xi32, #tpu.memory_space<vmem>> -> memref<128xi32, #tpu.memory_space<vmem>>
      %dma_start3A_1540 = arith.constant 0 : i32
      %dma_start3A_1541 = arith.constant 0 : i32
      %dma_start3A_1542 = tpu.memref_slice %arg3[%dma_start3A_1540, %dma_start3A_1541] : memref<1000000x128xf32, #tpu.memory_space<hbm>> -> memref<1000000x128xf32, #tpu.memory_space<hbm>>
      tpu.enqueue_indirect_dma source(%dma_start3A_1542 : memref<1000000x128xf32, #tpu.memory_space<hbm>>) target(%dma_start3A_1536 : memref<128x128xf32, #tpu.memory_space<vmem>>) offsets(%dma_start3A_1539 : memref<128xi32, #tpu.memory_space<vmem>>) semaphore(%arg10 : memref<!tpu.dma_semaphore, #tpu.memory_space<semaphore_mem>>)
      %dma_start3A_1543 = arith.constant 0 : i32
      %dma_start3A_1544 = arith.constant 2 : i32
      %dma_start3A_1545 = arith.constant 1 : i32
      %dma_start3A_1546 = arith.constant 0 : i32
      %dma_start3A_1547 = arith.constant 128 : i32
      %dma_start3A_1548 = arith.constant 0 : i32
      %dma_start3A_1549 = tpu.memref_slice %arg6[%dma_start3A_1545, %dma_start3A_1546, %dma_start3A_1547, %dma_start3A_1548] : memref<2x2x200x128xf32, #tpu.memory_space<vmem>> -> memref<1x1x72x128xf32, #tpu.memory_space<vmem>>
      %dma_start3A_1550 = tpu.memref_squeeze %dma_start3A_1549 : memref<1x1x72x128xf32, #tpu.memory_space<vmem>> -> memref<72x128xf32, #tpu.memory_space<vmem>>
      %dma_start3A_1551 = arith.constant 128 : i32
      %dma_start3A_1552 = tpu.memref_slice %arg5[%dma_start3A_1543, %dma_start3A_1544, %dma_start3A_1551] : memref<2x8x200xi32, #tpu.memory_space<vmem>> -> memref<1x1x72xi32, #tpu.memory_space<vmem>>
      %dma_start3A_1553 = tpu.memref_squeeze %dma_start3A_1552 : memref<1x1x72xi32, #tpu.memory_space<vmem>> -> memref<72xi32, #tpu.memory_space<vmem>>
      %dma_start3A_1554 = arith.constant 0 : i32
      %dma_start3A_1555 = arith.constant 0 : i32
      %dma_start3A_1556 = tpu.memref_slice %arg3[%dma_start3A_1554, %dma_start3A_1555] : memref<1000000x128xf32, #tpu.memory_space<hbm>> -> memref<1000000x128xf32, #tpu.memory_space<hbm>>
      tpu.enqueue_indirect_dma source(%dma_start3A_1556 : memref<1000000x128xf32, #tpu.memory_space<hbm>>) target(%dma_start3A_1550 : memref<72x128xf32, #tpu.memory_space<vmem>>) offsets(%dma_start3A_1553 : memref<72xi32, #tpu.memory_space<vmem>>) semaphore(%arg10 : memref<!tpu.dma_semaphore, #tpu.memory_space<semaphore_mem>>)
      %dma_start3A_1557 = arith.constant 0 : i32
      %dma_start3A_1558 = arith.constant 3 : i32
      %dma_start3A_1559 = arith.constant 1 : i32
      %dma_start3A_1560 = arith.constant 1 : i32
      %dma_start3A_1561 = arith.constant 0 : i32
      %dma_start3A_1562 = arith.constant 0 : i32
      %dma_start3A_1563 = tpu.memref_slice %arg6[%dma_start3A_1559, %dma_start3A_1560, %dma_start3A_1561, %dma_start3A_1562] : memref<2x2x200x128xf32, #tpu.memory_space<vmem>> -> memref<1x1x128x128xf32, #tpu.memory_space<vmem>>
      %dma_start3A_1564 = tpu.memref_squeeze %dma_start3A_1563 : memref<1x1x128x128xf32, #tpu.memory_space<vmem>> -> memref<128x128xf32, #tpu.memory_space<vmem>>
      %dma_start3A_1565 = arith.constant 0 : i32
      %dma_start3A_1566 = tpu.memref_slice %arg5[%dma_start3A_1557, %dma_start3A_1558, %dma_start3A_1565] : memref<2x8x200xi32, #tpu.memory_space<vmem>> -> memref<1x1x128xi32, #tpu.memory_space<vmem>>
      %dma_start3A_1567 = tpu.memref_squeeze %dma_start3A_1566 : memref<1x1x128xi32, #tpu.memory_space<vmem>> -> memref<128xi32, #tpu.memory_space<vmem>>
      %dma_start3A_1568 = arith.constant 0 : i32
      %dma_start3A_1569 = arith.constant 0 : i32
      %dma_start3A_1570 = tpu.memref_slice %arg3[%dma_start3A_1568, %dma_start3A_1569] : memref<1000000x128xf32, #tpu.memory_space<hbm>> -> memref<1000000x128xf32, #tpu.memory_space<hbm>>
      tpu.enqueue_indirect_dma source(%dma_start3A_1570 : memref<1000000x128xf32, #tpu.memory_space<hbm>>) target(%dma_start3A_1564 : memref<128x128xf32, #tpu.memory_space<vmem>>) offsets(%dma_start3A_1567 : memref<128xi32, #tpu.memory_space<vmem>>) semaphore(%arg10 : memref<!tpu.dma_semaphore, #tpu.memory_space<semaphore_mem>>)
      %dma_start3A_1571 = arith.constant 0 : i32
      %dma_start3A_1572 = arith.constant 3 : i32
      %dma_start3A_1573 = arith.constant 1 : i32
      %dma_start3A_1574 = arith.constant 1 : i32
      %dma_start3A_1575 = arith.constant 128 : i32
      %dma_start3A_1576 = arith.constant 0 : i32
      %dma_start3A_1577 = tpu.memref_slice %arg6[%dma_start3A_1573, %dma_start3A_1574, %dma_start3A_1575, %dma_start3A_1576] : memref<2x2x200x128xf32, #tpu.memory_space<vmem>> -> memref<1x1x72x128xf32, #tpu.memory_space<vmem>>
      %dma_start3A_1578 = tpu.memref_squeeze %dma_start3A_1577 : memref<1x1x72x128xf32, #tpu.memory_space<vmem>> -> memref<72x128xf32, #tpu.memory_space<vmem>>
      %dma_start3A_1579 = arith.constant 128 : i32
      %dma_start3A_1580 = tpu.memref_slice %arg5[%dma_start3A_1571, %dma_start3A_1572, %dma_start3A_1579] : memref<2x8x200xi32, #tpu.memory_space<vmem>> -> memref<1x1x72xi32, #tpu.memory_space<vmem>>
      %dma_start3A_1581 = tpu.memref_squeeze %dma_start3A_1580 : memref<1x1x72xi32, #tpu.memory_space<vmem>> -> memref<72xi32, #tpu.memory_space<vmem>>
      %dma_start3A_1582 = arith.constant 0 : i32
      %dma_start3A_1583 = arith.constant 0 : i32
      %dma_start3A_1584 = tpu.memref_slice %arg3[%dma_start3A_1582, %dma_start3A_1583] : memref<1000000x128xf32, #tpu.memory_space<hbm>> -> memref<1000000x128xf32, #tpu.memory_space<hbm>>
      tpu.enqueue_indirect_dma source(%dma_start3A_1584 : memref<1000000x128xf32, #tpu.memory_space<hbm>>) target(%dma_start3A_1578 : memref<72x128xf32, #tpu.memory_space<vmem>>) offsets(%dma_start3A_1581 : memref<72xi32, #tpu.memory_space<vmem>>) semaphore(%arg10 : memref<!tpu.dma_semaphore, #tpu.memory_space<semaphore_mem>>)
      %dma_wait3A_1585 = arith.constant 0 : i32
      %dma_wait3A_1586 = arith.constant 2 : i32
      %dma_wait3A_1587 = arith.constant 1 : i32
      %dma_wait3A_1588 = arith.constant 0 : i32
      %dma_wait3A_1589 = arith.constant 0 : i32
      %dma_wait3A_1590 = arith.constant 0 : i32
      %dma_wait3A_1591 = tpu.memref_slice %arg6[%dma_wait3A_1587, %dma_wait3A_1588, %dma_wait3A_1589, %dma_wait3A_1590] : memref<2x2x200x128xf32, #tpu.memory_space<vmem>> -> memref<1x1x128x128xf32, #tpu.memory_space<vmem>>
      %dma_wait3A_1592 = tpu.memref_squeeze %dma_wait3A_1591 : memref<1x1x128x128xf32, #tpu.memory_space<vmem>> -> memref<128x128xf32, #tpu.memory_space<vmem>>
      %dma_wait3A_1593 = arith.constant 0 : i32
      %dma_wait3A_1594 = tpu.memref_slice %arg5[%dma_wait3A_1585, %dma_wait3A_1586, %dma_wait3A_1593] : memref<2x8x200xi32, #tpu.memory_space<vmem>> -> memref<1x1x128xi32, #tpu.memory_space<vmem>>
      %dma_wait3A_1595 = tpu.memref_squeeze %dma_wait3A_1594 : memref<1x1x128xi32, #tpu.memory_space<vmem>> -> memref<128xi32, #tpu.memory_space<vmem>>
      %dma_wait3A_1596 = arith.constant 0 : i32
      %dma_wait3A_1597 = arith.constant 0 : i32
      %dma_wait3A_1598 = tpu.memref_slice %arg3[%dma_wait3A_1596, %dma_wait3A_1597] : memref<1000000x128xf32, #tpu.memory_space<hbm>> -> memref<1000000x128xf32, #tpu.memory_space<hbm>>
      tpu.wait_indirect_dma semaphore(%arg10 : memref<!tpu.dma_semaphore, #tpu.memory_space<semaphore_mem>>) src(%dma_wait3A_1598 : memref<1000000x128xf32, #tpu.memory_space<hbm>>) dst(%dma_wait3A_1592 : memref<128x128xf32, #tpu.memory_space<vmem>>)
      %dma_wait3A_1599 = arith.constant 0 : i32
      %dma_wait3A_1600 = arith.constant 2 : i32
      %dma_wait3A_1601 = arith.constant 1 : i32
      %dma_wait3A_1602 = arith.constant 0 : i32
      %dma_wait3A_1603 = arith.constant 128 : i32
      %dma_wait3A_1604 = arith.constant 0 : i32
      %dma_wait3A_1605 = tpu.memref_slice %arg6[%dma_wait3A_1601, %dma_wait3A_1602, %dma_wait3A_1603, %dma_wait3A_1604] : memref<2x2x200x128xf32, #tpu.memory_space<vmem>> -> memref<1x1x72x128xf32, #tpu.memory_space<vmem>>
      %dma_wait3A_1606 = tpu.memref_squeeze %dma_wait3A_1605 : memref<1x1x72x128xf32, #tpu.memory_space<vmem>> -> memref<72x128xf32, #tpu.memory_space<vmem>>
      %dma_wait3A_1607 = arith.constant 128 : i32
      %dma_wait3A_1608 = tpu.memref_slice %arg5[%dma_wait3A_1599, %dma_wait3A_1600, %dma_wait3A_1607] : memref<2x8x200xi32, #tpu.memory_space<vmem>> -> memref<1x1x72xi32, #tpu.memory_space<vmem>>
      %dma_wait3A_1609 = tpu.memref_squeeze %dma_wait3A_1608 : memref<1x1x72xi32, #tpu.memory_space<vmem>> -> memref<72xi32, #tpu.memory_space<vmem>>
      %dma_wait3A_1610 = arith.constant 0 : i32
      %dma_wait3A_1611 = arith.constant 0 : i32
      %dma_wait3A_1612 = tpu.memref_slice %arg3[%dma_wait3A_1610, %dma_wait3A_1611] : memref<1000000x128xf32, #tpu.memory_space<hbm>> -> memref<1000000x128xf32, #tpu.memory_space<hbm>>
      tpu.wait_indirect_dma semaphore(%arg10 : memref<!tpu.dma_semaphore, #tpu.memory_space<semaphore_mem>>) src(%dma_wait3A_1612 : memref<1000000x128xf32, #tpu.memory_space<hbm>>) dst(%dma_wait3A_1606 : memref<72x128xf32, #tpu.memory_space<vmem>>)
      %dma_wait3A_1613 = arith.constant 0 : i32
      %dma_wait3A_1614 = arith.constant 3 : i32
      %dma_wait3A_1615 = arith.constant 1 : i32
      %dma_wait3A_1616 = arith.constant 1 : i32
      %dma_wait3A_1617 = arith.constant 0 : i32
      %dma_wait3A_1618 = arith.constant 0 : i32
      %dma_wait3A_1619 = tpu.memref_slice %arg6[%dma_wait3A_1615, %dma_wait3A_1616, %dma_wait3A_1617, %dma_wait3A_1618] : memref<2x2x200x128xf32, #tpu.memory_space<vmem>> -> memref<1x1x128x128xf32, #tpu.memory_space<vmem>>
      %dma_wait3A_1620 = tpu.memref_squeeze %dma_wait3A_1619 : memref<1x1x128x128xf32, #tpu.memory_space<vmem>> -> memref<128x128xf32, #tpu.memory_space<vmem>>
      %dma_wait3A_1621 = arith.constant 0 : i32
      %dma_wait3A_1622 = tpu.memref_slice %arg5[%dma_wait3A_1613, %dma_wait3A_1614, %dma_wait3A_1621] : memref<2x8x200xi32, #tpu.memory_space<vmem>> -> memref<1x1x128xi32, #tpu.memory_space<vmem>>
      %dma_wait3A_1623 = tpu.memref_squeeze %dma_wait3A_1622 : memref<1x1x128xi32, #tpu.memory_space<vmem>> -> memref<128xi32, #tpu.memory_space<vmem>>
      %dma_wait3A_1624 = arith.constant 0 : i32
      %dma_wait3A_1625 = arith.constant 0 : i32
      %dma_wait3A_1626 = tpu.memref_slice %arg3[%dma_wait3A_1624, %dma_wait3A_1625] : memref<1000000x128xf32, #tpu.memory_space<hbm>> -> memref<1000000x128xf32, #tpu.memory_space<hbm>>
      tpu.wait_indirect_dma semaphore(%arg10 : memref<!tpu.dma_semaphore, #tpu.memory_space<semaphore_mem>>) src(%dma_wait3A_1626 : memref<1000000x128xf32, #tpu.memory_space<hbm>>) dst(%dma_wait3A_1620 : memref<128x128xf32, #tpu.memory_space<vmem>>)
      %dma_wait3A_1627 = arith.constant 0 : i32
      %dma_wait3A_1628 = arith.constant 3 : i32
      %dma_wait3A_1629 = arith.constant 1 : i32
      %dma_wait3A_1630 = arith.constant 1 : i32
      %dma_wait3A_1631 = arith.constant 128 : i32
      %dma_wait3A_1632 = arith.constant 0 : i32
      %dma_wait3A_1633 = tpu.memref_slice %arg6[%dma_wait3A_1629, %dma_wait3A_1630, %dma_wait3A_1631, %dma_wait3A_1632] : memref<2x2x200x128xf32, #tpu.memory_space<vmem>> -> memref<1x1x72x128xf32, #tpu.memory_space<vmem>>
      %dma_wait3A_1634 = tpu.memref_squeeze %dma_wait3A_1633 : memref<1x1x72x128xf32, #tpu.memory_space<vmem>> -> memref<72x128xf32, #tpu.memory_space<vmem>>
      %dma_wait3A_1635 = arith.constant 128 : i32
      %dma_wait3A_1636 = tpu.memref_slice %arg5[%dma_wait3A_1627, %dma_wait3A_1628, %dma_wait3A_1635] : memref<2x8x200xi32, #tpu.memory_space<vmem>> -> memref<1x1x72xi32, #tpu.memory_space<vmem>>
      %dma_wait3A_1637 = tpu.memref_squeeze %dma_wait3A_1636 : memref<1x1x72xi32, #tpu.memory_space<vmem>> -> memref<72xi32, #tpu.memory_space<vmem>>
      %dma_wait3A_1638 = arith.constant 0 : i32
      %dma_wait3A_1639 = arith.constant 0 : i32
      %dma_wait3A_1640 = tpu.memref_slice %arg3[%dma_wait3A_1638, %dma_wait3A_1639] : memref<1000000x128xf32, #tpu.memory_space<hbm>> -> memref<1000000x128xf32, #tpu.memory_space<hbm>>
      tpu.wait_indirect_dma semaphore(%arg10 : memref<!tpu.dma_semaphore, #tpu.memory_space<semaphore_mem>>) src(%dma_wait3A_1640 : memref<1000000x128xf32, #tpu.memory_space<hbm>>) dst(%dma_wait3A_1634 : memref<72x128xf32, #tpu.memory_space<vmem>>)
      %mul3A_1641 = arith.constant 4 : i32
      %mul3A_1642 = arith.muli %add3A_1339, %mul3A_1641 : i32
      %add3A_1643 = arith.constant 1 : i32
      %add3A_1644 = arith.addi %mul3A_1642, %add3A_1643 : i32
      %mul3A_1645 = arith.constant 2 : i32
      %mul3A_1646 = arith.muli %add3A_1644, %mul3A_1645 : i32
      %add3A_1647 = arith.addi %mul3A_2, %mul3A_1646 : i32
      %dma_start3A_1648 = arith.constant 1 : i32
      %dma_start3A_1649 = arith.constant 0 : i32
      %dma_start3A_1650 = arith.constant 0 : i32
      %dma_start3A_1651 = arith.constant 0 : i32
      %dma_start3A_1652 = tpu.memref_slice %arg6[%dma_start3A_1648, %dma_start3A_1649, %dma_start3A_1650, %dma_start3A_1651] : memref<2x2x200x128xf32, #tpu.memory_space<vmem>> -> memref<1x2x200x128xf32, #tpu.memory_space<vmem>>
      %dma_start3A_1653 = tpu.memref_squeeze %dma_start3A_1652 : memref<1x2x200x128xf32, #tpu.memory_space<vmem>> -> memref<2x200x128xf32, #tpu.memory_space<vmem>>
      %dma_start3A_1654 = arith.constant 0 : i32
      %dma_start3A_1655 = arith.constant 0 : i32
      %dma_start3A_1656 = tpu.memref_slice %arg4[%add3A_1647, %dma_start3A_1654, %dma_start3A_1655] : memref<16384x200x128xf32, #tpu.memory_space<hbm>> -> memref<2x200x128xf32, #tpu.memory_space<hbm>>
      %dma_start3A_1657 = arith.constant 0 : i32
      %dma_start3A_1658 = arith.constant 0 : i32
      %dma_start3A_1659 = tpu.memref_slice %arg4[%add3A_1647, %dma_start3A_1657, %dma_start3A_1658] : memref<16384x200x128xf32, #tpu.memory_space<hbm>> -> memref<2x200x128xf32, #tpu.memory_space<hbm>>
      %dma_start3A_1660 = arith.constant 0 : i32
      %dma_start3A_1661 = arith.constant 0 : i32
      %dma_start3A_1662 = arith.constant 0 : i32
      %dma_start3A_1663 = tpu.memref_slice %arg6[%dma_start3A_1648, %dma_start3A_1660, %dma_start3A_1661, %dma_start3A_1662] : memref<2x2x200x128xf32, #tpu.memory_space<vmem>> -> memref<1x2x200x128xf32, #tpu.memory_space<vmem>>
      %dma_start3A_1664 = tpu.memref_squeeze %dma_start3A_1663 : memref<1x2x200x128xf32, #tpu.memory_space<vmem>> -> memref<2x200x128xf32, #tpu.memory_space<vmem>>
      tpu.enqueue_dma source(%dma_start3A_1664 : memref<2x200x128xf32, #tpu.memory_space<vmem>>) target(%dma_start3A_1659 : memref<2x200x128xf32, #tpu.memory_space<hbm>>) target_semaphore(%arg12 : memref<!tpu.dma_semaphore, #tpu.memory_space<semaphore_mem>>)
      %dma_wait3A_1665 = arith.constant 0 : i32
      %dma_wait3A_1666 = arith.constant 0 : i32
      %dma_wait3A_1667 = arith.constant 0 : i32
      %dma_wait3A_1668 = arith.constant 0 : i32
      %dma_wait3A_1669 = tpu.memref_slice %arg6[%dma_wait3A_1665, %dma_wait3A_1666, %dma_wait3A_1667, %dma_wait3A_1668] : memref<2x2x200x128xf32, #tpu.memory_space<vmem>> -> memref<1x2x200x128xf32, #tpu.memory_space<vmem>>
      %dma_wait3A_1670 = tpu.memref_squeeze %dma_wait3A_1669 : memref<1x2x200x128xf32, #tpu.memory_space<vmem>> -> memref<2x200x128xf32, #tpu.memory_space<vmem>>
      %dma_wait3A_1671 = arith.constant 0 : i32
      %dma_wait3A_1672 = arith.constant 0 : i32
      %dma_wait3A_1673 = arith.constant 0 : i32
      %dma_wait3A_1674 = tpu.memref_slice %arg4[%dma_wait3A_1671, %dma_wait3A_1672, %dma_wait3A_1673] : memref<16384x200x128xf32, #tpu.memory_space<hbm>> -> memref<2x200x128xf32, #tpu.memory_space<hbm>>
      %dma_wait3A_1675 = arith.constant 0 : i32
      %dma_wait3A_1676 = arith.constant 0 : i32
      %dma_wait3A_1677 = arith.constant 0 : i32
      %dma_wait3A_1678 = tpu.memref_slice %arg4[%dma_wait3A_1675, %dma_wait3A_1676, %dma_wait3A_1677] : memref<16384x200x128xf32, #tpu.memory_space<hbm>> -> memref<2x200x128xf32, #tpu.memory_space<hbm>>
      %dma_wait3A_1679 = arith.constant 0 : i32
      %dma_wait3A_1680 = arith.constant 0 : i32
      %dma_wait3A_1681 = arith.constant 0 : i32
      %dma_wait3A_1682 = tpu.memref_slice %arg6[%dma_wait3A_1665, %dma_wait3A_1679, %dma_wait3A_1680, %dma_wait3A_1681] : memref<2x2x200x128xf32, #tpu.memory_space<vmem>> -> memref<1x2x200x128xf32, #tpu.memory_space<vmem>>
      %dma_wait3A_1683 = tpu.memref_squeeze %dma_wait3A_1682 : memref<1x2x200x128xf32, #tpu.memory_space<vmem>> -> memref<2x200x128xf32, #tpu.memory_space<vmem>>
      tpu.wait_dma2 semaphore(%arg11 : memref<!tpu.dma_semaphore, #tpu.memory_space<semaphore_mem>>) src(%dma_wait3A_1683 : memref<2x200x128xf32, #tpu.memory_space<vmem>>) dst(%dma_wait3A_1678 : memref<2x200x128xf32, #tpu.memory_space<hbm>>)
      %dma_start3A_1684 = arith.constant 0 : i32
      %dma_start3A_1685 = arith.constant 4 : i32
      %dma_start3A_1686 = arith.constant 0 : i32
      %dma_start3A_1687 = arith.constant 0 : i32
      %dma_start3A_1688 = arith.constant 0 : i32
      %dma_start3A_1689 = arith.constant 0 : i32
      %dma_start3A_1690 = tpu.memref_slice %arg6[%dma_start3A_1686, %dma_start3A_1687, %dma_start3A_1688, %dma_start3A_1689] : memref<2x2x200x128xf32, #tpu.memory_space<vmem>> -> memref<1x1x128x128xf32, #tpu.memory_space<vmem>>
      %dma_start3A_1691 = tpu.memref_squeeze %dma_start3A_1690 : memref<1x1x128x128xf32, #tpu.memory_space<vmem>> -> memref<128x128xf32, #tpu.memory_space<vmem>>
      %dma_start3A_1692 = arith.constant 0 : i32
      %dma_start3A_1693 = tpu.memref_slice %arg5[%dma_start3A_1684, %dma_start3A_1685, %dma_start3A_1692] : memref<2x8x200xi32, #tpu.memory_space<vmem>> -> memref<1x1x128xi32, #tpu.memory_space<vmem>>
      %dma_start3A_1694 = tpu.memref_squeeze %dma_start3A_1693 : memref<1x1x128xi32, #tpu.memory_space<vmem>> -> memref<128xi32, #tpu.memory_space<vmem>>
      %dma_start3A_1695 = arith.constant 0 : i32
      %dma_start3A_1696 = arith.constant 0 : i32
      %dma_start3A_1697 = tpu.memref_slice %arg3[%dma_start3A_1695, %dma_start3A_1696] : memref<1000000x128xf32, #tpu.memory_space<hbm>> -> memref<1000000x128xf32, #tpu.memory_space<hbm>>
      tpu.enqueue_indirect_dma source(%dma_start3A_1697 : memref<1000000x128xf32, #tpu.memory_space<hbm>>) target(%dma_start3A_1691 : memref<128x128xf32, #tpu.memory_space<vmem>>) offsets(%dma_start3A_1694 : memref<128xi32, #tpu.memory_space<vmem>>) semaphore(%arg9 : memref<!tpu.dma_semaphore, #tpu.memory_space<semaphore_mem>>)
      %dma_start3A_1698 = arith.constant 0 : i32
      %dma_start3A_1699 = arith.constant 4 : i32
      %dma_start3A_1700 = arith.constant 0 : i32
      %dma_start3A_1701 = arith.constant 0 : i32
      %dma_start3A_1702 = arith.constant 128 : i32
      %dma_start3A_1703 = arith.constant 0 : i32
      %dma_start3A_1704 = tpu.memref_slice %arg6[%dma_start3A_1700, %dma_start3A_1701, %dma_start3A_1702, %dma_start3A_1703] : memref<2x2x200x128xf32, #tpu.memory_space<vmem>> -> memref<1x1x72x128xf32, #tpu.memory_space<vmem>>
      %dma_start3A_1705 = tpu.memref_squeeze %dma_start3A_1704 : memref<1x1x72x128xf32, #tpu.memory_space<vmem>> -> memref<72x128xf32, #tpu.memory_space<vmem>>
      %dma_start3A_1706 = arith.constant 128 : i32
      %dma_start3A_1707 = tpu.memref_slice %arg5[%dma_start3A_1698, %dma_start3A_1699, %dma_start3A_1706] : memref<2x8x200xi32, #tpu.memory_space<vmem>> -> memref<1x1x72xi32, #tpu.memory_space<vmem>>
      %dma_start3A_1708 = tpu.memref_squeeze %dma_start3A_1707 : memref<1x1x72xi32, #tpu.memory_space<vmem>> -> memref<72xi32, #tpu.memory_space<vmem>>
      %dma_start3A_1709 = arith.constant 0 : i32
      %dma_start3A_1710 = arith.constant 0 : i32
      %dma_start3A_1711 = tpu.memref_slice %arg3[%dma_start3A_1709, %dma_start3A_1710] : memref<1000000x128xf32, #tpu.memory_space<hbm>> -> memref<1000000x128xf32, #tpu.memory_space<hbm>>
      tpu.enqueue_indirect_dma source(%dma_start3A_1711 : memref<1000000x128xf32, #tpu.memory_space<hbm>>) target(%dma_start3A_1705 : memref<72x128xf32, #tpu.memory_space<vmem>>) offsets(%dma_start3A_1708 : memref<72xi32, #tpu.memory_space<vmem>>) semaphore(%arg9 : memref<!tpu.dma_semaphore, #tpu.memory_space<semaphore_mem>>)
      %dma_start3A_1712 = arith.constant 0 : i32
      %dma_start3A_1713 = arith.constant 5 : i32
      %dma_start3A_1714 = arith.constant 0 : i32
      %dma_start3A_1715 = arith.constant 1 : i32
      %dma_start3A_1716 = arith.constant 0 : i32
      %dma_start3A_1717 = arith.constant 0 : i32
      %dma_start3A_1718 = tpu.memref_slice %arg6[%dma_start3A_1714, %dma_start3A_1715, %dma_start3A_1716, %dma_start3A_1717] : memref<2x2x200x128xf32, #tpu.memory_space<vmem>> -> memref<1x1x128x128xf32, #tpu.memory_space<vmem>>
      %dma_start3A_1719 = tpu.memref_squeeze %dma_start3A_1718 : memref<1x1x128x128xf32, #tpu.memory_space<vmem>> -> memref<128x128xf32, #tpu.memory_space<vmem>>
      %dma_start3A_1720 = arith.constant 0 : i32
      %dma_start3A_1721 = tpu.memref_slice %arg5[%dma_start3A_1712, %dma_start3A_1713, %dma_start3A_1720] : memref<2x8x200xi32, #tpu.memory_space<vmem>> -> memref<1x1x128xi32, #tpu.memory_space<vmem>>
      %dma_start3A_1722 = tpu.memref_squeeze %dma_start3A_1721 : memref<1x1x128xi32, #tpu.memory_space<vmem>> -> memref<128xi32, #tpu.memory_space<vmem>>
      %dma_start3A_1723 = arith.constant 0 : i32
      %dma_start3A_1724 = arith.constant 0 : i32
      %dma_start3A_1725 = tpu.memref_slice %arg3[%dma_start3A_1723, %dma_start3A_1724] : memref<1000000x128xf32, #tpu.memory_space<hbm>> -> memref<1000000x128xf32, #tpu.memory_space<hbm>>
      tpu.enqueue_indirect_dma source(%dma_start3A_1725 : memref<1000000x128xf32, #tpu.memory_space<hbm>>) target(%dma_start3A_1719 : memref<128x128xf32, #tpu.memory_space<vmem>>) offsets(%dma_start3A_1722 : memref<128xi32, #tpu.memory_space<vmem>>) semaphore(%arg9 : memref<!tpu.dma_semaphore, #tpu.memory_space<semaphore_mem>>)
      %dma_start3A_1726 = arith.constant 0 : i32
      %dma_start3A_1727 = arith.constant 5 : i32
      %dma_start3A_1728 = arith.constant 0 : i32
      %dma_start3A_1729 = arith.constant 1 : i32
      %dma_start3A_1730 = arith.constant 128 : i32
      %dma_start3A_1731 = arith.constant 0 : i32
      %dma_start3A_1732 = tpu.memref_slice %arg6[%dma_start3A_1728, %dma_start3A_1729, %dma_start3A_1730, %dma_start3A_1731] : memref<2x2x200x128xf32, #tpu.memory_space<vmem>> -> memref<1x1x72x128xf32, #tpu.memory_space<vmem>>
      %dma_start3A_1733 = tpu.memref_squeeze %dma_start3A_1732 : memref<1x1x72x128xf32, #tpu.memory_space<vmem>> -> memref<72x128xf32, #tpu.memory_space<vmem>>
      %dma_start3A_1734 = arith.constant 128 : i32
      %dma_start3A_1735 = tpu.memref_slice %arg5[%dma_start3A_1726, %dma_start3A_1727, %dma_start3A_1734] : memref<2x8x200xi32, #tpu.memory_space<vmem>> -> memref<1x1x72xi32, #tpu.memory_space<vmem>>
      %dma_start3A_1736 = tpu.memref_squeeze %dma_start3A_1735 : memref<1x1x72xi32, #tpu.memory_space<vmem>> -> memref<72xi32, #tpu.memory_space<vmem>>
      %dma_start3A_1737 = arith.constant 0 : i32
      %dma_start3A_1738 = arith.constant 0 : i32
      %dma_start3A_1739 = tpu.memref_slice %arg3[%dma_start3A_1737, %dma_start3A_1738] : memref<1000000x128xf32, #tpu.memory_space<hbm>> -> memref<1000000x128xf32, #tpu.memory_space<hbm>>
      tpu.enqueue_indirect_dma source(%dma_start3A_1739 : memref<1000000x128xf32, #tpu.memory_space<hbm>>) target(%dma_start3A_1733 : memref<72x128xf32, #tpu.memory_space<vmem>>) offsets(%dma_start3A_1736 : memref<72xi32, #tpu.memory_space<vmem>>) semaphore(%arg9 : memref<!tpu.dma_semaphore, #tpu.memory_space<semaphore_mem>>)
      %dma_wait3A_1740 = arith.constant 0 : i32
      %dma_wait3A_1741 = arith.constant 4 : i32
      %dma_wait3A_1742 = arith.constant 0 : i32
      %dma_wait3A_1743 = arith.constant 0 : i32
      %dma_wait3A_1744 = arith.constant 0 : i32
      %dma_wait3A_1745 = arith.constant 0 : i32
      %dma_wait3A_1746 = tpu.memref_slice %arg6[%dma_wait3A_1742, %dma_wait3A_1743, %dma_wait3A_1744, %dma_wait3A_1745] : memref<2x2x200x128xf32, #tpu.memory_space<vmem>> -> memref<1x1x128x128xf32, #tpu.memory_space<vmem>>
      %dma_wait3A_1747 = tpu.memref_squeeze %dma_wait3A_1746 : memref<1x1x128x128xf32, #tpu.memory_space<vmem>> -> memref<128x128xf32, #tpu.memory_space<vmem>>
      %dma_wait3A_1748 = arith.constant 0 : i32
      %dma_wait3A_1749 = tpu.memref_slice %arg5[%dma_wait3A_1740, %dma_wait3A_1741, %dma_wait3A_1748] : memref<2x8x200xi32, #tpu.memory_space<vmem>> -> memref<1x1x128xi32, #tpu.memory_space<vmem>>
      %dma_wait3A_1750 = tpu.memref_squeeze %dma_wait3A_1749 : memref<1x1x128xi32, #tpu.memory_space<vmem>> -> memref<128xi32, #tpu.memory_space<vmem>>
      %dma_wait3A_1751 = arith.constant 0 : i32
      %dma_wait3A_1752 = arith.constant 0 : i32
      %dma_wait3A_1753 = tpu.memref_slice %arg3[%dma_wait3A_1751, %dma_wait3A_1752] : memref<1000000x128xf32, #tpu.memory_space<hbm>> -> memref<1000000x128xf32, #tpu.memory_space<hbm>>
      tpu.wait_indirect_dma semaphore(%arg9 : memref<!tpu.dma_semaphore, #tpu.memory_space<semaphore_mem>>) src(%dma_wait3A_1753 : memref<1000000x128xf32, #tpu.memory_space<hbm>>) dst(%dma_wait3A_1747 : memref<128x128xf32, #tpu.memory_space<vmem>>)
      %dma_wait3A_1754 = arith.constant 0 : i32
      %dma_wait3A_1755 = arith.constant 4 : i32
      %dma_wait3A_1756 = arith.constant 0 : i32
      %dma_wait3A_1757 = arith.constant 0 : i32
      %dma_wait3A_1758 = arith.constant 128 : i32
      %dma_wait3A_1759 = arith.constant 0 : i32
      %dma_wait3A_1760 = tpu.memref_slice %arg6[%dma_wait3A_1756, %dma_wait3A_1757, %dma_wait3A_1758, %dma_wait3A_1759] : memref<2x2x200x128xf32, #tpu.memory_space<vmem>> -> memref<1x1x72x128xf32, #tpu.memory_space<vmem>>
      %dma_wait3A_1761 = tpu.memref_squeeze %dma_wait3A_1760 : memref<1x1x72x128xf32, #tpu.memory_space<vmem>> -> memref<72x128xf32, #tpu.memory_space<vmem>>
      %dma_wait3A_1762 = arith.constant 128 : i32
      %dma_wait3A_1763 = tpu.memref_slice %arg5[%dma_wait3A_1754, %dma_wait3A_1755, %dma_wait3A_1762] : memref<2x8x200xi32, #tpu.memory_space<vmem>> -> memref<1x1x72xi32, #tpu.memory_space<vmem>>
      %dma_wait3A_1764 = tpu.memref_squeeze %dma_wait3A_1763 : memref<1x1x72xi32, #tpu.memory_space<vmem>> -> memref<72xi32, #tpu.memory_space<vmem>>
      %dma_wait3A_1765 = arith.constant 0 : i32
      %dma_wait3A_1766 = arith.constant 0 : i32
      %dma_wait3A_1767 = tpu.memref_slice %arg3[%dma_wait3A_1765, %dma_wait3A_1766] : memref<1000000x128xf32, #tpu.memory_space<hbm>> -> memref<1000000x128xf32, #tpu.memory_space<hbm>>
      tpu.wait_indirect_dma semaphore(%arg9 : memref<!tpu.dma_semaphore, #tpu.memory_space<semaphore_mem>>) src(%dma_wait3A_1767 : memref<1000000x128xf32, #tpu.memory_space<hbm>>) dst(%dma_wait3A_1761 : memref<72x128xf32, #tpu.memory_space<vmem>>)
      %dma_wait3A_1768 = arith.constant 0 : i32
      %dma_wait3A_1769 = arith.constant 5 : i32
      %dma_wait3A_1770 = arith.constant 0 : i32
      %dma_wait3A_1771 = arith.constant 1 : i32
      %dma_wait3A_1772 = arith.constant 0 : i32
      %dma_wait3A_1773 = arith.constant 0 : i32
      %dma_wait3A_1774 = tpu.memref_slice %arg6[%dma_wait3A_1770, %dma_wait3A_1771, %dma_wait3A_1772, %dma_wait3A_1773] : memref<2x2x200x128xf32, #tpu.memory_space<vmem>> -> memref<1x1x128x128xf32, #tpu.memory_space<vmem>>
      %dma_wait3A_1775 = tpu.memref_squeeze %dma_wait3A_1774 : memref<1x1x128x128xf32, #tpu.memory_space<vmem>> -> memref<128x128xf32, #tpu.memory_space<vmem>>
      %dma_wait3A_1776 = arith.constant 0 : i32
      %dma_wait3A_1777 = tpu.memref_slice %arg5[%dma_wait3A_1768, %dma_wait3A_1769, %dma_wait3A_1776] : memref<2x8x200xi32, #tpu.memory_space<vmem>> -> memref<1x1x128xi32, #tpu.memory_space<vmem>>
      %dma_wait3A_1778 = tpu.memref_squeeze %dma_wait3A_1777 : memref<1x1x128xi32, #tpu.memory_space<vmem>> -> memref<128xi32, #tpu.memory_space<vmem>>
      %dma_wait3A_1779 = arith.constant 0 : i32
      %dma_wait3A_1780 = arith.constant 0 : i32
      %dma_wait3A_1781 = tpu.memref_slice %arg3[%dma_wait3A_1779, %dma_wait3A_1780] : memref<1000000x128xf32, #tpu.memory_space<hbm>> -> memref<1000000x128xf32, #tpu.memory_space<hbm>>
      tpu.wait_indirect_dma semaphore(%arg9 : memref<!tpu.dma_semaphore, #tpu.memory_space<semaphore_mem>>) src(%dma_wait3A_1781 : memref<1000000x128xf32, #tpu.memory_space<hbm>>) dst(%dma_wait3A_1775 : memref<128x128xf32, #tpu.memory_space<vmem>>)
      %dma_wait3A_1782 = arith.constant 0 : i32
      %dma_wait3A_1783 = arith.constant 5 : i32
      %dma_wait3A_1784 = arith.constant 0 : i32
      %dma_wait3A_1785 = arith.constant 1 : i32
      %dma_wait3A_1786 = arith.constant 128 : i32
      %dma_wait3A_1787 = arith.constant 0 : i32
      %dma_wait3A_1788 = tpu.memref_slice %arg6[%dma_wait3A_1784, %dma_wait3A_1785, %dma_wait3A_1786, %dma_wait3A_1787] : memref<2x2x200x128xf32, #tpu.memory_space<vmem>> -> memref<1x1x72x128xf32, #tpu.memory_space<vmem>>
      %dma_wait3A_1789 = tpu.memref_squeeze %dma_wait3A_1788 : memref<1x1x72x128xf32, #tpu.memory_space<vmem>> -> memref<72x128xf32, #tpu.memory_space<vmem>>
      %dma_wait3A_1790 = arith.constant 128 : i32
      %dma_wait3A_1791 = tpu.memref_slice %arg5[%dma_wait3A_1782, %dma_wait3A_1783, %dma_wait3A_1790] : memref<2x8x200xi32, #tpu.memory_space<vmem>> -> memref<1x1x72xi32, #tpu.memory_space<vmem>>
      %dma_wait3A_1792 = tpu.memref_squeeze %dma_wait3A_1791 : memref<1x1x72xi32, #tpu.memory_space<vmem>> -> memref<72xi32, #tpu.memory_space<vmem>>
      %dma_wait3A_1793 = arith.constant 0 : i32
      %dma_wait3A_1794 = arith.constant 0 : i32
      %dma_wait3A_1795 = tpu.memref_slice %arg3[%dma_wait3A_1793, %dma_wait3A_1794] : memref<1000000x128xf32, #tpu.memory_space<hbm>> -> memref<1000000x128xf32, #tpu.memory_space<hbm>>
      tpu.wait_indirect_dma semaphore(%arg9 : memref<!tpu.dma_semaphore, #tpu.memory_space<semaphore_mem>>) src(%dma_wait3A_1795 : memref<1000000x128xf32, #tpu.memory_space<hbm>>) dst(%dma_wait3A_1789 : memref<72x128xf32, #tpu.memory_space<vmem>>)
      %mul3A_1796 = arith.constant 4 : i32
      %mul3A_1797 = arith.muli %add3A_1339, %mul3A_1796 : i32
      %add3A_1798 = arith.constant 2 : i32
      %add3A_1799 = arith.addi %mul3A_1797, %add3A_1798 : i32
      %mul3A_1800 = arith.constant 2 : i32
      %mul3A_1801 = arith.muli %add3A_1799, %mul3A_1800 : i32
      %add3A_1802 = arith.addi %mul3A_2, %mul3A_1801 : i32
      %dma_start3A_1803 = arith.constant 0 : i32
      %dma_start3A_1804 = arith.constant 0 : i32
      %dma_start3A_1805 = arith.constant 0 : i32
      %dma_start3A_1806 = arith.constant 0 : i32
      %dma_start3A_1807 = tpu.memref_slice %arg6[%dma_start3A_1803, %dma_start3A_1804, %dma_start3A_1805, %dma_start3A_1806] : memref<2x2x200x128xf32, #tpu.memory_space<vmem>> -> memref<1x2x200x128xf32, #tpu.memory_space<vmem>>
      %dma_start3A_1808 = tpu.memref_squeeze %dma_start3A_1807 : memref<1x2x200x128xf32, #tpu.memory_space<vmem>> -> memref<2x200x128xf32, #tpu.memory_space<vmem>>
      %dma_start3A_1809 = arith.constant 0 : i32
      %dma_start3A_1810 = arith.constant 0 : i32
      %dma_start3A_1811 = tpu.memref_slice %arg4[%add3A_1802, %dma_start3A_1809, %dma_start3A_1810] : memref<16384x200x128xf32, #tpu.memory_space<hbm>> -> memref<2x200x128xf32, #tpu.memory_space<hbm>>
      %dma_start3A_1812 = arith.constant 0 : i32
      %dma_start3A_1813 = arith.constant 0 : i32
      %dma_start3A_1814 = tpu.memref_slice %arg4[%add3A_1802, %dma_start3A_1812, %dma_start3A_1813] : memref<16384x200x128xf32, #tpu.memory_space<hbm>> -> memref<2x200x128xf32, #tpu.memory_space<hbm>>
      %dma_start3A_1815 = arith.constant 0 : i32
      %dma_start3A_1816 = arith.constant 0 : i32
      %dma_start3A_1817 = arith.constant 0 : i32
      %dma_start3A_1818 = tpu.memref_slice %arg6[%dma_start3A_1803, %dma_start3A_1815, %dma_start3A_1816, %dma_start3A_1817] : memref<2x2x200x128xf32, #tpu.memory_space<vmem>> -> memref<1x2x200x128xf32, #tpu.memory_space<vmem>>
      %dma_start3A_1819 = tpu.memref_squeeze %dma_start3A_1818 : memref<1x2x200x128xf32, #tpu.memory_space<vmem>> -> memref<2x200x128xf32, #tpu.memory_space<vmem>>
      tpu.enqueue_dma source(%dma_start3A_1819 : memref<2x200x128xf32, #tpu.memory_space<vmem>>) target(%dma_start3A_1814 : memref<2x200x128xf32, #tpu.memory_space<hbm>>) target_semaphore(%arg11 : memref<!tpu.dma_semaphore, #tpu.memory_space<semaphore_mem>>)
      %dma_wait3A_1820 = arith.constant 1 : i32
      %dma_wait3A_1821 = arith.constant 0 : i32
      %dma_wait3A_1822 = arith.constant 0 : i32
      %dma_wait3A_1823 = arith.constant 0 : i32
      %dma_wait3A_1824 = tpu.memref_slice %arg6[%dma_wait3A_1820, %dma_wait3A_1821, %dma_wait3A_1822, %dma_wait3A_1823] : memref<2x2x200x128xf32, #tpu.memory_space<vmem>> -> memref<1x2x200x128xf32, #tpu.memory_space<vmem>>
      %dma_wait3A_1825 = tpu.memref_squeeze %dma_wait3A_1824 : memref<1x2x200x128xf32, #tpu.memory_space<vmem>> -> memref<2x200x128xf32, #tpu.memory_space<vmem>>
      %dma_wait3A_1826 = arith.constant 0 : i32
      %dma_wait3A_1827 = arith.constant 0 : i32
      %dma_wait3A_1828 = arith.constant 0 : i32
      %dma_wait3A_1829 = tpu.memref_slice %arg4[%dma_wait3A_1826, %dma_wait3A_1827, %dma_wait3A_1828] : memref<16384x200x128xf32, #tpu.memory_space<hbm>> -> memref<2x200x128xf32, #tpu.memory_space<hbm>>
      %dma_wait3A_1830 = arith.constant 0 : i32
      %dma_wait3A_1831 = arith.constant 0 : i32
      %dma_wait3A_1832 = arith.constant 0 : i32
      %dma_wait3A_1833 = tpu.memref_slice %arg4[%dma_wait3A_1830, %dma_wait3A_1831, %dma_wait3A_1832] : memref<16384x200x128xf32, #tpu.memory_space<hbm>> -> memref<2x200x128xf32, #tpu.memory_space<hbm>>
      %dma_wait3A_1834 = arith.constant 0 : i32
      %dma_wait3A_1835 = arith.constant 0 : i32
      %dma_wait3A_1836 = arith.constant 0 : i32
      %dma_wait3A_1837 = tpu.memref_slice %arg6[%dma_wait3A_1820, %dma_wait3A_1834, %dma_wait3A_1835, %dma_wait3A_1836] : memref<2x2x200x128xf32, #tpu.memory_space<vmem>> -> memref<1x2x200x128xf32, #tpu.memory_space<vmem>>
      %dma_wait3A_1838 = tpu.memref_squeeze %dma_wait3A_1837 : memref<1x2x200x128xf32, #tpu.memory_space<vmem>> -> memref<2x200x128xf32, #tpu.memory_space<vmem>>
      tpu.wait_dma2 semaphore(%arg12 : memref<!tpu.dma_semaphore, #tpu.memory_space<semaphore_mem>>) src(%dma_wait3A_1838 : memref<2x200x128xf32, #tpu.memory_space<vmem>>) dst(%dma_wait3A_1833 : memref<2x200x128xf32, #tpu.memory_space<hbm>>)
      %dma_start3A_1839 = arith.constant 0 : i32
      %dma_start3A_1840 = arith.constant 6 : i32
      %dma_start3A_1841 = arith.constant 1 : i32
      %dma_start3A_1842 = arith.constant 0 : i32
      %dma_start3A_1843 = arith.constant 0 : i32
      %dma_start3A_1844 = arith.constant 0 : i32
      %dma_start3A_1845 = tpu.memref_slice %arg6[%dma_start3A_1841, %dma_start3A_1842, %dma_start3A_1843, %dma_start3A_1844] : memref<2x2x200x128xf32, #tpu.memory_space<vmem>> -> memref<1x1x128x128xf32, #tpu.memory_space<vmem>>
      %dma_start3A_1846 = tpu.memref_squeeze %dma_start3A_1845 : memref<1x1x128x128xf32, #tpu.memory_space<vmem>> -> memref<128x128xf32, #tpu.memory_space<vmem>>
      %dma_start3A_1847 = arith.constant 0 : i32
      %dma_start3A_1848 = tpu.memref_slice %arg5[%dma_start3A_1839, %dma_start3A_1840, %dma_start3A_1847] : memref<2x8x200xi32, #tpu.memory_space<vmem>> -> memref<1x1x128xi32, #tpu.memory_space<vmem>>
      %dma_start3A_1849 = tpu.memref_squeeze %dma_start3A_1848 : memref<1x1x128xi32, #tpu.memory_space<vmem>> -> memref<128xi32, #tpu.memory_space<vmem>>
      %dma_start3A_1850 = arith.constant 0 : i32
      %dma_start3A_1851 = arith.constant 0 : i32
      %dma_start3A_1852 = tpu.memref_slice %arg3[%dma_start3A_1850, %dma_start3A_1851] : memref<1000000x128xf32, #tpu.memory_space<hbm>> -> memref<1000000x128xf32, #tpu.memory_space<hbm>>
      tpu.enqueue_indirect_dma source(%dma_start3A_1852 : memref<1000000x128xf32, #tpu.memory_space<hbm>>) target(%dma_start3A_1846 : memref<128x128xf32, #tpu.memory_space<vmem>>) offsets(%dma_start3A_1849 : memref<128xi32, #tpu.memory_space<vmem>>) semaphore(%arg10 : memref<!tpu.dma_semaphore, #tpu.memory_space<semaphore_mem>>)
      %dma_start3A_1853 = arith.constant 0 : i32
      %dma_start3A_1854 = arith.constant 6 : i32
      %dma_start3A_1855 = arith.constant 1 : i32
      %dma_start3A_1856 = arith.constant 0 : i32
      %dma_start3A_1857 = arith.constant 128 : i32
      %dma_start3A_1858 = arith.constant 0 : i32
      %dma_start3A_1859 = tpu.memref_slice %arg6[%dma_start3A_1855, %dma_start3A_1856, %dma_start3A_1857, %dma_start3A_1858] : memref<2x2x200x128xf32, #tpu.memory_space<vmem>> -> memref<1x1x72x128xf32, #tpu.memory_space<vmem>>
      %dma_start3A_1860 = tpu.memref_squeeze %dma_start3A_1859 : memref<1x1x72x128xf32, #tpu.memory_space<vmem>> -> memref<72x128xf32, #tpu.memory_space<vmem>>
      %dma_start3A_1861 = arith.constant 128 : i32
      %dma_start3A_1862 = tpu.memref_slice %arg5[%dma_start3A_1853, %dma_start3A_1854, %dma_start3A_1861] : memref<2x8x200xi32, #tpu.memory_space<vmem>> -> memref<1x1x72xi32, #tpu.memory_space<vmem>>
      %dma_start3A_1863 = tpu.memref_squeeze %dma_start3A_1862 : memref<1x1x72xi32, #tpu.memory_space<vmem>> -> memref<72xi32, #tpu.memory_space<vmem>>
      %dma_start3A_1864 = arith.constant 0 : i32
      %dma_start3A_1865 = arith.constant 0 : i32
      %dma_start3A_1866 = tpu.memref_slice %arg3[%dma_start3A_1864, %dma_start3A_1865] : memref<1000000x128xf32, #tpu.memory_space<hbm>> -> memref<1000000x128xf32, #tpu.memory_space<hbm>>
      tpu.enqueue_indirect_dma source(%dma_start3A_1866 : memref<1000000x128xf32, #tpu.memory_space<hbm>>) target(%dma_start3A_1860 : memref<72x128xf32, #tpu.memory_space<vmem>>) offsets(%dma_start3A_1863 : memref<72xi32, #tpu.memory_space<vmem>>) semaphore(%arg10 : memref<!tpu.dma_semaphore, #tpu.memory_space<semaphore_mem>>)
      %dma_start3A_1867 = arith.constant 0 : i32
      %dma_start3A_1868 = arith.constant 7 : i32
      %dma_start3A_1869 = arith.constant 1 : i32
      %dma_start3A_1870 = arith.constant 1 : i32
      %dma_start3A_1871 = arith.constant 0 : i32
      %dma_start3A_1872 = arith.constant 0 : i32
      %dma_start3A_1873 = tpu.memref_slice %arg6[%dma_start3A_1869, %dma_start3A_1870, %dma_start3A_1871, %dma_start3A_1872] : memref<2x2x200x128xf32, #tpu.memory_space<vmem>> -> memref<1x1x128x128xf32, #tpu.memory_space<vmem>>
      %dma_start3A_1874 = tpu.memref_squeeze %dma_start3A_1873 : memref<1x1x128x128xf32, #tpu.memory_space<vmem>> -> memref<128x128xf32, #tpu.memory_space<vmem>>
      %dma_start3A_1875 = arith.constant 0 : i32
      %dma_start3A_1876 = tpu.memref_slice %arg5[%dma_start3A_1867, %dma_start3A_1868, %dma_start3A_1875] : memref<2x8x200xi32, #tpu.memory_space<vmem>> -> memref<1x1x128xi32, #tpu.memory_space<vmem>>
      %dma_start3A_1877 = tpu.memref_squeeze %dma_start3A_1876 : memref<1x1x128xi32, #tpu.memory_space<vmem>> -> memref<128xi32, #tpu.memory_space<vmem>>
      %dma_start3A_1878 = arith.constant 0 : i32
      %dma_start3A_1879 = arith.constant 0 : i32
      %dma_start3A_1880 = tpu.memref_slice %arg3[%dma_start3A_1878, %dma_start3A_1879] : memref<1000000x128xf32, #tpu.memory_space<hbm>> -> memref<1000000x128xf32, #tpu.memory_space<hbm>>
      tpu.enqueue_indirect_dma source(%dma_start3A_1880 : memref<1000000x128xf32, #tpu.memory_space<hbm>>) target(%dma_start3A_1874 : memref<128x128xf32, #tpu.memory_space<vmem>>) offsets(%dma_start3A_1877 : memref<128xi32, #tpu.memory_space<vmem>>) semaphore(%arg10 : memref<!tpu.dma_semaphore, #tpu.memory_space<semaphore_mem>>)
      %dma_start3A_1881 = arith.constant 0 : i32
      %dma_start3A_1882 = arith.constant 7 : i32
      %dma_start3A_1883 = arith.constant 1 : i32
      %dma_start3A_1884 = arith.constant 1 : i32
      %dma_start3A_1885 = arith.constant 128 : i32
      %dma_start3A_1886 = arith.constant 0 : i32
      %dma_start3A_1887 = tpu.memref_slice %arg6[%dma_start3A_1883, %dma_start3A_1884, %dma_start3A_1885, %dma_start3A_1886] : memref<2x2x200x128xf32, #tpu.memory_space<vmem>> -> memref<1x1x72x128xf32, #tpu.memory_space<vmem>>
      %dma_start3A_1888 = tpu.memref_squeeze %dma_start3A_1887 : memref<1x1x72x128xf32, #tpu.memory_space<vmem>> -> memref<72x128xf32, #tpu.memory_space<vmem>>
      %dma_start3A_1889 = arith.constant 128 : i32
      %dma_start3A_1890 = tpu.memref_slice %arg5[%dma_start3A_1881, %dma_start3A_1882, %dma_start3A_1889] : memref<2x8x200xi32, #tpu.memory_space<vmem>> -> memref<1x1x72xi32, #tpu.memory_space<vmem>>
      %dma_start3A_1891 = tpu.memref_squeeze %dma_start3A_1890 : memref<1x1x72xi32, #tpu.memory_space<vmem>> -> memref<72xi32, #tpu.memory_space<vmem>>
      %dma_start3A_1892 = arith.constant 0 : i32
      %dma_start3A_1893 = arith.constant 0 : i32
      %dma_start3A_1894 = tpu.memref_slice %arg3[%dma_start3A_1892, %dma_start3A_1893] : memref<1000000x128xf32, #tpu.memory_space<hbm>> -> memref<1000000x128xf32, #tpu.memory_space<hbm>>
      tpu.enqueue_indirect_dma source(%dma_start3A_1894 : memref<1000000x128xf32, #tpu.memory_space<hbm>>) target(%dma_start3A_1888 : memref<72x128xf32, #tpu.memory_space<vmem>>) offsets(%dma_start3A_1891 : memref<72xi32, #tpu.memory_space<vmem>>) semaphore(%arg10 : memref<!tpu.dma_semaphore, #tpu.memory_space<semaphore_mem>>)
      %dma_wait3A_1895 = arith.constant 0 : i32
      %dma_wait3A_1896 = arith.constant 6 : i32
      %dma_wait3A_1897 = arith.constant 1 : i32
      %dma_wait3A_1898 = arith.constant 0 : i32
      %dma_wait3A_1899 = arith.constant 0 : i32
      %dma_wait3A_1900 = arith.constant 0 : i32
      %dma_wait3A_1901 = tpu.memref_slice %arg6[%dma_wait3A_1897, %dma_wait3A_1898, %dma_wait3A_1899, %dma_wait3A_1900] : memref<2x2x200x128xf32, #tpu.memory_space<vmem>> -> memref<1x1x128x128xf32, #tpu.memory_space<vmem>>
      %dma_wait3A_1902 = tpu.memref_squeeze %dma_wait3A_1901 : memref<1x1x128x128xf32, #tpu.memory_space<vmem>> -> memref<128x128xf32, #tpu.memory_space<vmem>>
      %dma_wait3A_1903 = arith.constant 0 : i32
      %dma_wait3A_1904 = tpu.memref_slice %arg5[%dma_wait3A_1895, %dma_wait3A_1896, %dma_wait3A_1903] : memref<2x8x200xi32, #tpu.memory_space<vmem>> -> memref<1x1x128xi32, #tpu.memory_space<vmem>>
      %dma_wait3A_1905 = tpu.memref_squeeze %dma_wait3A_1904 : memref<1x1x128xi32, #tpu.memory_space<vmem>> -> memref<128xi32, #tpu.memory_space<vmem>>
      %dma_wait3A_1906 = arith.constant 0 : i32
      %dma_wait3A_1907 = arith.constant 0 : i32
      %dma_wait3A_1908 = tpu.memref_slice %arg3[%dma_wait3A_1906, %dma_wait3A_1907] : memref<1000000x128xf32, #tpu.memory_space<hbm>> -> memref<1000000x128xf32, #tpu.memory_space<hbm>>
      tpu.wait_indirect_dma semaphore(%arg10 : memref<!tpu.dma_semaphore, #tpu.memory_space<semaphore_mem>>) src(%dma_wait3A_1908 : memref<1000000x128xf32, #tpu.memory_space<hbm>>) dst(%dma_wait3A_1902 : memref<128x128xf32, #tpu.memory_space<vmem>>)
      %dma_wait3A_1909 = arith.constant 0 : i32
      %dma_wait3A_1910 = arith.constant 6 : i32
      %dma_wait3A_1911 = arith.constant 1 : i32
      %dma_wait3A_1912 = arith.constant 0 : i32
      %dma_wait3A_1913 = arith.constant 128 : i32
      %dma_wait3A_1914 = arith.constant 0 : i32
      %dma_wait3A_1915 = tpu.memref_slice %arg6[%dma_wait3A_1911, %dma_wait3A_1912, %dma_wait3A_1913, %dma_wait3A_1914] : memref<2x2x200x128xf32, #tpu.memory_space<vmem>> -> memref<1x1x72x128xf32, #tpu.memory_space<vmem>>
      %dma_wait3A_1916 = tpu.memref_squeeze %dma_wait3A_1915 : memref<1x1x72x128xf32, #tpu.memory_space<vmem>> -> memref<72x128xf32, #tpu.memory_space<vmem>>
      %dma_wait3A_1917 = arith.constant 128 : i32
      %dma_wait3A_1918 = tpu.memref_slice %arg5[%dma_wait3A_1909, %dma_wait3A_1910, %dma_wait3A_1917] : memref<2x8x200xi32, #tpu.memory_space<vmem>> -> memref<1x1x72xi32, #tpu.memory_space<vmem>>
      %dma_wait3A_1919 = tpu.memref_squeeze %dma_wait3A_1918 : memref<1x1x72xi32, #tpu.memory_space<vmem>> -> memref<72xi32, #tpu.memory_space<vmem>>
      %dma_wait3A_1920 = arith.constant 0 : i32
      %dma_wait3A_1921 = arith.constant 0 : i32
      %dma_wait3A_1922 = tpu.memref_slice %arg3[%dma_wait3A_1920, %dma_wait3A_1921] : memref<1000000x128xf32, #tpu.memory_space<hbm>> -> memref<1000000x128xf32, #tpu.memory_space<hbm>>
      tpu.wait_indirect_dma semaphore(%arg10 : memref<!tpu.dma_semaphore, #tpu.memory_space<semaphore_mem>>) src(%dma_wait3A_1922 : memref<1000000x128xf32, #tpu.memory_space<hbm>>) dst(%dma_wait3A_1916 : memref<72x128xf32, #tpu.memory_space<vmem>>)
      %dma_wait3A_1923 = arith.constant 0 : i32
      %dma_wait3A_1924 = arith.constant 7 : i32
      %dma_wait3A_1925 = arith.constant 1 : i32
      %dma_wait3A_1926 = arith.constant 1 : i32
      %dma_wait3A_1927 = arith.constant 0 : i32
      %dma_wait3A_1928 = arith.constant 0 : i32
      %dma_wait3A_1929 = tpu.memref_slice %arg6[%dma_wait3A_1925, %dma_wait3A_1926, %dma_wait3A_1927, %dma_wait3A_1928] : memref<2x2x200x128xf32, #tpu.memory_space<vmem>> -> memref<1x1x128x128xf32, #tpu.memory_space<vmem>>
      %dma_wait3A_1930 = tpu.memref_squeeze %dma_wait3A_1929 : memref<1x1x128x128xf32, #tpu.memory_space<vmem>> -> memref<128x128xf32, #tpu.memory_space<vmem>>
      %dma_wait3A_1931 = arith.constant 0 : i32
      %dma_wait3A_1932 = tpu.memref_slice %arg5[%dma_wait3A_1923, %dma_wait3A_1924, %dma_wait3A_1931] : memref<2x8x200xi32, #tpu.memory_space<vmem>> -> memref<1x1x128xi32, #tpu.memory_space<vmem>>
      %dma_wait3A_1933 = tpu.memref_squeeze %dma_wait3A_1932 : memref<1x1x128xi32, #tpu.memory_space<vmem>> -> memref<128xi32, #tpu.memory_space<vmem>>
      %dma_wait3A_1934 = arith.constant 0 : i32
      %dma_wait3A_1935 = arith.constant 0 : i32
      %dma_wait3A_1936 = tpu.memref_slice %arg3[%dma_wait3A_1934, %dma_wait3A_1935] : memref<1000000x128xf32, #tpu.memory_space<hbm>> -> memref<1000000x128xf32, #tpu.memory_space<hbm>>
      tpu.wait_indirect_dma semaphore(%arg10 : memref<!tpu.dma_semaphore, #tpu.memory_space<semaphore_mem>>) src(%dma_wait3A_1936 : memref<1000000x128xf32, #tpu.memory_space<hbm>>) dst(%dma_wait3A_1930 : memref<128x128xf32, #tpu.memory_space<vmem>>)
      %dma_wait3A_1937 = arith.constant 0 : i32
      %dma_wait3A_1938 = arith.constant 7 : i32
      %dma_wait3A_1939 = arith.constant 1 : i32
      %dma_wait3A_1940 = arith.constant 1 : i32
      %dma_wait3A_1941 = arith.constant 128 : i32
      %dma_wait3A_1942 = arith.constant 0 : i32
      %dma_wait3A_1943 = tpu.memref_slice %arg6[%dma_wait3A_1939, %dma_wait3A_1940, %dma_wait3A_1941, %dma_wait3A_1942] : memref<2x2x200x128xf32, #tpu.memory_space<vmem>> -> memref<1x1x72x128xf32, #tpu.memory_space<vmem>>
      %dma_wait3A_1944 = tpu.memref_squeeze %dma_wait3A_1943 : memref<1x1x72x128xf32, #tpu.memory_space<vmem>> -> memref<72x128xf32, #tpu.memory_space<vmem>>
      %dma_wait3A_1945 = arith.constant 128 : i32
      %dma_wait3A_1946 = tpu.memref_slice %arg5[%dma_wait3A_1937, %dma_wait3A_1938, %dma_wait3A_1945] : memref<2x8x200xi32, #tpu.memory_space<vmem>> -> memref<1x1x72xi32, #tpu.memory_space<vmem>>
      %dma_wait3A_1947 = tpu.memref_squeeze %dma_wait3A_1946 : memref<1x1x72xi32, #tpu.memory_space<vmem>> -> memref<72xi32, #tpu.memory_space<vmem>>
      %dma_wait3A_1948 = arith.constant 0 : i32
      %dma_wait3A_1949 = arith.constant 0 : i32
      %dma_wait3A_1950 = tpu.memref_slice %arg3[%dma_wait3A_1948, %dma_wait3A_1949] : memref<1000000x128xf32, #tpu.memory_space<hbm>> -> memref<1000000x128xf32, #tpu.memory_space<hbm>>
      tpu.wait_indirect_dma semaphore(%arg10 : memref<!tpu.dma_semaphore, #tpu.memory_space<semaphore_mem>>) src(%dma_wait3A_1950 : memref<1000000x128xf32, #tpu.memory_space<hbm>>) dst(%dma_wait3A_1944 : memref<72x128xf32, #tpu.memory_space<vmem>>)
      %mul3A_1951 = arith.constant 4 : i32
      %mul3A_1952 = arith.muli %add3A_1339, %mul3A_1951 : i32
      %add3A_1953 = arith.constant 3 : i32
      %add3A_1954 = arith.addi %mul3A_1952, %add3A_1953 : i32
      %mul3A_1955 = arith.constant 2 : i32
      %mul3A_1956 = arith.muli %add3A_1954, %mul3A_1955 : i32
      %add3A_1957 = arith.addi %mul3A_2, %mul3A_1956 : i32
      %dma_start3A_1958 = arith.constant 1 : i32
      %dma_start3A_1959 = arith.constant 0 : i32
      %dma_start3A_1960 = arith.constant 0 : i32
      %dma_start3A_1961 = arith.constant 0 : i32
      %dma_start3A_1962 = tpu.memref_slice %arg6[%dma_start3A_1958, %dma_start3A_1959, %dma_start3A_1960, %dma_start3A_1961] : memref<2x2x200x128xf32, #tpu.memory_space<vmem>> -> memref<1x2x200x128xf32, #tpu.memory_space<vmem>>
      %dma_start3A_1963 = tpu.memref_squeeze %dma_start3A_1962 : memref<1x2x200x128xf32, #tpu.memory_space<vmem>> -> memref<2x200x128xf32, #tpu.memory_space<vmem>>
      %dma_start3A_1964 = arith.constant 0 : i32
      %dma_start3A_1965 = arith.constant 0 : i32
      %dma_start3A_1966 = tpu.memref_slice %arg4[%add3A_1957, %dma_start3A_1964, %dma_start3A_1965] : memref<16384x200x128xf32, #tpu.memory_space<hbm>> -> memref<2x200x128xf32, #tpu.memory_space<hbm>>
      %dma_start3A_1967 = arith.constant 0 : i32
      %dma_start3A_1968 = arith.constant 0 : i32
      %dma_start3A_1969 = tpu.memref_slice %arg4[%add3A_1957, %dma_start3A_1967, %dma_start3A_1968] : memref<16384x200x128xf32, #tpu.memory_space<hbm>> -> memref<2x200x128xf32, #tpu.memory_space<hbm>>
      %dma_start3A_1970 = arith.constant 0 : i32
      %dma_start3A_1971 = arith.constant 0 : i32
      %dma_start3A_1972 = arith.constant 0 : i32
      %dma_start3A_1973 = tpu.memref_slice %arg6[%dma_start3A_1958, %dma_start3A_1970, %dma_start3A_1971, %dma_start3A_1972] : memref<2x2x200x128xf32, #tpu.memory_space<vmem>> -> memref<1x2x200x128xf32, #tpu.memory_space<vmem>>
      %dma_start3A_1974 = tpu.memref_squeeze %dma_start3A_1973 : memref<1x2x200x128xf32, #tpu.memory_space<vmem>> -> memref<2x200x128xf32, #tpu.memory_space<vmem>>
      tpu.enqueue_dma source(%dma_start3A_1974 : memref<2x200x128xf32, #tpu.memory_space<vmem>>) target(%dma_start3A_1969 : memref<2x200x128xf32, #tpu.memory_space<hbm>>) target_semaphore(%arg12 : memref<!tpu.dma_semaphore, #tpu.memory_space<semaphore_mem>>)
      %add3A_1975 = arith.constant 2 : i32
      %add3A_1976 = arith.addi %add3A_1339, %add3A_1975 : i32
      %min3A_1977 = arith.constant 63 : i32
      %min3A_1978 = arith.minsi %add3A_1976, %min3A_1977 : i32
      %mul3A_1979 = arith.constant 8 : i32
      %mul3A_1980 = arith.muli %min3A_1978, %mul3A_1979 : i32
      %add3A_1981 = arith.addi %mul3A_2, %mul3A_1980 : i32
      %dma_start3A_1982 = arith.constant 0 : i32
      %dma_start3A_1983 = arith.constant 0 : i32
      %dma_start3A_1984 = arith.constant 0 : i32
      %dma_start3A_1985 = tpu.memref_slice %arg5[%dma_start3A_1982, %dma_start3A_1983, %dma_start3A_1984] : memref<2x8x200xi32, #tpu.memory_space<vmem>> -> memref<1x8x200xi32, #tpu.memory_space<vmem>>
      %dma_start3A_1986 = tpu.memref_squeeze %dma_start3A_1985 : memref<1x8x200xi32, #tpu.memory_space<vmem>> -> memref<8x200xi32, #tpu.memory_space<vmem>>
      %dma_start3A_1987 = arith.constant 0 : i32
      %dma_start3A_1988 = tpu.memref_slice %arg2[%add3A_1981, %dma_start3A_1987] : memref<16384x200xi32, #tpu.memory_space<hbm>> -> memref<8x200xi32, #tpu.memory_space<hbm>>
      %dma_start3A_1989 = arith.constant 0 : i32
      %dma_start3A_1990 = arith.constant 0 : i32
      %dma_start3A_1991 = tpu.memref_slice %arg5[%dma_start3A_1982, %dma_start3A_1989, %dma_start3A_1990] : memref<2x8x200xi32, #tpu.memory_space<vmem>> -> memref<1x8x200xi32, #tpu.memory_space<vmem>>
      %dma_start3A_1992 = tpu.memref_squeeze %dma_start3A_1991 : memref<1x8x200xi32, #tpu.memory_space<vmem>> -> memref<8x200xi32, #tpu.memory_space<vmem>>
      %dma_start3A_1993 = arith.constant 0 : i32
      %dma_start3A_1994 = tpu.memref_slice %arg2[%add3A_1981, %dma_start3A_1993] : memref<16384x200xi32, #tpu.memory_space<hbm>> -> memref<8x200xi32, #tpu.memory_space<hbm>>
      tpu.enqueue_dma source(%dma_start3A_1994 : memref<8x200xi32, #tpu.memory_space<hbm>>) target(%dma_start3A_1992 : memref<8x200xi32, #tpu.memory_space<vmem>>) target_semaphore(%arg7 : memref<!tpu.dma_semaphore, #tpu.memory_space<semaphore_mem>>)
      %mul3A_1995 = arith.constant 2 : i32
      %mul3A_1996 = arith.muli %scan3A_1333, %mul3A_1995 : i32
      %add3A_1997 = arith.constant 2 : i32
      %add3A_1998 = arith.addi %add3A_1997, %mul3A_1996 : i32
      %add3A_1999 = arith.constant 1 : i32
      %add3A_2000 = arith.addi %add3A_1998, %add3A_1999 : i32
      %dma_wait3A_2001 = arith.constant 1 : i32
      %dma_wait3A_2002 = arith.constant 0 : i32
      %dma_wait3A_2003 = arith.constant 0 : i32
      %dma_wait3A_2004 = tpu.memref_slice %arg5[%dma_wait3A_2001, %dma_wait3A_2002, %dma_wait3A_2003] : memref<2x8x200xi32, #tpu.memory_space<vmem>> -> memref<1x8x200xi32, #tpu.memory_space<vmem>>
      %dma_wait3A_2005 = tpu.memref_squeeze %dma_wait3A_2004 : memref<1x8x200xi32, #tpu.memory_space<vmem>> -> memref<8x200xi32, #tpu.memory_space<vmem>>
      %dma_wait3A_2006 = arith.constant 0 : i32
      %dma_wait3A_2007 = arith.constant 0 : i32
      %dma_wait3A_2008 = tpu.memref_slice %arg2[%dma_wait3A_2006, %dma_wait3A_2007] : memref<16384x200xi32, #tpu.memory_space<hbm>> -> memref<8x200xi32, #tpu.memory_space<hbm>>
      %dma_wait3A_2009 = arith.constant 0 : i32
      %dma_wait3A_2010 = arith.constant 0 : i32
      %dma_wait3A_2011 = tpu.memref_slice %arg5[%dma_wait3A_2001, %dma_wait3A_2009, %dma_wait3A_2010] : memref<2x8x200xi32, #tpu.memory_space<vmem>> -> memref<1x8x200xi32, #tpu.memory_space<vmem>>
      %dma_wait3A_2012 = tpu.memref_squeeze %dma_wait3A_2011 : memref<1x8x200xi32, #tpu.memory_space<vmem>> -> memref<8x200xi32, #tpu.memory_space<vmem>>
      %dma_wait3A_2013 = arith.constant 0 : i32
      %dma_wait3A_2014 = arith.constant 0 : i32
      %dma_wait3A_2015 = tpu.memref_slice %arg2[%dma_wait3A_2013, %dma_wait3A_2014] : memref<16384x200xi32, #tpu.memory_space<hbm>> -> memref<8x200xi32, #tpu.memory_space<hbm>>
      tpu.wait_dma2 semaphore(%arg8 : memref<!tpu.dma_semaphore, #tpu.memory_space<semaphore_mem>>) src(%dma_wait3A_2015 : memref<8x200xi32, #tpu.memory_space<hbm>>) dst(%dma_wait3A_2012 : memref<8x200xi32, #tpu.memory_space<vmem>>)
      %dma_wait3A_2016 = arith.constant 0 : i32
      %dma_wait3A_2017 = arith.constant 0 : i32
      %dma_wait3A_2018 = arith.constant 0 : i32
      %dma_wait3A_2019 = arith.constant 0 : i32
      %dma_wait3A_2020 = tpu.memref_slice %arg6[%dma_wait3A_2016, %dma_wait3A_2017, %dma_wait3A_2018, %dma_wait3A_2019] : memref<2x2x200x128xf32, #tpu.memory_space<vmem>> -> memref<1x2x200x128xf32, #tpu.memory_space<vmem>>
      %dma_wait3A_2021 = tpu.memref_squeeze %dma_wait3A_2020 : memref<1x2x200x128xf32, #tpu.memory_space<vmem>> -> memref<2x200x128xf32, #tpu.memory_space<vmem>>
      %dma_wait3A_2022 = arith.constant 0 : i32
      %dma_wait3A_2023 = arith.constant 0 : i32
      %dma_wait3A_2024 = arith.constant 0 : i32
      %dma_wait3A_2025 = tpu.memref_slice %arg4[%dma_wait3A_2022, %dma_wait3A_2023, %dma_wait3A_2024] : memref<16384x200x128xf32, #tpu.memory_space<hbm>> -> memref<2x200x128xf32, #tpu.memory_space<hbm>>
      %dma_wait3A_2026 = arith.constant 0 : i32
      %dma_wait3A_2027 = arith.constant 0 : i32
      %dma_wait3A_2028 = arith.constant 0 : i32
      %dma_wait3A_2029 = tpu.memref_slice %arg4[%dma_wait3A_2026, %dma_wait3A_2027, %dma_wait3A_2028] : memref<16384x200x128xf32, #tpu.memory_space<hbm>> -> memref<2x200x128xf32, #tpu.memory_space<hbm>>
      %dma_wait3A_2030 = arith.constant 0 : i32
      %dma_wait3A_2031 = arith.constant 0 : i32
      %dma_wait3A_2032 = arith.constant 0 : i32
      %dma_wait3A_2033 = tpu.memref_slice %arg6[%dma_wait3A_2016, %dma_wait3A_2030, %dma_wait3A_2031, %dma_wait3A_2032] : memref<2x2x200x128xf32, #tpu.memory_space<vmem>> -> memref<1x2x200x128xf32, #tpu.memory_space<vmem>>
      %dma_wait3A_2034 = tpu.memref_squeeze %dma_wait3A_2033 : memref<1x2x200x128xf32, #tpu.memory_space<vmem>> -> memref<2x200x128xf32, #tpu.memory_space<vmem>>
      tpu.wait_dma2 semaphore(%arg11 : memref<!tpu.dma_semaphore, #tpu.memory_space<semaphore_mem>>) src(%dma_wait3A_2034 : memref<2x200x128xf32, #tpu.memory_space<vmem>>) dst(%dma_wait3A_2029 : memref<2x200x128xf32, #tpu.memory_space<hbm>>)
      %dma_start3A_2035 = arith.constant 1 : i32
      %dma_start3A_2036 = arith.constant 0 : i32
      %dma_start3A_2037 = arith.constant 0 : i32
      %dma_start3A_2038 = arith.constant 0 : i32
      %dma_start3A_2039 = arith.constant 0 : i32
      %dma_start3A_2040 = arith.constant 0 : i32
      %dma_start3A_2041 = tpu.memref_slice %arg6[%dma_start3A_2037, %dma_start3A_2038, %dma_start3A_2039, %dma_start3A_2040] : memref<2x2x200x128xf32, #tpu.memory_space<vmem>> -> memref<1x1x128x128xf32, #tpu.memory_space<vmem>>
      %dma_start3A_2042 = tpu.memref_squeeze %dma_start3A_2041 : memref<1x1x128x128xf32, #tpu.memory_space<vmem>> -> memref<128x128xf32, #tpu.memory_space<vmem>>
      %dma_start3A_2043 = arith.constant 0 : i32
      %dma_start3A_2044 = tpu.memref_slice %arg5[%dma_start3A_2035, %dma_start3A_2036, %dma_start3A_2043] : memref<2x8x200xi32, #tpu.memory_space<vmem>> -> memref<1x1x128xi32, #tpu.memory_space<vmem>>
      %dma_start3A_2045 = tpu.memref_squeeze %dma_start3A_2044 : memref<1x1x128xi32, #tpu.memory_space<vmem>> -> memref<128xi32, #tpu.memory_space<vmem>>
      %dma_start3A_2046 = arith.constant 0 : i32
      %dma_start3A_2047 = arith.constant 0 : i32
      %dma_start3A_2048 = tpu.memref_slice %arg3[%dma_start3A_2046, %dma_start3A_2047] : memref<1000000x128xf32, #tpu.memory_space<hbm>> -> memref<1000000x128xf32, #tpu.memory_space<hbm>>
      tpu.enqueue_indirect_dma source(%dma_start3A_2048 : memref<1000000x128xf32, #tpu.memory_space<hbm>>) target(%dma_start3A_2042 : memref<128x128xf32, #tpu.memory_space<vmem>>) offsets(%dma_start3A_2045 : memref<128xi32, #tpu.memory_space<vmem>>) semaphore(%arg9 : memref<!tpu.dma_semaphore, #tpu.memory_space<semaphore_mem>>)
      %dma_start3A_2049 = arith.constant 1 : i32
      %dma_start3A_2050 = arith.constant 0 : i32
      %dma_start3A_2051 = arith.constant 0 : i32
      %dma_start3A_2052 = arith.constant 0 : i32
      %dma_start3A_2053 = arith.constant 128 : i32
      %dma_start3A_2054 = arith.constant 0 : i32
      %dma_start3A_2055 = tpu.memref_slice %arg6[%dma_start3A_2051, %dma_start3A_2052, %dma_start3A_2053, %dma_start3A_2054] : memref<2x2x200x128xf32, #tpu.memory_space<vmem>> -> memref<1x1x72x128xf32, #tpu.memory_space<vmem>>
      %dma_start3A_2056 = tpu.memref_squeeze %dma_start3A_2055 : memref<1x1x72x128xf32, #tpu.memory_space<vmem>> -> memref<72x128xf32, #tpu.memory_space<vmem>>
      %dma_start3A_2057 = arith.constant 128 : i32
      %dma_start3A_2058 = tpu.memref_slice %arg5[%dma_start3A_2049, %dma_start3A_2050, %dma_start3A_2057] : memref<2x8x200xi32, #tpu.memory_space<vmem>> -> memref<1x1x72xi32, #tpu.memory_space<vmem>>
      %dma_start3A_2059 = tpu.memref_squeeze %dma_start3A_2058 : memref<1x1x72xi32, #tpu.memory_space<vmem>> -> memref<72xi32, #tpu.memory_space<vmem>>
      %dma_start3A_2060 = arith.constant 0 : i32
      %dma_start3A_2061 = arith.constant 0 : i32
      %dma_start3A_2062 = tpu.memref_slice %arg3[%dma_start3A_2060, %dma_start3A_2061] : memref<1000000x128xf32, #tpu.memory_space<hbm>> -> memref<1000000x128xf32, #tpu.memory_space<hbm>>
      tpu.enqueue_indirect_dma source(%dma_start3A_2062 : memref<1000000x128xf32, #tpu.memory_space<hbm>>) target(%dma_start3A_2056 : memref<72x128xf32, #tpu.memory_space<vmem>>) offsets(%dma_start3A_2059 : memref<72xi32, #tpu.memory_space<vmem>>) semaphore(%arg9 : memref<!tpu.dma_semaphore, #tpu.memory_space<semaphore_mem>>)
      %dma_start3A_2063 = arith.constant 1 : i32
      %dma_start3A_2064 = arith.constant 1 : i32
      %dma_start3A_2065 = arith.constant 0 : i32
      %dma_start3A_2066 = arith.constant 1 : i32
      %dma_start3A_2067 = arith.constant 0 : i32
      %dma_start3A_2068 = arith.constant 0 : i32
      %dma_start3A_2069 = tpu.memref_slice %arg6[%dma_start3A_2065, %dma_start3A_2066, %dma_start3A_2067, %dma_start3A_2068] : memref<2x2x200x128xf32, #tpu.memory_space<vmem>> -> memref<1x1x128x128xf32, #tpu.memory_space<vmem>>
      %dma_start3A_2070 = tpu.memref_squeeze %dma_start3A_2069 : memref<1x1x128x128xf32, #tpu.memory_space<vmem>> -> memref<128x128xf32, #tpu.memory_space<vmem>>
      %dma_start3A_2071 = arith.constant 0 : i32
      %dma_start3A_2072 = tpu.memref_slice %arg5[%dma_start3A_2063, %dma_start3A_2064, %dma_start3A_2071] : memref<2x8x200xi32, #tpu.memory_space<vmem>> -> memref<1x1x128xi32, #tpu.memory_space<vmem>>
      %dma_start3A_2073 = tpu.memref_squeeze %dma_start3A_2072 : memref<1x1x128xi32, #tpu.memory_space<vmem>> -> memref<128xi32, #tpu.memory_space<vmem>>
      %dma_start3A_2074 = arith.constant 0 : i32
      %dma_start3A_2075 = arith.constant 0 : i32
      %dma_start3A_2076 = tpu.memref_slice %arg3[%dma_start3A_2074, %dma_start3A_2075] : memref<1000000x128xf32, #tpu.memory_space<hbm>> -> memref<1000000x128xf32, #tpu.memory_space<hbm>>
      tpu.enqueue_indirect_dma source(%dma_start3A_2076 : memref<1000000x128xf32, #tpu.memory_space<hbm>>) target(%dma_start3A_2070 : memref<128x128xf32, #tpu.memory_space<vmem>>) offsets(%dma_start3A_2073 : memref<128xi32, #tpu.memory_space<vmem>>) semaphore(%arg9 : memref<!tpu.dma_semaphore, #tpu.memory_space<semaphore_mem>>)
      %dma_start3A_2077 = arith.constant 1 : i32
      %dma_start3A_2078 = arith.constant 1 : i32
      %dma_start3A_2079 = arith.constant 0 : i32
      %dma_start3A_2080 = arith.constant 1 : i32
      %dma_start3A_2081 = arith.constant 128 : i32
      %dma_start3A_2082 = arith.constant 0 : i32
      %dma_start3A_2083 = tpu.memref_slice %arg6[%dma_start3A_2079, %dma_start3A_2080, %dma_start3A_2081, %dma_start3A_2082] : memref<2x2x200x128xf32, #tpu.memory_space<vmem>> -> memref<1x1x72x128xf32, #tpu.memory_space<vmem>>
      %dma_start3A_2084 = tpu.memref_squeeze %dma_start3A_2083 : memref<1x1x72x128xf32, #tpu.memory_space<vmem>> -> memref<72x128xf32, #tpu.memory_space<vmem>>
      %dma_start3A_2085 = arith.constant 128 : i32
      %dma_start3A_2086 = tpu.memref_slice %arg5[%dma_start3A_2077, %dma_start3A_2078, %dma_start3A_2085] : memref<2x8x200xi32, #tpu.memory_space<vmem>> -> memref<1x1x72xi32, #tpu.memory_space<vmem>>
      %dma_start3A_2087 = tpu.memref_squeeze %dma_start3A_2086 : memref<1x1x72xi32, #tpu.memory_space<vmem>> -> memref<72xi32, #tpu.memory_space<vmem>>
      %dma_start3A_2088 = arith.constant 0 : i32
      %dma_start3A_2089 = arith.constant 0 : i32
      %dma_start3A_2090 = tpu.memref_slice %arg3[%dma_start3A_2088, %dma_start3A_2089] : memref<1000000x128xf32, #tpu.memory_space<hbm>> -> memref<1000000x128xf32, #tpu.memory_space<hbm>>
      tpu.enqueue_indirect_dma source(%dma_start3A_2090 : memref<1000000x128xf32, #tpu.memory_space<hbm>>) target(%dma_start3A_2084 : memref<72x128xf32, #tpu.memory_space<vmem>>) offsets(%dma_start3A_2087 : memref<72xi32, #tpu.memory_space<vmem>>) semaphore(%arg9 : memref<!tpu.dma_semaphore, #tpu.memory_space<semaphore_mem>>)
      %dma_wait3A_2091 = arith.constant 1 : i32
      %dma_wait3A_2092 = arith.constant 0 : i32
      %dma_wait3A_2093 = arith.constant 0 : i32
      %dma_wait3A_2094 = arith.constant 0 : i32
      %dma_wait3A_2095 = arith.constant 0 : i32
      %dma_wait3A_2096 = arith.constant 0 : i32
      %dma_wait3A_2097 = tpu.memref_slice %arg6[%dma_wait3A_2093, %dma_wait3A_2094, %dma_wait3A_2095, %dma_wait3A_2096] : memref<2x2x200x128xf32, #tpu.memory_space<vmem>> -> memref<1x1x128x128xf32, #tpu.memory_space<vmem>>
      %dma_wait3A_2098 = tpu.memref_squeeze %dma_wait3A_2097 : memref<1x1x128x128xf32, #tpu.memory_space<vmem>> -> memref<128x128xf32, #tpu.memory_space<vmem>>
      %dma_wait3A_2099 = arith.constant 0 : i32
      %dma_wait3A_2100 = tpu.memref_slice %arg5[%dma_wait3A_2091, %dma_wait3A_2092, %dma_wait3A_2099] : memref<2x8x200xi32, #tpu.memory_space<vmem>> -> memref<1x1x128xi32, #tpu.memory_space<vmem>>
      %dma_wait3A_2101 = tpu.memref_squeeze %dma_wait3A_2100 : memref<1x1x128xi32, #tpu.memory_space<vmem>> -> memref<128xi32, #tpu.memory_space<vmem>>
      %dma_wait3A_2102 = arith.constant 0 : i32
      %dma_wait3A_2103 = arith.constant 0 : i32
      %dma_wait3A_2104 = tpu.memref_slice %arg3[%dma_wait3A_2102, %dma_wait3A_2103] : memref<1000000x128xf32, #tpu.memory_space<hbm>> -> memref<1000000x128xf32, #tpu.memory_space<hbm>>
      tpu.wait_indirect_dma semaphore(%arg9 : memref<!tpu.dma_semaphore, #tpu.memory_space<semaphore_mem>>) src(%dma_wait3A_2104 : memref<1000000x128xf32, #tpu.memory_space<hbm>>) dst(%dma_wait3A_2098 : memref<128x128xf32, #tpu.memory_space<vmem>>)
      %dma_wait3A_2105 = arith.constant 1 : i32
      %dma_wait3A_2106 = arith.constant 0 : i32
      %dma_wait3A_2107 = arith.constant 0 : i32
      %dma_wait3A_2108 = arith.constant 0 : i32
      %dma_wait3A_2109 = arith.constant 128 : i32
      %dma_wait3A_2110 = arith.constant 0 : i32
      %dma_wait3A_2111 = tpu.memref_slice %arg6[%dma_wait3A_2107, %dma_wait3A_2108, %dma_wait3A_2109, %dma_wait3A_2110] : memref<2x2x200x128xf32, #tpu.memory_space<vmem>> -> memref<1x1x72x128xf32, #tpu.memory_space<vmem>>
      %dma_wait3A_2112 = tpu.memref_squeeze %dma_wait3A_2111 : memref<1x1x72x128xf32, #tpu.memory_space<vmem>> -> memref<72x128xf32, #tpu.memory_space<vmem>>
      %dma_wait3A_2113 = arith.constant 128 : i32
      %dma_wait3A_2114 = tpu.memref_slice %arg5[%dma_wait3A_2105, %dma_wait3A_2106, %dma_wait3A_2113] : memref<2x8x200xi32, #tpu.memory_space<vmem>> -> memref<1x1x72xi32, #tpu.memory_space<vmem>>
      %dma_wait3A_2115 = tpu.memref_squeeze %dma_wait3A_2114 : memref<1x1x72xi32, #tpu.memory_space<vmem>> -> memref<72xi32, #tpu.memory_space<vmem>>
      %dma_wait3A_2116 = arith.constant 0 : i32
      %dma_wait3A_2117 = arith.constant 0 : i32
      %dma_wait3A_2118 = tpu.memref_slice %arg3[%dma_wait3A_2116, %dma_wait3A_2117] : memref<1000000x128xf32, #tpu.memory_space<hbm>> -> memref<1000000x128xf32, #tpu.memory_space<hbm>>
      tpu.wait_indirect_dma semaphore(%arg9 : memref<!tpu.dma_semaphore, #tpu.memory_space<semaphore_mem>>) src(%dma_wait3A_2118 : memref<1000000x128xf32, #tpu.memory_space<hbm>>) dst(%dma_wait3A_2112 : memref<72x128xf32, #tpu.memory_space<vmem>>)
      %dma_wait3A_2119 = arith.constant 1 : i32
      %dma_wait3A_2120 = arith.constant 1 : i32
      %dma_wait3A_2121 = arith.constant 0 : i32
      %dma_wait3A_2122 = arith.constant 1 : i32
      %dma_wait3A_2123 = arith.constant 0 : i32
      %dma_wait3A_2124 = arith.constant 0 : i32
      %dma_wait3A_2125 = tpu.memref_slice %arg6[%dma_wait3A_2121, %dma_wait3A_2122, %dma_wait3A_2123, %dma_wait3A_2124] : memref<2x2x200x128xf32, #tpu.memory_space<vmem>> -> memref<1x1x128x128xf32, #tpu.memory_space<vmem>>
      %dma_wait3A_2126 = tpu.memref_squeeze %dma_wait3A_2125 : memref<1x1x128x128xf32, #tpu.memory_space<vmem>> -> memref<128x128xf32, #tpu.memory_space<vmem>>
      %dma_wait3A_2127 = arith.constant 0 : i32
      %dma_wait3A_2128 = tpu.memref_slice %arg5[%dma_wait3A_2119, %dma_wait3A_2120, %dma_wait3A_2127] : memref<2x8x200xi32, #tpu.memory_space<vmem>> -> memref<1x1x128xi32, #tpu.memory_space<vmem>>
      %dma_wait3A_2129 = tpu.memref_squeeze %dma_wait3A_2128 : memref<1x1x128xi32, #tpu.memory_space<vmem>> -> memref<128xi32, #tpu.memory_space<vmem>>
      %dma_wait3A_2130 = arith.constant 0 : i32
      %dma_wait3A_2131 = arith.constant 0 : i32
      %dma_wait3A_2132 = tpu.memref_slice %arg3[%dma_wait3A_2130, %dma_wait3A_2131] : memref<1000000x128xf32, #tpu.memory_space<hbm>> -> memref<1000000x128xf32, #tpu.memory_space<hbm>>
      tpu.wait_indirect_dma semaphore(%arg9 : memref<!tpu.dma_semaphore, #tpu.memory_space<semaphore_mem>>) src(%dma_wait3A_2132 : memref<1000000x128xf32, #tpu.memory_space<hbm>>) dst(%dma_wait3A_2126 : memref<128x128xf32, #tpu.memory_space<vmem>>)
      %dma_wait3A_2133 = arith.constant 1 : i32
      %dma_wait3A_2134 = arith.constant 1 : i32
      %dma_wait3A_2135 = arith.constant 0 : i32
      %dma_wait3A_2136 = arith.constant 1 : i32
      %dma_wait3A_2137 = arith.constant 128 : i32
      %dma_wait3A_2138 = arith.constant 0 : i32
      %dma_wait3A_2139 = tpu.memref_slice %arg6[%dma_wait3A_2135, %dma_wait3A_2136, %dma_wait3A_2137, %dma_wait3A_2138] : memref<2x2x200x128xf32, #tpu.memory_space<vmem>> -> memref<1x1x72x128xf32, #tpu.memory_space<vmem>>
      %dma_wait3A_2140 = tpu.memref_squeeze %dma_wait3A_2139 : memref<1x1x72x128xf32, #tpu.memory_space<vmem>> -> memref<72x128xf32, #tpu.memory_space<vmem>>
      %dma_wait3A_2141 = arith.constant 128 : i32
      %dma_wait3A_2142 = tpu.memref_slice %arg5[%dma_wait3A_2133, %dma_wait3A_2134, %dma_wait3A_2141] : memref<2x8x200xi32, #tpu.memory_space<vmem>> -> memref<1x1x72xi32, #tpu.memory_space<vmem>>
      %dma_wait3A_2143 = tpu.memref_squeeze %dma_wait3A_2142 : memref<1x1x72xi32, #tpu.memory_space<vmem>> -> memref<72xi32, #tpu.memory_space<vmem>>
      %dma_wait3A_2144 = arith.constant 0 : i32
      %dma_wait3A_2145 = arith.constant 0 : i32
      %dma_wait3A_2146 = tpu.memref_slice %arg3[%dma_wait3A_2144, %dma_wait3A_2145] : memref<1000000x128xf32, #tpu.memory_space<hbm>> -> memref<1000000x128xf32, #tpu.memory_space<hbm>>
      tpu.wait_indirect_dma semaphore(%arg9 : memref<!tpu.dma_semaphore, #tpu.memory_space<semaphore_mem>>) src(%dma_wait3A_2146 : memref<1000000x128xf32, #tpu.memory_space<hbm>>) dst(%dma_wait3A_2140 : memref<72x128xf32, #tpu.memory_space<vmem>>)
      %mul3A_2147 = arith.constant 4 : i32
      %mul3A_2148 = arith.muli %add3A_2000, %mul3A_2147 : i32
      %add3A_2149 = arith.constant 0 : i32
      %add3A_2150 = arith.addi %mul3A_2148, %add3A_2149 : i32
      %mul3A_2151 = arith.constant 2 : i32
      %mul3A_2152 = arith.muli %add3A_2150, %mul3A_2151 : i32
      %add3A_2153 = arith.addi %mul3A_2, %mul3A_2152 : i32
      %dma_start3A_2154 = arith.constant 0 : i32
      %dma_start3A_2155 = arith.constant 0 : i32
      %dma_start3A_2156 = arith.constant 0 : i32
      %dma_start3A_2157 = arith.constant 0 : i32
      %dma_start3A_2158 = tpu.memref_slice %arg6[%dma_start3A_2154, %dma_start3A_2155, %dma_start3A_2156, %dma_start3A_2157] : memref<2x2x200x128xf32, #tpu.memory_space<vmem>> -> memref<1x2x200x128xf32, #tpu.memory_space<vmem>>
      %dma_start3A_2159 = tpu.memref_squeeze %dma_start3A_2158 : memref<1x2x200x128xf32, #tpu.memory_space<vmem>> -> memref<2x200x128xf32, #tpu.memory_space<vmem>>
      %dma_start3A_2160 = arith.constant 0 : i32
      %dma_start3A_2161 = arith.constant 0 : i32
      %dma_start3A_2162 = tpu.memref_slice %arg4[%add3A_2153, %dma_start3A_2160, %dma_start3A_2161] : memref<16384x200x128xf32, #tpu.memory_space<hbm>> -> memref<2x200x128xf32, #tpu.memory_space<hbm>>
      %dma_start3A_2163 = arith.constant 0 : i32
      %dma_start3A_2164 = arith.constant 0 : i32
      %dma_start3A_2165 = tpu.memref_slice %arg4[%add3A_2153, %dma_start3A_2163, %dma_start3A_2164] : memref<16384x200x128xf32, #tpu.memory_space<hbm>> -> memref<2x200x128xf32, #tpu.memory_space<hbm>>
      %dma_start3A_2166 = arith.constant 0 : i32
      %dma_start3A_2167 = arith.constant 0 : i32
      %dma_start3A_2168 = arith.constant 0 : i32
      %dma_start3A_2169 = tpu.memref_slice %arg6[%dma_start3A_2154, %dma_start3A_2166, %dma_start3A_2167, %dma_start3A_2168] : memref<2x2x200x128xf32, #tpu.memory_space<vmem>> -> memref<1x2x200x128xf32, #tpu.memory_space<vmem>>
      %dma_start3A_2170 = tpu.memref_squeeze %dma_start3A_2169 : memref<1x2x200x128xf32, #tpu.memory_space<vmem>> -> memref<2x200x128xf32, #tpu.memory_space<vmem>>
      tpu.enqueue_dma source(%dma_start3A_2170 : memref<2x200x128xf32, #tpu.memory_space<vmem>>) target(%dma_start3A_2165 : memref<2x200x128xf32, #tpu.memory_space<hbm>>) target_semaphore(%arg11 : memref<!tpu.dma_semaphore, #tpu.memory_space<semaphore_mem>>)
      %dma_wait3A_2171 = arith.constant 1 : i32
      %dma_wait3A_2172 = arith.constant 0 : i32
      %dma_wait3A_2173 = arith.constant 0 : i32
      %dma_wait3A_2174 = arith.constant 0 : i32
      %dma_wait3A_2175 = tpu.memref_slice %arg6[%dma_wait3A_2171, %dma_wait3A_2172, %dma_wait3A_2173, %dma_wait3A_2174] : memref<2x2x200x128xf32, #tpu.memory_space<vmem>> -> memref<1x2x200x128xf32, #tpu.memory_space<vmem>>
      %dma_wait3A_2176 = tpu.memref_squeeze %dma_wait3A_2175 : memref<1x2x200x128xf32, #tpu.memory_space<vmem>> -> memref<2x200x128xf32, #tpu.memory_space<vmem>>
      %dma_wait3A_2177 = arith.constant 0 : i32
      %dma_wait3A_2178 = arith.constant 0 : i32
      %dma_wait3A_2179 = arith.constant 0 : i32
      %dma_wait3A_2180 = tpu.memref_slice %arg4[%dma_wait3A_2177, %dma_wait3A_2178, %dma_wait3A_2179] : memref<16384x200x128xf32, #tpu.memory_space<hbm>> -> memref<2x200x128xf32, #tpu.memory_space<hbm>>
      %dma_wait3A_2181 = arith.constant 0 : i32
      %dma_wait3A_2182 = arith.constant 0 : i32
      %dma_wait3A_2183 = arith.constant 0 : i32
      %dma_wait3A_2184 = tpu.memref_slice %arg4[%dma_wait3A_2181, %dma_wait3A_2182, %dma_wait3A_2183] : memref<16384x200x128xf32, #tpu.memory_space<hbm>> -> memref<2x200x128xf32, #tpu.memory_space<hbm>>
      %dma_wait3A_2185 = arith.constant 0 : i32
      %dma_wait3A_2186 = arith.constant 0 : i32
      %dma_wait3A_2187 = arith.constant 0 : i32
      %dma_wait3A_2188 = tpu.memref_slice %arg6[%dma_wait3A_2171, %dma_wait3A_2185, %dma_wait3A_2186, %dma_wait3A_2187] : memref<2x2x200x128xf32, #tpu.memory_space<vmem>> -> memref<1x2x200x128xf32, #tpu.memory_space<vmem>>
      %dma_wait3A_2189 = tpu.memref_squeeze %dma_wait3A_2188 : memref<1x2x200x128xf32, #tpu.memory_space<vmem>> -> memref<2x200x128xf32, #tpu.memory_space<vmem>>
      tpu.wait_dma2 semaphore(%arg12 : memref<!tpu.dma_semaphore, #tpu.memory_space<semaphore_mem>>) src(%dma_wait3A_2189 : memref<2x200x128xf32, #tpu.memory_space<vmem>>) dst(%dma_wait3A_2184 : memref<2x200x128xf32, #tpu.memory_space<hbm>>)
      %dma_start3A_2190 = arith.constant 1 : i32
      %dma_start3A_2191 = arith.constant 2 : i32
      %dma_start3A_2192 = arith.constant 1 : i32
      %dma_start3A_2193 = arith.constant 0 : i32
      %dma_start3A_2194 = arith.constant 0 : i32
      %dma_start3A_2195 = arith.constant 0 : i32
      %dma_start3A_2196 = tpu.memref_slice %arg6[%dma_start3A_2192, %dma_start3A_2193, %dma_start3A_2194, %dma_start3A_2195] : memref<2x2x200x128xf32, #tpu.memory_space<vmem>> -> memref<1x1x128x128xf32, #tpu.memory_space<vmem>>
      %dma_start3A_2197 = tpu.memref_squeeze %dma_start3A_2196 : memref<1x1x128x128xf32, #tpu.memory_space<vmem>> -> memref<128x128xf32, #tpu.memory_space<vmem>>
      %dma_start3A_2198 = arith.constant 0 : i32
      %dma_start3A_2199 = tpu.memref_slice %arg5[%dma_start3A_2190, %dma_start3A_2191, %dma_start3A_2198] : memref<2x8x200xi32, #tpu.memory_space<vmem>> -> memref<1x1x128xi32, #tpu.memory_space<vmem>>
      %dma_start3A_2200 = tpu.memref_squeeze %dma_start3A_2199 : memref<1x1x128xi32, #tpu.memory_space<vmem>> -> memref<128xi32, #tpu.memory_space<vmem>>
      %dma_start3A_2201 = arith.constant 0 : i32
      %dma_start3A_2202 = arith.constant 0 : i32
      %dma_start3A_2203 = tpu.memref_slice %arg3[%dma_start3A_2201, %dma_start3A_2202] : memref<1000000x128xf32, #tpu.memory_space<hbm>> -> memref<1000000x128xf32, #tpu.memory_space<hbm>>
      tpu.enqueue_indirect_dma source(%dma_start3A_2203 : memref<1000000x128xf32, #tpu.memory_space<hbm>>) target(%dma_start3A_2197 : memref<128x128xf32, #tpu.memory_space<vmem>>) offsets(%dma_start3A_2200 : memref<128xi32, #tpu.memory_space<vmem>>) semaphore(%arg10 : memref<!tpu.dma_semaphore, #tpu.memory_space<semaphore_mem>>)
      %dma_start3A_2204 = arith.constant 1 : i32
      %dma_start3A_2205 = arith.constant 2 : i32
      %dma_start3A_2206 = arith.constant 1 : i32
      %dma_start3A_2207 = arith.constant 0 : i32
      %dma_start3A_2208 = arith.constant 128 : i32
      %dma_start3A_2209 = arith.constant 0 : i32
      %dma_start3A_2210 = tpu.memref_slice %arg6[%dma_start3A_2206, %dma_start3A_2207, %dma_start3A_2208, %dma_start3A_2209] : memref<2x2x200x128xf32, #tpu.memory_space<vmem>> -> memref<1x1x72x128xf32, #tpu.memory_space<vmem>>
      %dma_start3A_2211 = tpu.memref_squeeze %dma_start3A_2210 : memref<1x1x72x128xf32, #tpu.memory_space<vmem>> -> memref<72x128xf32, #tpu.memory_space<vmem>>
      %dma_start3A_2212 = arith.constant 128 : i32
      %dma_start3A_2213 = tpu.memref_slice %arg5[%dma_start3A_2204, %dma_start3A_2205, %dma_start3A_2212] : memref<2x8x200xi32, #tpu.memory_space<vmem>> -> memref<1x1x72xi32, #tpu.memory_space<vmem>>
      %dma_start3A_2214 = tpu.memref_squeeze %dma_start3A_2213 : memref<1x1x72xi32, #tpu.memory_space<vmem>> -> memref<72xi32, #tpu.memory_space<vmem>>
      %dma_start3A_2215 = arith.constant 0 : i32
      %dma_start3A_2216 = arith.constant 0 : i32
      %dma_start3A_2217 = tpu.memref_slice %arg3[%dma_start3A_2215, %dma_start3A_2216] : memref<1000000x128xf32, #tpu.memory_space<hbm>> -> memref<1000000x128xf32, #tpu.memory_space<hbm>>
      tpu.enqueue_indirect_dma source(%dma_start3A_2217 : memref<1000000x128xf32, #tpu.memory_space<hbm>>) target(%dma_start3A_2211 : memref<72x128xf32, #tpu.memory_space<vmem>>) offsets(%dma_start3A_2214 : memref<72xi32, #tpu.memory_space<vmem>>) semaphore(%arg10 : memref<!tpu.dma_semaphore, #tpu.memory_space<semaphore_mem>>)
      %dma_start3A_2218 = arith.constant 1 : i32
      %dma_start3A_2219 = arith.constant 3 : i32
      %dma_start3A_2220 = arith.constant 1 : i32
      %dma_start3A_2221 = arith.constant 1 : i32
      %dma_start3A_2222 = arith.constant 0 : i32
      %dma_start3A_2223 = arith.constant 0 : i32
      %dma_start3A_2224 = tpu.memref_slice %arg6[%dma_start3A_2220, %dma_start3A_2221, %dma_start3A_2222, %dma_start3A_2223] : memref<2x2x200x128xf32, #tpu.memory_space<vmem>> -> memref<1x1x128x128xf32, #tpu.memory_space<vmem>>
      %dma_start3A_2225 = tpu.memref_squeeze %dma_start3A_2224 : memref<1x1x128x128xf32, #tpu.memory_space<vmem>> -> memref<128x128xf32, #tpu.memory_space<vmem>>
      %dma_start3A_2226 = arith.constant 0 : i32
      %dma_start3A_2227 = tpu.memref_slice %arg5[%dma_start3A_2218, %dma_start3A_2219, %dma_start3A_2226] : memref<2x8x200xi32, #tpu.memory_space<vmem>> -> memref<1x1x128xi32, #tpu.memory_space<vmem>>
      %dma_start3A_2228 = tpu.memref_squeeze %dma_start3A_2227 : memref<1x1x128xi32, #tpu.memory_space<vmem>> -> memref<128xi32, #tpu.memory_space<vmem>>
      %dma_start3A_2229 = arith.constant 0 : i32
      %dma_start3A_2230 = arith.constant 0 : i32
      %dma_start3A_2231 = tpu.memref_slice %arg3[%dma_start3A_2229, %dma_start3A_2230] : memref<1000000x128xf32, #tpu.memory_space<hbm>> -> memref<1000000x128xf32, #tpu.memory_space<hbm>>
      tpu.enqueue_indirect_dma source(%dma_start3A_2231 : memref<1000000x128xf32, #tpu.memory_space<hbm>>) target(%dma_start3A_2225 : memref<128x128xf32, #tpu.memory_space<vmem>>) offsets(%dma_start3A_2228 : memref<128xi32, #tpu.memory_space<vmem>>) semaphore(%arg10 : memref<!tpu.dma_semaphore, #tpu.memory_space<semaphore_mem>>)
      %dma_start3A_2232 = arith.constant 1 : i32
      %dma_start3A_2233 = arith.constant 3 : i32
      %dma_start3A_2234 = arith.constant 1 : i32
      %dma_start3A_2235 = arith.constant 1 : i32
      %dma_start3A_2236 = arith.constant 128 : i32
      %dma_start3A_2237 = arith.constant 0 : i32
      %dma_start3A_2238 = tpu.memref_slice %arg6[%dma_start3A_2234, %dma_start3A_2235, %dma_start3A_2236, %dma_start3A_2237] : memref<2x2x200x128xf32, #tpu.memory_space<vmem>> -> memref<1x1x72x128xf32, #tpu.memory_space<vmem>>
      %dma_start3A_2239 = tpu.memref_squeeze %dma_start3A_2238 : memref<1x1x72x128xf32, #tpu.memory_space<vmem>> -> memref<72x128xf32, #tpu.memory_space<vmem>>
      %dma_start3A_2240 = arith.constant 128 : i32
      %dma_start3A_2241 = tpu.memref_slice %arg5[%dma_start3A_2232, %dma_start3A_2233, %dma_start3A_2240] : memref<2x8x200xi32, #tpu.memory_space<vmem>> -> memref<1x1x72xi32, #tpu.memory_space<vmem>>
      %dma_start3A_2242 = tpu.memref_squeeze %dma_start3A_2241 : memref<1x1x72xi32, #tpu.memory_space<vmem>> -> memref<72xi32, #tpu.memory_space<vmem>>
      %dma_start3A_2243 = arith.constant 0 : i32
      %dma_start3A_2244 = arith.constant 0 : i32
      %dma_start3A_2245 = tpu.memref_slice %arg3[%dma_start3A_2243, %dma_start3A_2244] : memref<1000000x128xf32, #tpu.memory_space<hbm>> -> memref<1000000x128xf32, #tpu.memory_space<hbm>>
      tpu.enqueue_indirect_dma source(%dma_start3A_2245 : memref<1000000x128xf32, #tpu.memory_space<hbm>>) target(%dma_start3A_2239 : memref<72x128xf32, #tpu.memory_space<vmem>>) offsets(%dma_start3A_2242 : memref<72xi32, #tpu.memory_space<vmem>>) semaphore(%arg10 : memref<!tpu.dma_semaphore, #tpu.memory_space<semaphore_mem>>)
      %dma_wait3A_2246 = arith.constant 1 : i32
      %dma_wait3A_2247 = arith.constant 2 : i32
      %dma_wait3A_2248 = arith.constant 1 : i32
      %dma_wait3A_2249 = arith.constant 0 : i32
      %dma_wait3A_2250 = arith.constant 0 : i32
      %dma_wait3A_2251 = arith.constant 0 : i32
      %dma_wait3A_2252 = tpu.memref_slice %arg6[%dma_wait3A_2248, %dma_wait3A_2249, %dma_wait3A_2250, %dma_wait3A_2251] : memref<2x2x200x128xf32, #tpu.memory_space<vmem>> -> memref<1x1x128x128xf32, #tpu.memory_space<vmem>>
      %dma_wait3A_2253 = tpu.memref_squeeze %dma_wait3A_2252 : memref<1x1x128x128xf32, #tpu.memory_space<vmem>> -> memref<128x128xf32, #tpu.memory_space<vmem>>
      %dma_wait3A_2254 = arith.constant 0 : i32
      %dma_wait3A_2255 = tpu.memref_slice %arg5[%dma_wait3A_2246, %dma_wait3A_2247, %dma_wait3A_2254] : memref<2x8x200xi32, #tpu.memory_space<vmem>> -> memref<1x1x128xi32, #tpu.memory_space<vmem>>
      %dma_wait3A_2256 = tpu.memref_squeeze %dma_wait3A_2255 : memref<1x1x128xi32, #tpu.memory_space<vmem>> -> memref<128xi32, #tpu.memory_space<vmem>>
      %dma_wait3A_2257 = arith.constant 0 : i32
      %dma_wait3A_2258 = arith.constant 0 : i32
      %dma_wait3A_2259 = tpu.memref_slice %arg3[%dma_wait3A_2257, %dma_wait3A_2258] : memref<1000000x128xf32, #tpu.memory_space<hbm>> -> memref<1000000x128xf32, #tpu.memory_space<hbm>>
      tpu.wait_indirect_dma semaphore(%arg10 : memref<!tpu.dma_semaphore, #tpu.memory_space<semaphore_mem>>) src(%dma_wait3A_2259 : memref<1000000x128xf32, #tpu.memory_space<hbm>>) dst(%dma_wait3A_2253 : memref<128x128xf32, #tpu.memory_space<vmem>>)
      %dma_wait3A_2260 = arith.constant 1 : i32
      %dma_wait3A_2261 = arith.constant 2 : i32
      %dma_wait3A_2262 = arith.constant 1 : i32
      %dma_wait3A_2263 = arith.constant 0 : i32
      %dma_wait3A_2264 = arith.constant 128 : i32
      %dma_wait3A_2265 = arith.constant 0 : i32
      %dma_wait3A_2266 = tpu.memref_slice %arg6[%dma_wait3A_2262, %dma_wait3A_2263, %dma_wait3A_2264, %dma_wait3A_2265] : memref<2x2x200x128xf32, #tpu.memory_space<vmem>> -> memref<1x1x72x128xf32, #tpu.memory_space<vmem>>
      %dma_wait3A_2267 = tpu.memref_squeeze %dma_wait3A_2266 : memref<1x1x72x128xf32, #tpu.memory_space<vmem>> -> memref<72x128xf32, #tpu.memory_space<vmem>>
      %dma_wait3A_2268 = arith.constant 128 : i32
      %dma_wait3A_2269 = tpu.memref_slice %arg5[%dma_wait3A_2260, %dma_wait3A_2261, %dma_wait3A_2268] : memref<2x8x200xi32, #tpu.memory_space<vmem>> -> memref<1x1x72xi32, #tpu.memory_space<vmem>>
      %dma_wait3A_2270 = tpu.memref_squeeze %dma_wait3A_2269 : memref<1x1x72xi32, #tpu.memory_space<vmem>> -> memref<72xi32, #tpu.memory_space<vmem>>
      %dma_wait3A_2271 = arith.constant 0 : i32
      %dma_wait3A_2272 = arith.constant 0 : i32
      %dma_wait3A_2273 = tpu.memref_slice %arg3[%dma_wait3A_2271, %dma_wait3A_2272] : memref<1000000x128xf32, #tpu.memory_space<hbm>> -> memref<1000000x128xf32, #tpu.memory_space<hbm>>
      tpu.wait_indirect_dma semaphore(%arg10 : memref<!tpu.dma_semaphore, #tpu.memory_space<semaphore_mem>>) src(%dma_wait3A_2273 : memref<1000000x128xf32, #tpu.memory_space<hbm>>) dst(%dma_wait3A_2267 : memref<72x128xf32, #tpu.memory_space<vmem>>)
      %dma_wait3A_2274 = arith.constant 1 : i32
      %dma_wait3A_2275 = arith.constant 3 : i32
      %dma_wait3A_2276 = arith.constant 1 : i32
      %dma_wait3A_2277 = arith.constant 1 : i32
      %dma_wait3A_2278 = arith.constant 0 : i32
      %dma_wait3A_2279 = arith.constant 0 : i32
      %dma_wait3A_2280 = tpu.memref_slice %arg6[%dma_wait3A_2276, %dma_wait3A_2277, %dma_wait3A_2278, %dma_wait3A_2279] : memref<2x2x200x128xf32, #tpu.memory_space<vmem>> -> memref<1x1x128x128xf32, #tpu.memory_space<vmem>>
      %dma_wait3A_2281 = tpu.memref_squeeze %dma_wait3A_2280 : memref<1x1x128x128xf32, #tpu.memory_space<vmem>> -> memref<128x128xf32, #tpu.memory_space<vmem>>
      %dma_wait3A_2282 = arith.constant 0 : i32
      %dma_wait3A_2283 = tpu.memref_slice %arg5[%dma_wait3A_2274, %dma_wait3A_2275, %dma_wait3A_2282] : memref<2x8x200xi32, #tpu.memory_space<vmem>> -> memref<1x1x128xi32, #tpu.memory_space<vmem>>
      %dma_wait3A_2284 = tpu.memref_squeeze %dma_wait3A_2283 : memref<1x1x128xi32, #tpu.memory_space<vmem>> -> memref<128xi32, #tpu.memory_space<vmem>>
      %dma_wait3A_2285 = arith.constant 0 : i32
      %dma_wait3A_2286 = arith.constant 0 : i32
      %dma_wait3A_2287 = tpu.memref_slice %arg3[%dma_wait3A_2285, %dma_wait3A_2286] : memref<1000000x128xf32, #tpu.memory_space<hbm>> -> memref<1000000x128xf32, #tpu.memory_space<hbm>>
      tpu.wait_indirect_dma semaphore(%arg10 : memref<!tpu.dma_semaphore, #tpu.memory_space<semaphore_mem>>) src(%dma_wait3A_2287 : memref<1000000x128xf32, #tpu.memory_space<hbm>>) dst(%dma_wait3A_2281 : memref<128x128xf32, #tpu.memory_space<vmem>>)
      %dma_wait3A_2288 = arith.constant 1 : i32
      %dma_wait3A_2289 = arith.constant 3 : i32
      %dma_wait3A_2290 = arith.constant 1 : i32
      %dma_wait3A_2291 = arith.constant 1 : i32
      %dma_wait3A_2292 = arith.constant 128 : i32
      %dma_wait3A_2293 = arith.constant 0 : i32
      %dma_wait3A_2294 = tpu.memref_slice %arg6[%dma_wait3A_2290, %dma_wait3A_2291, %dma_wait3A_2292, %dma_wait3A_2293] : memref<2x2x200x128xf32, #tpu.memory_space<vmem>> -> memref<1x1x72x128xf32, #tpu.memory_space<vmem>>
      %dma_wait3A_2295 = tpu.memref_squeeze %dma_wait3A_2294 : memref<1x1x72x128xf32, #tpu.memory_space<vmem>> -> memref<72x128xf32, #tpu.memory_space<vmem>>
      %dma_wait3A_2296 = arith.constant 128 : i32
      %dma_wait3A_2297 = tpu.memref_slice %arg5[%dma_wait3A_2288, %dma_wait3A_2289, %dma_wait3A_2296] : memref<2x8x200xi32, #tpu.memory_space<vmem>> -> memref<1x1x72xi32, #tpu.memory_space<vmem>>
      %dma_wait3A_2298 = tpu.memref_squeeze %dma_wait3A_2297 : memref<1x1x72xi32, #tpu.memory_space<vmem>> -> memref<72xi32, #tpu.memory_space<vmem>>
      %dma_wait3A_2299 = arith.constant 0 : i32
      %dma_wait3A_2300 = arith.constant 0 : i32
      %dma_wait3A_2301 = tpu.memref_slice %arg3[%dma_wait3A_2299, %dma_wait3A_2300] : memref<1000000x128xf32, #tpu.memory_space<hbm>> -> memref<1000000x128xf32, #tpu.memory_space<hbm>>
      tpu.wait_indirect_dma semaphore(%arg10 : memref<!tpu.dma_semaphore, #tpu.memory_space<semaphore_mem>>) src(%dma_wait3A_2301 : memref<1000000x128xf32, #tpu.memory_space<hbm>>) dst(%dma_wait3A_2295 : memref<72x128xf32, #tpu.memory_space<vmem>>)
      %mul3A_2302 = arith.constant 4 : i32
      %mul3A_2303 = arith.muli %add3A_2000, %mul3A_2302 : i32
      %add3A_2304 = arith.constant 1 : i32
      %add3A_2305 = arith.addi %mul3A_2303, %add3A_2304 : i32
      %mul3A_2306 = arith.constant 2 : i32
      %mul3A_2307 = arith.muli %add3A_2305, %mul3A_2306 : i32
      %add3A_2308 = arith.addi %mul3A_2, %mul3A_2307 : i32
      %dma_start3A_2309 = arith.constant 1 : i32
      %dma_start3A_2310 = arith.constant 0 : i32
      %dma_start3A_2311 = arith.constant 0 : i32
      %dma_start3A_2312 = arith.constant 0 : i32
      %dma_start3A_2313 = tpu.memref_slice %arg6[%dma_start3A_2309, %dma_start3A_2310, %dma_start3A_2311, %dma_start3A_2312] : memref<2x2x200x128xf32, #tpu.memory_space<vmem>> -> memref<1x2x200x128xf32, #tpu.memory_space<vmem>>
      %dma_start3A_2314 = tpu.memref_squeeze %dma_start3A_2313 : memref<1x2x200x128xf32, #tpu.memory_space<vmem>> -> memref<2x200x128xf32, #tpu.memory_space<vmem>>
      %dma_start3A_2315 = arith.constant 0 : i32
      %dma_start3A_2316 = arith.constant 0 : i32
      %dma_start3A_2317 = tpu.memref_slice %arg4[%add3A_2308, %dma_start3A_2315, %dma_start3A_2316] : memref<16384x200x128xf32, #tpu.memory_space<hbm>> -> memref<2x200x128xf32, #tpu.memory_space<hbm>>
      %dma_start3A_2318 = arith.constant 0 : i32
      %dma_start3A_2319 = arith.constant 0 : i32
      %dma_start3A_2320 = tpu.memref_slice %arg4[%add3A_2308, %dma_start3A_2318, %dma_start3A_2319] : memref<16384x200x128xf32, #tpu.memory_space<hbm>> -> memref<2x200x128xf32, #tpu.memory_space<hbm>>
      %dma_start3A_2321 = arith.constant 0 : i32
      %dma_start3A_2322 = arith.constant 0 : i32
      %dma_start3A_2323 = arith.constant 0 : i32
      %dma_start3A_2324 = tpu.memref_slice %arg6[%dma_start3A_2309, %dma_start3A_2321, %dma_start3A_2322, %dma_start3A_2323] : memref<2x2x200x128xf32, #tpu.memory_space<vmem>> -> memref<1x2x200x128xf32, #tpu.memory_space<vmem>>
      %dma_start3A_2325 = tpu.memref_squeeze %dma_start3A_2324 : memref<1x2x200x128xf32, #tpu.memory_space<vmem>> -> memref<2x200x128xf32, #tpu.memory_space<vmem>>
      tpu.enqueue_dma source(%dma_start3A_2325 : memref<2x200x128xf32, #tpu.memory_space<vmem>>) target(%dma_start3A_2320 : memref<2x200x128xf32, #tpu.memory_space<hbm>>) target_semaphore(%arg12 : memref<!tpu.dma_semaphore, #tpu.memory_space<semaphore_mem>>)
      %dma_wait3A_2326 = arith.constant 0 : i32
      %dma_wait3A_2327 = arith.constant 0 : i32
      %dma_wait3A_2328 = arith.constant 0 : i32
      %dma_wait3A_2329 = arith.constant 0 : i32
      %dma_wait3A_2330 = tpu.memref_slice %arg6[%dma_wait3A_2326, %dma_wait3A_2327, %dma_wait3A_2328, %dma_wait3A_2329] : memref<2x2x200x128xf32, #tpu.memory_space<vmem>> -> memref<1x2x200x128xf32, #tpu.memory_space<vmem>>
      %dma_wait3A_2331 = tpu.memref_squeeze %dma_wait3A_2330 : memref<1x2x200x128xf32, #tpu.memory_space<vmem>> -> memref<2x200x128xf32, #tpu.memory_space<vmem>>
      %dma_wait3A_2332 = arith.constant 0 : i32
      %dma_wait3A_2333 = arith.constant 0 : i32
      %dma_wait3A_2334 = arith.constant 0 : i32
      %dma_wait3A_2335 = tpu.memref_slice %arg4[%dma_wait3A_2332, %dma_wait3A_2333, %dma_wait3A_2334] : memref<16384x200x128xf32, #tpu.memory_space<hbm>> -> memref<2x200x128xf32, #tpu.memory_space<hbm>>
      %dma_wait3A_2336 = arith.constant 0 : i32
      %dma_wait3A_2337 = arith.constant 0 : i32
      %dma_wait3A_2338 = arith.constant 0 : i32
      %dma_wait3A_2339 = tpu.memref_slice %arg4[%dma_wait3A_2336, %dma_wait3A_2337, %dma_wait3A_2338] : memref<16384x200x128xf32, #tpu.memory_space<hbm>> -> memref<2x200x128xf32, #tpu.memory_space<hbm>>
      %dma_wait3A_2340 = arith.constant 0 : i32
      %dma_wait3A_2341 = arith.constant 0 : i32
      %dma_wait3A_2342 = arith.constant 0 : i32
      %dma_wait3A_2343 = tpu.memref_slice %arg6[%dma_wait3A_2326, %dma_wait3A_2340, %dma_wait3A_2341, %dma_wait3A_2342] : memref<2x2x200x128xf32, #tpu.memory_space<vmem>> -> memref<1x2x200x128xf32, #tpu.memory_space<vmem>>
      %dma_wait3A_2344 = tpu.memref_squeeze %dma_wait3A_2343 : memref<1x2x200x128xf32, #tpu.memory_space<vmem>> -> memref<2x200x128xf32, #tpu.memory_space<vmem>>
      tpu.wait_dma2 semaphore(%arg11 : memref<!tpu.dma_semaphore, #tpu.memory_space<semaphore_mem>>) src(%dma_wait3A_2344 : memref<2x200x128xf32, #tpu.memory_space<vmem>>) dst(%dma_wait3A_2339 : memref<2x200x128xf32, #tpu.memory_space<hbm>>)
      %dma_start3A_2345 = arith.constant 1 : i32
      %dma_start3A_2346 = arith.constant 4 : i32
      %dma_start3A_2347 = arith.constant 0 : i32
      %dma_start3A_2348 = arith.constant 0 : i32
      %dma_start3A_2349 = arith.constant 0 : i32
      %dma_start3A_2350 = arith.constant 0 : i32
      %dma_start3A_2351 = tpu.memref_slice %arg6[%dma_start3A_2347, %dma_start3A_2348, %dma_start3A_2349, %dma_start3A_2350] : memref<2x2x200x128xf32, #tpu.memory_space<vmem>> -> memref<1x1x128x128xf32, #tpu.memory_space<vmem>>
      %dma_start3A_2352 = tpu.memref_squeeze %dma_start3A_2351 : memref<1x1x128x128xf32, #tpu.memory_space<vmem>> -> memref<128x128xf32, #tpu.memory_space<vmem>>
      %dma_start3A_2353 = arith.constant 0 : i32
      %dma_start3A_2354 = tpu.memref_slice %arg5[%dma_start3A_2345, %dma_start3A_2346, %dma_start3A_2353] : memref<2x8x200xi32, #tpu.memory_space<vmem>> -> memref<1x1x128xi32, #tpu.memory_space<vmem>>
      %dma_start3A_2355 = tpu.memref_squeeze %dma_start3A_2354 : memref<1x1x128xi32, #tpu.memory_space<vmem>> -> memref<128xi32, #tpu.memory_space<vmem>>
      %dma_start3A_2356 = arith.constant 0 : i32
      %dma_start3A_2357 = arith.constant 0 : i32
      %dma_start3A_2358 = tpu.memref_slice %arg3[%dma_start3A_2356, %dma_start3A_2357] : memref<1000000x128xf32, #tpu.memory_space<hbm>> -> memref<1000000x128xf32, #tpu.memory_space<hbm>>
      tpu.enqueue_indirect_dma source(%dma_start3A_2358 : memref<1000000x128xf32, #tpu.memory_space<hbm>>) target(%dma_start3A_2352 : memref<128x128xf32, #tpu.memory_space<vmem>>) offsets(%dma_start3A_2355 : memref<128xi32, #tpu.memory_space<vmem>>) semaphore(%arg9 : memref<!tpu.dma_semaphore, #tpu.memory_space<semaphore_mem>>)
      %dma_start3A_2359 = arith.constant 1 : i32
      %dma_start3A_2360 = arith.constant 4 : i32
      %dma_start3A_2361 = arith.constant 0 : i32
      %dma_start3A_2362 = arith.constant 0 : i32
      %dma_start3A_2363 = arith.constant 128 : i32
      %dma_start3A_2364 = arith.constant 0 : i32
      %dma_start3A_2365 = tpu.memref_slice %arg6[%dma_start3A_2361, %dma_start3A_2362, %dma_start3A_2363, %dma_start3A_2364] : memref<2x2x200x128xf32, #tpu.memory_space<vmem>> -> memref<1x1x72x128xf32, #tpu.memory_space<vmem>>
      %dma_start3A_2366 = tpu.memref_squeeze %dma_start3A_2365 : memref<1x1x72x128xf32, #tpu.memory_space<vmem>> -> memref<72x128xf32, #tpu.memory_space<vmem>>
      %dma_start3A_2367 = arith.constant 128 : i32
      %dma_start3A_2368 = tpu.memref_slice %arg5[%dma_start3A_2359, %dma_start3A_2360, %dma_start3A_2367] : memref<2x8x200xi32, #tpu.memory_space<vmem>> -> memref<1x1x72xi32, #tpu.memory_space<vmem>>
      %dma_start3A_2369 = tpu.memref_squeeze %dma_start3A_2368 : memref<1x1x72xi32, #tpu.memory_space<vmem>> -> memref<72xi32, #tpu.memory_space<vmem>>
      %dma_start3A_2370 = arith.constant 0 : i32
      %dma_start3A_2371 = arith.constant 0 : i32
      %dma_start3A_2372 = tpu.memref_slice %arg3[%dma_start3A_2370, %dma_start3A_2371] : memref<1000000x128xf32, #tpu.memory_space<hbm>> -> memref<1000000x128xf32, #tpu.memory_space<hbm>>
      tpu.enqueue_indirect_dma source(%dma_start3A_2372 : memref<1000000x128xf32, #tpu.memory_space<hbm>>) target(%dma_start3A_2366 : memref<72x128xf32, #tpu.memory_space<vmem>>) offsets(%dma_start3A_2369 : memref<72xi32, #tpu.memory_space<vmem>>) semaphore(%arg9 : memref<!tpu.dma_semaphore, #tpu.memory_space<semaphore_mem>>)
      %dma_start3A_2373 = arith.constant 1 : i32
      %dma_start3A_2374 = arith.constant 5 : i32
      %dma_start3A_2375 = arith.constant 0 : i32
      %dma_start3A_2376 = arith.constant 1 : i32
      %dma_start3A_2377 = arith.constant 0 : i32
      %dma_start3A_2378 = arith.constant 0 : i32
      %dma_start3A_2379 = tpu.memref_slice %arg6[%dma_start3A_2375, %dma_start3A_2376, %dma_start3A_2377, %dma_start3A_2378] : memref<2x2x200x128xf32, #tpu.memory_space<vmem>> -> memref<1x1x128x128xf32, #tpu.memory_space<vmem>>
      %dma_start3A_2380 = tpu.memref_squeeze %dma_start3A_2379 : memref<1x1x128x128xf32, #tpu.memory_space<vmem>> -> memref<128x128xf32, #tpu.memory_space<vmem>>
      %dma_start3A_2381 = arith.constant 0 : i32
      %dma_start3A_2382 = tpu.memref_slice %arg5[%dma_start3A_2373, %dma_start3A_2374, %dma_start3A_2381] : memref<2x8x200xi32, #tpu.memory_space<vmem>> -> memref<1x1x128xi32, #tpu.memory_space<vmem>>
      %dma_start3A_2383 = tpu.memref_squeeze %dma_start3A_2382 : memref<1x1x128xi32, #tpu.memory_space<vmem>> -> memref<128xi32, #tpu.memory_space<vmem>>
      %dma_start3A_2384 = arith.constant 0 : i32
      %dma_start3A_2385 = arith.constant 0 : i32
      %dma_start3A_2386 = tpu.memref_slice %arg3[%dma_start3A_2384, %dma_start3A_2385] : memref<1000000x128xf32, #tpu.memory_space<hbm>> -> memref<1000000x128xf32, #tpu.memory_space<hbm>>
      tpu.enqueue_indirect_dma source(%dma_start3A_2386 : memref<1000000x128xf32, #tpu.memory_space<hbm>>) target(%dma_start3A_2380 : memref<128x128xf32, #tpu.memory_space<vmem>>) offsets(%dma_start3A_2383 : memref<128xi32, #tpu.memory_space<vmem>>) semaphore(%arg9 : memref<!tpu.dma_semaphore, #tpu.memory_space<semaphore_mem>>)
      %dma_start3A_2387 = arith.constant 1 : i32
      %dma_start3A_2388 = arith.constant 5 : i32
      %dma_start3A_2389 = arith.constant 0 : i32
      %dma_start3A_2390 = arith.constant 1 : i32
      %dma_start3A_2391 = arith.constant 128 : i32
      %dma_start3A_2392 = arith.constant 0 : i32
      %dma_start3A_2393 = tpu.memref_slice %arg6[%dma_start3A_2389, %dma_start3A_2390, %dma_start3A_2391, %dma_start3A_2392] : memref<2x2x200x128xf32, #tpu.memory_space<vmem>> -> memref<1x1x72x128xf32, #tpu.memory_space<vmem>>
      %dma_start3A_2394 = tpu.memref_squeeze %dma_start3A_2393 : memref<1x1x72x128xf32, #tpu.memory_space<vmem>> -> memref<72x128xf32, #tpu.memory_space<vmem>>
      %dma_start3A_2395 = arith.constant 128 : i32
      %dma_start3A_2396 = tpu.memref_slice %arg5[%dma_start3A_2387, %dma_start3A_2388, %dma_start3A_2395] : memref<2x8x200xi32, #tpu.memory_space<vmem>> -> memref<1x1x72xi32, #tpu.memory_space<vmem>>
      %dma_start3A_2397 = tpu.memref_squeeze %dma_start3A_2396 : memref<1x1x72xi32, #tpu.memory_space<vmem>> -> memref<72xi32, #tpu.memory_space<vmem>>
      %dma_start3A_2398 = arith.constant 0 : i32
      %dma_start3A_2399 = arith.constant 0 : i32
      %dma_start3A_2400 = tpu.memref_slice %arg3[%dma_start3A_2398, %dma_start3A_2399] : memref<1000000x128xf32, #tpu.memory_space<hbm>> -> memref<1000000x128xf32, #tpu.memory_space<hbm>>
      tpu.enqueue_indirect_dma source(%dma_start3A_2400 : memref<1000000x128xf32, #tpu.memory_space<hbm>>) target(%dma_start3A_2394 : memref<72x128xf32, #tpu.memory_space<vmem>>) offsets(%dma_start3A_2397 : memref<72xi32, #tpu.memory_space<vmem>>) semaphore(%arg9 : memref<!tpu.dma_semaphore, #tpu.memory_space<semaphore_mem>>)
      %dma_wait3A_2401 = arith.constant 1 : i32
      %dma_wait3A_2402 = arith.constant 4 : i32
      %dma_wait3A_2403 = arith.constant 0 : i32
      %dma_wait3A_2404 = arith.constant 0 : i32
      %dma_wait3A_2405 = arith.constant 0 : i32
      %dma_wait3A_2406 = arith.constant 0 : i32
      %dma_wait3A_2407 = tpu.memref_slice %arg6[%dma_wait3A_2403, %dma_wait3A_2404, %dma_wait3A_2405, %dma_wait3A_2406] : memref<2x2x200x128xf32, #tpu.memory_space<vmem>> -> memref<1x1x128x128xf32, #tpu.memory_space<vmem>>
      %dma_wait3A_2408 = tpu.memref_squeeze %dma_wait3A_2407 : memref<1x1x128x128xf32, #tpu.memory_space<vmem>> -> memref<128x128xf32, #tpu.memory_space<vmem>>
      %dma_wait3A_2409 = arith.constant 0 : i32
      %dma_wait3A_2410 = tpu.memref_slice %arg5[%dma_wait3A_2401, %dma_wait3A_2402, %dma_wait3A_2409] : memref<2x8x200xi32, #tpu.memory_space<vmem>> -> memref<1x1x128xi32, #tpu.memory_space<vmem>>
      %dma_wait3A_2411 = tpu.memref_squeeze %dma_wait3A_2410 : memref<1x1x128xi32, #tpu.memory_space<vmem>> -> memref<128xi32, #tpu.memory_space<vmem>>
      %dma_wait3A_2412 = arith.constant 0 : i32
      %dma_wait3A_2413 = arith.constant 0 : i32
      %dma_wait3A_2414 = tpu.memref_slice %arg3[%dma_wait3A_2412, %dma_wait3A_2413] : memref<1000000x128xf32, #tpu.memory_space<hbm>> -> memref<1000000x128xf32, #tpu.memory_space<hbm>>
      tpu.wait_indirect_dma semaphore(%arg9 : memref<!tpu.dma_semaphore, #tpu.memory_space<semaphore_mem>>) src(%dma_wait3A_2414 : memref<1000000x128xf32, #tpu.memory_space<hbm>>) dst(%dma_wait3A_2408 : memref<128x128xf32, #tpu.memory_space<vmem>>)
      %dma_wait3A_2415 = arith.constant 1 : i32
      %dma_wait3A_2416 = arith.constant 4 : i32
      %dma_wait3A_2417 = arith.constant 0 : i32
      %dma_wait3A_2418 = arith.constant 0 : i32
      %dma_wait3A_2419 = arith.constant 128 : i32
      %dma_wait3A_2420 = arith.constant 0 : i32
      %dma_wait3A_2421 = tpu.memref_slice %arg6[%dma_wait3A_2417, %dma_wait3A_2418, %dma_wait3A_2419, %dma_wait3A_2420] : memref<2x2x200x128xf32, #tpu.memory_space<vmem>> -> memref<1x1x72x128xf32, #tpu.memory_space<vmem>>
      %dma_wait3A_2422 = tpu.memref_squeeze %dma_wait3A_2421 : memref<1x1x72x128xf32, #tpu.memory_space<vmem>> -> memref<72x128xf32, #tpu.memory_space<vmem>>
      %dma_wait3A_2423 = arith.constant 128 : i32
      %dma_wait3A_2424 = tpu.memref_slice %arg5[%dma_wait3A_2415, %dma_wait3A_2416, %dma_wait3A_2423] : memref<2x8x200xi32, #tpu.memory_space<vmem>> -> memref<1x1x72xi32, #tpu.memory_space<vmem>>
      %dma_wait3A_2425 = tpu.memref_squeeze %dma_wait3A_2424 : memref<1x1x72xi32, #tpu.memory_space<vmem>> -> memref<72xi32, #tpu.memory_space<vmem>>
      %dma_wait3A_2426 = arith.constant 0 : i32
      %dma_wait3A_2427 = arith.constant 0 : i32
      %dma_wait3A_2428 = tpu.memref_slice %arg3[%dma_wait3A_2426, %dma_wait3A_2427] : memref<1000000x128xf32, #tpu.memory_space<hbm>> -> memref<1000000x128xf32, #tpu.memory_space<hbm>>
      tpu.wait_indirect_dma semaphore(%arg9 : memref<!tpu.dma_semaphore, #tpu.memory_space<semaphore_mem>>) src(%dma_wait3A_2428 : memref<1000000x128xf32, #tpu.memory_space<hbm>>) dst(%dma_wait3A_2422 : memref<72x128xf32, #tpu.memory_space<vmem>>)
      %dma_wait3A_2429 = arith.constant 1 : i32
      %dma_wait3A_2430 = arith.constant 5 : i32
      %dma_wait3A_2431 = arith.constant 0 : i32
      %dma_wait3A_2432 = arith.constant 1 : i32
      %dma_wait3A_2433 = arith.constant 0 : i32
      %dma_wait3A_2434 = arith.constant 0 : i32
      %dma_wait3A_2435 = tpu.memref_slice %arg6[%dma_wait3A_2431, %dma_wait3A_2432, %dma_wait3A_2433, %dma_wait3A_2434] : memref<2x2x200x128xf32, #tpu.memory_space<vmem>> -> memref<1x1x128x128xf32, #tpu.memory_space<vmem>>
      %dma_wait3A_2436 = tpu.memref_squeeze %dma_wait3A_2435 : memref<1x1x128x128xf32, #tpu.memory_space<vmem>> -> memref<128x128xf32, #tpu.memory_space<vmem>>
      %dma_wait3A_2437 = arith.constant 0 : i32
      %dma_wait3A_2438 = tpu.memref_slice %arg5[%dma_wait3A_2429, %dma_wait3A_2430, %dma_wait3A_2437] : memref<2x8x200xi32, #tpu.memory_space<vmem>> -> memref<1x1x128xi32, #tpu.memory_space<vmem>>
      %dma_wait3A_2439 = tpu.memref_squeeze %dma_wait3A_2438 : memref<1x1x128xi32, #tpu.memory_space<vmem>> -> memref<128xi32, #tpu.memory_space<vmem>>
      %dma_wait3A_2440 = arith.constant 0 : i32
      %dma_wait3A_2441 = arith.constant 0 : i32
      %dma_wait3A_2442 = tpu.memref_slice %arg3[%dma_wait3A_2440, %dma_wait3A_2441] : memref<1000000x128xf32, #tpu.memory_space<hbm>> -> memref<1000000x128xf32, #tpu.memory_space<hbm>>
      tpu.wait_indirect_dma semaphore(%arg9 : memref<!tpu.dma_semaphore, #tpu.memory_space<semaphore_mem>>) src(%dma_wait3A_2442 : memref<1000000x128xf32, #tpu.memory_space<hbm>>) dst(%dma_wait3A_2436 : memref<128x128xf32, #tpu.memory_space<vmem>>)
      %dma_wait3A_2443 = arith.constant 1 : i32
      %dma_wait3A_2444 = arith.constant 5 : i32
      %dma_wait3A_2445 = arith.constant 0 : i32
      %dma_wait3A_2446 = arith.constant 1 : i32
      %dma_wait3A_2447 = arith.constant 128 : i32
      %dma_wait3A_2448 = arith.constant 0 : i32
      %dma_wait3A_2449 = tpu.memref_slice %arg6[%dma_wait3A_2445, %dma_wait3A_2446, %dma_wait3A_2447, %dma_wait3A_2448] : memref<2x2x200x128xf32, #tpu.memory_space<vmem>> -> memref<1x1x72x128xf32, #tpu.memory_space<vmem>>
      %dma_wait3A_2450 = tpu.memref_squeeze %dma_wait3A_2449 : memref<1x1x72x128xf32, #tpu.memory_space<vmem>> -> memref<72x128xf32, #tpu.memory_space<vmem>>
      %dma_wait3A_2451 = arith.constant 128 : i32
      %dma_wait3A_2452 = tpu.memref_slice %arg5[%dma_wait3A_2443, %dma_wait3A_2444, %dma_wait3A_2451] : memref<2x8x200xi32, #tpu.memory_space<vmem>> -> memref<1x1x72xi32, #tpu.memory_space<vmem>>
      %dma_wait3A_2453 = tpu.memref_squeeze %dma_wait3A_2452 : memref<1x1x72xi32, #tpu.memory_space<vmem>> -> memref<72xi32, #tpu.memory_space<vmem>>
      %dma_wait3A_2454 = arith.constant 0 : i32
      %dma_wait3A_2455 = arith.constant 0 : i32
      %dma_wait3A_2456 = tpu.memref_slice %arg3[%dma_wait3A_2454, %dma_wait3A_2455] : memref<1000000x128xf32, #tpu.memory_space<hbm>> -> memref<1000000x128xf32, #tpu.memory_space<hbm>>
      tpu.wait_indirect_dma semaphore(%arg9 : memref<!tpu.dma_semaphore, #tpu.memory_space<semaphore_mem>>) src(%dma_wait3A_2456 : memref<1000000x128xf32, #tpu.memory_space<hbm>>) dst(%dma_wait3A_2450 : memref<72x128xf32, #tpu.memory_space<vmem>>)
      %mul3A_2457 = arith.constant 4 : i32
      %mul3A_2458 = arith.muli %add3A_2000, %mul3A_2457 : i32
      %add3A_2459 = arith.constant 2 : i32
      %add3A_2460 = arith.addi %mul3A_2458, %add3A_2459 : i32
      %mul3A_2461 = arith.constant 2 : i32
      %mul3A_2462 = arith.muli %add3A_2460, %mul3A_2461 : i32
      %add3A_2463 = arith.addi %mul3A_2, %mul3A_2462 : i32
      %dma_start3A_2464 = arith.constant 0 : i32
      %dma_start3A_2465 = arith.constant 0 : i32
      %dma_start3A_2466 = arith.constant 0 : i32
      %dma_start3A_2467 = arith.constant 0 : i32
      %dma_start3A_2468 = tpu.memref_slice %arg6[%dma_start3A_2464, %dma_start3A_2465, %dma_start3A_2466, %dma_start3A_2467] : memref<2x2x200x128xf32, #tpu.memory_space<vmem>> -> memref<1x2x200x128xf32, #tpu.memory_space<vmem>>
      %dma_start3A_2469 = tpu.memref_squeeze %dma_start3A_2468 : memref<1x2x200x128xf32, #tpu.memory_space<vmem>> -> memref<2x200x128xf32, #tpu.memory_space<vmem>>
      %dma_start3A_2470 = arith.constant 0 : i32
      %dma_start3A_2471 = arith.constant 0 : i32
      %dma_start3A_2472 = tpu.memref_slice %arg4[%add3A_2463, %dma_start3A_2470, %dma_start3A_2471] : memref<16384x200x128xf32, #tpu.memory_space<hbm>> -> memref<2x200x128xf32, #tpu.memory_space<hbm>>
      %dma_start3A_2473 = arith.constant 0 : i32
      %dma_start3A_2474 = arith.constant 0 : i32
      %dma_start3A_2475 = tpu.memref_slice %arg4[%add3A_2463, %dma_start3A_2473, %dma_start3A_2474] : memref<16384x200x128xf32, #tpu.memory_space<hbm>> -> memref<2x200x128xf32, #tpu.memory_space<hbm>>
      %dma_start3A_2476 = arith.constant 0 : i32
      %dma_start3A_2477 = arith.constant 0 : i32
      %dma_start3A_2478 = arith.constant 0 : i32
      %dma_start3A_2479 = tpu.memref_slice %arg6[%dma_start3A_2464, %dma_start3A_2476, %dma_start3A_2477, %dma_start3A_2478] : memref<2x2x200x128xf32, #tpu.memory_space<vmem>> -> memref<1x2x200x128xf32, #tpu.memory_space<vmem>>
      %dma_start3A_2480 = tpu.memref_squeeze %dma_start3A_2479 : memref<1x2x200x128xf32, #tpu.memory_space<vmem>> -> memref<2x200x128xf32, #tpu.memory_space<vmem>>
      tpu.enqueue_dma source(%dma_start3A_2480 : memref<2x200x128xf32, #tpu.memory_space<vmem>>) target(%dma_start3A_2475 : memref<2x200x128xf32, #tpu.memory_space<hbm>>) target_semaphore(%arg11 : memref<!tpu.dma_semaphore, #tpu.memory_space<semaphore_mem>>)
      %dma_wait3A_2481 = arith.constant 1 : i32
      %dma_wait3A_2482 = arith.constant 0 : i32
      %dma_wait3A_2483 = arith.constant 0 : i32
      %dma_wait3A_2484 = arith.constant 0 : i32
      %dma_wait3A_2485 = tpu.memref_slice %arg6[%dma_wait3A_2481, %dma_wait3A_2482, %dma_wait3A_2483, %dma_wait3A_2484] : memref<2x2x200x128xf32, #tpu.memory_space<vmem>> -> memref<1x2x200x128xf32, #tpu.memory_space<vmem>>
      %dma_wait3A_2486 = tpu.memref_squeeze %dma_wait3A_2485 : memref<1x2x200x128xf32, #tpu.memory_space<vmem>> -> memref<2x200x128xf32, #tpu.memory_space<vmem>>
      %dma_wait3A_2487 = arith.constant 0 : i32
      %dma_wait3A_2488 = arith.constant 0 : i32
      %dma_wait3A_2489 = arith.constant 0 : i32
      %dma_wait3A_2490 = tpu.memref_slice %arg4[%dma_wait3A_2487, %dma_wait3A_2488, %dma_wait3A_2489] : memref<16384x200x128xf32, #tpu.memory_space<hbm>> -> memref<2x200x128xf32, #tpu.memory_space<hbm>>
      %dma_wait3A_2491 = arith.constant 0 : i32
      %dma_wait3A_2492 = arith.constant 0 : i32
      %dma_wait3A_2493 = arith.constant 0 : i32
      %dma_wait3A_2494 = tpu.memref_slice %arg4[%dma_wait3A_2491, %dma_wait3A_2492, %dma_wait3A_2493] : memref<16384x200x128xf32, #tpu.memory_space<hbm>> -> memref<2x200x128xf32, #tpu.memory_space<hbm>>
      %dma_wait3A_2495 = arith.constant 0 : i32
      %dma_wait3A_2496 = arith.constant 0 : i32
      %dma_wait3A_2497 = arith.constant 0 : i32
      %dma_wait3A_2498 = tpu.memref_slice %arg6[%dma_wait3A_2481, %dma_wait3A_2495, %dma_wait3A_2496, %dma_wait3A_2497] : memref<2x2x200x128xf32, #tpu.memory_space<vmem>> -> memref<1x2x200x128xf32, #tpu.memory_space<vmem>>
      %dma_wait3A_2499 = tpu.memref_squeeze %dma_wait3A_2498 : memref<1x2x200x128xf32, #tpu.memory_space<vmem>> -> memref<2x200x128xf32, #tpu.memory_space<vmem>>
      tpu.wait_dma2 semaphore(%arg12 : memref<!tpu.dma_semaphore, #tpu.memory_space<semaphore_mem>>) src(%dma_wait3A_2499 : memref<2x200x128xf32, #tpu.memory_space<vmem>>) dst(%dma_wait3A_2494 : memref<2x200x128xf32, #tpu.memory_space<hbm>>)
      %dma_start3A_2500 = arith.constant 1 : i32
      %dma_start3A_2501 = arith.constant 6 : i32
      %dma_start3A_2502 = arith.constant 1 : i32
      %dma_start3A_2503 = arith.constant 0 : i32
      %dma_start3A_2504 = arith.constant 0 : i32
      %dma_start3A_2505 = arith.constant 0 : i32
      %dma_start3A_2506 = tpu.memref_slice %arg6[%dma_start3A_2502, %dma_start3A_2503, %dma_start3A_2504, %dma_start3A_2505] : memref<2x2x200x128xf32, #tpu.memory_space<vmem>> -> memref<1x1x128x128xf32, #tpu.memory_space<vmem>>
      %dma_start3A_2507 = tpu.memref_squeeze %dma_start3A_2506 : memref<1x1x128x128xf32, #tpu.memory_space<vmem>> -> memref<128x128xf32, #tpu.memory_space<vmem>>
      %dma_start3A_2508 = arith.constant 0 : i32
      %dma_start3A_2509 = tpu.memref_slice %arg5[%dma_start3A_2500, %dma_start3A_2501, %dma_start3A_2508] : memref<2x8x200xi32, #tpu.memory_space<vmem>> -> memref<1x1x128xi32, #tpu.memory_space<vmem>>
      %dma_start3A_2510 = tpu.memref_squeeze %dma_start3A_2509 : memref<1x1x128xi32, #tpu.memory_space<vmem>> -> memref<128xi32, #tpu.memory_space<vmem>>
      %dma_start3A_2511 = arith.constant 0 : i32
      %dma_start3A_2512 = arith.constant 0 : i32
      %dma_start3A_2513 = tpu.memref_slice %arg3[%dma_start3A_2511, %dma_start3A_2512] : memref<1000000x128xf32, #tpu.memory_space<hbm>> -> memref<1000000x128xf32, #tpu.memory_space<hbm>>
      tpu.enqueue_indirect_dma source(%dma_start3A_2513 : memref<1000000x128xf32, #tpu.memory_space<hbm>>) target(%dma_start3A_2507 : memref<128x128xf32, #tpu.memory_space<vmem>>) offsets(%dma_start3A_2510 : memref<128xi32, #tpu.memory_space<vmem>>) semaphore(%arg10 : memref<!tpu.dma_semaphore, #tpu.memory_space<semaphore_mem>>)
      %dma_start3A_2514 = arith.constant 1 : i32
      %dma_start3A_2515 = arith.constant 6 : i32
      %dma_start3A_2516 = arith.constant 1 : i32
      %dma_start3A_2517 = arith.constant 0 : i32
      %dma_start3A_2518 = arith.constant 128 : i32
      %dma_start3A_2519 = arith.constant 0 : i32
      %dma_start3A_2520 = tpu.memref_slice %arg6[%dma_start3A_2516, %dma_start3A_2517, %dma_start3A_2518, %dma_start3A_2519] : memref<2x2x200x128xf32, #tpu.memory_space<vmem>> -> memref<1x1x72x128xf32, #tpu.memory_space<vmem>>
      %dma_start3A_2521 = tpu.memref_squeeze %dma_start3A_2520 : memref<1x1x72x128xf32, #tpu.memory_space<vmem>> -> memref<72x128xf32, #tpu.memory_space<vmem>>
      %dma_start3A_2522 = arith.constant 128 : i32
      %dma_start3A_2523 = tpu.memref_slice %arg5[%dma_start3A_2514, %dma_start3A_2515, %dma_start3A_2522] : memref<2x8x200xi32, #tpu.memory_space<vmem>> -> memref<1x1x72xi32, #tpu.memory_space<vmem>>
      %dma_start3A_2524 = tpu.memref_squeeze %dma_start3A_2523 : memref<1x1x72xi32, #tpu.memory_space<vmem>> -> memref<72xi32, #tpu.memory_space<vmem>>
      %dma_start3A_2525 = arith.constant 0 : i32
      %dma_start3A_2526 = arith.constant 0 : i32
      %dma_start3A_2527 = tpu.memref_slice %arg3[%dma_start3A_2525, %dma_start3A_2526] : memref<1000000x128xf32, #tpu.memory_space<hbm>> -> memref<1000000x128xf32, #tpu.memory_space<hbm>>
      tpu.enqueue_indirect_dma source(%dma_start3A_2527 : memref<1000000x128xf32, #tpu.memory_space<hbm>>) target(%dma_start3A_2521 : memref<72x128xf32, #tpu.memory_space<vmem>>) offsets(%dma_start3A_2524 : memref<72xi32, #tpu.memory_space<vmem>>) semaphore(%arg10 : memref<!tpu.dma_semaphore, #tpu.memory_space<semaphore_mem>>)
      %dma_start3A_2528 = arith.constant 1 : i32
      %dma_start3A_2529 = arith.constant 7 : i32
      %dma_start3A_2530 = arith.constant 1 : i32
      %dma_start3A_2531 = arith.constant 1 : i32
      %dma_start3A_2532 = arith.constant 0 : i32
      %dma_start3A_2533 = arith.constant 0 : i32
      %dma_start3A_2534 = tpu.memref_slice %arg6[%dma_start3A_2530, %dma_start3A_2531, %dma_start3A_2532, %dma_start3A_2533] : memref<2x2x200x128xf32, #tpu.memory_space<vmem>> -> memref<1x1x128x128xf32, #tpu.memory_space<vmem>>
      %dma_start3A_2535 = tpu.memref_squeeze %dma_start3A_2534 : memref<1x1x128x128xf32, #tpu.memory_space<vmem>> -> memref<128x128xf32, #tpu.memory_space<vmem>>
      %dma_start3A_2536 = arith.constant 0 : i32
      %dma_start3A_2537 = tpu.memref_slice %arg5[%dma_start3A_2528, %dma_start3A_2529, %dma_start3A_2536] : memref<2x8x200xi32, #tpu.memory_space<vmem>> -> memref<1x1x128xi32, #tpu.memory_space<vmem>>
      %dma_start3A_2538 = tpu.memref_squeeze %dma_start3A_2537 : memref<1x1x128xi32, #tpu.memory_space<vmem>> -> memref<128xi32, #tpu.memory_space<vmem>>
      %dma_start3A_2539 = arith.constant 0 : i32
      %dma_start3A_2540 = arith.constant 0 : i32
      %dma_start3A_2541 = tpu.memref_slice %arg3[%dma_start3A_2539, %dma_start3A_2540] : memref<1000000x128xf32, #tpu.memory_space<hbm>> -> memref<1000000x128xf32, #tpu.memory_space<hbm>>
      tpu.enqueue_indirect_dma source(%dma_start3A_2541 : memref<1000000x128xf32, #tpu.memory_space<hbm>>) target(%dma_start3A_2535 : memref<128x128xf32, #tpu.memory_space<vmem>>) offsets(%dma_start3A_2538 : memref<128xi32, #tpu.memory_space<vmem>>) semaphore(%arg10 : memref<!tpu.dma_semaphore, #tpu.memory_space<semaphore_mem>>)
      %dma_start3A_2542 = arith.constant 1 : i32
      %dma_start3A_2543 = arith.constant 7 : i32
      %dma_start3A_2544 = arith.constant 1 : i32
      %dma_start3A_2545 = arith.constant 1 : i32
      %dma_start3A_2546 = arith.constant 128 : i32
      %dma_start3A_2547 = arith.constant 0 : i32
      %dma_start3A_2548 = tpu.memref_slice %arg6[%dma_start3A_2544, %dma_start3A_2545, %dma_start3A_2546, %dma_start3A_2547] : memref<2x2x200x128xf32, #tpu.memory_space<vmem>> -> memref<1x1x72x128xf32, #tpu.memory_space<vmem>>
      %dma_start3A_2549 = tpu.memref_squeeze %dma_start3A_2548 : memref<1x1x72x128xf32, #tpu.memory_space<vmem>> -> memref<72x128xf32, #tpu.memory_space<vmem>>
      %dma_start3A_2550 = arith.constant 128 : i32
      %dma_start3A_2551 = tpu.memref_slice %arg5[%dma_start3A_2542, %dma_start3A_2543, %dma_start3A_2550] : memref<2x8x200xi32, #tpu.memory_space<vmem>> -> memref<1x1x72xi32, #tpu.memory_space<vmem>>
      %dma_start3A_2552 = tpu.memref_squeeze %dma_start3A_2551 : memref<1x1x72xi32, #tpu.memory_space<vmem>> -> memref<72xi32, #tpu.memory_space<vmem>>
      %dma_start3A_2553 = arith.constant 0 : i32
      %dma_start3A_2554 = arith.constant 0 : i32
      %dma_start3A_2555 = tpu.memref_slice %arg3[%dma_start3A_2553, %dma_start3A_2554] : memref<1000000x128xf32, #tpu.memory_space<hbm>> -> memref<1000000x128xf32, #tpu.memory_space<hbm>>
      tpu.enqueue_indirect_dma source(%dma_start3A_2555 : memref<1000000x128xf32, #tpu.memory_space<hbm>>) target(%dma_start3A_2549 : memref<72x128xf32, #tpu.memory_space<vmem>>) offsets(%dma_start3A_2552 : memref<72xi32, #tpu.memory_space<vmem>>) semaphore(%arg10 : memref<!tpu.dma_semaphore, #tpu.memory_space<semaphore_mem>>)
      %dma_wait3A_2556 = arith.constant 1 : i32
      %dma_wait3A_2557 = arith.constant 6 : i32
      %dma_wait3A_2558 = arith.constant 1 : i32
      %dma_wait3A_2559 = arith.constant 0 : i32
      %dma_wait3A_2560 = arith.constant 0 : i32
      %dma_wait3A_2561 = arith.constant 0 : i32
      %dma_wait3A_2562 = tpu.memref_slice %arg6[%dma_wait3A_2558, %dma_wait3A_2559, %dma_wait3A_2560, %dma_wait3A_2561] : memref<2x2x200x128xf32, #tpu.memory_space<vmem>> -> memref<1x1x128x128xf32, #tpu.memory_space<vmem>>
      %dma_wait3A_2563 = tpu.memref_squeeze %dma_wait3A_2562 : memref<1x1x128x128xf32, #tpu.memory_space<vmem>> -> memref<128x128xf32, #tpu.memory_space<vmem>>
      %dma_wait3A_2564 = arith.constant 0 : i32
      %dma_wait3A_2565 = tpu.memref_slice %arg5[%dma_wait3A_2556, %dma_wait3A_2557, %dma_wait3A_2564] : memref<2x8x200xi32, #tpu.memory_space<vmem>> -> memref<1x1x128xi32, #tpu.memory_space<vmem>>
      %dma_wait3A_2566 = tpu.memref_squeeze %dma_wait3A_2565 : memref<1x1x128xi32, #tpu.memory_space<vmem>> -> memref<128xi32, #tpu.memory_space<vmem>>
      %dma_wait3A_2567 = arith.constant 0 : i32
      %dma_wait3A_2568 = arith.constant 0 : i32
      %dma_wait3A_2569 = tpu.memref_slice %arg3[%dma_wait3A_2567, %dma_wait3A_2568] : memref<1000000x128xf32, #tpu.memory_space<hbm>> -> memref<1000000x128xf32, #tpu.memory_space<hbm>>
      tpu.wait_indirect_dma semaphore(%arg10 : memref<!tpu.dma_semaphore, #tpu.memory_space<semaphore_mem>>) src(%dma_wait3A_2569 : memref<1000000x128xf32, #tpu.memory_space<hbm>>) dst(%dma_wait3A_2563 : memref<128x128xf32, #tpu.memory_space<vmem>>)
      %dma_wait3A_2570 = arith.constant 1 : i32
      %dma_wait3A_2571 = arith.constant 6 : i32
      %dma_wait3A_2572 = arith.constant 1 : i32
      %dma_wait3A_2573 = arith.constant 0 : i32
      %dma_wait3A_2574 = arith.constant 128 : i32
      %dma_wait3A_2575 = arith.constant 0 : i32
      %dma_wait3A_2576 = tpu.memref_slice %arg6[%dma_wait3A_2572, %dma_wait3A_2573, %dma_wait3A_2574, %dma_wait3A_2575] : memref<2x2x200x128xf32, #tpu.memory_space<vmem>> -> memref<1x1x72x128xf32, #tpu.memory_space<vmem>>
      %dma_wait3A_2577 = tpu.memref_squeeze %dma_wait3A_2576 : memref<1x1x72x128xf32, #tpu.memory_space<vmem>> -> memref<72x128xf32, #tpu.memory_space<vmem>>
      %dma_wait3A_2578 = arith.constant 128 : i32
      %dma_wait3A_2579 = tpu.memref_slice %arg5[%dma_wait3A_2570, %dma_wait3A_2571, %dma_wait3A_2578] : memref<2x8x200xi32, #tpu.memory_space<vmem>> -> memref<1x1x72xi32, #tpu.memory_space<vmem>>
      %dma_wait3A_2580 = tpu.memref_squeeze %dma_wait3A_2579 : memref<1x1x72xi32, #tpu.memory_space<vmem>> -> memref<72xi32, #tpu.memory_space<vmem>>
      %dma_wait3A_2581 = arith.constant 0 : i32
      %dma_wait3A_2582 = arith.constant 0 : i32
      %dma_wait3A_2583 = tpu.memref_slice %arg3[%dma_wait3A_2581, %dma_wait3A_2582] : memref<1000000x128xf32, #tpu.memory_space<hbm>> -> memref<1000000x128xf32, #tpu.memory_space<hbm>>
      tpu.wait_indirect_dma semaphore(%arg10 : memref<!tpu.dma_semaphore, #tpu.memory_space<semaphore_mem>>) src(%dma_wait3A_2583 : memref<1000000x128xf32, #tpu.memory_space<hbm>>) dst(%dma_wait3A_2577 : memref<72x128xf32, #tpu.memory_space<vmem>>)
      %dma_wait3A_2584 = arith.constant 1 : i32
      %dma_wait3A_2585 = arith.constant 7 : i32
      %dma_wait3A_2586 = arith.constant 1 : i32
      %dma_wait3A_2587 = arith.constant 1 : i32
      %dma_wait3A_2588 = arith.constant 0 : i32
      %dma_wait3A_2589 = arith.constant 0 : i32
      %dma_wait3A_2590 = tpu.memref_slice %arg6[%dma_wait3A_2586, %dma_wait3A_2587, %dma_wait3A_2588, %dma_wait3A_2589] : memref<2x2x200x128xf32, #tpu.memory_space<vmem>> -> memref<1x1x128x128xf32, #tpu.memory_space<vmem>>
      %dma_wait3A_2591 = tpu.memref_squeeze %dma_wait3A_2590 : memref<1x1x128x128xf32, #tpu.memory_space<vmem>> -> memref<128x128xf32, #tpu.memory_space<vmem>>
      %dma_wait3A_2592 = arith.constant 0 : i32
      %dma_wait3A_2593 = tpu.memref_slice %arg5[%dma_wait3A_2584, %dma_wait3A_2585, %dma_wait3A_2592] : memref<2x8x200xi32, #tpu.memory_space<vmem>> -> memref<1x1x128xi32, #tpu.memory_space<vmem>>
      %dma_wait3A_2594 = tpu.memref_squeeze %dma_wait3A_2593 : memref<1x1x128xi32, #tpu.memory_space<vmem>> -> memref<128xi32, #tpu.memory_space<vmem>>
      %dma_wait3A_2595 = arith.constant 0 : i32
      %dma_wait3A_2596 = arith.constant 0 : i32
      %dma_wait3A_2597 = tpu.memref_slice %arg3[%dma_wait3A_2595, %dma_wait3A_2596] : memref<1000000x128xf32, #tpu.memory_space<hbm>> -> memref<1000000x128xf32, #tpu.memory_space<hbm>>
      tpu.wait_indirect_dma semaphore(%arg10 : memref<!tpu.dma_semaphore, #tpu.memory_space<semaphore_mem>>) src(%dma_wait3A_2597 : memref<1000000x128xf32, #tpu.memory_space<hbm>>) dst(%dma_wait3A_2591 : memref<128x128xf32, #tpu.memory_space<vmem>>)
      %dma_wait3A_2598 = arith.constant 1 : i32
      %dma_wait3A_2599 = arith.constant 7 : i32
      %dma_wait3A_2600 = arith.constant 1 : i32
      %dma_wait3A_2601 = arith.constant 1 : i32
      %dma_wait3A_2602 = arith.constant 128 : i32
      %dma_wait3A_2603 = arith.constant 0 : i32
      %dma_wait3A_2604 = tpu.memref_slice %arg6[%dma_wait3A_2600, %dma_wait3A_2601, %dma_wait3A_2602, %dma_wait3A_2603] : memref<2x2x200x128xf32, #tpu.memory_space<vmem>> -> memref<1x1x72x128xf32, #tpu.memory_space<vmem>>
      %dma_wait3A_2605 = tpu.memref_squeeze %dma_wait3A_2604 : memref<1x1x72x128xf32, #tpu.memory_space<vmem>> -> memref<72x128xf32, #tpu.memory_space<vmem>>
      %dma_wait3A_2606 = arith.constant 128 : i32
      %dma_wait3A_2607 = tpu.memref_slice %arg5[%dma_wait3A_2598, %dma_wait3A_2599, %dma_wait3A_2606] : memref<2x8x200xi32, #tpu.memory_space<vmem>> -> memref<1x1x72xi32, #tpu.memory_space<vmem>>
      %dma_wait3A_2608 = tpu.memref_squeeze %dma_wait3A_2607 : memref<1x1x72xi32, #tpu.memory_space<vmem>> -> memref<72xi32, #tpu.memory_space<vmem>>
      %dma_wait3A_2609 = arith.constant 0 : i32
      %dma_wait3A_2610 = arith.constant 0 : i32
      %dma_wait3A_2611 = tpu.memref_slice %arg3[%dma_wait3A_2609, %dma_wait3A_2610] : memref<1000000x128xf32, #tpu.memory_space<hbm>> -> memref<1000000x128xf32, #tpu.memory_space<hbm>>
      tpu.wait_indirect_dma semaphore(%arg10 : memref<!tpu.dma_semaphore, #tpu.memory_space<semaphore_mem>>) src(%dma_wait3A_2611 : memref<1000000x128xf32, #tpu.memory_space<hbm>>) dst(%dma_wait3A_2605 : memref<72x128xf32, #tpu.memory_space<vmem>>)
      %mul3A_2612 = arith.constant 4 : i32
      %mul3A_2613 = arith.muli %add3A_2000, %mul3A_2612 : i32
      %add3A_2614 = arith.constant 3 : i32
      %add3A_2615 = arith.addi %mul3A_2613, %add3A_2614 : i32
      %mul3A_2616 = arith.constant 2 : i32
      %mul3A_2617 = arith.muli %add3A_2615, %mul3A_2616 : i32
      %add3A_2618 = arith.addi %mul3A_2, %mul3A_2617 : i32
      %dma_start3A_2619 = arith.constant 1 : i32
      %dma_start3A_2620 = arith.constant 0 : i32
      %dma_start3A_2621 = arith.constant 0 : i32
      %dma_start3A_2622 = arith.constant 0 : i32
      %dma_start3A_2623 = tpu.memref_slice %arg6[%dma_start3A_2619, %dma_start3A_2620, %dma_start3A_2621, %dma_start3A_2622] : memref<2x2x200x128xf32, #tpu.memory_space<vmem>> -> memref<1x2x200x128xf32, #tpu.memory_space<vmem>>
      %dma_start3A_2624 = tpu.memref_squeeze %dma_start3A_2623 : memref<1x2x200x128xf32, #tpu.memory_space<vmem>> -> memref<2x200x128xf32, #tpu.memory_space<vmem>>
      %dma_start3A_2625 = arith.constant 0 : i32
      %dma_start3A_2626 = arith.constant 0 : i32
      %dma_start3A_2627 = tpu.memref_slice %arg4[%add3A_2618, %dma_start3A_2625, %dma_start3A_2626] : memref<16384x200x128xf32, #tpu.memory_space<hbm>> -> memref<2x200x128xf32, #tpu.memory_space<hbm>>
      %dma_start3A_2628 = arith.constant 0 : i32
      %dma_start3A_2629 = arith.constant 0 : i32
      %dma_start3A_2630 = tpu.memref_slice %arg4[%add3A_2618, %dma_start3A_2628, %dma_start3A_2629] : memref<16384x200x128xf32, #tpu.memory_space<hbm>> -> memref<2x200x128xf32, #tpu.memory_space<hbm>>
      %dma_start3A_2631 = arith.constant 0 : i32
      %dma_start3A_2632 = arith.constant 0 : i32
      %dma_start3A_2633 = arith.constant 0 : i32
      %dma_start3A_2634 = tpu.memref_slice %arg6[%dma_start3A_2619, %dma_start3A_2631, %dma_start3A_2632, %dma_start3A_2633] : memref<2x2x200x128xf32, #tpu.memory_space<vmem>> -> memref<1x2x200x128xf32, #tpu.memory_space<vmem>>
      %dma_start3A_2635 = tpu.memref_squeeze %dma_start3A_2634 : memref<1x2x200x128xf32, #tpu.memory_space<vmem>> -> memref<2x200x128xf32, #tpu.memory_space<vmem>>
      tpu.enqueue_dma source(%dma_start3A_2635 : memref<2x200x128xf32, #tpu.memory_space<vmem>>) target(%dma_start3A_2630 : memref<2x200x128xf32, #tpu.memory_space<hbm>>) target_semaphore(%arg12 : memref<!tpu.dma_semaphore, #tpu.memory_space<semaphore_mem>>)
      %add3A_2636 = arith.constant 2 : i32
      %add3A_2637 = arith.addi %add3A_2000, %add3A_2636 : i32
      %min3A_2638 = arith.constant 63 : i32
      %min3A_2639 = arith.minsi %add3A_2637, %min3A_2638 : i32
      %mul3A_2640 = arith.constant 8 : i32
      %mul3A_2641 = arith.muli %min3A_2639, %mul3A_2640 : i32
      %add3A_2642 = arith.addi %mul3A_2, %mul3A_2641 : i32
      %dma_start3A_2643 = arith.constant 1 : i32
      %dma_start3A_2644 = arith.constant 0 : i32
      %dma_start3A_2645 = arith.constant 0 : i32
      %dma_start3A_2646 = tpu.memref_slice %arg5[%dma_start3A_2643, %dma_start3A_2644, %dma_start3A_2645] : memref<2x8x200xi32, #tpu.memory_space<vmem>> -> memref<1x8x200xi32, #tpu.memory_space<vmem>>
      %dma_start3A_2647 = tpu.memref_squeeze %dma_start3A_2646 : memref<1x8x200xi32, #tpu.memory_space<vmem>> -> memref<8x200xi32, #tpu.memory_space<vmem>>
      %dma_start3A_2648 = arith.constant 0 : i32
      %dma_start3A_2649 = tpu.memref_slice %arg2[%add3A_2642, %dma_start3A_2648] : memref<16384x200xi32, #tpu.memory_space<hbm>> -> memref<8x200xi32, #tpu.memory_space<hbm>>
      %dma_start3A_2650 = arith.constant 0 : i32
      %dma_start3A_2651 = arith.constant 0 : i32
      %dma_start3A_2652 = tpu.memref_slice %arg5[%dma_start3A_2643, %dma_start3A_2650, %dma_start3A_2651] : memref<2x8x200xi32, #tpu.memory_space<vmem>> -> memref<1x8x200xi32, #tpu.memory_space<vmem>>
      %dma_start3A_2653 = tpu.memref_squeeze %dma_start3A_2652 : memref<1x8x200xi32, #tpu.memory_space<vmem>> -> memref<8x200xi32, #tpu.memory_space<vmem>>
      %dma_start3A_2654 = arith.constant 0 : i32
      %dma_start3A_2655 = tpu.memref_slice %arg2[%add3A_2642, %dma_start3A_2654] : memref<16384x200xi32, #tpu.memory_space<hbm>> -> memref<8x200xi32, #tpu.memory_space<hbm>>
      tpu.enqueue_dma source(%dma_start3A_2655 : memref<8x200xi32, #tpu.memory_space<hbm>>) target(%dma_start3A_2653 : memref<8x200xi32, #tpu.memory_space<vmem>>) target_semaphore(%arg8 : memref<!tpu.dma_semaphore, #tpu.memory_space<semaphore_mem>>)
    }
    %scan3A_1264 = arith.constant 31 : i32
    %dma_wait3A_1265 = arith.constant 0 : i32
    %dma_wait3A_1266 = arith.constant 0 : i32
    %dma_wait3A_1267 = arith.constant 0 : i32
    %dma_wait3A_1268 = arith.constant 0 : i32
    %dma_wait3A_1269 = tpu.memref_slice %arg6[%dma_wait3A_1265, %dma_wait3A_1266, %dma_wait3A_1267, %dma_wait3A_1268] : memref<2x2x200x128xf32, #tpu.memory_space<vmem>> -> memref<1x2x200x128xf32, #tpu.memory_space<vmem>>
    %dma_wait3A_1270 = tpu.memref_squeeze %dma_wait3A_1269 : memref<1x2x200x128xf32, #tpu.memory_space<vmem>> -> memref<2x200x128xf32, #tpu.memory_space<vmem>>
    %dma_wait3A_1271 = arith.constant 0 : i32
    %dma_wait3A_1272 = arith.constant 0 : i32
    %dma_wait3A_1273 = arith.constant 0 : i32
    %dma_wait3A_1274 = tpu.memref_slice %arg4[%dma_wait3A_1271, %dma_wait3A_1272, %dma_wait3A_1273] : memref<16384x200x128xf32, #tpu.memory_space<hbm>> -> memref<2x200x128xf32, #tpu.memory_space<hbm>>
    %dma_wait3A_1275 = arith.constant 0 : i32
    %dma_wait3A_1276 = arith.constant 0 : i32
    %dma_wait3A_1277 = arith.constant 0 : i32
    %dma_wait3A_1278 = tpu.memref_slice %arg4[%dma_wait3A_1275, %dma_wait3A_1276, %dma_wait3A_1277] : memref<16384x200x128xf32, #tpu.memory_space<hbm>> -> memref<2x200x128xf32, #tpu.memory_space<hbm>>
    %dma_wait3A_1279 = arith.constant 0 : i32
    %dma_wait3A_1280 = arith.constant 0 : i32
    %dma_wait3A_1281 = arith.constant 0 : i32
    %dma_wait3A_1282 = tpu.memref_slice %arg6[%dma_wait3A_1265, %dma_wait3A_1279, %dma_wait3A_1280, %dma_wait3A_1281] : memref<2x2x200x128xf32, #tpu.memory_space<vmem>> -> memref<1x2x200x128xf32, #tpu.memory_space<vmem>>
    %dma_wait3A_1283 = tpu.memref_squeeze %dma_wait3A_1282 : memref<1x2x200x128xf32, #tpu.memory_space<vmem>> -> memref<2x200x128xf32, #tpu.memory_space<vmem>>
    tpu.wait_dma2 semaphore(%arg11 : memref<!tpu.dma_semaphore, #tpu.memory_space<semaphore_mem>>) src(%dma_wait3A_1283 : memref<2x200x128xf32, #tpu.memory_space<vmem>>) dst(%dma_wait3A_1278 : memref<2x200x128xf32, #tpu.memory_space<hbm>>)
    %dma_wait3A_1284 = arith.constant 0 : i32
    %dma_wait3A_1285 = arith.constant 0 : i32
    %dma_wait3A_1286 = arith.constant 0 : i32
    %dma_wait3A_1287 = tpu.memref_slice %arg5[%dma_wait3A_1284, %dma_wait3A_1285, %dma_wait3A_1286] : memref<2x8x200xi32, #tpu.memory_space<vmem>> -> memref<1x8x200xi32, #tpu.memory_space<vmem>>
    %dma_wait3A_1288 = tpu.memref_squeeze %dma_wait3A_1287 : memref<1x8x200xi32, #tpu.memory_space<vmem>> -> memref<8x200xi32, #tpu.memory_space<vmem>>
    %dma_wait3A_1289 = arith.constant 0 : i32
    %dma_wait3A_1290 = arith.constant 0 : i32
    %dma_wait3A_1291 = tpu.memref_slice %arg2[%dma_wait3A_1289, %dma_wait3A_1290] : memref<16384x200xi32, #tpu.memory_space<hbm>> -> memref<8x200xi32, #tpu.memory_space<hbm>>
    %dma_wait3A_1292 = arith.constant 0 : i32
    %dma_wait3A_1293 = arith.constant 0 : i32
    %dma_wait3A_1294 = tpu.memref_slice %arg5[%dma_wait3A_1284, %dma_wait3A_1292, %dma_wait3A_1293] : memref<2x8x200xi32, #tpu.memory_space<vmem>> -> memref<1x8x200xi32, #tpu.memory_space<vmem>>
    %dma_wait3A_1295 = tpu.memref_squeeze %dma_wait3A_1294 : memref<1x8x200xi32, #tpu.memory_space<vmem>> -> memref<8x200xi32, #tpu.memory_space<vmem>>
    %dma_wait3A_1296 = arith.constant 0 : i32
    %dma_wait3A_1297 = arith.constant 0 : i32
    %dma_wait3A_1298 = tpu.memref_slice %arg2[%dma_wait3A_1296, %dma_wait3A_1297] : memref<16384x200xi32, #tpu.memory_space<hbm>> -> memref<8x200xi32, #tpu.memory_space<hbm>>
    tpu.wait_dma2 semaphore(%arg7 : memref<!tpu.dma_semaphore, #tpu.memory_space<semaphore_mem>>) src(%dma_wait3A_1298 : memref<8x200xi32, #tpu.memory_space<hbm>>) dst(%dma_wait3A_1295 : memref<8x200xi32, #tpu.memory_space<vmem>>)
    %dma_wait3A_1299 = arith.constant 1 : i32
    %dma_wait3A_1300 = arith.constant 0 : i32
    %dma_wait3A_1301 = arith.constant 0 : i32
    %dma_wait3A_1302 = arith.constant 0 : i32
    %dma_wait3A_1303 = tpu.memref_slice %arg6[%dma_wait3A_1299, %dma_wait3A_1300, %dma_wait3A_1301, %dma_wait3A_1302] : memref<2x2x200x128xf32, #tpu.memory_space<vmem>> -> memref<1x2x200x128xf32, #tpu.memory_space<vmem>>
    %dma_wait3A_1304 = tpu.memref_squeeze %dma_wait3A_1303 : memref<1x2x200x128xf32, #tpu.memory_space<vmem>> -> memref<2x200x128xf32, #tpu.memory_space<vmem>>
    %dma_wait3A_1305 = arith.constant 0 : i32
    %dma_wait3A_1306 = arith.constant 0 : i32
    %dma_wait3A_1307 = arith.constant 0 : i32
    %dma_wait3A_1308 = tpu.memref_slice %arg4[%dma_wait3A_1305, %dma_wait3A_1306, %dma_wait3A_1307] : memref<16384x200x128xf32, #tpu.memory_space<hbm>> -> memref<2x200x128xf32, #tpu.memory_space<hbm>>
    %dma_wait3A_1309 = arith.constant 0 : i32
    %dma_wait3A_1310 = arith.constant 0 : i32
    %dma_wait3A_1311 = arith.constant 0 : i32
    %dma_wait3A_1312 = tpu.memref_slice %arg4[%dma_wait3A_1309, %dma_wait3A_1310, %dma_wait3A_1311] : memref<16384x200x128xf32, #tpu.memory_space<hbm>> -> memref<2x200x128xf32, #tpu.memory_space<hbm>>
    %dma_wait3A_1313 = arith.constant 0 : i32
    %dma_wait3A_1314 = arith.constant 0 : i32
    %dma_wait3A_1315 = arith.constant 0 : i32
    %dma_wait3A_1316 = tpu.memref_slice %arg6[%dma_wait3A_1299, %dma_wait3A_1313, %dma_wait3A_1314, %dma_wait3A_1315] : memref<2x2x200x128xf32, #tpu.memory_space<vmem>> -> memref<1x2x200x128xf32, #tpu.memory_space<vmem>>
    %dma_wait3A_1317 = tpu.memref_squeeze %dma_wait3A_1316 : memref<1x2x200x128xf32, #tpu.memory_space<vmem>> -> memref<2x200x128xf32, #tpu.memory_space<vmem>>
    tpu.wait_dma2 semaphore(%arg12 : memref<!tpu.dma_semaphore, #tpu.memory_space<semaphore_mem>>) src(%dma_wait3A_1317 : memref<2x200x128xf32, #tpu.memory_space<vmem>>) dst(%dma_wait3A_1312 : memref<2x200x128xf32, #tpu.memory_space<hbm>>)
    %dma_wait3A_1318 = arith.constant 1 : i32
    %dma_wait3A_1319 = arith.constant 0 : i32
    %dma_wait3A_1320 = arith.constant 0 : i32
    %dma_wait3A_1321 = tpu.memref_slice %arg5[%dma_wait3A_1318, %dma_wait3A_1319, %dma_wait3A_1320] : memref<2x8x200xi32, #tpu.memory_space<vmem>> -> memref<1x8x200xi32, #tpu.memory_space<vmem>>
    %dma_wait3A_1322 = tpu.memref_squeeze %dma_wait3A_1321 : memref<1x8x200xi32, #tpu.memory_space<vmem>> -> memref<8x200xi32, #tpu.memory_space<vmem>>
    %dma_wait3A_1323 = arith.constant 0 : i32
    %dma_wait3A_1324 = arith.constant 0 : i32
    %dma_wait3A_1325 = tpu.memref_slice %arg2[%dma_wait3A_1323, %dma_wait3A_1324] : memref<16384x200xi32, #tpu.memory_space<hbm>> -> memref<8x200xi32, #tpu.memory_space<hbm>>
    %dma_wait3A_1326 = arith.constant 0 : i32
    %dma_wait3A_1327 = arith.constant 0 : i32
    %dma_wait3A_1328 = tpu.memref_slice %arg5[%dma_wait3A_1318, %dma_wait3A_1326, %dma_wait3A_1327] : memref<2x8x200xi32, #tpu.memory_space<vmem>> -> memref<1x8x200xi32, #tpu.memory_space<vmem>>
    %dma_wait3A_1329 = tpu.memref_squeeze %dma_wait3A_1328 : memref<1x8x200xi32, #tpu.memory_space<vmem>> -> memref<8x200xi32, #tpu.memory_space<vmem>>
    %dma_wait3A_1330 = arith.constant 0 : i32
    %dma_wait3A_1331 = arith.constant 0 : i32
    %dma_wait3A_1332 = tpu.memref_slice %arg2[%dma_wait3A_1330, %dma_wait3A_1331] : memref<16384x200xi32, #tpu.memory_space<hbm>> -> memref<8x200xi32, #tpu.memory_space<hbm>>
    tpu.wait_dma2 semaphore(%arg8 : memref<!tpu.dma_semaphore, #tpu.memory_space<semaphore_mem>>) src(%dma_wait3A_1332 : memref<8x200xi32, #tpu.memory_space<hbm>>) dst(%dma_wait3A_1329 : memref<8x200xi32, #tpu.memory_space<vmem>>)
    return
  }
}

</mosaic_0001>

<sc_bundles>
// kernel: kernel.3.cloned.1.call-start
scs
__scs_entry_jumppad:
0x0: {  	(pc) =	sbr.rel $0x88, $3  }
0x1: {  	(tag) =	ssettag $0x0;
	lr =	simm.s32 $0x1  }
0x2: {  	[smem:$0x3F9F] =	sst lr;
	_ =	strace $0xD0000000  }
0x3: {  	_ = 	snop  }
0x4: {  	_ = 	snop  }
0x5: {  	_ = 	snop  }
0x6: {  	_ = 	snop  }
0x7: {  	_ = 	snop  }
__scs_overlays_trampoline_lowered:
0x8: {  	[smem:$0x3FAE] =	sst s0  }
0x9: {  	[smem:$0x3FAF] =	sst s1  }
0xa: {  	[smem:$0x3FB0] =	sst s2  }
0xb: {  	[smem:$0x3FB1] =	sst s3  }
0xc: {  	[smem:$0x3FB2] =	sst s4  }
0xd: {  	[smem:$0x3FB3] =	sst s5  }
0xe: {  	[smem:$0x3FB4] =	sst s6  }
0xf: {  	[smem:$0x3FB5] =	sst s7  }
0x10: {  	[smem:$0x3FB6] =	sst s8  }
0x11: {  	[smem:$0x3FB7] =	sst s9;
	s0 =	simm.s32 @!p0 $0x0  }
0x12: {  	s1 =	sld [smem:$0x3F9D];
	s0 =	simm.s32 @p0 $0x1  }
0x13: {  	[smem:$0x3FB8] =	sst s0;
	s0 =	simm.s32 @!p1 $0x0  }
0x14: {  	s2 =	sld [smem:$0x3F9C];
	s0 =	simm.s32 @p1 $0x1  }
0x15: {  	[smem:$0x3FB9] =	sst s0;
	s0 =	simm.s32 @!p2 $0x0  }
0x16: {  	s3 =	sld [smem:$0x3FDB];
	s0 =	simm.s32 @p2 $0x1  }
0x17: {  	s4 =	simm.s32 $0x1BF5;
	[smem:$0x3FBB] =	sst s0  }
0x18: {  	s0 =	sld [smem:$0x3F9E];
	_ =	swait.ge [sflag:s4], $0x0  }
0x19: {  	s7 =	sld [smem:$0x3F9F]  }
0x1a: {  	s8 =	sadd.s32 $0xFFFFE003, lr  }
0x1b: {  	s9 =	sadd.s32 $0xFFFFFEF7, lr;
	s5 =	simm.s32 $0xFFFFFFFF;
	p2 =	slt.u32 s8, $0xFFFFF086  }
0x1c: {  	p1 =	slt.u32 s9, $0xF7A;
	s5 =	simm.s32 @!p2 $0x0  }
0x1d: {  	s5 =	simm.s32 @p1 $0x1;
	p0 =	seq.s32 s7, s2  }
0x1e: {  	s7 =	smul.u32 @!p0 $0xF7A, s2;
	p2 =	seq.s32 @!p0 s5, $0x0  }
0x1f: {  	s9 =	smul.u32 $0xF7A, s1;
	s8 =	simm.s32 @!p0 $0x1BF5;
	p2 =	por !p2, p0  }
0x20: {  	[sflag:s8] =	ssyncset.s32 @!p0 $0xFFFFF086;
	s6 =	sadd.s32 @!p0 s3, s7;
	s7 =	simm.s32 @!p0 $0x108  }
0x21: {  	s3 =	sadd.s32 s3, s9;
	s6 =	sadd.s32 @!p0 $0x88, s6;
	s7 =	simm.s32 @p2 $0x1082  }
0x22: {  	[simem:s7], [sflag:s8] =	dma.local @!p0 [hbm:s6], $0xF7A  }
0x23: {  	s9 =	sor.u32 $0xD0000000, s2;
	s6 =	simm.s32 $0x108;
	_ =	swait.ge @!p0 [sflag:s8], $0x0  }
0x24: {  	s3 =	sadd.s32 $0x88, s3;
	s6 =	simm.s32 @!p1 $0x1082;
	[sflag:s4] =	ssyncset.s32 $0xFFFFF086  }
0x25: {  	[simem:s6], [sflag:s4] =	dma.local [hbm:s3], $0xF7A  }
0x26: {  	[smem:$0x3F9F] =	sst s1;
	(tag) =	ssettag s2;
	_ =	strace s9  }
0x27: {  	s1 =	sld [smem:$0x3FAF]  }
0x28: {  	s2 =	sld [smem:$0x3FB0]  }
0x29: {  	s4 =	sld [smem:$0x3FB2]  }
0x2a: {  	p0 =	seq.s32 s5, $0x0;
	s5 =	sld [smem:$0x3FB3]  }
0x2b: {  	s6 =	sld [smem:$0x3FB4]  }
0x2c: {  	s7 =	sld [smem:$0x3FB5]  }
0x2d: {  	s3 =	simm.s32 $0x108;
	s8 =	sld [smem:$0x3FB6]  }
0x2e: {  	s3 =	simm.s32 @!p0 $0x1082;
	s9 =	sld [smem:$0x3FB7]  }
0x2f: {  	lr =	sadd.s32 s0, s3;
	s0 =	sld [smem:$0x3FAE]  }
0x30: {  	s3 =	sld [smem:$0x3FB1]  }
0x31: {  	[smem:$0x3FBA] =	sst s10  }
0x32: {  	s10 =	sld [smem:$0x3FB8];
	_ =	sdelay $0x3  }
0x33: {  	p0 =	seq.s32 s10, $0x1;
	s10 =	sld [smem:$0x3FBA];
	_ =	sdelay $0x3  }
0x34: {  	[smem:$0x3FBA] =	sst s10  }
0x35: {  	s10 =	sld [smem:$0x3FB9];
	_ =	sdelay $0x3  }
0x36: {  	p1 =	seq.s32 s10, $0x1;
	s10 =	sld [smem:$0x3FBA];
	_ =	sdelay $0x3  }
0x37: {  	[smem:$0x3FBA] =	sst s10  }
0x38: {  	s10 =	sld [smem:$0x3FBB]  }
0x39: {  	_ = 	snop;
	(pc) =	sbr.ind lr, $3  }
0x3a: {  	_ = 	snop  }
0x3b: {  	_ = 	snop  }
0x3c: {  	p2 =	seq.s32 s10, $0x1;
	s10 =	sld [smem:$0x3FBA]  }
0x3d: {  	_ =	shalt  }
0x3e: {  	_ =	shalt  }
0x3f: {  	_ =	shalt  }
0x40: {  	_ =	shalt  }
0x41: {  	_ =	shalt  }
0x42: {  	_ =	shalt  }
0x43: {  	_ =	shalt  }
0x44: {  	_ =	shalt  }
0x45: {  	_ =	shalt  }
0x46: {  	_ =	shalt  }
0x47: {  	_ =	shalt  }
0x48: {  	_ =	shalt  }
0x49: {  	_ =	shalt  }
0x4a: {  	_ =	shalt  }
0x4b: {  	_ =	shalt  }
0x4c: {  	_ =	shalt  }
0x4d: {  	_ =	shalt  }
0x4e: {  	_ =	shalt  }
0x4f: {  	_ =	shalt  }
0x50: {  	_ =	shalt  }
0x51: {  	_ =	shalt  }
0x52: {  	_ =	shalt  }
0x53: {  	_ =	shalt  }
0x54: {  	_ =	shalt  }
0x55: {  	_ =	shalt  }
0x56: {  	_ =	shalt  }
0x57: {  	_ =	shalt  }
0x58: {  	_ =	shalt  }
0x59: {  	_ =	shalt  }
0x5a: {  	_ =	shalt  }
0x5b: {  	_ =	shalt  }
0x5c: {  	_ =	shalt  }
0x5d: {  	_ =	shalt  }
0x5e: {  	_ =	shalt  }
0x5f: {  	_ =	shalt  }
0x60: {  	_ =	shalt  }
0x61: {  	_ =	shalt  }
0x62: {  	_ =	shalt  }
0x63: {  	_ =	shalt  }
0x64: {  	_ =	shalt  }
0x65: {  	_ =	shalt  }
0x66: {  	_ =	shalt  }
0x67: {  	_ =	shalt  }
0x68: {  	_ =	shalt  }
0x69: {  	_ =	shalt  }
0x6a: {  	_ =	shalt  }
0x6b: {  	_ =	shalt  }
0x6c: {  	_ =	shalt  }
0x6d: {  	_ =	shalt  }
0x6e: {  	_ =	shalt  }
0x6f: {  	_ =	shalt  }
0x70: {  	_ =	shalt  }
0x71: {  	_ =	shalt  }
0x72: {  	_ =	shalt  }
0x73: {  	_ =	shalt  }
0x74: {  	_ =	shalt  }
0x75: {  	_ =	shalt  }
0x76: {  	_ =	shalt  }
0x77: {  	_ =	shalt  }
0x78: {  	_ =	shalt  }
0x79: {  	_ =	shalt  }
0x7a: {  	_ =	shalt  }
0x7b: {  	_ =	shalt  }
0x7c: {  	_ =	shalt  }
0x7d: {  	_ =	shalt  }
0x7e: {  	_ =	shalt  }
0x7f: {  	_ =	shalt  }
0x80: {  	_ =	shalt  }
0x81: {  	_ =	shalt  }
0x82: {  	_ =	shalt  }
0x83: {  	_ =	shalt  }
0x84: {  	_ =	shalt  }
0x85: {  	_ =	shalt  }
0x86: {  	_ =	shalt  }
0x87: {  	_ =	shalt  }
.Lfunc_end0:
.L_simem_size_0:
called_computation.1_lowered:
.L_overlay_start_0:
0x88: {  	s2 =	sld [smem:$0x3FD9]  }
0x89: {  	s3 =	sld [smem:$0x3FFE];
	_ =	sdelay $0x1  }
0x8a: {  	s1 =	srdreg.scid  }
0x8b: {  	s0 =	sand.u32 $0x1, s1  }
0x8c: {  	s16 =	sshll.u32 s0, $0xA;
	s2 =	sadd.s32 s3, s2  }
0x8d: {  	s2 =	sadd.s32 s2, s16  }
0x8e: {  	[smem:$0x3FC6] =	sst s2  }
0x8f: {  	_ = 	snop  }
0x90: {  	(tm) =	ssettm $0x1  }
0x91: {  	s17 =	sld [smem:$0x3FFB];
	_ =	sdelay $0x3  }
0x92: {  	_ =	strace s17  }
0x93: {  	s2 =	sld [smem:$0x3FFC];
	_ =	sdelay $0x3  }
0x94: {  	_ =	strace s2  }
0x95: {  	s2 =	sld [smem:$0x3FFD];
	_ =	sdelay $0x3  }
0x96: {  	_ =	strace s2  }
0x97: {  	_ =	strace $0x8FFFFFFF  }
0x98: {  	s18 =	sld [smem:$0x3FDB];
	_ =	sdelay $0x1  }
0x99: {  	s19 =	simm.s32 $_scs_section_size  }
0x9a: {  	s4 =	simm.s32 $_size__tile_overlayer_lowered;
	s5 =	simm.s32 $_tile_overlayer_lowered  }
0x9b: {  	s22 =	simm.s32 $0x1BFF;
	s21 =	sshll.u32 s5, $0x1;
	s2 =	sadd.s32 s19, s18  }
0x9c: {  	s6 =	simm.s32 $0x0;
	s20 =	sshll.u32 s4, $0x1;
	s4 =	sadd.s32 s21, s2  }
0x9d: {  	[timem:s6], [sflag:s22] =	dma.local [hbm:s4], s20  }
0x9e: {  	_ =	swait.ge [sflag:s22], s20  }
0x9f: {  	s3 =	ssub.s32 $0x0, s20;
	[sflag:s22] =	ssyncset.done $0x0  }
0xa0: {  	[sflag:s22] =	ssyncadd.s32 s3;
	_ =	sdelay $0x1  }
0xa1: {  	s23 =	simm.s32 $0x1B8B  }
0xa2: {  	_ =	swait.ge [sflag:s23], $0x1  }
0xa3: {  	[sflag:s23] =	ssyncset.done $0x0  }
0xa4: {  	s25 =	simm.s32 $0x1B8E;
	s24 =	sld [smem:$0x3FFE];
	[sflag:s23] =	ssyncadd.s32 $0xFFFFFFFF  }
0xa5: {  	s26 =	simm.s32 $execute0_lowered;
	[smem:$0x3FD2] =	sst s25  }
0xa6: {  	s4 =	sshll.u32 s26, $0x1;
	_ =	strace $0x80000046;
	[dreg:$0x1] =	wrdreg $0xFFFFFFFF  }
0xa7: {  	s28 =	simm.s32 $_size_execute0_lowered;
	s2 =	sadd.s32 s2, s4;
	[dreg:$0x0] =	wrdreg $0x0  }
0xa8: {  	s4 =	sshll.u32 s28, $0x1;
	[dreg:$0x2] =	wrdreg s2  }
0xa9: {  	[dreg:$0x3] =	wrdreg s4  }
0xaa: {  	[dreg:$0x4] =	wrdreg $0xC0  }
0xab: {  	_ =	task [dreg:s6], $0x5FFFF  }
0xac: {  	[dreg:$0x1] =	wrdreg $0xFFFFFFFF  }
0xad: {  	[dreg:$0x0] =	wrdreg $0x60  }
0xae: {  	[dreg:$0x2] =	wrdreg s24  }
0xaf: {  	[dreg:$0x3] =	wrdreg $0x9  }
0xb0: {  	_ =	task.clear_ibuf [dreg:s6], $0x4FFFF;
	_ =	strace $0x90000046  }
0xb1: {  	s29 =	simm.s32 $0x9;
	_ =	strace $0x80000048  }
0xb2: {  	_ =	swait.ge [sflag:s29], $0x1  }
0xb3: {  	[sflag:s29] =	ssyncadd.s32 $0xFFFFFFFF  }
0xb4: {  	_ =	strace $0x90000048  }
0xb5: {  	_ =	sfence  }
0xb6: {  	s30 =	sld [smem:$0x0];
	_ =	sdelay $0x2  }
0xb7: {  	s31 =	sshll.u32 s1, $0xD;
	s1 =	sshrl.u32 s1, $0x2  }
0xb8: {  	s3 =	sand.u32 $0x4000, s31;
	s1 =	sadd.s32 s1, s30  }
0xb9: {  	s0 =	sor.u32 s3, s0;
	s1 =	sshll.u32 s1, $0x11  }
0xba: {  	s0 =	sor.u32 s1, s0  }
0xbb: {  	s0 =	sadd.s32 $0x8F2B, s0  }
0xbc: {  	[sflag:s0] =	ssyncadd.remote.s32 $0x1  }
0xbd: {  	_ =	sfence.sel $0xFFFF  }
0xbe: {  	[dreg:$0x0] =	wrdreg $0xFFFFFFFF;
	(pc) =	sbr.abs _section_cstart, $3  }
0xbf: {  	[dreg:$0x1] =	wrdreg $0xFFFFFFFF  }
0xc0: {  	_ =	task.clear_ibuf [dreg:s6], $0x2FFFF;
	_ =	strace $0x9FFFFFFF  }
0xc1: {  	(tm) =	ssettm $0x7FFFFFFF  }
tec
execute0_lowered:
.L_overlay_start_1:
0x0: {  	(tag) =	ssettag $0x1  }
0x1: {  	s0 =	rddreg [dreg:$0x0];
	s2 =	simm.s32 $0x0  }
0x2: {  	s1 =	srdreg.scid;
	s10 =	stileid.u32;
	s28 =	simm.s32 $0xB400  }
0x3: {  	s29 =	simm.s32 $0x3;
	s31 =	simm.s32 $0xD800;
	s30 =	simm.s32 $0x2  }
0x4: {  	[smem:$0x7FF] =	sst s2;
	s1 =	sand.u32 $0x1, s1;
	s3 =	sadd.s32 $0x800, s0  }
0x5: {  	s5 =	sshll.u32 s10, $0xA;
	s4 =	sadd.s32 $0x80800, s0;
	s0 =	sadd.s32 $0xFC2C00, s0  }
0x6: {  	s23 =	smul.u32 $0x320000, s10;
	s10 =	simm.s32 $0x17C00;
	s6 =	sshll.u32 s1, $0x9  }
0x7: {  	s7 =	ssub.s32 $0x2, s1;
	s1 =	smul.u32 $0x190000, s1;
	s5 =	sor.u32 s6, s5  }
0x8: {  	_ =	strace $0x80000047;
	s12 =	sshrl.u32 s7, $0x1;
	s8 =	smul.u32 $0xC80, s5  }
0x9: {  	s6 =	ssub.s32 s7, s12;
	s13 =	sshll.u32 s5, $0x5;
	s9 =	sor.u32 $0x8, s5  }
0xa: {  	s5 =	sshrl.u32 s5, $0x3;
	s12 =	simm.s32 $0x5;
	s11 =	sadd.s32 s3, s13  }
0xb: {  	s14 =	sshll.u32 s9, $0x5;
	s25 =	sor.u32 $0x4, s5;
	[dreg:$0x5] =	wrdreg s11  }
0xc: {  	s16 =	smul.u32 $0xC80, s9;
	s5 =	sor.u32 $0x5, s5;
	[dreg:$0x2] =	wrdreg s25  }
0xd: {  	s26 =	smax.u32 s6, $0x1;
	s6 =	simm.s32 $0x400;
	[dreg:$0x3] =	wrdreg s5  }
0xe: {  	s9 =	simm.s32 $0x580;
	s7 =	sadd.s32 s3, s14;
	[dreg:$0x11] =	wrdreg s26  }
0xf: {  	s13 =	simm.s32 $0x200;
	s19 =	sadd.s32 $0x200, s11;
	[dreg:$0x7] =	wrdreg s7  }
0x10: {  	s8 =	sadd.s32 s0, s8;
	s24 =	sadd.s32 $0x300, s11;
	[dreg:$0xb] =	wrdreg s19  }
0x11: {  	s25 =	simm.s32 $0x7400;
	s11 =	simm.s32 $0x4;
	[dreg:$0x6] =	wrdreg s8  }
0x12: {  	s26 =	simm.s32 $0x600;
	s5 =	simm.s32 $0x0;
	[dreg:$0x10] =	wrdreg s24  }
0x13: {  	s14 =	simm.s32 $0x280;
	s15 =	sadd.s32 $0x1900, s8;
	[dreg:$0x12] =	wrdreg s5  }
0x14: {  	s17 =	sadd.s32 $0x3200, s8;
	s18 =	sadd.s32 $0x4B00, s8;
	[dreg:$0x8] =	wrdreg s15  }
0x15: {  	s7 =	sadd.s32 s0, s16;
	s20 =	sadd.s32 $0x7D00, s8;
	[dreg:$0x9] =	wrdreg s17  }
0x16: {  	s21 =	sadd.s32 $0x9600, s8;
	s22 =	sadd.s32 $0xAF00, s8;
	[dreg:$0xa] =	wrdreg s18  }
0x17: {  	s0 =	sadd.s32 s23, s0;
	s19 =	simm.s32 $0x1;
	[dreg:$0xc] =	wrdreg s7  }
0x18: {  	s24 =	simm.s32 $0x5000;
	s23 =	simm.s32 $0x480;
	[dreg:$0xd] =	wrdreg s20  }
0x19: {  	s16 =	simm.s32 $0x100;
	s8 =	simm.s32 $0x13C00;
	[dreg:$0xe] =	wrdreg s21  }
0x1a: {  	[dreg:$0xf] =	wrdreg s22;
	s0 =	sadd.s32 s1, s0;
	s18 =	simm.s32 $0x800  }
0x1b: {  	s20 =	simm.s32 $0x80;
	s21 =	simm.s32 $0x1000;
	s22 =	simm.s32 $0x48  }
0x1c: {  	s1 =	simm.s32 $0x11800;
	s7 =	simm.s32 $0x180;
	s15 =	simm.s32 $0x680  }
0x1d: {  	s17 =	simm.s32 $0x6;
	[dreg:$0x4] =	wrdreg s0;
	s0 =	simm.s32 $0x500  }
.LBB2_1:
0x1e: {  	s5 =	rddreg [dreg:$0x5]  }
0x1f: {  	[tilespmem:s2], [sflag:$0x1] =	stream.linear.gather [hbm4b:s5+s2], $0x800, $0x38;
	[tilespmem:$0x1A000] =	vst v63  }
0x20: {  	s5 =	rddreg [dreg:$0x7]  }
0x21: {  	[tilespmem:s18], [sflag:$0x2] =	stream.linear.gather [hbm4b:s5+s2], $0x800, $0x38;
	[tilespmem:$0x1A000] =	vst v63  }
0x22: {  	_ =	swait.ge [sflag:s19], $0x800  }
0x23: {  	[sflag:s19] =	ssyncset.done $0x0  }
0x24: {  	[sflag:s19] =	ssyncadd.s32 $0xFFFFF800  }
0x25: {  	[tilespmem:s21], [sflag:$0x3] =	stream.indirect.gather [hbm4b:s4+s20], $0x80, s2, s20, $0xb8;
	[tilespmem:$0x1A000] =	vst v63  }
0x26: {  	_ = 	snop  }
0x27: {  	[tilespmem:s24], [sflag:$0x3] =	stream.indirect.gather [hbm4b:s4+s22], $0x80, s6, s22, $0xb8;
	[tilespmem:$0x1A000] =	vst v63  }
0x28: {  	_ = 	snop  }
0x29: {  	[tilespmem:s25], [sflag:$0x3] =	stream.indirect.gather [hbm4b:s4+s20], $0x80, s20, s20, $0xb8;
	[tilespmem:$0x1A000] =	vst v63  }
0x2a: {  	_ = 	snop  }
0x2b: {  	[tilespmem:s28], [sflag:$0x3] =	stream.indirect.gather [hbm4b:s4+s22], $0x80, s23, s22, $0xb8;
	[tilespmem:$0x1A000] =	vst v63  }
0x2c: {  	_ =	swait.ge [sflag:s29], $0x4000  }
0x2d: {  	[sflag:s29] =	ssyncset.done $0x0  }
0x2e: {  	[sflag:s29] =	ssyncadd.s32 $0xFFFFC000  }
0x2f: {  	_ =	swait.ge [sflag:s29], $0x2400  }
0x30: {  	[sflag:s29] =	ssyncset.done $0x0  }
0x31: {  	[sflag:s29] =	ssyncadd.s32 $0xFFFFDC00  }
0x32: {  	_ =	swait.ge [sflag:s29], $0x4000  }
0x33: {  	[sflag:s29] =	ssyncset.done $0x0  }
0x34: {  	[sflag:s29] =	ssyncadd.s32 $0xFFFFC000  }
0x35: {  	_ =	swait.ge [sflag:s29], $0x2400  }
0x36: {  	[sflag:s29] =	ssyncset.done $0x0  }
0x37: {  	s5 =	rddreg [dreg:$0x6];
	[sflag:s29] =	ssyncadd.s32 $0xFFFFDC00  }
0x38: {  	[hbm4b:s5+s2] =	stream.linear.scatter [tilespmem:s21], [sflag:$0x5], $0xC800, $0x38;
	[tilespmem:$0x1A000] =	vst v63  }
0x39: {  	_ = 	snop  }
0x3a: {  	[tilespmem:s31], [sflag:$0x4] =	stream.indirect.gather [hbm4b:s4+s20], $0x80, s16, s20, $0xb8;
	[tilespmem:$0x1A000] =	vst v63  }
0x3b: {  	_ = 	snop  }
0x3c: {  	[tilespmem:s1], [sflag:$0x4] =	stream.indirect.gather [hbm4b:s4+s22], $0x80, s0, s22, $0xb8;
	[tilespmem:$0x1A000] =	vst v63  }
0x3d: {  	_ = 	snop  }
0x3e: {  	[tilespmem:s8], [sflag:$0x4] =	stream.indirect.gather [hbm4b:s4+s20], $0x80, s7, s20, $0xb8;
	[tilespmem:$0x1A000] =	vst v63  }
0x3f: {  	_ = 	snop  }
0x40: {  	[tilespmem:s10], [sflag:$0x4] =	stream.indirect.gather [hbm4b:s4+s22], $0x80, s9, s22, $0xb8;
	[tilespmem:$0x1A000] =	vst v63  }
0x41: {  	_ =	swait.ge [sflag:s11], $0x4000  }
0x42: {  	[sflag:s11] =	ssyncset.done $0x0  }
0x43: {  	[sflag:s11] =	ssyncadd.s32 $0xFFFFC000  }
0x44: {  	_ =	swait.ge [sflag:s11], $0x2400  }
0x45: {  	[sflag:s11] =	ssyncset.done $0x0  }
0x46: {  	[sflag:s11] =	ssyncadd.s32 $0xFFFFDC00  }
0x47: {  	_ =	swait.ge [sflag:s11], $0x4000  }
0x48: {  	[sflag:s11] =	ssyncset.done $0x0  }
0x49: {  	[sflag:s11] =	ssyncadd.s32 $0xFFFFC000  }
0x4a: {  	_ =	swait.ge [sflag:s11], $0x2400  }
0x4b: {  	[sflag:s11] =	ssyncset.done $0x0  }
0x4c: {  	s5 =	rddreg [dreg:$0x8];
	[sflag:s11] =	ssyncadd.s32 $0xFFFFDC00  }
0x4d: {  	[hbm4b:s5+s2] =	stream.linear.scatter [tilespmem:s31], [sflag:$0x6], $0xC800, $0x38;
	[tilespmem:$0x1A000] =	vst v63  }
0x4e: {  	_ =	swait.ge [sflag:s12], $0xC800  }
0x4f: {  	[sflag:s12] =	ssyncset.done $0x0  }
0x50: {  	[sflag:s12] =	ssyncadd.s32 $0xFFFF3800  }
0x51: {  	[tilespmem:s21], [sflag:$0x3] =	stream.indirect.gather [hbm4b:s4+s20], $0x80, s13, s20, $0xb8;
	[tilespmem:$0x1A000] =	vst v63  }
0x52: {  	_ = 	snop  }
0x53: {  	[tilespmem:s24], [sflag:$0x3] =	stream.indirect.gather [hbm4b:s4+s22], $0x80, s26, s22, $0xb8;
	[tilespmem:$0x1A000] =	vst v63  }
0x54: {  	_ = 	snop  }
0x55: {  	[tilespmem:s25], [sflag:$0x3] =	stream.indirect.gather [hbm4b:s4+s20], $0x80, s14, s20, $0xb8;
	[tilespmem:$0x1A000] =	vst v63  }
0x56: {  	_ = 	snop  }
0x57: {  	[tilespmem:s28], [sflag:$0x3] =	stream.indirect.gather [hbm4b:s4+s22], $0x80, s15, s22, $0xb8;
	[tilespmem:$0x1A000] =	vst v63  }
0x58: {  	_ =	swait.ge [sflag:s29], $0x4000  }
0x59: {  	[sflag:s29] =	ssyncset.done $0x0  }
0x5a: {  	[sflag:s29] =	ssyncadd.s32 $0xFFFFC000  }
0x5b: {  	_ =	swait.ge [sflag:s29], $0x2400  }
0x5c: {  	[sflag:s29] =	ssyncset.done $0x0  }
0x5d: {  	[sflag:s29] =	ssyncadd.s32 $0xFFFFDC00  }
0x5e: {  	_ =	swait.ge [sflag:s29], $0x4000  }
0x5f: {  	[sflag:s29] =	ssyncset.done $0x0  }
0x60: {  	[sflag:s29] =	ssyncadd.s32 $0xFFFFC000  }
0x61: {  	_ =	swait.ge [sflag:s29], $0x2400  }
0x62: {  	[sflag:s29] =	ssyncset.done $0x0  }
0x63: {  	s15 =	rddreg [dreg:$0x9];
	[sflag:s29] =	ssyncadd.s32 $0xFFFFDC00  }
0x64: {  	[hbm4b:s15+s2] =	stream.linear.scatter [tilespmem:s21], [sflag:$0x5], $0xC800, $0x38;
	[tilespmem:$0x1A000] =	vst v63  }
0x65: {  	_ =	swait.ge [sflag:s17], $0xC800  }
0x66: {  	[sflag:s17] =	ssyncset.done $0x0  }
0x67: {  	s14 =	simm.s32 $0x300;
	[sflag:s17] =	ssyncadd.s32 $0xFFFF3800  }
0x68: {  	[tilespmem:s31], [sflag:$0x4] =	stream.indirect.gather [hbm4b:s4+s20], $0x80, s14, s20, $0xb8;
	[tilespmem:$0x1A000] =	vst v63  }
0x69: {  	s15 =	simm.s32 $0x700  }
0x6a: {  	[tilespmem:s1], [sflag:$0x4] =	stream.indirect.gather [hbm4b:s4+s22], $0x80, s15, s22, $0xb8;
	[tilespmem:$0x1A000] =	vst v63  }
0x6b: {  	s14 =	simm.s32 $0x380  }
0x6c: {  	[tilespmem:s8], [sflag:$0x4] =	stream.indirect.gather [hbm4b:s4+s20], $0x80, s14, s20, $0xb8;
	[tilespmem:$0x1A000] =	vst v63  }
0x6d: {  	s15 =	simm.s32 $0x780  }
0x6e: {  	[tilespmem:s10], [sflag:$0x4] =	stream.indirect.gather [hbm4b:s4+s22], $0x80, s15, s22, $0xb8;
	[tilespmem:$0x1A000] =	vst v63  }
0x6f: {  	_ =	swait.ge [sflag:s11], $0x4000  }
0x70: {  	[sflag:s11] =	ssyncset.done $0x0  }
0x71: {  	[sflag:s11] =	ssyncadd.s32 $0xFFFFC000  }
0x72: {  	_ =	swait.ge [sflag:s11], $0x2400  }
0x73: {  	[sflag:s11] =	ssyncset.done $0x0  }
0x74: {  	[sflag:s11] =	ssyncadd.s32 $0xFFFFDC00  }
0x75: {  	_ =	swait.ge [sflag:s11], $0x4000  }
0x76: {  	[sflag:s11] =	ssyncset.done $0x0  }
0x77: {  	[sflag:s11] =	ssyncadd.s32 $0xFFFFC000  }
0x78: {  	_ =	swait.ge [sflag:s11], $0x2400  }
0x79: {  	[sflag:s11] =	ssyncset.done $0x0  }
0x7a: {  	s14 =	rddreg [dreg:$0xa];
	[sflag:s11] =	ssyncadd.s32 $0xFFFFDC00  }
0x7b: {  	[hbm4b:s14+s2] =	stream.linear.scatter [tilespmem:s31], [sflag:$0x6], $0xC800, $0x38;
	[tilespmem:$0x1A000] =	vst v63  }
0x7c: {  	s15 =	rddreg [dreg:$0xb]  }
0x7d: {  	[tilespmem:s2], [sflag:$0x1] =	stream.linear.gather [hbm4b:s15+s2], $0x800, $0x38;
	[tilespmem:$0x1A000] =	vst v63  }
0x7e: {  	_ =	swait.ge [sflag:s30], $0x800  }
0x7f: {  	[sflag:s30] =	ssyncset.done $0x0  }
0x80: {  	[sflag:s30] =	ssyncadd.s32 $0xFFFFF800  }
0x81: {  	_ =	swait.ge [sflag:s12], $0xC800  }
0x82: {  	[sflag:s12] =	ssyncset.done $0x0  }
0x83: {  	[sflag:s12] =	ssyncadd.s32 $0xFFFF3800  }
0x84: {  	[tilespmem:s21], [sflag:$0x3] =	stream.indirect.gather [hbm4b:s4+s20], $0x80, s18, s20, $0xb8;
	[tilespmem:$0x1A000] =	vst v63  }
0x85: {  	s14 =	simm.s32 $0xC00  }
0x86: {  	[tilespmem:s24], [sflag:$0x3] =	stream.indirect.gather [hbm4b:s4+s22], $0x80, s14, s22, $0xb8;
	[tilespmem:$0x1A000] =	vst v63  }
0x87: {  	s15 =	simm.s32 $0x880  }
0x88: {  	[tilespmem:s25], [sflag:$0x3] =	stream.indirect.gather [hbm4b:s4+s20], $0x80, s15, s20, $0xb8;
	[tilespmem:$0x1A000] =	vst v63  }
0x89: {  	s14 =	simm.s32 $0xC80  }
0x8a: {  	[tilespmem:s28], [sflag:$0x3] =	stream.indirect.gather [hbm4b:s4+s22], $0x80, s14, s22, $0xb8;
	[tilespmem:$0x1A000] =	vst v63  }
0x8b: {  	_ =	swait.ge [sflag:s29], $0x4000  }
0x8c: {  	[sflag:s29] =	ssyncset.done $0x0  }
0x8d: {  	[sflag:s29] =	ssyncadd.s32 $0xFFFFC000  }
0x8e: {  	_ =	swait.ge [sflag:s29], $0x2400  }
0x8f: {  	[sflag:s29] =	ssyncset.done $0x0  }
0x90: {  	[sflag:s29] =	ssyncadd.s32 $0xFFFFDC00  }
0x91: {  	_ =	swait.ge [sflag:s29], $0x4000  }
0x92: {  	[sflag:s29] =	ssyncset.done $0x0  }
0x93: {  	[sflag:s29] =	ssyncadd.s32 $0xFFFFC000  }
0x94: {  	_ =	swait.ge [sflag:s29], $0x2400  }
0x95: {  	[sflag:s29] =	ssyncset.done $0x0  }
0x96: {  	s15 =	rddreg [dreg:$0xc];
	[sflag:s29] =	ssyncadd.s32 $0xFFFFDC00  }
0x97: {  	[hbm4b:s15+s2] =	stream.linear.scatter [tilespmem:s21], [sflag:$0x5], $0xC800, $0x38;
	[tilespmem:$0x1A000] =	vst v63  }
0x98: {  	_ =	swait.ge [sflag:s17], $0xC800  }
0x99: {  	[sflag:s17] =	ssyncset.done $0x0  }
0x9a: {  	s14 =	simm.s32 $0x900;
	[sflag:s17] =	ssyncadd.s32 $0xFFFF3800  }
0x9b: {  	[tilespmem:s31], [sflag:$0x4] =	stream.indirect.gather [hbm4b:s4+s20], $0x80, s14, s20, $0xb8;
	[tilespmem:$0x1A000] =	vst v63  }
0x9c: {  	s15 =	simm.s32 $0xD00  }
0x9d: {  	[tilespmem:s1], [sflag:$0x4] =	stream.indirect.gather [hbm4b:s4+s22], $0x80, s15, s22, $0xb8;
	[tilespmem:$0x1A000] =	vst v63  }
0x9e: {  	s14 =	simm.s32 $0x980  }
0x9f: {  	[tilespmem:s8], [sflag:$0x4] =	stream.indirect.gather [hbm4b:s4+s20], $0x80, s14, s20, $0xb8;
	[tilespmem:$0x1A000] =	vst v63  }
0xa0: {  	s15 =	simm.s32 $0xD80  }
0xa1: {  	[tilespmem:s10], [sflag:$0x4] =	stream.indirect.gather [hbm4b:s4+s22], $0x80, s15, s22, $0xb8;
	[tilespmem:$0x1A000] =	vst v63  }
0xa2: {  	_ =	swait.ge [sflag:s11], $0x4000  }
0xa3: {  	[sflag:s11] =	ssyncset.done $0x0  }
0xa4: {  	[sflag:s11] =	ssyncadd.s32 $0xFFFFC000  }
0xa5: {  	_ =	swait.ge [sflag:s11], $0x2400  }
0xa6: {  	[sflag:s11] =	ssyncset.done $0x0  }
0xa7: {  	[sflag:s11] =	ssyncadd.s32 $0xFFFFDC00  }
0xa8: {  	_ =	swait.ge [sflag:s11], $0x4000  }
0xa9: {  	[sflag:s11] =	ssyncset.done $0x0  }
0xaa: {  	[sflag:s11] =	ssyncadd.s32 $0xFFFFC000  }
0xab: {  	_ =	swait.ge [sflag:s11], $0x2400  }
0xac: {  	[sflag:s11] =	ssyncset.done $0x0  }
0xad: {  	s14 =	rddreg [dreg:$0xd];
	[sflag:s11] =	ssyncadd.s32 $0xFFFFDC00  }
0xae: {  	[hbm4b:s14+s2] =	stream.linear.scatter [tilespmem:s31], [sflag:$0x6], $0xC800, $0x38;
	[tilespmem:$0x1A000] =	vst v63  }
0xaf: {  	_ =	swait.ge [sflag:s12], $0xC800  }
0xb0: {  	[sflag:s12] =	ssyncset.done $0x0  }
0xb1: {  	s15 =	simm.s32 $0xA00;
	[sflag:s12] =	ssyncadd.s32 $0xFFFF3800  }
0xb2: {  	[tilespmem:s21], [sflag:$0x3] =	stream.indirect.gather [hbm4b:s4+s20], $0x80, s15, s20, $0xb8;
	[tilespmem:$0x1A000] =	vst v63  }
0xb3: {  	s14 =	simm.s32 $0xE00  }
0xb4: {  	[tilespmem:s24], [sflag:$0x3] =	stream.indirect.gather [hbm4b:s4+s22], $0x80, s14, s22, $0xb8;
	[tilespmem:$0x1A000] =	vst v63  }
0xb5: {  	s15 =	simm.s32 $0xA80  }
0xb6: {  	[tilespmem:s25], [sflag:$0x3] =	stream.indirect.gather [hbm4b:s4+s20], $0x80, s15, s20, $0xb8;
	[tilespmem:$0x1A000] =	vst v63  }
0xb7: {  	s14 =	simm.s32 $0xE80  }
0xb8: {  	[tilespmem:s28], [sflag:$0x3] =	stream.indirect.gather [hbm4b:s4+s22], $0x80, s14, s22, $0xb8;
	[tilespmem:$0x1A000] =	vst v63  }
0xb9: {  	_ =	swait.ge [sflag:s29], $0x4000  }
0xba: {  	[sflag:s29] =	ssyncset.done $0x0  }
0xbb: {  	[sflag:s29] =	ssyncadd.s32 $0xFFFFC000  }
0xbc: {  	_ =	swait.ge [sflag:s29], $0x2400  }
0xbd: {  	[sflag:s29] =	ssyncset.done $0x0  }
0xbe: {  	[sflag:s29] =	ssyncadd.s32 $0xFFFFDC00  }
0xbf: {  	_ =	swait.ge [sflag:s29], $0x4000  }
0xc0: {  	[sflag:s29] =	ssyncset.done $0x0  }
0xc1: {  	[sflag:s29] =	ssyncadd.s32 $0xFFFFC000  }
0xc2: {  	_ =	swait.ge [sflag:s29], $0x2400  }
0xc3: {  	[sflag:s29] =	ssyncset.done $0x0  }
0xc4: {  	s15 =	rddreg [dreg:$0xe];
	[sflag:s29] =	ssyncadd.s32 $0xFFFFDC00  }
0xc5: {  	[hbm4b:s15+s2] =	stream.linear.scatter [tilespmem:s21], [sflag:$0x5], $0xC800, $0x38;
	[tilespmem:$0x1A000] =	vst v63  }
0xc6: {  	_ =	swait.ge [sflag:s17], $0xC800  }
0xc7: {  	[sflag:s17] =	ssyncset.done $0x0  }
0xc8: {  	s14 =	simm.s32 $0xB00;
	[sflag:s17] =	ssyncadd.s32 $0xFFFF3800  }
0xc9: {  	[tilespmem:s31], [sflag:$0x4] =	stream.indirect.gather [hbm4b:s4+s20], $0x80, s14, s20, $0xb8;
	[tilespmem:$0x1A000] =	vst v63  }
0xca: {  	s15 =	simm.s32 $0xF00  }
0xcb: {  	[tilespmem:s1], [sflag:$0x4] =	stream.indirect.gather [hbm4b:s4+s22], $0x80, s15, s22, $0xb8;
	[tilespmem:$0x1A000] =	vst v63  }
0xcc: {  	s14 =	simm.s32 $0xB80  }
0xcd: {  	[tilespmem:s8], [sflag:$0x4] =	stream.indirect.gather [hbm4b:s4+s20], $0x80, s14, s20, $0xb8;
	[tilespmem:$0x1A000] =	vst v63  }
0xce: {  	s15 =	simm.s32 $0xF80  }
0xcf: {  	[tilespmem:s10], [sflag:$0x4] =	stream.indirect.gather [hbm4b:s4+s22], $0x80, s15, s22, $0xb8;
	[tilespmem:$0x1A000] =	vst v63  }
0xd0: {  	_ =	swait.ge [sflag:s11], $0x4000  }
0xd1: {  	[sflag:s11] =	ssyncset.done $0x0  }
0xd2: {  	[sflag:s11] =	ssyncadd.s32 $0xFFFFC000  }
0xd3: {  	_ =	swait.ge [sflag:s11], $0x2400  }
0xd4: {  	[sflag:s11] =	ssyncset.done $0x0  }
0xd5: {  	[sflag:s11] =	ssyncadd.s32 $0xFFFFDC00  }
0xd6: {  	_ =	swait.ge [sflag:s11], $0x4000  }
0xd7: {  	[sflag:s11] =	ssyncset.done $0x0  }
0xd8: {  	[sflag:s11] =	ssyncadd.s32 $0xFFFFC000  }
0xd9: {  	_ =	swait.ge [sflag:s11], $0x2400  }
0xda: {  	[sflag:s11] =	ssyncset.done $0x0  }
0xdb: {  	s14 =	rddreg [dreg:$0xf];
	[sflag:s11] =	ssyncadd.s32 $0xFFFFDC00  }
0xdc: {  	[hbm4b:s14+s2] =	stream.linear.scatter [tilespmem:s31], [sflag:$0x6], $0xC800, $0x38;
	[tilespmem:$0x1A000] =	vst v63  }
0xdd: {  	s15 =	rddreg [dreg:$0x10]  }
0xde: {  	[tilespmem:s18], [sflag:$0x2] =	stream.linear.gather [hbm4b:s15+s2], $0x800, $0x38;
	[tilespmem:$0x1A000] =	vst v63  }
0xdf: {  	_ =	swait.ge [sflag:s19], $0x800  }
0xe0: {  	[sflag:s19] =	ssyncset.done $0x0  }
0xe1: {  	[sflag:s19] =	ssyncadd.s32 $0xFFFFF800  }
0xe2: {  	_ =	swait.ge [sflag:s12], $0xC800  }
0xe3: {  	[sflag:s12] =	ssyncset.done $0x0  }
0xe4: {  	[sflag:s12] =	ssyncadd.s32 $0xFFFF3800  }
0xe5: {  	[tilespmem:s21], [sflag:$0x3] =	stream.indirect.gather [hbm4b:s4+s20], $0x80, s2, s20, $0xb8;
	[tilespmem:$0x1A000] =	vst v63  }
0xe6: {  	_ = 	snop  }
0xe7: {  	[tilespmem:s24], [sflag:$0x3] =	stream.indirect.gather [hbm4b:s4+s22], $0x80, s6, s22, $0xb8;
	[tilespmem:$0x1A000] =	vst v63  }
0xe8: {  	_ = 	snop  }
0xe9: {  	[tilespmem:s25], [sflag:$0x3] =	stream.indirect.gather [hbm4b:s4+s20], $0x80, s20, s20, $0xb8;
	[tilespmem:$0x1A000] =	vst v63  }
0xea: {  	_ = 	snop  }
0xeb: {  	[tilespmem:s28], [sflag:$0x3] =	stream.indirect.gather [hbm4b:s4+s22], $0x80, s23, s22, $0xb8;
	[tilespmem:$0x1A000] =	vst v63  }
0xec: {  	_ =	swait.ge [sflag:s29], $0x4000  }
0xed: {  	[sflag:s29] =	ssyncset.done $0x0  }
0xee: {  	[sflag:s29] =	ssyncadd.s32 $0xFFFFC000  }
0xef: {  	_ =	swait.ge [sflag:s29], $0x2400  }
0xf0: {  	[sflag:s29] =	ssyncset.done $0x0  }
0xf1: {  	[sflag:s29] =	ssyncadd.s32 $0xFFFFDC00  }
0xf2: {  	_ =	swait.ge [sflag:s29], $0x4000  }
0xf3: {  	[sflag:s29] =	ssyncset.done $0x0  }
0xf4: {  	[sflag:s29] =	ssyncadd.s32 $0xFFFFC000  }
0xf5: {  	_ =	swait.ge [sflag:s29], $0x2400  }
0xf6: {  	s5 =	rddreg [dreg:$0x4]  }
0xf7: {  	[sflag:s29] =	ssyncset.done $0x0;
	s14 =	sadd.s32 $0x0, s5  }
0xf8: {  	[sflag:s29] =	ssyncadd.s32 $0xFFFFDC00;
	s15 =	sadd.s32 $0xC800, s14  }
0xf9: {  	[hbm4b:s15+s2] =	stream.linear.scatter [tilespmem:s21], [sflag:$0x5], $0xC800, $0x38;
	[tilespmem:$0x1A000] =	vst v63  }
0xfa: {  	_ =	swait.ge [sflag:s17], $0xC800  }
0xfb: {  	[sflag:s17] =	ssyncset.done $0x0  }
0xfc: {  	[sflag:s17] =	ssyncadd.s32 $0xFFFF3800  }
0xfd: {  	[tilespmem:s31], [sflag:$0x4] =	stream.indirect.gather [hbm4b:s4+s20], $0x80, s16, s20, $0xb8;
	[tilespmem:$0x1A000] =	vst v63  }
0xfe: {  	_ = 	snop  }
0xff: {  	[tilespmem:s1], [sflag:$0x4] =	stream.indirect.gather [hbm4b:s4+s22], $0x80, s0, s22, $0xb8;
	[tilespmem:$0x1A000] =	vst v63  }
0x100: {  	_ = 	snop  }
0x101: {  	[tilespmem:s8], [sflag:$0x4] =	stream.indirect.gather [hbm4b:s4+s20], $0x80, s7, s20, $0xb8;
	[tilespmem:$0x1A000] =	vst v63  }
0x102: {  	_ = 	snop  }
0x103: {  	[tilespmem:s10], [sflag:$0x4] =	stream.indirect.gather [hbm4b:s4+s22], $0x80, s9, s22, $0xb8;
	[tilespmem:$0x1A000] =	vst v63  }
0x104: {  	_ =	swait.ge [sflag:s11], $0x4000  }
0x105: {  	[sflag:s11] =	ssyncset.done $0x0  }
0x106: {  	[sflag:s11] =	ssyncadd.s32 $0xFFFFC000  }
0x107: {  	_ =	swait.ge [sflag:s11], $0x2400  }
0x108: {  	[sflag:s11] =	ssyncset.done $0x0  }
0x109: {  	[sflag:s11] =	ssyncadd.s32 $0xFFFFDC00  }
0x10a: {  	_ =	swait.ge [sflag:s11], $0x4000  }
0x10b: {  	[sflag:s11] =	ssyncset.done $0x0  }
0x10c: {  	[sflag:s11] =	ssyncadd.s32 $0xFFFFC000  }
0x10d: {  	_ =	swait.ge [sflag:s11], $0x2400  }
0x10e: {  	[sflag:s11] =	ssyncset.done $0x0  }
0x10f: {  	s7 =	sadd.s32 $0xE100, s14;
	[sflag:s11] =	ssyncadd.s32 $0xFFFFDC00  }
0x110: {  	[hbm4b:s7+s2] =	stream.linear.scatter [tilespmem:s31], [sflag:$0x6], $0xC800, $0x38;
	[tilespmem:$0x1A000] =	vst v63  }
0x111: {  	_ =	swait.ge [sflag:s12], $0xC800  }
0x112: {  	[sflag:s12] =	ssyncset.done $0x0  }
0x113: {  	[sflag:s12] =	ssyncadd.s32 $0xFFFF3800  }
0x114: {  	[tilespmem:s21], [sflag:$0x3] =	stream.indirect.gather [hbm4b:s4+s20], $0x80, s13, s20, $0xb8;
	[tilespmem:$0x1A000] =	vst v63  }
0x115: {  	_ = 	snop  }
0x116: {  	[tilespmem:s24], [sflag:$0x3] =	stream.indirect.gather [hbm4b:s4+s22], $0x80, s26, s22, $0xb8;
	[tilespmem:$0x1A000] =	vst v63  }
0x117: {  	s9 =	simm.s32 $0x280  }
0x118: {  	[tilespmem:s25], [sflag:$0x3] =	stream.indirect.gather [hbm4b:s4+s20], $0x80, s9, s20, $0xb8;
	[tilespmem:$0x1A000] =	vst v63  }
0x119: {  	s5 =	simm.s32 $0x680  }
0x11a: {  	[tilespmem:s28], [sflag:$0x3] =	stream.indirect.gather [hbm4b:s4+s22], $0x80, s5, s22, $0xb8;
	[tilespmem:$0x1A000] =	vst v63  }
0x11b: {  	_ =	swait.ge [sflag:s29], $0x4000  }
0x11c: {  	[sflag:s29] =	ssyncset.done $0x0  }
0x11d: {  	[sflag:s29] =	ssyncadd.s32 $0xFFFFC000  }
0x11e: {  	_ =	swait.ge [sflag:s29], $0x2400  }
0x11f: {  	[sflag:s29] =	ssyncset.done $0x0  }
0x120: {  	[sflag:s29] =	ssyncadd.s32 $0xFFFFDC00  }
0x121: {  	_ =	swait.ge [sflag:s29], $0x4000  }
0x122: {  	[sflag:s29] =	ssyncset.done $0x0  }
0x123: {  	[sflag:s29] =	ssyncadd.s32 $0xFFFFC000  }
0x124: {  	_ =	swait.ge [sflag:s29], $0x2400  }
0x125: {  	[sflag:s29] =	ssyncset.done $0x0  }
0x126: {  	s13 =	sadd.s32 $0xFA00, s14;
	[sflag:s29] =	ssyncadd.s32 $0xFFFFDC00  }
0x127: {  	[hbm4b:s13+s2] =	stream.linear.scatter [tilespmem:s21], [sflag:$0x5], $0xC800, $0x38;
	[tilespmem:$0x1A000] =	vst v63  }
0x128: {  	_ =	swait.ge [sflag:s17], $0xC800  }
0x129: {  	[sflag:s17] =	ssyncset.done $0x0  }
0x12a: {  	s15 =	simm.s32 $0x300;
	[sflag:s17] =	ssyncadd.s32 $0xFFFF3800  }
0x12b: {  	[tilespmem:s31], [sflag:$0x4] =	stream.indirect.gather [hbm4b:s4+s20], $0x80, s15, s20, $0xb8;
	[tilespmem:$0x1A000] =	vst v63  }
0x12c: {  	s16 =	simm.s32 $0x700  }
0x12d: {  	[tilespmem:s1], [sflag:$0x4] =	stream.indirect.gather [hbm4b:s4+s22], $0x80, s16, s22, $0xb8;
	[tilespmem:$0x1A000] =	vst v63  }
0x12e: {  	s26 =	simm.s32 $0x380  }
0x12f: {  	[tilespmem:s8], [sflag:$0x4] =	stream.indirect.gather [hbm4b:s4+s20], $0x80, s26, s20, $0xb8;
	[tilespmem:$0x1A000] =	vst v63  }
0x130: {  	s5 =	simm.s32 $0x780  }
0x131: {  	[tilespmem:s10], [sflag:$0x4] =	stream.indirect.gather [hbm4b:s4+s22], $0x80, s5, s22, $0xb8;
	[tilespmem:$0x1A000] =	vst v63  }
0x132: {  	_ =	swait.ge [sflag:s11], $0x4000  }
0x133: {  	[sflag:s11] =	ssyncset.done $0x0  }
0x134: {  	[sflag:s11] =	ssyncadd.s32 $0xFFFFC000  }
0x135: {  	_ =	swait.ge [sflag:s11], $0x2400  }
0x136: {  	[sflag:s11] =	ssyncset.done $0x0  }
0x137: {  	[sflag:s11] =	ssyncadd.s32 $0xFFFFDC00  }
0x138: {  	_ =	swait.ge [sflag:s11], $0x4000  }
0x139: {  	[sflag:s11] =	ssyncset.done $0x0  }
0x13a: {  	[sflag:s11] =	ssyncadd.s32 $0xFFFFC000  }
0x13b: {  	_ =	swait.ge [sflag:s11], $0x2400  }
0x13c: {  	s13 =	smin.u32 s2, $0x3B;
	[sflag:s11] =	ssyncset.done $0x0;
	s7 =	rddreg [dreg:$0x2]  }
0x13d: {  	s9 =	sadd.s32 $0x11300, s14;
	[sflag:s11] =	ssyncadd.s32 $0xFFFFDC00;
	s15 =	sadd.s32 s13, s7  }
0x13e: {  	[hbm4b:s9+s2] =	stream.linear.scatter [tilespmem:s31], [sflag:$0x6], $0xC800, $0x38;
	[tilespmem:$0x1A000] =	vst v63  }
0x13f: {  	s15 =	sshll.u32 s15, $0x8  }
0x140: {  	s15 =	sadd.s32 s3, s15  }
0x141: {  	[tilespmem:s2], [sflag:$0x1] =	stream.linear.gather [hbm4b:s15+s2], $0x800, $0x38;
	[tilespmem:$0x1A000] =	vst v63  }
0x142: {  	_ =	swait.ge [sflag:s30], $0x800  }
0x143: {  	[sflag:s30] =	ssyncset.done $0x0  }
0x144: {  	[sflag:s30] =	ssyncadd.s32 $0xFFFFF800  }
0x145: {  	_ =	swait.ge [sflag:s12], $0xC800  }
0x146: {  	[sflag:s12] =	ssyncset.done $0x0  }
0x147: {  	[sflag:s12] =	ssyncadd.s32 $0xFFFF3800  }
0x148: {  	[tilespmem:s21], [sflag:$0x3] =	stream.indirect.gather [hbm4b:s4+s20], $0x80, s18, s20, $0xb8;
	[tilespmem:$0x1A000] =	vst v63  }
0x149: {  	s15 =	simm.s32 $0xC00  }
0x14a: {  	[tilespmem:s24], [sflag:$0x3] =	stream.indirect.gather [hbm4b:s4+s22], $0x80, s15, s22, $0xb8;
	[tilespmem:$0x1A000] =	vst v63  }
0x14b: {  	s16 =	simm.s32 $0x880  }
0x14c: {  	[tilespmem:s25], [sflag:$0x3] =	stream.indirect.gather [hbm4b:s4+s20], $0x80, s16, s20, $0xb8;
	[tilespmem:$0x1A000] =	vst v63  }
0x14d: {  	s26 =	simm.s32 $0xC80  }
0x14e: {  	[tilespmem:s28], [sflag:$0x3] =	stream.indirect.gather [hbm4b:s4+s22], $0x80, s26, s22, $0xb8;
	[tilespmem:$0x1A000] =	vst v63  }
0x14f: {  	_ =	swait.ge [sflag:s29], $0x4000  }
0x150: {  	[sflag:s29] =	ssyncset.done $0x0  }
0x151: {  	[sflag:s29] =	ssyncadd.s32 $0xFFFFC000  }
0x152: {  	_ =	swait.ge [sflag:s29], $0x2400  }
0x153: {  	[sflag:s29] =	ssyncset.done $0x0  }
0x154: {  	[sflag:s29] =	ssyncadd.s32 $0xFFFFDC00  }
0x155: {  	_ =	swait.ge [sflag:s29], $0x4000  }
0x156: {  	[sflag:s29] =	ssyncset.done $0x0  }
0x157: {  	[sflag:s29] =	ssyncadd.s32 $0xFFFFC000  }
0x158: {  	_ =	swait.ge [sflag:s29], $0x2400  }
0x159: {  	[sflag:s29] =	ssyncset.done $0x0  }
0x15a: {  	s5 =	sadd.s32 $0x12C00, s14;
	[sflag:s29] =	ssyncadd.s32 $0xFFFFDC00  }
0x15b: {  	[hbm4b:s5+s2] =	stream.linear.scatter [tilespmem:s21], [sflag:$0x5], $0xC800, $0x38;
	[tilespmem:$0x1A000] =	vst v63  }
0x15c: {  	_ =	swait.ge [sflag:s17], $0xC800  }
0x15d: {  	[sflag:s17] =	ssyncset.done $0x0  }
0x15e: {  	s7 =	simm.s32 $0x900;
	[sflag:s17] =	ssyncadd.s32 $0xFFFF3800  }
0x15f: {  	[tilespmem:s31], [sflag:$0x4] =	stream.indirect.gather [hbm4b:s4+s20], $0x80, s7, s20, $0xb8;
	[tilespmem:$0x1A000] =	vst v63  }
0x160: {  	s9 =	simm.s32 $0xD00  }
0x161: {  	[tilespmem:s1], [sflag:$0x4] =	stream.indirect.gather [hbm4b:s4+s22], $0x80, s9, s22, $0xb8;
	[tilespmem:$0x1A000] =	vst v63  }
0x162: {  	s13 =	simm.s32 $0x980  }
0x163: {  	[tilespmem:s8], [sflag:$0x4] =	stream.indirect.gather [hbm4b:s4+s20], $0x80, s13, s20, $0xb8;
	[tilespmem:$0x1A000] =	vst v63  }
0x164: {  	s15 =	simm.s32 $0xD80  }
0x165: {  	[tilespmem:s10], [sflag:$0x4] =	stream.indirect.gather [hbm4b:s4+s22], $0x80, s15, s22, $0xb8;
	[tilespmem:$0x1A000] =	vst v63  }
0x166: {  	_ =	swait.ge [sflag:s11], $0x4000  }
0x167: {  	[sflag:s11] =	ssyncset.done $0x0  }
0x168: {  	[sflag:s11] =	ssyncadd.s32 $0xFFFFC000  }
0x169: {  	_ =	swait.ge [sflag:s11], $0x2400  }
0x16a: {  	[sflag:s11] =	ssyncset.done $0x0  }
0x16b: {  	[sflag:s11] =	ssyncadd.s32 $0xFFFFDC00  }
0x16c: {  	_ =	swait.ge [sflag:s11], $0x4000  }
0x16d: {  	[sflag:s11] =	ssyncset.done $0x0  }
0x16e: {  	[sflag:s11] =	ssyncadd.s32 $0xFFFFC000  }
0x16f: {  	_ =	swait.ge [sflag:s11], $0x2400  }
0x170: {  	[sflag:s11] =	ssyncset.done $0x0  }
0x171: {  	s16 =	sadd.s32 $0x14500, s14;
	[sflag:s11] =	ssyncadd.s32 $0xFFFFDC00  }
0x172: {  	[hbm4b:s16+s2] =	stream.linear.scatter [tilespmem:s31], [sflag:$0x6], $0xC800, $0x38;
	[tilespmem:$0x1A000] =	vst v63  }
0x173: {  	_ =	swait.ge [sflag:s12], $0xC800  }
0x174: {  	[sflag:s12] =	ssyncset.done $0x0  }
0x175: {  	s26 =	simm.s32 $0xA00;
	[sflag:s12] =	ssyncadd.s32 $0xFFFF3800  }
0x176: {  	[tilespmem:s21], [sflag:$0x3] =	stream.indirect.gather [hbm4b:s4+s20], $0x80, s26, s20, $0xb8;
	[tilespmem:$0x1A000] =	vst v63  }
0x177: {  	s5 =	simm.s32 $0xE00  }
0x178: {  	[tilespmem:s24], [sflag:$0x3] =	stream.indirect.gather [hbm4b:s4+s22], $0x80, s5, s22, $0xb8;
	[tilespmem:$0x1A000] =	vst v63  }
0x179: {  	s7 =	simm.s32 $0xA80  }
0x17a: {  	[tilespmem:s25], [sflag:$0x3] =	stream.indirect.gather [hbm4b:s4+s20], $0x80, s7, s20, $0xb8;
	[tilespmem:$0x1A000] =	vst v63  }
0x17b: {  	s9 =	simm.s32 $0xE80  }
0x17c: {  	[tilespmem:s28], [sflag:$0x3] =	stream.indirect.gather [hbm4b:s4+s22], $0x80, s9, s22, $0xb8;
	[tilespmem:$0x1A000] =	vst v63  }
0x17d: {  	_ =	swait.ge [sflag:s29], $0x4000  }
0x17e: {  	[sflag:s29] =	ssyncset.done $0x0  }
0x17f: {  	[sflag:s29] =	ssyncadd.s32 $0xFFFFC000  }
0x180: {  	_ =	swait.ge [sflag:s29], $0x2400  }
0x181: {  	[sflag:s29] =	ssyncset.done $0x0  }
0x182: {  	[sflag:s29] =	ssyncadd.s32 $0xFFFFDC00  }
0x183: {  	_ =	swait.ge [sflag:s29], $0x4000  }
0x184: {  	[sflag:s29] =	ssyncset.done $0x0  }
0x185: {  	[sflag:s29] =	ssyncadd.s32 $0xFFFFC000  }
0x186: {  	_ =	swait.ge [sflag:s29], $0x2400  }
0x187: {  	[sflag:s29] =	ssyncset.done $0x0  }
0x188: {  	s13 =	sadd.s32 $0x15E00, s14;
	[sflag:s29] =	ssyncadd.s32 $0xFFFFDC00  }
0x189: {  	[hbm4b:s13+s2] =	stream.linear.scatter [tilespmem:s21], [sflag:$0x5], $0xC800, $0x38;
	[tilespmem:$0x1A000] =	vst v63  }
0x18a: {  	_ =	swait.ge [sflag:s17], $0xC800  }
0x18b: {  	[sflag:s17] =	ssyncset.done $0x0  }
0x18c: {  	s15 =	simm.s32 $0xB00;
	[sflag:s17] =	ssyncadd.s32 $0xFFFF3800  }
0x18d: {  	[tilespmem:s31], [sflag:$0x4] =	stream.indirect.gather [hbm4b:s4+s20], $0x80, s15, s20, $0xb8;
	[tilespmem:$0x1A000] =	vst v63  }
0x18e: {  	s16 =	simm.s32 $0xF00  }
0x18f: {  	[tilespmem:s1], [sflag:$0x4] =	stream.indirect.gather [hbm4b:s4+s22], $0x80, s16, s22, $0xb8;
	[tilespmem:$0x1A000] =	vst v63  }
0x190: {  	s5 =	simm.s32 $0xB80  }
0x191: {  	[tilespmem:s8], [sflag:$0x4] =	stream.indirect.gather [hbm4b:s4+s20], $0x80, s5, s20, $0xb8;
	[tilespmem:$0x1A000] =	vst v63  }
0x192: {  	s15 =	simm.s32 $0xF80  }
0x193: {  	[tilespmem:s10], [sflag:$0x4] =	stream.indirect.gather [hbm4b:s4+s22], $0x80, s15, s22, $0xb8;
	[tilespmem:$0x1A000] =	vst v63  }
0x194: {  	_ =	swait.ge [sflag:s11], $0x4000  }
0x195: {  	[sflag:s11] =	ssyncset.done $0x0  }
0x196: {  	[sflag:s11] =	ssyncadd.s32 $0xFFFFC000  }
0x197: {  	_ =	swait.ge [sflag:s11], $0x2400  }
0x198: {  	[sflag:s11] =	ssyncset.done $0x0  }
0x199: {  	[sflag:s11] =	ssyncadd.s32 $0xFFFFDC00  }
0x19a: {  	_ =	swait.ge [sflag:s11], $0x4000  }
0x19b: {  	[sflag:s11] =	ssyncset.done $0x0  }
0x19c: {  	s0 =	simm.s32 $0xF80;
	s14 =	sadd.s32 $0x17700, s14;
	[sflag:s11] =	ssyncadd.s32 $0xFFFFC000  }
0x19d: {  	s26 =	simm.s32 $0xE80;
	s7 =	simm.s32 $0xB00;
	_ =	swait.ge [sflag:s11], $0x2400  }
0x19e: {  	s9 =	simm.s32 $0xF00;
	s13 =	simm.s32 $0xB80;
	[sflag:s11] =	ssyncset.done $0x0  }
0x19f: {  	s5 =	smin.u32 s2, $0x3A;
	s16 =	rddreg [dreg:$0x3];
	[sflag:s11] =	ssyncadd.s32 $0xFFFFDC00  }
0x1a0: {  	[hbm4b:s14+s2] =	stream.linear.scatter [tilespmem:s31], [sflag:$0x6], $0xC800, $0x38;
	[tilespmem:$0x1A000] =	vst v63  }
0x1a1: {  	s15 =	simm.s32 $0x0;
	s16 =	sadd.s32 s5, s16;
	s14 =	simm.s32 $0xC800  }
.LBB2_2:
0x1a2: {  	s16 =	sshll.u32 s16, $0x8  }
0x1a3: {  	s16 =	sadd.s32 s3, s16  }
0x1a4: {  	[tilespmem:s18], [sflag:$0x2] =	stream.linear.gather [hbm4b:s16+s2], $0x800, $0x38;
	[tilespmem:$0x1A000] =	vst v63  }
0x1a5: {  	_ =	swait.ge [sflag:s19], $0x800  }
0x1a6: {  	[sflag:s19] =	ssyncset.done $0x0  }
0x1a7: {  	[sflag:s19] =	ssyncadd.s32 $0xFFFFF800  }
0x1a8: {  	_ =	swait.ge [sflag:s12], $0xC800  }
0x1a9: {  	[sflag:s12] =	ssyncset.done $0x0  }
0x1aa: {  	[sflag:s12] =	ssyncadd.s32 $0xFFFF3800  }
0x1ab: {  	[tilespmem:s21], [sflag:$0x3] =	stream.indirect.gather [hbm4b:s4+s20], $0x80, s2, s20, $0xb8;
	[tilespmem:$0x1A000] =	vst v63  }
0x1ac: {  	_ = 	snop  }
0x1ad: {  	[tilespmem:s24], [sflag:$0x3] =	stream.indirect.gather [hbm4b:s4+s22], $0x80, s6, s22, $0xb8;
	[tilespmem:$0x1A000] =	vst v63  }
0x1ae: {  	_ = 	snop  }
0x1af: {  	[tilespmem:s25], [sflag:$0x3] =	stream.indirect.gather [hbm4b:s4+s20], $0x80, s20, s20, $0xb8;
	[tilespmem:$0x1A000] =	vst v63  }
0x1b0: {  	_ = 	snop  }
0x1b1: {  	[tilespmem:s28], [sflag:$0x3] =	stream.indirect.gather [hbm4b:s4+s22], $0x80, s23, s22, $0xb8;
	[tilespmem:$0x1A000] =	vst v63  }
0x1b2: {  	_ =	swait.ge [sflag:s29], $0x4000  }
0x1b3: {  	[sflag:s29] =	ssyncset.done $0x0  }
0x1b4: {  	[sflag:s29] =	ssyncadd.s32 $0xFFFFC000  }
0x1b5: {  	_ =	swait.ge [sflag:s29], $0x2400  }
0x1b6: {  	[sflag:s29] =	ssyncset.done $0x0  }
0x1b7: {  	[sflag:s29] =	ssyncadd.s32 $0xFFFFDC00  }
0x1b8: {  	_ =	swait.ge [sflag:s29], $0x4000  }
0x1b9: {  	[sflag:s29] =	ssyncset.done $0x0  }
0x1ba: {  	[sflag:s29] =	ssyncadd.s32 $0xFFFFC000  }
0x1bb: {  	_ =	swait.ge [sflag:s29], $0x2400  }
0x1bc: {  	s5 =	smov.u32 s14;
	s23 =	rddreg [dreg:$0x4]  }
0x1bd: {  	[sflag:s29] =	ssyncset.done $0x0;
	s16 =	sadd.s32 s5, s23  }
0x1be: {  	[sflag:s29] =	ssyncadd.s32 $0xFFFFDC00;
	s5 =	sadd.s32 $0xC800, s16  }
0x1bf: {  	[hbm4b:s5+s2] =	stream.linear.scatter [tilespmem:s21], [sflag:$0x5], $0xC800, $0x38;
	[tilespmem:$0x1A000] =	vst v63  }
0x1c0: {  	_ =	swait.ge [sflag:s17], $0xC800  }
0x1c1: {  	[sflag:s17] =	ssyncset.done $0x0  }
0x1c2: {  	s6 =	simm.s32 $0x100;
	[sflag:s17] =	ssyncadd.s32 $0xFFFF3800  }
0x1c3: {  	[tilespmem:s31], [sflag:$0x4] =	stream.indirect.gather [hbm4b:s4+s20], $0x80, s6, s20, $0xb8;
	[tilespmem:$0x1A000] =	vst v63  }
0x1c4: {  	s23 =	simm.s32 $0x500  }
0x1c5: {  	[tilespmem:s1], [sflag:$0x4] =	stream.indirect.gather [hbm4b:s4+s22], $0x80, s23, s22, $0xb8;
	[tilespmem:$0x1A000] =	vst v63  }
0x1c6: {  	s6 =	simm.s32 $0x180  }
0x1c7: {  	[tilespmem:s8], [sflag:$0x4] =	stream.indirect.gather [hbm4b:s4+s20], $0x80, s6, s20, $0xb8;
	[tilespmem:$0x1A000] =	vst v63  }
0x1c8: {  	s23 =	simm.s32 $0x580  }
0x1c9: {  	[tilespmem:s10], [sflag:$0x4] =	stream.indirect.gather [hbm4b:s4+s22], $0x80, s23, s22, $0xb8;
	[tilespmem:$0x1A000] =	vst v63  }
0x1ca: {  	_ =	swait.ge [sflag:s11], $0x4000  }
0x1cb: {  	[sflag:s11] =	ssyncset.done $0x0  }
0x1cc: {  	[sflag:s11] =	ssyncadd.s32 $0xFFFFC000  }
0x1cd: {  	_ =	swait.ge [sflag:s11], $0x2400  }
0x1ce: {  	[sflag:s11] =	ssyncset.done $0x0  }
0x1cf: {  	[sflag:s11] =	ssyncadd.s32 $0xFFFFDC00  }
0x1d0: {  	_ =	swait.ge [sflag:s11], $0x4000  }
0x1d1: {  	[sflag:s11] =	ssyncset.done $0x0  }
0x1d2: {  	[sflag:s11] =	ssyncadd.s32 $0xFFFFC000  }
0x1d3: {  	_ =	swait.ge [sflag:s11], $0x2400  }
0x1d4: {  	[sflag:s11] =	ssyncset.done $0x0  }
0x1d5: {  	s6 =	sadd.s32 $0xE100, s16;
	[sflag:s11] =	ssyncadd.s32 $0xFFFFDC00  }
0x1d6: {  	[hbm4b:s6+s2] =	stream.linear.scatter [tilespmem:s31], [sflag:$0x6], $0xC800, $0x38;
	[tilespmem:$0x1A000] =	vst v63  }
0x1d7: {  	_ =	swait.ge [sflag:s12], $0xC800  }
0x1d8: {  	[sflag:s12] =	ssyncset.done $0x0  }
0x1d9: {  	s23 =	simm.s32 $0x200;
	[sflag:s12] =	ssyncadd.s32 $0xFFFF3800  }
0x1da: {  	[tilespmem:s21], [sflag:$0x3] =	stream.indirect.gather [hbm4b:s4+s20], $0x80, s23, s20, $0xb8;
	[tilespmem:$0x1A000] =	vst v63  }
0x1db: {  	s6 =	simm.s32 $0x600  }
0x1dc: {  	[tilespmem:s24], [sflag:$0x3] =	stream.indirect.gather [hbm4b:s4+s22], $0x80, s6, s22, $0xb8;
	[tilespmem:$0x1A000] =	vst v63  }
0x1dd: {  	s23 =	simm.s32 $0x280  }
0x1de: {  	[tilespmem:s25], [sflag:$0x3] =	stream.indirect.gather [hbm4b:s4+s20], $0x80, s23, s20, $0xb8;
	[tilespmem:$0x1A000] =	vst v63  }
0x1df: {  	s6 =	simm.s32 $0x680  }
0x1e0: {  	[tilespmem:s28], [sflag:$0x3] =	stream.indirect.gather [hbm4b:s4+s22], $0x80, s6, s22, $0xb8;
	[tilespmem:$0x1A000] =	vst v63  }
0x1e1: {  	_ =	swait.ge [sflag:s29], $0x4000  }
0x1e2: {  	[sflag:s29] =	ssyncset.done $0x0  }
0x1e3: {  	[sflag:s29] =	ssyncadd.s32 $0xFFFFC000  }
0x1e4: {  	_ =	swait.ge [sflag:s29], $0x2400  }
0x1e5: {  	[sflag:s29] =	ssyncset.done $0x0  }
0x1e6: {  	[sflag:s29] =	ssyncadd.s32 $0xFFFFDC00  }
0x1e7: {  	_ =	swait.ge [sflag:s29], $0x4000  }
0x1e8: {  	[sflag:s29] =	ssyncset.done $0x0  }
0x1e9: {  	[sflag:s29] =	ssyncadd.s32 $0xFFFFC000  }
0x1ea: {  	_ =	swait.ge [sflag:s29], $0x2400  }
0x1eb: {  	[sflag:s29] =	ssyncset.done $0x0  }
0x1ec: {  	s23 =	sadd.s32 $0xFA00, s16;
	[sflag:s29] =	ssyncadd.s32 $0xFFFFDC00  }
0x1ed: {  	[hbm4b:s23+s2] =	stream.linear.scatter [tilespmem:s21], [sflag:$0x5], $0xC800, $0x38;
	[tilespmem:$0x1A000] =	vst v63  }
0x1ee: {  	_ =	swait.ge [sflag:s17], $0xC800  }
0x1ef: {  	[sflag:s17] =	ssyncset.done $0x0  }
0x1f0: {  	s6 =	simm.s32 $0x300;
	[sflag:s17] =	ssyncadd.s32 $0xFFFF3800  }
0x1f1: {  	[tilespmem:s31], [sflag:$0x4] =	stream.indirect.gather [hbm4b:s4+s20], $0x80, s6, s20, $0xb8;
	[tilespmem:$0x1A000] =	vst v63  }
0x1f2: {  	s23 =	simm.s32 $0x700  }
0x1f3: {  	[tilespmem:s1], [sflag:$0x4] =	stream.indirect.gather [hbm4b:s4+s22], $0x80, s23, s22, $0xb8;
	[tilespmem:$0x1A000] =	vst v63  }
0x1f4: {  	s6 =	simm.s32 $0x380  }
0x1f5: {  	[tilespmem:s8], [sflag:$0x4] =	stream.indirect.gather [hbm4b:s4+s20], $0x80, s6, s20, $0xb8;
	[tilespmem:$0x1A000] =	vst v63  }
0x1f6: {  	s23 =	simm.s32 $0x780  }
0x1f7: {  	[tilespmem:s10], [sflag:$0x4] =	stream.indirect.gather [hbm4b:s4+s22], $0x80, s23, s22, $0xb8;
	[tilespmem:$0x1A000] =	vst v63  }
0x1f8: {  	_ =	swait.ge [sflag:s11], $0x4000  }
0x1f9: {  	[sflag:s11] =	ssyncset.done $0x0  }
0x1fa: {  	[sflag:s11] =	ssyncadd.s32 $0xFFFFC000  }
0x1fb: {  	_ =	swait.ge [sflag:s11], $0x2400  }
0x1fc: {  	[sflag:s11] =	ssyncset.done $0x0  }
0x1fd: {  	[sflag:s11] =	ssyncadd.s32 $0xFFFFDC00  }
0x1fe: {  	_ =	swait.ge [sflag:s11], $0x4000  }
0x1ff: {  	[sflag:s11] =	ssyncset.done $0x0  }
0x200: {  	[sflag:s11] =	ssyncadd.s32 $0xFFFFC000  }
0x201: {  	s15 =	sadd.s32 $0x2, s15;
	_ =	swait.ge [sflag:s11], $0x2400  }
0x202: {  	s23 =	smin.u32 s15, $0x3B;
	[sflag:s11] =	ssyncset.done $0x0;
	s5 =	rddreg [dreg:$0x2]  }
0x203: {  	s6 =	sadd.s32 $0x11300, s16;
	[sflag:s11] =	ssyncadd.s32 $0xFFFFDC00;
	s5 =	sadd.s32 s23, s5  }
0x204: {  	[hbm4b:s6+s2] =	stream.linear.scatter [tilespmem:s31], [sflag:$0x6], $0xC800, $0x38;
	[tilespmem:$0x1A000] =	vst v63  }
0x205: {  	s5 =	sshll.u32 s5, $0x8  }
0x206: {  	s5 =	sadd.s32 s3, s5  }
0x207: {  	[tilespmem:s2], [sflag:$0x1] =	stream.linear.gather [hbm4b:s5+s2], $0x800, $0x38;
	[tilespmem:$0x1A000] =	vst v63  }
0x208: {  	_ =	swait.ge [sflag:s30], $0x800  }
0x209: {  	[sflag:s30] =	ssyncset.done $0x0  }
0x20a: {  	[sflag:s30] =	ssyncadd.s32 $0xFFFFF800  }
0x20b: {  	_ =	swait.ge [sflag:s12], $0xC800  }
0x20c: {  	[sflag:s12] =	ssyncset.done $0x0  }
0x20d: {  	[sflag:s12] =	ssyncadd.s32 $0xFFFF3800  }
0x20e: {  	[tilespmem:s21], [sflag:$0x3] =	stream.indirect.gather [hbm4b:s4+s20], $0x80, s18, s20, $0xb8;
	[tilespmem:$0x1A000] =	vst v63  }
0x20f: {  	s6 =	simm.s32 $0xC00  }
0x210: {  	[tilespmem:s24], [sflag:$0x3] =	stream.indirect.gather [hbm4b:s4+s22], $0x80, s6, s22, $0xb8;
	[tilespmem:$0x1A000] =	vst v63  }
0x211: {  	s6 =	simm.s32 $0x880  }
0x212: {  	[tilespmem:s25], [sflag:$0x3] =	stream.indirect.gather [hbm4b:s4+s20], $0x80, s6, s20, $0xb8;
	[tilespmem:$0x1A000] =	vst v63  }
0x213: {  	s6 =	simm.s32 $0xC80  }
0x214: {  	[tilespmem:s28], [sflag:$0x3] =	stream.indirect.gather [hbm4b:s4+s22], $0x80, s6, s22, $0xb8;
	[tilespmem:$0x1A000] =	vst v63  }
0x215: {  	_ =	swait.ge [sflag:s29], $0x4000  }
0x216: {  	[sflag:s29] =	ssyncset.done $0x0  }
0x217: {  	[sflag:s29] =	ssyncadd.s32 $0xFFFFC000  }
0x218: {  	_ =	swait.ge [sflag:s29], $0x2400  }
0x219: {  	[sflag:s29] =	ssyncset.done $0x0  }
0x21a: {  	[sflag:s29] =	ssyncadd.s32 $0xFFFFDC00  }
0x21b: {  	_ =	swait.ge [sflag:s29], $0x4000  }
0x21c: {  	[sflag:s29] =	ssyncset.done $0x0  }
0x21d: {  	[sflag:s29] =	ssyncadd.s32 $0xFFFFC000  }
0x21e: {  	_ =	swait.ge [sflag:s29], $0x2400  }
0x21f: {  	[sflag:s29] =	ssyncset.done $0x0  }
0x220: {  	s6 =	sadd.s32 $0x12C00, s16;
	[sflag:s29] =	ssyncadd.s32 $0xFFFFDC00  }
0x221: {  	[hbm4b:s6+s2] =	stream.linear.scatter [tilespmem:s21], [sflag:$0x5], $0xC800, $0x38;
	[tilespmem:$0x1A000] =	vst v63  }
0x222: {  	_ =	swait.ge [sflag:s17], $0xC800  }
0x223: {  	[sflag:s17] =	ssyncset.done $0x0  }
0x224: {  	s6 =	simm.s32 $0x900;
	[sflag:s17] =	ssyncadd.s32 $0xFFFF3800  }
0x225: {  	[tilespmem:s31], [sflag:$0x4] =	stream.indirect.gather [hbm4b:s4+s20], $0x80, s6, s20, $0xb8;
	[tilespmem:$0x1A000] =	vst v63  }
0x226: {  	s6 =	simm.s32 $0xD00  }
0x227: {  	[tilespmem:s1], [sflag:$0x4] =	stream.indirect.gather [hbm4b:s4+s22], $0x80, s6, s22, $0xb8;
	[tilespmem:$0x1A000] =	vst v63  }
0x228: {  	s6 =	simm.s32 $0x980  }
0x229: {  	[tilespmem:s8], [sflag:$0x4] =	stream.indirect.gather [hbm4b:s4+s20], $0x80, s6, s20, $0xb8;
	[tilespmem:$0x1A000] =	vst v63  }
0x22a: {  	s6 =	simm.s32 $0xD80  }
0x22b: {  	[tilespmem:s10], [sflag:$0x4] =	stream.indirect.gather [hbm4b:s4+s22], $0x80, s6, s22, $0xb8;
	[tilespmem:$0x1A000] =	vst v63  }
0x22c: {  	_ =	swait.ge [sflag:s11], $0x4000  }
0x22d: {  	[sflag:s11] =	ssyncset.done $0x0  }
0x22e: {  	[sflag:s11] =	ssyncadd.s32 $0xFFFFC000  }
0x22f: {  	_ =	swait.ge [sflag:s11], $0x2400  }
0x230: {  	[sflag:s11] =	ssyncset.done $0x0  }
0x231: {  	[sflag:s11] =	ssyncadd.s32 $0xFFFFDC00  }
0x232: {  	_ =	swait.ge [sflag:s11], $0x4000  }
0x233: {  	[sflag:s11] =	ssyncset.done $0x0  }
0x234: {  	[sflag:s11] =	ssyncadd.s32 $0xFFFFC000  }
0x235: {  	_ =	swait.ge [sflag:s11], $0x2400  }
0x236: {  	[sflag:s11] =	ssyncset.done $0x0  }
0x237: {  	s6 =	sadd.s32 $0x14500, s16;
	[sflag:s11] =	ssyncadd.s32 $0xFFFFDC00  }
0x238: {  	[hbm4b:s6+s2] =	stream.linear.scatter [tilespmem:s31], [sflag:$0x6], $0xC800, $0x38;
	[tilespmem:$0x1A000] =	vst v63  }
0x239: {  	_ =	swait.ge [sflag:s12], $0xC800  }
0x23a: {  	[sflag:s12] =	ssyncset.done $0x0  }
0x23b: {  	s6 =	simm.s32 $0xA00;
	[sflag:s12] =	ssyncadd.s32 $0xFFFF3800  }
0x23c: {  	[tilespmem:s21], [sflag:$0x3] =	stream.indirect.gather [hbm4b:s4+s20], $0x80, s6, s20, $0xb8;
	[tilespmem:$0x1A000] =	vst v63  }
0x23d: {  	s6 =	simm.s32 $0xE00  }
0x23e: {  	[tilespmem:s24], [sflag:$0x3] =	stream.indirect.gather [hbm4b:s4+s22], $0x80, s6, s22, $0xb8;
	[tilespmem:$0x1A000] =	vst v63  }
0x23f: {  	s6 =	simm.s32 $0xA80  }
0x240: {  	[tilespmem:s25], [sflag:$0x3] =	stream.indirect.gather [hbm4b:s4+s20], $0x80, s6, s20, $0xb8;
	[tilespmem:$0x1A000] =	vst v63  }
0x241: {  	_ = 	snop  }
0x242: {  	[tilespmem:s28], [sflag:$0x3] =	stream.indirect.gather [hbm4b:s4+s22], $0x80, s26, s22, $0xb8;
	[tilespmem:$0x1A000] =	vst v63  }
0x243: {  	_ =	swait.ge [sflag:s29], $0x4000  }
0x244: {  	[sflag:s29] =	ssyncset.done $0x0  }
0x245: {  	[sflag:s29] =	ssyncadd.s32 $0xFFFFC000  }
0x246: {  	_ =	swait.ge [sflag:s29], $0x2400  }
0x247: {  	[sflag:s29] =	ssyncset.done $0x0  }
0x248: {  	[sflag:s29] =	ssyncadd.s32 $0xFFFFDC00  }
0x249: {  	_ =	swait.ge [sflag:s29], $0x4000  }
0x24a: {  	[sflag:s29] =	ssyncset.done $0x0  }
0x24b: {  	[sflag:s29] =	ssyncadd.s32 $0xFFFFC000  }
0x24c: {  	_ =	swait.ge [sflag:s29], $0x2400  }
0x24d: {  	[sflag:s29] =	ssyncset.done $0x0  }
0x24e: {  	s6 =	sadd.s32 $0x15E00, s16;
	[sflag:s29] =	ssyncadd.s32 $0xFFFFDC00  }
0x24f: {  	[hbm4b:s6+s2] =	stream.linear.scatter [tilespmem:s21], [sflag:$0x5], $0xC800, $0x38;
	[tilespmem:$0x1A000] =	vst v63  }
0x250: {  	_ =	swait.ge [sflag:s17], $0xC800  }
0x251: {  	[sflag:s17] =	ssyncset.done $0x0  }
0x252: {  	[sflag:s17] =	ssyncadd.s32 $0xFFFF3800  }
0x253: {  	[tilespmem:s31], [sflag:$0x4] =	stream.indirect.gather [hbm4b:s4+s20], $0x80, s7, s20, $0xb8;
	[tilespmem:$0x1A000] =	vst v63  }
0x254: {  	_ = 	snop  }
0x255: {  	[tilespmem:s1], [sflag:$0x4] =	stream.indirect.gather [hbm4b:s4+s22], $0x80, s9, s22, $0xb8;
	[tilespmem:$0x1A000] =	vst v63  }
0x256: {  	_ = 	snop  }
0x257: {  	[tilespmem:s8], [sflag:$0x4] =	stream.indirect.gather [hbm4b:s4+s20], $0x80, s13, s20, $0xb8;
	[tilespmem:$0x1A000] =	vst v63  }
0x258: {  	_ = 	snop  }
0x259: {  	[tilespmem:s10], [sflag:$0x4] =	stream.indirect.gather [hbm4b:s4+s22], $0x80, s0, s22, $0xb8;
	[tilespmem:$0x1A000] =	vst v63  }
0x25a: {  	_ =	swait.ge [sflag:s11], $0x4000  }
0x25b: {  	[sflag:s11] =	ssyncset.done $0x0  }
0x25c: {  	[sflag:s11] =	ssyncadd.s32 $0xFFFFC000  }
0x25d: {  	_ =	swait.ge [sflag:s11], $0x2400  }
0x25e: {  	[sflag:s11] =	ssyncset.done $0x0  }
0x25f: {  	[sflag:s11] =	ssyncadd.s32 $0xFFFFDC00  }
0x260: {  	_ =	swait.ge [sflag:s11], $0x4000  }
0x261: {  	[sflag:s11] =	ssyncset.done $0x0  }
0x262: {  	p0 =	sne.s32 s14, $0x177000;
	[sflag:s11] =	ssyncadd.s32 $0xFFFFC000  }
.Ltmp0:
0x263: {  	_ =	swait.ge [sflag:s11], $0x2400;
	(pc) =	sbr.rel @p0 .LBB2_2-.Ltmp0, $4  }
0x264: {  	s14 =	sadd.s32 $0xC800, s14;
	s6 =	sadd.s32 $0x17700, s16;
	[sflag:s11] =	ssyncset.done $0x0  }
0x265: {  	s16 =	smin.u32 s15, $0x3A;
	s5 =	rddreg [dreg:$0x3];
	[sflag:s11] =	ssyncadd.s32 $0xFFFFDC00  }
0x266: {  	[hbm4b:s6+s2] =	stream.linear.scatter [tilespmem:s31], [sflag:$0x6], $0xC800, $0x38;
	[tilespmem:$0x1A000] =	vst v63  }
0x267: {  	s23 =	simm.s32 $0x480;
	s16 =	sadd.s32 s16, s5;
	s6 =	simm.s32 $0x400  }
0x268: {  	s5 =	sshll.u32 s16, $0x8  }
0x269: {  	s5 =	sadd.s32 s3, s5  }
0x26a: {  	[tilespmem:s18], [sflag:$0x2] =	stream.linear.gather [hbm4b:s5+s2], $0x800, $0x38;
	[tilespmem:$0x1A000] =	vst v63  }
0x26b: {  	_ =	swait.ge [sflag:s12], $0xC800  }
0x26c: {  	[sflag:s12] =	ssyncset.done $0x0  }
0x26d: {  	[sflag:s12] =	ssyncadd.s32 $0xFFFF3800  }
0x26e: {  	_ =	swait.ge [sflag:s19], $0x800  }
0x26f: {  	[sflag:s19] =	ssyncset.done $0x0  }
0x270: {  	[sflag:s19] =	ssyncadd.s32 $0xFFFFF800  }
0x271: {  	_ =	swait.ge [sflag:s17], $0xC800  }
0x272: {  	[sflag:s17] =	ssyncset.done $0x0  }
0x273: {  	[sflag:s17] =	ssyncadd.s32 $0xFFFF3800  }
0x274: {  	_ =	swait.ge [sflag:s30], $0x800  }
0x275: {  	s0 =	rddreg [dreg:$0x12]  }
0x276: {  	s26 =	rddreg [dreg:$0x11];
	s0 =	sadd.s32 $0x1, s0  }
0x277: {  	p0 =	sne.s32 s0, s26  }
.Ltmp1:
0x278: {  	_ = 	snop;
	(pc) =	sbr.rel @p0 .LBB2_1-.Ltmp1, $4  }
0x279: {  	s16 =	simm.s32 $0x100;
	s7 =	simm.s32 $0x180  }
0x27a: {  	s9 =	simm.s32 $0x580;
	s13 =	simm.s32 $0x200;
	[sflag:s30] =	ssyncset.done $0x0  }
0x27b: {  	s14 =	simm.s32 $0x280;
	s15 =	simm.s32 $0x680;
	[sflag:s30] =	ssyncadd.s32 $0xFFFFF800  }
0x27c: {  	[dreg:$0x12] =	wrdreg s0;
	s0 =	simm.s32 $0x500;
	s26 =	simm.s32 $0x600  }
0x27d: {  	_ =	sfence.sel $0x180000  }
0x27e: {  	[bflag:$0x0] =	sbarrier.arrive $0xFFFF  }
0x27f: {  	_ =	strace $0x90000047  }
0x280: {  	s0 =	stileid.u32;
	[bflag:$0x2] =	sbarrier.arrive $0xFFFF  }
0x281: {  	p0 =	sne.s32 s0, $0x0;
	s0 =	rddreg [dreg:$0x1]  }
0x282: {  	s0 =	sadd.s32 @!p0 $0x100000, s0  }
0x283: {  	[sflag:s0] =	ssyncadd.tile.s32 @!p0 $0x1;
	_ =	shalt  }
.Lfunc_end2:
_tile_overlayer_lowered:
.L_overlay_start_2:
0x284: {  	(tag) =	ssettag $0x2  }
0x285: {  	s0 =	rddreg [dreg:$0x0];
	s2 =	stileid.u32  }
0x286: {  	s1 =	rddreg [dreg:$0x1];
	p0 =	sne.s32 s2, $0x0  }
0x287: {  	s3 =	rddreg [dreg:$0x2];
	[bflag:$0x3] =	sbarrier.arrive $0xFFFF;
	s2 =	simm.s32 @!p0 $0x1C07  }
0x288: {  	[timem:s3], [sflag:s2] =	dma.local @!p0 [hbm:s0], s1  }
0x289: {  	s0 =	simm.s32 @!p0 $0x7  }
0x28a: {  	_ =	swait.ge @!p0 [sflag:s0], s1  }
0x28b: {  	s1 =	ssub.s32 @!p0 $0x0, s1;
	[sflag:s0] =	ssyncset.done @!p0 $0x0  }
0x28c: {  	[sflag:s0] =	ssyncadd.s32 @!p0 s1  }
0x28d: {  	[bflag:$0x3] =	sbarrier.arrive $0xFFFF  }
0x28e: {  	_ =	shalt  }

// kernel: sparse-core-data-format-call.cloned.1.call-start
scs
called_computation_lowered:
.L_overlay_start_0:
0x0: {  	s2 =	sld [smem:$0x3FD9]  }
0x1: {  	s3 =	sld [smem:$0x3FFE];
	_ =	sdelay $0x1  }
0x2: {  	s1 =	srdreg.scid  }
0x3: {  	s0 =	sand.u32 $0x1, s1  }
0x4: {  	s18 =	sshll.u32 s0, $0xA;
	s2 =	sadd.s32 s3, s2  }
0x5: {  	s2 =	sadd.s32 s2, s18  }
0x6: {  	[smem:$0x3FC6] =	sst s2  }
0x7: {  	_ = 	snop  }
0x8: {  	s2 =	sld [smem:$0x3FD0];
	(tm) =	ssettm $0x1  }
0x9: {  	s19 =	sld [smem:$0x3FFB];
	_ =	sdelay $0x3  }
0xa: {  	_ =	strace s19  }
0xb: {  	s3 =	sld [smem:$0x3FFC];
	_ =	sdelay $0x3  }
0xc: {  	_ =	strace s3  }
0xd: {  	s3 =	sld [smem:$0x3FFD];
	_ =	sdelay $0x3  }
0xe: {  	_ =	strace s3  }
0xf: {  	_ =	strace $0x8FFFFFFF  }
0x10: {  	s20 =	sld [smem:$0x3FDB];
	_ =	sdelay $0x1  }
0x11: {  	s4 =	simm.s32 $_scs_section_size  }
0x12: {  	s5 =	simm.s32 $_size__tile_overlayer_lowered;
	s6 =	simm.s32 $_tile_overlayer_lowered  }
0x13: {  	s23 =	simm.s32 $0x1BFF;
	s22 =	sshll.u32 s6, $0x1;
	s3 =	sadd.s32 s4, s20  }
0x14: {  	s7 =	simm.s32 $0x0;
	s21 =	sshll.u32 s5, $0x1;
	s5 =	sadd.s32 s22, s3  }
0x15: {  	[timem:s7], [sflag:s23] =	dma.local [hbm:s5], s21  }
0x16: {  	_ =	swait.ge [sflag:s23], s21  }
0x17: {  	s4 =	ssub.s32 $0x0, s21;
	[sflag:s23] =	ssyncset.done $0x0  }
0x18: {  	[sflag:s23] =	ssyncadd.s32 s4;
	_ =	sdelay $0x1  }
0x19: {  	s24 =	simm.s32 $0x1B8B  }
0x1a: {  	_ =	swait.ge [sflag:s24], $0x1  }
0x1b: {  	[sflag:s24] =	ssyncset.done $0x0  }
0x1c: {  	s26 =	simm.s32 $0x1B8E;
	s25 =	sld [smem:$0x3FFE];
	[sflag:s24] =	ssyncadd.s32 $0xFFFFFFFF  }
0x1d: {  	s27 =	simm.s32 $execute0_lowered;
	[smem:$0x3FD2] =	sst s26  }
0x1e: {  	s5 =	sshll.u32 s27, $0x1;
	_ =	strace $0x80000049;
	[dreg:$0x1] =	wrdreg $0xFFFFFFFF  }
0x1f: {  	s28 =	simm.s32 $_size_execute0_lowered;
	s3 =	sadd.s32 s3, s5;
	[dreg:$0x0] =	wrdreg $0x0  }
0x20: {  	s5 =	sshll.u32 s28, $0x1;
	[dreg:$0x2] =	wrdreg s3  }
0x21: {  	[dreg:$0x3] =	wrdreg s5  }
0x22: {  	[dreg:$0x4] =	wrdreg $0xC0  }
0x23: {  	_ =	task [dreg:s7], $0x5FFFF  }
0x24: {  	[dreg:$0x1] =	wrdreg $0xFFFFFFFF  }
0x25: {  	[dreg:$0x0] =	wrdreg $0x60  }
0x26: {  	[dreg:$0x2] =	wrdreg s25  }
0x27: {  	[dreg:$0x3] =	wrdreg s2  }
0x28: {  	[dreg:$0x4] =	wrdreg $0x9  }
0x29: {  	_ =	task.clear_ibuf [dreg:s7], $0x5FFFF;
	_ =	strace $0x90000049  }
0x2a: {  	s29 =	simm.s32 $0x9;
	_ =	strace $0x8000004B  }
0x2b: {  	_ =	swait.ge [sflag:s29], $0x1  }
0x2c: {  	[sflag:s29] =	ssyncadd.s32 $0xFFFFFFFF  }
0x2d: {  	_ =	strace $0x9000004B  }
0x2e: {  	_ =	sfence  }
0x2f: {  	s30 =	sld [smem:$0x0];
	_ =	sdelay $0x2  }
0x30: {  	s31 =	sshll.u32 s1, $0xD;
	s1 =	sshrl.u32 s1, $0x2  }
0x31: {  	s3 =	sand.u32 $0x4000, s31;
	s1 =	sadd.s32 s1, s30  }
0x32: {  	s0 =	sor.u32 s3, s0;
	s1 =	sshll.u32 s1, $0x11  }
0x33: {  	s0 =	sor.u32 s1, s0  }
0x34: {  	s0 =	sadd.s32 $0x8F2B, s0  }
0x35: {  	[sflag:s0] =	ssyncadd.remote.s32 $0x1  }
0x36: {  	_ =	sfence.sel $0xFFFF  }
0x37: {  	[dreg:$0x0] =	wrdreg $0xFFFFFFFF;
	(pc) =	sbr.abs _section_cstart, $3  }
0x38: {  	[dreg:$0x1] =	wrdreg $0xFFFFFFFF  }
0x39: {  	_ =	task.clear_ibuf [dreg:s7], $0x2FFFF;
	_ =	strace $0x9FFFFFFF  }
0x3a: {  	(tm) =	ssettm $0x7FFFFFFF  }
0x3b: {  	_ =	shalt  }
tec
execute0_lowered:
.L_overlay_start_1:
0x0: {  	(tag) =	ssettag $0x1  }
0x1: {  	s0 =	srdreg.scid  }
0x2: {  	s1 =	sshll.u32 s0, $0x4  }
0x3: {  	s0 =	stileid.u32;
	s1 =	sand.u32 $0x10, s1  }
0x4: {  	s1 =	sor.u32 s0, s1  }
0x5: {  	s6 =	rddreg [dreg:$0x0];
	s4 =	simm.s32 $0x1;
	s2 =	sshll.u32 s1, $0x7  }
0x6: {  	s7 =	simm.s32 $0x2;
	s12 =	simm.s32 $0x0;
	s1 =	ssub.s32 $0x4000, s2  }
0x7: {  	s8 =	simm.s32 $0x20000;
	s13 =	simm.s32 $0x0;
	s3 =	sand.u32 $0xF80, s1  }
0x8: {  	s9 =	simm.s32 $0x0;
	s5 =	sshrl.u32 s1, $0xC;
	p0 =	sne.s32 s3, $0x0  }
.Ltmp0:
0x9: {  	s1 =	rddreg [dreg:$0x2];
	s4 =	simm.s32 @!p0 $0x0;
	(pc) =	sbr.rel .LBB1_1-.Ltmp0, $4  }
0xa: {  	s11 =	simm.s32 $0x0;
	s3 =	rddreg [dreg:$0x1];
	s5 =	sadd.s32 s4, s5  }
0xb: {  	_ =	strace $0x8000004A;
	s4 =	simm.s32 $0x1;
	s5 =	smul.u32 $0xC8, s5  }
0xc: {  	s6 =	sadd.s32 $0xFC2C00, s6;
	s10 =	smov.u32 s2;
	[sflag:s4] =	ssyncpa.u1 $0x0  }
0xd: {  	p0 =	por $0x0, $0x0;
	[sflag:s7] =	ssyncpa.u1 $0x0;
	s7 =	sor.u32 $0x1, s5  }
.LBB1_4:
0xe: {  	s16 =	sshll.u32 s13, $0x3;
	s17 =	sand.u32 $0x78, s13  }
0xf: {  	s30 =	sand.u32 $0x1F800, s13;
	s12 =	sshll.u32 s12, $0x11;
	s16 =	sand.u32 $0x3C00, s16  }
0x10: {  	[tilespmem:s15+$0x810 ss:$0x81] =	vst.msk $0xffff, v2;
	s31 =	sand.u32 $0x7, s13;
	s16 =	sor.u32 s17, s16;
	s17 =	sadd.s32 s3, s30  }
0x11: {  	[tilespmem:s15+$0x1020 ss:$0x81] =	vst.msk $0xffff, v0;
	s13 =	sshll.u32 s31, $0x12;
	s12 =	sadd.s32 s12, s17;
	s16 =	sshrl.u32 s16, $0x3  }
0x12: {  	[tilespmem:s15+$0x0 ss:$0x81] =	vst.msk $0xffff, v1;
	s13 =	sor.u32 $0x400, s13;
	s12 =	sadd.s32 s16, s12  }
0x13: {  	[hbm4b:s12+s13] =	stream.strided.scatter [tilespmem:s14], [sflag:$0x2], $0x2000, s8, s13, $0x20;
	[tilespmem:$0x8080] =	vst v63  }
.LBB1_5:
0x14: {  	s14 =	sadd.s32 $0x1, s9  }
0x15: {  	s12 =	sadd.s32 $0x1000, s10;
	s16 =	smov.u32 s10;
	p2 =	sgt.s32 s14, $0xC7  }
0x16: {  	s16 =	smov.u32 @p2 s12  }
0x17: {  	s14 =	simm.s32 @p2 $0x0;
	p2 =	sgt.s32 s16, $0x3FFF  }
0x18: {  	s16 =	smov.u32 @p2 s2;
	p2 =	sne.s32 s11, s7  }
.Ltmp1:
0x19: {  	p1 =	slt.u32 s11, $0x2;
	(pc) =	sbr.rel @!p2 .LBB1_6-.Ltmp1, $4  }
0x1a: {  	s15 =	simm.s32 @!p1 $0x2  }
0x1b: {  	s13 =	smov.u32 s10;
	p0 =	por !p0, !p0;
	_ =	swait.ge @!p1 [sflag:s15], $0x2000  }
0x1c: {  	s12 =	smov.u32 s9;
	[sflag:s15] =	ssyncset.done @!p1 $0x0;
	s9 =	smov.u32 s14  }
0x1d: {  	s11 =	sadd.s32 $0x1, s11;
	[sflag:s15] =	ssyncadd.s32 @!p1 $0xFFFFE000;
	s10 =	smov.u32 s16  }
.LBB1_1:
0x1e: {  	p1 =	sge.u32 s11, s5  }
0x1f: {  	s14 =	sand.u32 @!p1 $0x1FFFFFF, s9  }
0x20: {  	s15 =	smulhi.u32 @!p1 $0x147AE15, s14;
	_ =	sdelay $0x1  }
0x21: {  	s15 =	smul.u32 @!p1 $0xC8, s15  }
0x22: {  	s16 =	sxor.u32 @!p1 $0xFFFFFFFF, s11;
	s17 =	smul.u32 @!p1 $0xC80, s10  }
0x23: {  	s31 =	sadd.s32 $0xFFFFFFFF, s11;
	s16 =	sshll.u32 @!p1 s16, $0xD;
	s14 =	ssub.s32 @!p1 s14, s15  }
0x24: {  	s15 =	sand.u32 @!p1 $0x2000, s16;
	s16 =	sadd.s32 @!p1 s6, s17;
	s14 =	sshll.u32 @!p1 s14, $0x4  }
0x25: {  	s17 =	simm.s32 @!p1 $0x6400;
	s14 =	sadd.s32 @!p1 s14, s16;
	s16 =	simm.s32 @!p1 $0x40  }
0x26: {  	[tilespmem:s15], [sflag:$0x1] =	stream.strided.gather @!p1 [hbm4b:s14+s16], $0x2000, s17, s16, $0x38;
	[tilespmem:$0x8080] =	vst v63  }
0x27: {  	p1 =	sge.u32 s31, s5  }
.Ltmp2:
0x28: {  	_ = 	snop;
	(pc) =	sbr.rel @p1 .LBB1_5-.Ltmp2, $1  }
0x29: {  	_ =	sdelay $0x3  }
0x2a: {  	s14 =	simm.s32 $0x1  }
0x2b: {  	_ =	swait.ge [sflag:s4], $0x2000;
	s14 =	simm.s32 @!p0 $0x0  }
0x2c: {  	[sflag:s4] =	ssyncset.done $0x0;
	s15 =	sshll.u32 s14, $0xD  }
0x2d: {  	[sflag:s4] =	ssyncadd.s32 $0xFFFFE000;
	s18 =	sor.u32 $0x20, s15  }
0x2e: {  	s14 =	smul.u32 $0x8100, s14;
	v3 =	vld [tilespmem:s18+$0x10]  }
0x2f: {  	s30 =	sand.u32 $0x1, s11;
	v2 =	vld [tilespmem:s18+$0xFFFFFFF0]  }
0x30: {  	s15 =	smul.u32 $0x8100, s30;
	s14 =	sshrl.u32 s14, $0x2;
	v0 =	vld [tilespmem:s18+$0x0]  }
0x31: {  	v1 =	vld [tilespmem:s18+$0xFFFFFFE0];
	s16 =	sor.u32 $0x4000, s14  }
0x32: {  	s31 =	sshrl.u32 s15, $0x2;
	s15 =	sadd.s32 $0x0, s16  }
0x33: {  	s17 =	simm.s32 $0x4;
	s18 =	sadd.s32 $0x40, s18;
	s14 =	sor.u32 $0x4000, s31;
	[tilespmem:s15+$0x1830 ss:$0x81] =	vst.msk $0xffff, v3  }
.LBB1_3:
0x34: {  	v3 =	vld [tilespmem:s18+$0x10];
	p1 =	sne.s32 s17, $0x1FC;
	[tilespmem:s15+$0x810 ss:$0x81] =	vst.msk $0xffff, v2;
	s19 =	smov.u32 s17;
	s17 =	sadd.s32 $0x4, s17  }
.Ltmp3:
0x35: {  	v2 =	vld [tilespmem:s18+$0xFFFFFFF0];
	[tilespmem:s15+$0x1020 ss:$0x81] =	vst.msk $0xffff, v0;
	(pc) =	sbr.rel @p1 .LBB1_3-.Ltmp3, $4  }
0x36: {  	v0 =	vld [tilespmem:s18+$0x0];
	[tilespmem:s15+$0x0 ss:$0x81] =	vst.msk $0xffff, v1  }
0x37: {  	s15 =	sshra.s32 s19, $0x2;
	v1 =	vld [tilespmem:s18+$0xFFFFFFE0]  }
0x38: {  	s15 =	sadd.s32 s15, s16  }
0x39: {  	s18 =	sadd.s32 $0x40, s18;
	[tilespmem:s15+$0x1830 ss:$0x81] =	vst.msk $0xffff, v3  }
.Ltmp4:
0x3a: {  	_ = 	snop;
	(pc) =	sbr.rel .LBB1_4-.Ltmp4, $1  }
0x3b: {  	_ =	sdelay $0x3  }
.LBB1_6:
0x3c: {  	_ =	sfence.sel $0x180000  }
0x3d: {  	s2 =	simm.s32 $0x1;
	[bflag:$0x0] =	sbarrier.arrive $0xFFFF  }
0x3e: {  	s31 =	simm.s32 $0x2;
	[sflag:s2] =	ssyncpa.u1 $0x1  }
0x3f: {  	[sflag:s31] =	ssyncpa.u1 $0x1  }
0x40: {  	p0 =	sne.s32 s0, $0x0;
	_ =	strace $0x9000004A  }
0x41: {  	s0 =	sadd.s32 @!p0 $0x100000, s1;
	[bflag:$0x2] =	sbarrier.arrive $0xFFFF  }
0x42: {  	[sflag:s0] =	ssyncadd.tile.s32 @!p0 $0x1;
	_ =	shalt  }
.Lfunc_end1:
_tile_overlayer_lowered:
.L_overlay_start_2:
0x43: {  	(tag) =	ssettag $0x2  }
0x44: {  	s0 =	rddreg [dreg:$0x0];
	s2 =	stileid.u32  }
0x45: {  	s1 =	rddreg [dreg:$0x1];
	p0 =	sne.s32 s2, $0x0  }
0x46: {  	s3 =	rddreg [dreg:$0x2];
	[bflag:$0x3] =	sbarrier.arrive $0xFFFF;
	s2 =	simm.s32 @!p0 $0x1C01  }
0x47: {  	[timem:s3], [sflag:s2] =	dma.local @!p0 [hbm:s0], s1  }
0x48: {  	s0 =	simm.s32 @!p0 $0x1  }
0x49: {  	_ =	swait.ge @!p0 [sflag:s0], s1  }
0x4a: {  	s1 =	ssub.s32 @!p0 $0x0, s1;
	[sflag:s0] =	ssyncset.done @!p0 $0x0  }
0x4b: {  	[sflag:s0] =	ssyncadd.s32 @!p0 s1  }
0x4c: {  	[bflag:$0x3] =	sbarrier.arrive $0xFFFF  }
0x4d: {  	_ =	shalt  }

</sc_bundles>
